<compile_context>
chip_gen: v7x
topology: tpu7x:2x2x1
jax: 0.10.2.dev20260603
libtpu: 0.0.44.dev20260713+nightly
codegen_flags: <defaults>
</compile_context>

<pallas_src>
import jax
import jax.numpy as jnp
from jax import lax
from jax.experimental import pallas as pl
from jax.experimental.pallas import tpu as pltpu
from jax.experimental.pallas import tpu_sc as plsc

_NC, _NS = 2, 16
_NW = _NC * _NS
_RG_PER_W = 4
_CC = 8
_CHUNK = 2048
_IW = _CHUNK // 128


def _body(p_hbm, m_hbm, sb_hbm, par_hbm, out_hbm, p_v, m_v, o_v, sb_v, par_v,
          sem_in, sem_out):
    c = lax.axis_index("c")
    s = lax.axis_index("s")
    wid = s * _NC + c
    pltpu.sync_copy(
        sb_hbm.at[pl.ds(pl.multiple_of(wid * 32, 32), 32), :, :], sb_v)
    pltpu.sync_copy(par_hbm, par_v)
    alpha = par_v[pl.ds(0, 16)][0]
    neg_inf = jnp.float32(-1e9)

    def _slices(rg, cc):
        n0 = rg * 8
        b = n0 // 64
        t0 = n0 % 64
        i0 = pl.multiple_of(cc * _IW, _IW)
        k0 = pl.multiple_of(cc * _CHUNK, _CHUNK)
        kw0 = pl.multiple_of(cc * (_CHUNK // 4), _CHUNK // 4)
        to = pl.multiple_of(t0, 8)
        psrc = p_hbm.at[b, pl.ds(t0, 8), pl.ds(i0, _IW), :]
        msrc = m_hbm.at[b, pl.ds(to, 8), pl.ds(kw0, _CHUNK // 4)]
        odst = out_hbm.at[b, pl.ds(to, 8), pl.ds(k0, _CHUNK)]
        return psrc, msrc, odst

    def _compute(slot, local0):
        def row(rr, carry):
            sbrv = sb_v[local0 + rr, 0, pl.ds(0, 16)]

            @plsc.parallel_loop(0, _IW, unroll=4)
            def _(ii):
                for h in range(2):
                    w = m_v[slot, rr, pl.ds(ii * 32 + h * 16, 16)]
                    for r in range(4):
                        keep = (w << (31 - 8 * r)) < 0
                        jo = 64 * h + 16 * r
                        v = p_v[slot, rr, ii, pl.ds(jo, 16)]
                        o_v[slot, rr, pl.ds(ii * 128 + jo, 16)] = jnp.where(
                            keep, sbrv - alpha * v, neg_inf)

            return carry

        lax.fori_loop(0, 8, row, 0)

    def _issue_in(rg, cc, slot):
        psrc, msrc, _ = _slices(rg, cc)
        pltpu.async_copy(psrc, p_v.at[slot], sem_in)
        pltpu.async_copy(msrc, m_v.at[slot], sem_in)

    def _wait_in(rg, cc, slot):
        psrc, msrc, _ = _slices(rg, cc)
        pltpu.make_async_copy(psrc, p_v.at[slot], sem_in).wait()
        pltpu.make_async_copy(msrc, m_v.at[slot], sem_in).wait()

    def _issue_out(rg, cc, slot):
        _, _, odst = _slices(rg, cc)
        pltpu.async_copy(o_v.at[slot], odst, sem_out)

    def _wait_out(rg, cc, slot):
        _, _, odst = _slices(rg, cc)
        pltpu.make_async_copy(o_v.at[slot], odst, sem_out).wait()

    for rg_i in range(_RG_PER_W):
        rg = wid * _RG_PER_W + rg_i
        local0 = 8 * rg_i
        _issue_in(rg, 0, 0)

        def step(cc, carry, rg=rg, local0=local0):
            slot = cc % 2

            @pl.when(cc + 1 < _CC)
            def _():
                _issue_in(rg, cc + 1, (cc + 1) % 2)

            _wait_in(rg, cc, slot)

            @pl.when(cc >= 2)
            def _():
                _wait_out(rg, cc - 2, slot)

            _compute(slot, local0)
            _issue_out(rg, cc, slot)
            return carry

        lax.fori_loop(0, _CC, step, 0)
        _wait_out(rg, _CC - 2, 0)
        _wait_out(rg, _CC - 1, 1)


def kernel(pairwise_tti, combined_mask, state_bias, alpha, bias):
    b, t, i, j = pairwise_tti.shape
    m32 = (combined_mask.reshape(b, t, (i * j) // 64, 4, 16)
           .transpose(0, 1, 2, 4, 3)
           .view(jnp.uint8).view(jnp.int32).reshape(b, t, (i * j) // 4))
    sbx = jnp.broadcast_to(
        ((state_bias + bias).reshape(b * t))[:, None, None], (b * t, 1, 16))
    params = jnp.broadcast_to(alpha.reshape(1), (16,))
    mesh = plsc.VectorSubcoreMesh(core_axis_name="c", subcore_axis_name="s",
                                  num_cores=_NC, num_subcores=_NS)
    f = pl.kernel(
        _body,
        out_type=jax.ShapeDtypeStruct((b, t, i * j), jnp.float32),
        mesh=mesh,
        compiler_params=pltpu.CompilerParams(needs_layout_passes=False,
                                             use_tc_tiling_on_sc=True),
        scratch_types=[
            pltpu.VMEM((2, 8, _IW, 128), jnp.float32),
            pltpu.VMEM((2, 8, _CHUNK // 4), jnp.int32),
            pltpu.VMEM((2, 8, _CHUNK), jnp.float32),
            pltpu.VMEM((32, 1, 16), jnp.float32),
            pltpu.VMEM((16,), jnp.float32),
            pltpu.SemaphoreType.DMA,
            pltpu.SemaphoreType.DMA,
        ],
    )
    return f(pairwise_tti, m32, sbx, params)

# --- scband reference (transcript-rebuilt; emitter-appended) ---
"""Pipeline reference for scband-pointer-decoder-5145370821186 (READ-ONLY COPY).

The authoritative reference and input builder live on the scoring server;
editing this copy changes nothing except your own understanding.
"""

import jax, jax.numpy as jnp
import numpy as np

B, T, I, J = 16, 64, 128, 128

def setup_inputs(seed: int = 0) -> dict:
    key = jax.random.key(seed)
    k1, k2, k3 = jax.random.split(key, 3)
    pairwise_tti = jax.random.uniform(k1, (B, T, I, J), dtype=jnp.float32)
    combined_mask = jax.random.randint(k2, (B, T, I, J), 0, 2).astype(jnp.bool_)
    state_bias = jax.random.normal(k3, (B, T), dtype=jnp.float32)
    # learned parameters of PointerDecoder (alpha, bias); query/key projections
    # are unused by compute_logits so they are not materialized.
    alpha = jnp.array(1.0, dtype=jnp.float32)
    bias = jnp.array(0.0, dtype=jnp.float32)
    return {"pairwise_tti": pairwise_tti, "combined_mask": combined_mask,
            "state_bias": state_bias, "alpha": alpha, "bias": bias}

def reference(pairwise_tti, combined_mask, state_bias, alpha, bias):
    # Faithful translation of PointerDecoder.compute_logits for 4-D input.
    b, t, i, j = pairwise_tti.shape
    logits = -(alpha * pairwise_tti) + bias
    logits = logits + state_bias.reshape(b, t, 1, 1)
    logits = logits.reshape(b, t, i * j)
    mask = combined_mask.reshape(b, t, i * j)
    neg_inf = jnp.asarray(-1000000000.0, dtype=logits.dtype)
    logits = jnp.where(mask, logits, neg_inf)
    return logits

if __name__ == "__main__":
    import jax
    _d = setup_inputs()
    print(jax.jit(kernel)(*tuple(_d.values())))

</pallas_src>

<mosaic_0001>
#map = affine_map<(d0, d1) -> (0, 0, 0, 0)>
#map1 = affine_map<(d0, d1) -> (0, 0, 0)>
#map2 = affine_map<(d0, d1) -> (0)>
module attributes {stable_mosaic.version = 14 : i64} {
  func.func @_body(%arg0: i32, %arg1: i32, %arg2: memref<16x64x128x128xf32, #tpu.memory_space<hbm>>, %arg3: memref<16x64x4096xi32, #tpu.memory_space<hbm>>, %arg4: memref<1024x1x16xf32, #tpu.memory_space<hbm>>, %arg5: memref<16xf32, #tpu.memory_space<hbm>>, %arg6: memref<16x64x16384xf32, #tpu.memory_space<hbm>>, %arg7: memref<2x8x16x128xf32, #tpu.memory_space<vmem>>, %arg8: memref<2x8x512xi32, #tpu.memory_space<vmem>>, %arg9: memref<2x8x2048xf32, #tpu.memory_space<vmem>>, %arg10: memref<32x1x16xf32, #tpu.memory_space<vmem>>, %arg11: memref<16xf32, #tpu.memory_space<vmem>>, %arg12: memref<!tpu.dma_semaphore, #tpu.memory_space<semaphore_mem>>, %arg13: memref<!tpu.dma_semaphore, #tpu.memory_space<semaphore_mem>>) attributes {dimension_semantics = [#tpu.dimension_semantics<core_parallel>, #tpu.dimension_semantics<subcore_parallel>], iteration_bounds = array<i64: 2, 16>, scalar_prefetch = 0 : i64, scratch_operands = 7 : i64, tpu.core_type = #tpu.core_type<sc_vector_subcore>, window_params = [{transform_indices = #map}, {transform_indices = #map1}, {transform_indices = #map1}, {transform_indices = #map2}, {transform_indices = #map1}]} {
    %mul3A = arith.constant 2 : i32
    %mul3A_0 = arith.muli %arg1, %mul3A : i32
    %add3A = arith.addi %mul3A_0, %arg0 : i32
    %mul3A_1 = arith.constant 32 : i32
    %mul3A_2 = arith.muli %add3A, %mul3A_1 : i32
    %multiple_of3A = tpu.assume_multiple %mul3A_2, 32 : i32
    "tpu.region"() ({
      %run_scoped3A = tpu.sem_alloc : memref<!tpu.dma_semaphore, #tpu.memory_space<semaphore_mem>>
      %dma_start3A_847 = arith.constant 0 : i32
      %dma_start3A_848 = arith.constant 0 : i32
      %dma_start3A_849 = tpu.memref_slice %arg4[%multiple_of3A, %dma_start3A_847, %dma_start3A_848] : memref<1024x1x16xf32, #tpu.memory_space<hbm>> -> memref<32x1x16xf32, #tpu.memory_space<hbm>>
      %dma_start3A_850 = arith.constant 0 : i32
      %dma_start3A_851 = arith.constant 0 : i32
      %dma_start3A_852 = tpu.memref_slice %arg4[%multiple_of3A, %dma_start3A_850, %dma_start3A_851] : memref<1024x1x16xf32, #tpu.memory_space<hbm>> -> memref<32x1x16xf32, #tpu.memory_space<hbm>>
      tpu.enqueue_dma source(%dma_start3A_852 : memref<32x1x16xf32, #tpu.memory_space<hbm>>) target(%arg10 : memref<32x1x16xf32, #tpu.memory_space<vmem>>) target_semaphore(%run_scoped3A : memref<!tpu.dma_semaphore, #tpu.memory_space<semaphore_mem>>)
      %dma_wait3A_853 = arith.constant 0 : i32
      %dma_wait3A_854 = arith.constant 0 : i32
      %dma_wait3A_855 = tpu.memref_slice %arg4[%multiple_of3A, %dma_wait3A_853, %dma_wait3A_854] : memref<1024x1x16xf32, #tpu.memory_space<hbm>> -> memref<32x1x16xf32, #tpu.memory_space<hbm>>
      %dma_wait3A_856 = arith.constant 0 : i32
      %dma_wait3A_857 = arith.constant 0 : i32
      %dma_wait3A_858 = tpu.memref_slice %arg4[%multiple_of3A, %dma_wait3A_856, %dma_wait3A_857] : memref<1024x1x16xf32, #tpu.memory_space<hbm>> -> memref<32x1x16xf32, #tpu.memory_space<hbm>>
      tpu.wait_dma2 semaphore(%run_scoped3A : memref<!tpu.dma_semaphore, #tpu.memory_space<semaphore_mem>>) src(%dma_wait3A_858 : memref<32x1x16xf32, #tpu.memory_space<hbm>>) dst(%arg10 : memref<32x1x16xf32, #tpu.memory_space<vmem>>)
      tpu.yield
    }) : () -> ()
    "tpu.region"() ({
      %run_scoped3A = tpu.sem_alloc : memref<!tpu.dma_semaphore, #tpu.memory_space<semaphore_mem>>
      tpu.enqueue_dma source(%arg5 : memref<16xf32, #tpu.memory_space<hbm>>) target(%arg11 : memref<16xf32, #tpu.memory_space<vmem>>) target_semaphore(%run_scoped3A : memref<!tpu.dma_semaphore, #tpu.memory_space<semaphore_mem>>)
      tpu.wait_dma2 semaphore(%run_scoped3A : memref<!tpu.dma_semaphore, #tpu.memory_space<semaphore_mem>>) src(%arg5 : memref<16xf32, #tpu.memory_space<hbm>>) dst(%arg11 : memref<16xf32, #tpu.memory_space<vmem>>)
      tpu.yield
    }) : () -> ()
    %get3A = arith.constant 0 : index
    %get3A_3 = tpu.vector_load %arg11[%get3A] {strides = array<i32>} : memref<16xf32, #tpu.memory_space<vmem>>, vector<16xf32>,
    %slice3A = vector.extract_strided_slice %get3A_3 {offsets = [0], sizes = [1], strides = [1]} : vector<16xf32> to vector<1xf32>
    %squeeze3A = vector.extract %slice3A[0] : f32 from vector<1xf32>
    %mul3A_4 = arith.constant 4 : i32
    %mul3A_5 = arith.muli %add3A, %mul3A_4 : i32
    %add3A_6 = arith.constant 0 : i32
    %add3A_7 = arith.addi %mul3A_5, %add3A_6 : i32
    %mul3A_8 = arith.constant 8 : i32
    %mul3A_9 = arith.muli %add3A_7, %mul3A_8 : i32
    %jit3A = arith.constant 64 : i32
    %div3A = arith.divsi %mul3A_9, %jit3A : i32
    %sign3A = arith.constant 0 : i32
    %sign3A_10 = arith.cmpi sgt, %mul3A_9, %sign3A : i32
    %sign3A_11 = arith.extui %sign3A_10 : i1 to i32
    %sign3A_12 = arith.constant 0 : i32
    %sign3A_13 = arith.cmpi slt, %mul3A_9, %sign3A_12 : i32
    %sign3A_14 = arith.extui %sign3A_13 : i1 to i32
    %sign3A_15 = arith.subi %sign3A_11, %sign3A_14 : i32
    %sign3A_16 = arith.constant 0 : i32
    %sign3A_17 = arith.cmpi sgt, %jit3A, %sign3A_16 : i32
    %sign3A_18 = arith.extui %sign3A_17 : i1 to i32
    %sign3A_19 = arith.constant 0 : i32
    %sign3A_20 = arith.cmpi slt, %jit3A, %sign3A_19 : i32
    %sign3A_21 = arith.extui %sign3A_20 : i1 to i32
    %sign3A_22 = arith.subi %sign3A_18, %sign3A_21 : i32
    %ne3A = arith.cmpi ne, %sign3A_15, %sign3A_22 : i32
    %rem3A = arith.remsi %mul3A_9, %jit3A : i32
    %ne3A_23 = arith.constant 0 : i32
    %ne3A_24 = arith.cmpi ne, %rem3A, %ne3A_23 : i32
    %and3A = arith.andi %ne3A, %ne3A_24 : i1
    %sub3A = arith.constant 1 : i32
    %sub3A_25 = arith.subi %div3A, %sub3A : i32
    %select_n3A = arith.select %and3A, %sub3A_25, %div3A : i32
    %jit3A_26 = arith.constant 64 : i32
    %eq3A = arith.constant 0 : i32
    %eq3A_27 = arith.cmpi eq, %jit3A_26, %eq3A : i32
    %jit3A_28 = arith.constant 1 : i32
    %select_n3A_29 = arith.select %eq3A_27, %jit3A_28, %jit3A_26 : i32
    %rem3A_30 = arith.remsi %mul3A_9, %select_n3A_29 : i32
    %ne3A_31 = arith.constant 0 : i32
    %ne3A_32 = arith.cmpi ne, %rem3A_30, %ne3A_31 : i32
    %lt3A = arith.constant 0 : i32
    %lt3A_33 = arith.cmpi slt, %rem3A_30, %lt3A : i32
    %lt3A_34 = arith.constant 0 : i32
    %lt3A_35 = arith.cmpi slt, %select_n3A_29, %lt3A_34 : i32
    %ne3A_36 = arith.xori %lt3A_33, %lt3A_35 : i1
    %and3A_37 = arith.andi %ne3A_36, %ne3A_32 : i1
    %add3A_38 = arith.addi %rem3A_30, %select_n3A_29 : i32
    %select_n3A_39 = arith.select %and3A_37, %add3A_38, %rem3A_30 : i32
    %multiple_of3A_40 = arith.constant 0 : i32
    %multiple_of3A_41 = tpu.assume_multiple %multiple_of3A_40, 16 : i32
    %multiple_of3A_42 = arith.constant 0 : i32
    %multiple_of3A_43 = tpu.assume_multiple %multiple_of3A_42, 2048 : i32
    %multiple_of3A_44 = arith.constant 0 : i32
    %multiple_of3A_45 = tpu.assume_multiple %multiple_of3A_44, 512 : i32
    %multiple_of3A_46 = tpu.assume_multiple %select_n3A_39, 8 : i32
    %dma_start3A = arith.constant 0 : i32
    %dma_start3A_47 = arith.constant 0 : i32
    %dma_start3A_48 = arith.constant 0 : i32
    %dma_start3A_49 = arith.constant 0 : i32
    %dma_start3A_50 = tpu.memref_slice %arg7[%dma_start3A, %dma_start3A_47, %dma_start3A_48, %dma_start3A_49] : memref<2x8x16x128xf32, #tpu.memory_space<vmem>> -> memref<1x8x16x128xf32, #tpu.memory_space<vmem>>
    %dma_start3A_51 = tpu.memref_squeeze %dma_start3A_50 : memref<1x8x16x128xf32, #tpu.memory_space<vmem>> -> memref<8x16x128xf32, #tpu.memory_space<vmem>>
    %dma_start3A_52 = arith.constant 0 : i32
    %dma_start3A_53 = tpu.memref_slice %arg2[%select_n3A, %select_n3A_39, %multiple_of3A_41, %dma_start3A_52] : memref<16x64x128x128xf32, #tpu.memory_space<hbm>> -> memref<1x8x16x128xf32, #tpu.memory_space<hbm>>
    %dma_start3A_54 = tpu.memref_squeeze %dma_start3A_53 : memref<1x8x16x128xf32, #tpu.memory_space<hbm>> -> memref<8x16x128xf32, #tpu.memory_space<hbm>>
    %dma_start3A_55 = arith.constant 0 : i32
    %dma_start3A_56 = arith.constant 0 : i32
    %dma_start3A_57 = arith.constant 0 : i32
    %dma_start3A_58 = tpu.memref_slice %arg7[%dma_start3A, %dma_start3A_55, %dma_start3A_56, %dma_start3A_57] : memref<2x8x16x128xf32, #tpu.memory_space<vmem>> -> memref<1x8x16x128xf32, #tpu.memory_space<vmem>>
    %dma_start3A_59 = tpu.memref_squeeze %dma_start3A_58 : memref<1x8x16x128xf32, #tpu.memory_space<vmem>> -> memref<8x16x128xf32, #tpu.memory_space<vmem>>
    %dma_start3A_60 = arith.constant 0 : i32
    %dma_start3A_61 = tpu.memref_slice %arg2[%select_n3A, %select_n3A_39, %multiple_of3A_41, %dma_start3A_60] : memref<16x64x128x128xf32, #tpu.memory_space<hbm>> -> memref<1x8x16x128xf32, #tpu.memory_space<hbm>>
    %dma_start3A_62 = tpu.memref_squeeze %dma_start3A_61 : memref<1x8x16x128xf32, #tpu.memory_space<hbm>> -> memref<8x16x128xf32, #tpu.memory_space<hbm>>
    tpu.enqueue_dma source(%dma_start3A_62 : memref<8x16x128xf32, #tpu.memory_space<hbm>>) target(%dma_start3A_59 : memref<8x16x128xf32, #tpu.memory_space<vmem>>) target_semaphore(%arg12 : memref<!tpu.dma_semaphore, #tpu.memory_space<semaphore_mem>>)
    %dma_start3A_63 = arith.constant 0 : i32
    %dma_start3A_64 = arith.constant 0 : i32
    %dma_start3A_65 = arith.constant 0 : i32
    %dma_start3A_66 = tpu.memref_slice %arg8[%dma_start3A_63, %dma_start3A_64, %dma_start3A_65] : memref<2x8x512xi32, #tpu.memory_space<vmem>> -> memref<1x8x512xi32, #tpu.memory_space<vmem>>
    %dma_start3A_67 = tpu.memref_squeeze %dma_start3A_66 : memref<1x8x512xi32, #tpu.memory_space<vmem>> -> memref<8x512xi32, #tpu.memory_space<vmem>>
    %dma_start3A_68 = tpu.memref_slice %arg3[%select_n3A, %multiple_of3A_46, %multiple_of3A_45] : memref<16x64x4096xi32, #tpu.memory_space<hbm>> -> memref<1x8x512xi32, #tpu.memory_space<hbm>>
    %dma_start3A_69 = tpu.memref_squeeze %dma_start3A_68 : memref<1x8x512xi32, #tpu.memory_space<hbm>> -> memref<8x512xi32, #tpu.memory_space<hbm>>
    %dma_start3A_70 = arith.constant 0 : i32
    %dma_start3A_71 = arith.constant 0 : i32
    %dma_start3A_72 = tpu.memref_slice %arg8[%dma_start3A_63, %dma_start3A_70, %dma_start3A_71] : memref<2x8x512xi32, #tpu.memory_space<vmem>> -> memref<1x8x512xi32, #tpu.memory_space<vmem>>
    %dma_start3A_73 = tpu.memref_squeeze %dma_start3A_72 : memref<1x8x512xi32, #tpu.memory_space<vmem>> -> memref<8x512xi32, #tpu.memory_space<vmem>>
    %dma_start3A_74 = tpu.memref_slice %arg3[%select_n3A, %multiple_of3A_46, %multiple_of3A_45] : memref<16x64x4096xi32, #tpu.memory_space<hbm>> -> memref<1x8x512xi32, #tpu.memory_space<hbm>>
    %dma_start3A_75 = tpu.memref_squeeze %dma_start3A_74 : memref<1x8x512xi32, #tpu.memory_space<hbm>> -> memref<8x512xi32, #tpu.memory_space<hbm>>
    tpu.enqueue_dma source(%dma_start3A_75 : memref<8x512xi32, #tpu.memory_space<hbm>>) target(%dma_start3A_73 : memref<8x512xi32, #tpu.memory_space<vmem>>) target_semaphore(%arg12 : memref<!tpu.dma_semaphore, #tpu.memory_space<semaphore_mem>>)
    %scan3A = arith.constant 0 : i32
    %scan3A_76 = arith.constant -1.000000e+09 : f32
    %scan3A_77 = arith.constant 0 : i32
    %scan3A_78 = arith.constant 8 : i32
    %scan3A_79 = arith.addi %scan3A_77, %scan3A_78 : i32
    %scan3A_80 = arith.constant 1 : i32
    scf.for %scan3A_847 = %scan3A_77 to %scan3A_79 step %scan3A_80  : i32 {
      %jit3A_848 = arith.constant 2 : i32
      %eq3A_849 = arith.constant 0 : i32
      %eq3A_850 = arith.cmpi eq, %jit3A_848, %eq3A_849 : i32
      %jit3A_851 = arith.constant 1 : i32
      %select_n3A_852 = arith.select %eq3A_850, %jit3A_851, %jit3A_848 : i32
      %rem3A_853 = arith.remsi %scan3A_847, %select_n3A_852 : i32
      %ne3A_854 = arith.constant 0 : i32
      %ne3A_855 = arith.cmpi ne, %rem3A_853, %ne3A_854 : i32
      %lt3A_856 = arith.constant 0 : i32
      %lt3A_857 = arith.cmpi slt, %rem3A_853, %lt3A_856 : i32
      %lt3A_858 = arith.constant 0 : i32
      %lt3A_859 = arith.cmpi slt, %select_n3A_852, %lt3A_858 : i32
      %ne3A_860 = arith.xori %lt3A_857, %lt3A_859 : i1
      %and3A_861 = arith.andi %ne3A_860, %ne3A_855 : i1
      %add3A_862 = arith.addi %rem3A_853, %select_n3A_852 : i32
      %select_n3A_863 = arith.select %and3A_861, %add3A_862, %rem3A_853 : i32
      %add3A_864 = arith.constant 1 : i32
      %add3A_865 = arith.addi %scan3A_847, %add3A_864 : i32
      %lt3A_866 = arith.constant 8 : i32
      %lt3A_867 = arith.cmpi slt, %add3A_865, %lt3A_866 : i32
      %convert_element_type3A = arith.extui %lt3A_867 : i1 to i32
      %cond3A = arith.constant 0 : i32
      %cond3A_868 = arith.cmpi ne, %convert_element_type3A, %cond3A : i32
      scf.if %cond3A_868 {
        %add3A_1023 = arith.constant 1 : i32
        %add3A_1024 = arith.addi %scan3A_847, %add3A_1023 : i32
        %add3A_1025 = arith.constant 1 : i32
        %add3A_1026 = arith.addi %scan3A_847, %add3A_1025 : i32
        %jit3A_1027 = arith.constant 2 : i32
        %eq3A_1028 = arith.constant 0 : i32
        %eq3A_1029 = arith.cmpi eq, %jit3A_1027, %eq3A_1028 : i32
        %jit3A_1030 = arith.constant 1 : i32
        %select_n3A_1031 = arith.select %eq3A_1029, %jit3A_1030, %jit3A_1027 : i32
        %rem3A_1032 = arith.remsi %add3A_1026, %select_n3A_1031 : i32
        %ne3A_1033 = arith.constant 0 : i32
        %ne3A_1034 = arith.cmpi ne, %rem3A_1032, %ne3A_1033 : i32
        %lt3A_1035 = arith.constant 0 : i32
        %lt3A_1036 = arith.cmpi slt, %rem3A_1032, %lt3A_1035 : i32
        %lt3A_1037 = arith.constant 0 : i32
        %lt3A_1038 = arith.cmpi slt, %select_n3A_1031, %lt3A_1037 : i32
        %ne3A_1039 = arith.xori %lt3A_1036, %lt3A_1038 : i1
        %and3A_1040 = arith.andi %ne3A_1039, %ne3A_1034 : i1
        %add3A_1041 = arith.addi %rem3A_1032, %select_n3A_1031 : i32
        %select_n3A_1042 = arith.select %and3A_1040, %add3A_1041, %rem3A_1032 : i32
        %mul3A_1043 = arith.constant 8 : i32
        %mul3A_1044 = arith.muli %add3A_7, %mul3A_1043 : i32
        %jit3A_1045 = arith.constant 64 : i32
        %div3A_1046 = arith.divsi %mul3A_1044, %jit3A_1045 : i32
        %sign3A_1047 = arith.constant 0 : i32
        %sign3A_1048 = arith.cmpi sgt, %mul3A_1044, %sign3A_1047 : i32
        %sign3A_1049 = arith.extui %sign3A_1048 : i1 to i32
        %sign3A_1050 = arith.constant 0 : i32
        %sign3A_1051 = arith.cmpi slt, %mul3A_1044, %sign3A_1050 : i32
        %sign3A_1052 = arith.extui %sign3A_1051 : i1 to i32
        %sign3A_1053 = arith.subi %sign3A_1049, %sign3A_1052 : i32
        %sign3A_1054 = arith.constant 0 : i32
        %sign3A_1055 = arith.cmpi sgt, %jit3A_1045, %sign3A_1054 : i32
        %sign3A_1056 = arith.extui %sign3A_1055 : i1 to i32
        %sign3A_1057 = arith.constant 0 : i32
        %sign3A_1058 = arith.cmpi slt, %jit3A_1045, %sign3A_1057 : i32
        %sign3A_1059 = arith.extui %sign3A_1058 : i1 to i32
        %sign3A_1060 = arith.subi %sign3A_1056, %sign3A_1059 : i32
        %ne3A_1061 = arith.cmpi ne, %sign3A_1053, %sign3A_1060 : i32
        %rem3A_1062 = arith.remsi %mul3A_1044, %jit3A_1045 : i32
        %ne3A_1063 = arith.constant 0 : i32
        %ne3A_1064 = arith.cmpi ne, %rem3A_1062, %ne3A_1063 : i32
        %and3A_1065 = arith.andi %ne3A_1061, %ne3A_1064 : i1
        %sub3A_1066 = arith.constant 1 : i32
        %sub3A_1067 = arith.subi %div3A_1046, %sub3A_1066 : i32
        %select_n3A_1068 = arith.select %and3A_1065, %sub3A_1067, %div3A_1046 : i32
        %jit3A_1069 = arith.constant 64 : i32
        %eq3A_1070 = arith.constant 0 : i32
        %eq3A_1071 = arith.cmpi eq, %jit3A_1069, %eq3A_1070 : i32
        %jit3A_1072 = arith.constant 1 : i32
        %select_n3A_1073 = arith.select %eq3A_1071, %jit3A_1072, %jit3A_1069 : i32
        %rem3A_1074 = arith.remsi %mul3A_1044, %select_n3A_1073 : i32
        %ne3A_1075 = arith.constant 0 : i32
        %ne3A_1076 = arith.cmpi ne, %rem3A_1074, %ne3A_1075 : i32
        %lt3A_1077 = arith.constant 0 : i32
        %lt3A_1078 = arith.cmpi slt, %rem3A_1074, %lt3A_1077 : i32
        %lt3A_1079 = arith.constant 0 : i32
        %lt3A_1080 = arith.cmpi slt, %select_n3A_1073, %lt3A_1079 : i32
        %ne3A_1081 = arith.xori %lt3A_1078, %lt3A_1080 : i1
        %and3A_1082 = arith.andi %ne3A_1081, %ne3A_1076 : i1
        %add3A_1083 = arith.addi %rem3A_1074, %select_n3A_1073 : i32
        %select_n3A_1084 = arith.select %and3A_1082, %add3A_1083, %rem3A_1074 : i32
        %mul3A_1085 = arith.constant 16 : i32
        %mul3A_1086 = arith.muli %add3A_1024, %mul3A_1085 : i32
        %multiple_of3A_1087 = tpu.assume_multiple %mul3A_1086, 16 : i32
        %mul3A_1088 = arith.constant 2048 : i32
        %mul3A_1089 = arith.muli %add3A_1024, %mul3A_1088 : i32
        %multiple_of3A_1090 = tpu.assume_multiple %mul3A_1089, 2048 : i32
        %mul3A_1091 = arith.constant 512 : i32
        %mul3A_1092 = arith.muli %add3A_1024, %mul3A_1091 : i32
        %multiple_of3A_1093 = tpu.assume_multiple %mul3A_1092, 512 : i32
        %multiple_of3A_1094 = tpu.assume_multiple %select_n3A_1084, 8 : i32
        %dma_start3A_1095 = arith.constant 0 : i32
        %dma_start3A_1096 = arith.constant 0 : i32
        %dma_start3A_1097 = arith.constant 0 : i32
        %dma_start3A_1098 = tpu.memref_slice %arg7[%select_n3A_1042, %dma_start3A_1095, %dma_start3A_1096, %dma_start3A_1097] : memref<2x8x16x128xf32, #tpu.memory_space<vmem>> -> memref<1x8x16x128xf32, #tpu.memory_space<vmem>>
        %dma_start3A_1099 = tpu.memref_squeeze %dma_start3A_1098 : memref<1x8x16x128xf32, #tpu.memory_space<vmem>> -> memref<8x16x128xf32, #tpu.memory_space<vmem>>
        %dma_start3A_1100 = arith.constant 0 : i32
        %dma_start3A_1101 = tpu.memref_slice %arg2[%select_n3A_1068, %select_n3A_1084, %multiple_of3A_1087, %dma_start3A_1100] : memref<16x64x128x128xf32, #tpu.memory_space<hbm>> -> memref<1x8x16x128xf32, #tpu.memory_space<hbm>>
        %dma_start3A_1102 = tpu.memref_squeeze %dma_start3A_1101 : memref<1x8x16x128xf32, #tpu.memory_space<hbm>> -> memref<8x16x128xf32, #tpu.memory_space<hbm>>
        %dma_start3A_1103 = arith.constant 0 : i32
        %dma_start3A_1104 = arith.constant 0 : i32
        %dma_start3A_1105 = arith.constant 0 : i32
        %dma_start3A_1106 = tpu.memref_slice %arg7[%select_n3A_1042, %dma_start3A_1103, %dma_start3A_1104, %dma_start3A_1105] : memref<2x8x16x128xf32, #tpu.memory_space<vmem>> -> memref<1x8x16x128xf32, #tpu.memory_space<vmem>>
        %dma_start3A_1107 = tpu.memref_squeeze %dma_start3A_1106 : memref<1x8x16x128xf32, #tpu.memory_space<vmem>> -> memref<8x16x128xf32, #tpu.memory_space<vmem>>
        %dma_start3A_1108 = arith.constant 0 : i32
        %dma_start3A_1109 = tpu.memref_slice %arg2[%select_n3A_1068, %select_n3A_1084, %multiple_of3A_1087, %dma_start3A_1108] : memref<16x64x128x128xf32, #tpu.memory_space<hbm>> -> memref<1x8x16x128xf32, #tpu.memory_space<hbm>>
        %dma_start3A_1110 = tpu.memref_squeeze %dma_start3A_1109 : memref<1x8x16x128xf32, #tpu.memory_space<hbm>> -> memref<8x16x128xf32, #tpu.memory_space<hbm>>
        tpu.enqueue_dma source(%dma_start3A_1110 : memref<8x16x128xf32, #tpu.memory_space<hbm>>) target(%dma_start3A_1107 : memref<8x16x128xf32, #tpu.memory_space<vmem>>) target_semaphore(%arg12 : memref<!tpu.dma_semaphore, #tpu.memory_space<semaphore_mem>>)
        %dma_start3A_1111 = arith.constant 0 : i32
        %dma_start3A_1112 = arith.constant 0 : i32
        %dma_start3A_1113 = tpu.memref_slice %arg8[%select_n3A_1042, %dma_start3A_1111, %dma_start3A_1112] : memref<2x8x512xi32, #tpu.memory_space<vmem>> -> memref<1x8x512xi32, #tpu.memory_space<vmem>>
        %dma_start3A_1114 = tpu.memref_squeeze %dma_start3A_1113 : memref<1x8x512xi32, #tpu.memory_space<vmem>> -> memref<8x512xi32, #tpu.memory_space<vmem>>
        %dma_start3A_1115 = tpu.memref_slice %arg3[%select_n3A_1068, %multiple_of3A_1094, %multiple_of3A_1093] : memref<16x64x4096xi32, #tpu.memory_space<hbm>> -> memref<1x8x512xi32, #tpu.memory_space<hbm>>
        %dma_start3A_1116 = tpu.memref_squeeze %dma_start3A_1115 : memref<1x8x512xi32, #tpu.memory_space<hbm>> -> memref<8x512xi32, #tpu.memory_space<hbm>>
        %dma_start3A_1117 = arith.constant 0 : i32
        %dma_start3A_1118 = arith.constant 0 : i32
        %dma_start3A_1119 = tpu.memref_slice %arg8[%select_n3A_1042, %dma_start3A_1117, %dma_start3A_1118] : memref<2x8x512xi32, #tpu.memory_space<vmem>> -> memref<1x8x512xi32, #tpu.memory_space<vmem>>
        %dma_start3A_1120 = tpu.memref_squeeze %dma_start3A_1119 : memref<1x8x512xi32, #tpu.memory_space<vmem>> -> memref<8x512xi32, #tpu.memory_space<vmem>>
        %dma_start3A_1121 = tpu.memref_slice %arg3[%select_n3A_1068, %multiple_of3A_1094, %multiple_of3A_1093] : memref<16x64x4096xi32, #tpu.memory_space<hbm>> -> memref<1x8x512xi32, #tpu.memory_space<hbm>>
        %dma_start3A_1122 = tpu.memref_squeeze %dma_start3A_1121 : memref<1x8x512xi32, #tpu.memory_space<hbm>> -> memref<8x512xi32, #tpu.memory_space<hbm>>
        tpu.enqueue_dma source(%dma_start3A_1122 : memref<8x512xi32, #tpu.memory_space<hbm>>) target(%dma_start3A_1120 : memref<8x512xi32, #tpu.memory_space<vmem>>) target_semaphore(%arg12 : memref<!tpu.dma_semaphore, #tpu.memory_space<semaphore_mem>>)
      } else {
      }
      %mul3A_869 = arith.constant 8 : i32
      %mul3A_870 = arith.muli %add3A_7, %mul3A_869 : i32
      %jit3A_871 = arith.constant 64 : i32
      %div3A_872 = arith.divsi %mul3A_870, %jit3A_871 : i32
      %sign3A_873 = arith.constant 0 : i32
      %sign3A_874 = arith.cmpi sgt, %mul3A_870, %sign3A_873 : i32
      %sign3A_875 = arith.extui %sign3A_874 : i1 to i32
      %sign3A_876 = arith.constant 0 : i32
      %sign3A_877 = arith.cmpi slt, %mul3A_870, %sign3A_876 : i32
      %sign3A_878 = arith.extui %sign3A_877 : i1 to i32
      %sign3A_879 = arith.subi %sign3A_875, %sign3A_878 : i32
      %sign3A_880 = arith.constant 0 : i32
      %sign3A_881 = arith.cmpi sgt, %jit3A_871, %sign3A_880 : i32
      %sign3A_882 = arith.extui %sign3A_881 : i1 to i32
      %sign3A_883 = arith.constant 0 : i32
      %sign3A_884 = arith.cmpi slt, %jit3A_871, %sign3A_883 : i32
      %sign3A_885 = arith.extui %sign3A_884 : i1 to i32
      %sign3A_886 = arith.subi %sign3A_882, %sign3A_885 : i32
      %ne3A_887 = arith.cmpi ne, %sign3A_879, %sign3A_886 : i32
      %rem3A_888 = arith.remsi %mul3A_870, %jit3A_871 : i32
      %ne3A_889 = arith.constant 0 : i32
      %ne3A_890 = arith.cmpi ne, %rem3A_888, %ne3A_889 : i32
      %and3A_891 = arith.andi %ne3A_887, %ne3A_890 : i1
      %sub3A_892 = arith.constant 1 : i32
      %sub3A_893 = arith.subi %div3A_872, %sub3A_892 : i32
      %select_n3A_894 = arith.select %and3A_891, %sub3A_893, %div3A_872 : i32
      %jit3A_895 = arith.constant 64 : i32
      %eq3A_896 = arith.constant 0 : i32
      %eq3A_897 = arith.cmpi eq, %jit3A_895, %eq3A_896 : i32
      %jit3A_898 = arith.constant 1 : i32
      %select_n3A_899 = arith.select %eq3A_897, %jit3A_898, %jit3A_895 : i32
      %rem3A_900 = arith.remsi %mul3A_870, %select_n3A_899 : i32
      %ne3A_901 = arith.constant 0 : i32
      %ne3A_902 = arith.cmpi ne, %rem3A_900, %ne3A_901 : i32
      %lt3A_903 = arith.constant 0 : i32
      %lt3A_904 = arith.cmpi slt, %rem3A_900, %lt3A_903 : i32
      %lt3A_905 = arith.constant 0 : i32
      %lt3A_906 = arith.cmpi slt, %select_n3A_899, %lt3A_905 : i32
      %ne3A_907 = arith.xori %lt3A_904, %lt3A_906 : i1
      %and3A_908 = arith.andi %ne3A_907, %ne3A_902 : i1
      %add3A_909 = arith.addi %rem3A_900, %select_n3A_899 : i32
      %select_n3A_910 = arith.select %and3A_908, %add3A_909, %rem3A_900 : i32
      %mul3A_911 = arith.constant 16 : i32
      %mul3A_912 = arith.muli %scan3A_847, %mul3A_911 : i32
      %multiple_of3A_913 = tpu.assume_multiple %mul3A_912, 16 : i32
      %mul3A_914 = arith.constant 2048 : i32
      %mul3A_915 = arith.muli %scan3A_847, %mul3A_914 : i32
      %multiple_of3A_916 = tpu.assume_multiple %mul3A_915, 2048 : i32
      %mul3A_917 = arith.constant 512 : i32
      %mul3A_918 = arith.muli %scan3A_847, %mul3A_917 : i32
      %multiple_of3A_919 = tpu.assume_multiple %mul3A_918, 512 : i32
      %multiple_of3A_920 = tpu.assume_multiple %select_n3A_910, 8 : i32
      %dma_wait3A_921 = arith.constant 0 : i32
      %dma_wait3A_922 = arith.constant 0 : i32
      %dma_wait3A_923 = arith.constant 0 : i32
      %dma_wait3A_924 = tpu.memref_slice %arg7[%select_n3A_863, %dma_wait3A_921, %dma_wait3A_922, %dma_wait3A_923] : memref<2x8x16x128xf32, #tpu.memory_space<vmem>> -> memref<1x8x16x128xf32, #tpu.memory_space<vmem>>
      %dma_wait3A_925 = tpu.memref_squeeze %dma_wait3A_924 : memref<1x8x16x128xf32, #tpu.memory_space<vmem>> -> memref<8x16x128xf32, #tpu.memory_space<vmem>>
      %dma_wait3A_926 = arith.constant 0 : i32
      %dma_wait3A_927 = tpu.memref_slice %arg2[%select_n3A_894, %select_n3A_910, %multiple_of3A_913, %dma_wait3A_926] : memref<16x64x128x128xf32, #tpu.memory_space<hbm>> -> memref<1x8x16x128xf32, #tpu.memory_space<hbm>>
      %dma_wait3A_928 = tpu.memref_squeeze %dma_wait3A_927 : memref<1x8x16x128xf32, #tpu.memory_space<hbm>> -> memref<8x16x128xf32, #tpu.memory_space<hbm>>
      %dma_wait3A_929 = arith.constant 0 : i32
      %dma_wait3A_930 = arith.constant 0 : i32
      %dma_wait3A_931 = arith.constant 0 : i32
      %dma_wait3A_932 = tpu.memref_slice %arg7[%select_n3A_863, %dma_wait3A_929, %dma_wait3A_930, %dma_wait3A_931] : memref<2x8x16x128xf32, #tpu.memory_space<vmem>> -> memref<1x8x16x128xf32, #tpu.memory_space<vmem>>
      %dma_wait3A_933 = tpu.memref_squeeze %dma_wait3A_932 : memref<1x8x16x128xf32, #tpu.memory_space<vmem>> -> memref<8x16x128xf32, #tpu.memory_space<vmem>>
      %dma_wait3A_934 = arith.constant 0 : i32
      %dma_wait3A_935 = tpu.memref_slice %arg2[%select_n3A_894, %select_n3A_910, %multiple_of3A_913, %dma_wait3A_934] : memref<16x64x128x128xf32, #tpu.memory_space<hbm>> -> memref<1x8x16x128xf32, #tpu.memory_space<hbm>>
      %dma_wait3A_936 = tpu.memref_squeeze %dma_wait3A_935 : memref<1x8x16x128xf32, #tpu.memory_space<hbm>> -> memref<8x16x128xf32, #tpu.memory_space<hbm>>
      tpu.wait_dma2 semaphore(%arg12 : memref<!tpu.dma_semaphore, #tpu.memory_space<semaphore_mem>>) src(%dma_wait3A_936 : memref<8x16x128xf32, #tpu.memory_space<hbm>>) dst(%dma_wait3A_933 : memref<8x16x128xf32, #tpu.memory_space<vmem>>)
      %dma_wait3A_937 = arith.constant 0 : i32
      %dma_wait3A_938 = arith.constant 0 : i32
      %dma_wait3A_939 = tpu.memref_slice %arg8[%select_n3A_863, %dma_wait3A_937, %dma_wait3A_938] : memref<2x8x512xi32, #tpu.memory_space<vmem>> -> memref<1x8x512xi32, #tpu.memory_space<vmem>>
      %dma_wait3A_940 = tpu.memref_squeeze %dma_wait3A_939 : memref<1x8x512xi32, #tpu.memory_space<vmem>> -> memref<8x512xi32, #tpu.memory_space<vmem>>
      %dma_wait3A_941 = tpu.memref_slice %arg3[%select_n3A_894, %multiple_of3A_920, %multiple_of3A_919] : memref<16x64x4096xi32, #tpu.memory_space<hbm>> -> memref<1x8x512xi32, #tpu.memory_space<hbm>>
      %dma_wait3A_942 = tpu.memref_squeeze %dma_wait3A_941 : memref<1x8x512xi32, #tpu.memory_space<hbm>> -> memref<8x512xi32, #tpu.memory_space<hbm>>
      %dma_wait3A_943 = arith.constant 0 : i32
      %dma_wait3A_944 = arith.constant 0 : i32
      %dma_wait3A_945 = tpu.memref_slice %arg8[%select_n3A_863, %dma_wait3A_943, %dma_wait3A_944] : memref<2x8x512xi32, #tpu.memory_space<vmem>> -> memref<1x8x512xi32, #tpu.memory_space<vmem>>
      %dma_wait3A_946 = tpu.memref_squeeze %dma_wait3A_945 : memref<1x8x512xi32, #tpu.memory_space<vmem>> -> memref<8x512xi32, #tpu.memory_space<vmem>>
      %dma_wait3A_947 = tpu.memref_slice %arg3[%select_n3A_894, %multiple_of3A_920, %multiple_of3A_919] : memref<16x64x4096xi32, #tpu.memory_space<hbm>> -> memref<1x8x512xi32, #tpu.memory_space<hbm>>
      %dma_wait3A_948 = tpu.memref_squeeze %dma_wait3A_947 : memref<1x8x512xi32, #tpu.memory_space<hbm>> -> memref<8x512xi32, #tpu.memory_space<hbm>>
      tpu.wait_dma2 semaphore(%arg12 : memref<!tpu.dma_semaphore, #tpu.memory_space<semaphore_mem>>) src(%dma_wait3A_948 : memref<8x512xi32, #tpu.memory_space<hbm>>) dst(%dma_wait3A_946 : memref<8x512xi32, #tpu.memory_space<vmem>>)
      %ge3A = arith.constant 2 : i32
      %ge3A_949 = arith.cmpi sge, %scan3A_847, %ge3A : i32
      %convert_element_type3A_950 = arith.extui %ge3A_949 : i1 to i32
      %cond3A_951 = arith.constant 0 : i32
      %cond3A_952 = arith.cmpi ne, %convert_element_type3A_950, %cond3A_951 : i32
      scf.if %cond3A_952 {
        %sub3A_1023 = arith.constant 2 : i32
        %sub3A_1024 = arith.subi %scan3A_847, %sub3A_1023 : i32
        %mul3A_1025 = arith.constant 8 : i32
        %mul3A_1026 = arith.muli %add3A_7, %mul3A_1025 : i32
        %jit3A_1027 = arith.constant 64 : i32
        %div3A_1028 = arith.divsi %mul3A_1026, %jit3A_1027 : i32
        %sign3A_1029 = arith.constant 0 : i32
        %sign3A_1030 = arith.cmpi sgt, %mul3A_1026, %sign3A_1029 : i32
        %sign3A_1031 = arith.extui %sign3A_1030 : i1 to i32
        %sign3A_1032 = arith.constant 0 : i32
        %sign3A_1033 = arith.cmpi slt, %mul3A_1026, %sign3A_1032 : i32
        %sign3A_1034 = arith.extui %sign3A_1033 : i1 to i32
        %sign3A_1035 = arith.subi %sign3A_1031, %sign3A_1034 : i32
        %sign3A_1036 = arith.constant 0 : i32
        %sign3A_1037 = arith.cmpi sgt, %jit3A_1027, %sign3A_1036 : i32
        %sign3A_1038 = arith.extui %sign3A_1037 : i1 to i32
        %sign3A_1039 = arith.constant 0 : i32
        %sign3A_1040 = arith.cmpi slt, %jit3A_1027, %sign3A_1039 : i32
        %sign3A_1041 = arith.extui %sign3A_1040 : i1 to i32
        %sign3A_1042 = arith.subi %sign3A_1038, %sign3A_1041 : i32
        %ne3A_1043 = arith.cmpi ne, %sign3A_1035, %sign3A_1042 : i32
        %rem3A_1044 = arith.remsi %mul3A_1026, %jit3A_1027 : i32
        %ne3A_1045 = arith.constant 0 : i32
        %ne3A_1046 = arith.cmpi ne, %rem3A_1044, %ne3A_1045 : i32
        %and3A_1047 = arith.andi %ne3A_1043, %ne3A_1046 : i1
        %sub3A_1048 = arith.constant 1 : i32
        %sub3A_1049 = arith.subi %div3A_1028, %sub3A_1048 : i32
        %select_n3A_1050 = arith.select %and3A_1047, %sub3A_1049, %div3A_1028 : i32
        %jit3A_1051 = arith.constant 64 : i32
        %eq3A_1052 = arith.constant 0 : i32
        %eq3A_1053 = arith.cmpi eq, %jit3A_1051, %eq3A_1052 : i32
        %jit3A_1054 = arith.constant 1 : i32
        %select_n3A_1055 = arith.select %eq3A_1053, %jit3A_1054, %jit3A_1051 : i32
        %rem3A_1056 = arith.remsi %mul3A_1026, %select_n3A_1055 : i32
        %ne3A_1057 = arith.constant 0 : i32
        %ne3A_1058 = arith.cmpi ne, %rem3A_1056, %ne3A_1057 : i32
        %lt3A_1059 = arith.constant 0 : i32
        %lt3A_1060 = arith.cmpi slt, %rem3A_1056, %lt3A_1059 : i32
        %lt3A_1061 = arith.constant 0 : i32
        %lt3A_1062 = arith.cmpi slt, %select_n3A_1055, %lt3A_1061 : i32
        %ne3A_1063 = arith.xori %lt3A_1060, %lt3A_1062 : i1
        %and3A_1064 = arith.andi %ne3A_1063, %ne3A_1058 : i1
        %add3A_1065 = arith.addi %rem3A_1056, %select_n3A_1055 : i32
        %select_n3A_1066 = arith.select %and3A_1064, %add3A_1065, %rem3A_1056 : i32
        %mul3A_1067 = arith.constant 16 : i32
        %mul3A_1068 = arith.muli %sub3A_1024, %mul3A_1067 : i32
        %multiple_of3A_1069 = tpu.assume_multiple %mul3A_1068, 16 : i32
        %mul3A_1070 = arith.constant 2048 : i32
        %mul3A_1071 = arith.muli %sub3A_1024, %mul3A_1070 : i32
        %multiple_of3A_1072 = tpu.assume_multiple %mul3A_1071, 2048 : i32
        %mul3A_1073 = arith.constant 512 : i32
        %mul3A_1074 = arith.muli %sub3A_1024, %mul3A_1073 : i32
        %multiple_of3A_1075 = tpu.assume_multiple %mul3A_1074, 512 : i32
        %multiple_of3A_1076 = tpu.assume_multiple %select_n3A_1066, 8 : i32
        %dma_wait3A_1077 = arith.constant 0 : i32
        %dma_wait3A_1078 = arith.constant 0 : i32
        %dma_wait3A_1079 = tpu.memref_slice %arg9[%select_n3A_863, %dma_wait3A_1077, %dma_wait3A_1078] : memref<2x8x2048xf32, #tpu.memory_space<vmem>> -> memref<1x8x2048xf32, #tpu.memory_space<vmem>>
        %dma_wait3A_1080 = tpu.memref_squeeze %dma_wait3A_1079 : memref<1x8x2048xf32, #tpu.memory_space<vmem>> -> memref<8x2048xf32, #tpu.memory_space<vmem>>
        %dma_wait3A_1081 = tpu.memref_slice %arg6[%select_n3A_1050, %multiple_of3A_1076, %multiple_of3A_1072] : memref<16x64x16384xf32, #tpu.memory_space<hbm>> -> memref<1x8x2048xf32, #tpu.memory_space<hbm>>
        %dma_wait3A_1082 = tpu.memref_squeeze %dma_wait3A_1081 : memref<1x8x2048xf32, #tpu.memory_space<hbm>> -> memref<8x2048xf32, #tpu.memory_space<hbm>>
        %dma_wait3A_1083 = tpu.memref_slice %arg6[%select_n3A_1050, %multiple_of3A_1076, %multiple_of3A_1072] : memref<16x64x16384xf32, #tpu.memory_space<hbm>> -> memref<1x8x2048xf32, #tpu.memory_space<hbm>>
        %dma_wait3A_1084 = tpu.memref_squeeze %dma_wait3A_1083 : memref<1x8x2048xf32, #tpu.memory_space<hbm>> -> memref<8x2048xf32, #tpu.memory_space<hbm>>
        %dma_wait3A_1085 = arith.constant 0 : i32
        %dma_wait3A_1086 = arith.constant 0 : i32
        %dma_wait3A_1087 = tpu.memref_slice %arg9[%select_n3A_863, %dma_wait3A_1085, %dma_wait3A_1086] : memref<2x8x2048xf32, #tpu.memory_space<vmem>> -> memref<1x8x2048xf32, #tpu.memory_space<vmem>>
        %dma_wait3A_1088 = tpu.memref_squeeze %dma_wait3A_1087 : memref<1x8x2048xf32, #tpu.memory_space<vmem>> -> memref<8x2048xf32, #tpu.memory_space<vmem>>
        tpu.wait_dma2 semaphore(%arg13 : memref<!tpu.dma_semaphore, #tpu.memory_space<semaphore_mem>>) src(%dma_wait3A_1088 : memref<8x2048xf32, #tpu.memory_space<vmem>>) dst(%dma_wait3A_1084 : memref<8x2048xf32, #tpu.memory_space<hbm>>)
      } else {
      }
      %scan3A_953 = arith.constant 0 : i32
      %scan3A_954 = arith.constant 0 : i32
      %scan3A_955 = arith.constant 8 : i32
      %scan3A_956 = arith.addi %scan3A_954, %scan3A_955 : i32
      %scan3A_957 = arith.constant 1 : i32
      scf.for %scan3A_1023 = %scan3A_954 to %scan3A_956 step %scan3A_957  : i32 {
        %add3A_1024 = arith.constant 0 : i32
        %add3A_1025 = arith.addi %add3A_1024, %scan3A_1023 : i32
        %get3A_1026 = arith.constant 0 : i32
        %get3A_1027 = arith.index_cast %add3A_1025 : i32 to index
        %get3A_1028 = arith.index_cast %get3A_1026 : i32 to index
        %get3A_1029 = arith.constant 0 : index
        %get3A_1030 = tpu.vector_load %arg10[%get3A_1027, %get3A_1028, %get3A_1029] {strides = array<i32>} : memref<32x1x16xf32, #tpu.memory_space<vmem>>, vector<16xf32>,
        %parallel_loop3A = arith.constant 0 : i32
        %parallel_loop3A_1031 = arith.constant 16 : i32
        %parallel_loop3A_1032 = arith.constant 1 : i32
        scf.for %parallel_loop3A_1033 = %parallel_loop3A to %parallel_loop3A_1031 step %parallel_loop3A_1032  : i32 {
          %parallel_loop3A_1034 = arith.constant 32 : i32
          %parallel_loop3A_1035 = arith.muli %parallel_loop3A_1033, %parallel_loop3A_1034 : i32
          %parallel_loop3A_1036 = arith.constant 0 : i32
          %parallel_loop3A_1037 = arith.addi %parallel_loop3A_1035, %parallel_loop3A_1036 : i32
          %parallel_loop3A_1038 = arith.index_cast %select_n3A_863 : i32 to index
          %parallel_loop3A_1039 = arith.index_cast %scan3A_1023 : i32 to index
          %parallel_loop3A_1040 = arith.index_cast %parallel_loop3A_1037 : i32 to index
          %parallel_loop3A_1041 = tpu.vector_load %arg8[%parallel_loop3A_1038, %parallel_loop3A_1039, %parallel_loop3A_1040] {strides = array<i32>} : memref<2x8x512xi32, #tpu.memory_space<vmem>>, vector<16xi32>,
          %parallel_loop3A_1042 = arith.constant 31 : i32
          %parallel_loop3A_1043 = vector.broadcast %parallel_loop3A_1042 : i32 to vector<16xi32>
          %parallel_loop3A_1044 = arith.shli %parallel_loop3A_1041, %parallel_loop3A_1043 : vector<16xi32>
          %parallel_loop3A_1045 = arith.constant 0 : i32
          %parallel_loop3A_1046 = vector.broadcast %parallel_loop3A_1045 : i32 to vector<16xi32>
          %parallel_loop3A_1047 = arith.cmpi slt, %parallel_loop3A_1044, %parallel_loop3A_1046 : vector<16xi32>
          %parallel_loop3A_1048 = arith.index_cast %select_n3A_863 : i32 to index
          %parallel_loop3A_1049 = arith.index_cast %scan3A_1023 : i32 to index
          %parallel_loop3A_1050 = arith.index_cast %parallel_loop3A_1033 : i32 to index
          %parallel_loop3A_1051 = arith.constant 0 : index
          %parallel_loop3A_1052 = tpu.vector_load %arg7[%parallel_loop3A_1048, %parallel_loop3A_1049, %parallel_loop3A_1050, %parallel_loop3A_1051] {strides = array<i32>} : memref<2x8x16x128xf32, #tpu.memory_space<vmem>>, vector<16xf32>,
          %parallel_loop3A_1053 = vector.broadcast %squeeze3A : f32 to vector<16xf32>
          %parallel_loop3A_1054 = arith.mulf %parallel_loop3A_1053, %parallel_loop3A_1052 : vector<16xf32>
          %parallel_loop3A_1055 = arith.subf %get3A_1030, %parallel_loop3A_1054 : vector<16xf32>
          %parallel_loop3A_1056 = vector.broadcast %scan3A_76 : f32 to vector<16xf32>
          %parallel_loop3A_1057 = arith.select %parallel_loop3A_1047, %parallel_loop3A_1055, %parallel_loop3A_1056 : vector<16xi1>, vector<16xf32>
          %parallel_loop3A_1058 = arith.constant 128 : i32
          %parallel_loop3A_1059 = arith.muli %parallel_loop3A_1033, %parallel_loop3A_1058 : i32
          %parallel_loop3A_1060 = arith.constant 0 : i32
          %parallel_loop3A_1061 = arith.addi %parallel_loop3A_1059, %parallel_loop3A_1060 : i32
          %parallel_loop3A_1062 = arith.index_cast %select_n3A_863 : i32 to index
          %parallel_loop3A_1063 = arith.index_cast %scan3A_1023 : i32 to index
          %parallel_loop3A_1064 = arith.index_cast %parallel_loop3A_1061 : i32 to index
          %parallel_loop3A_1065 = tpu.vector_load %arg9[%parallel_loop3A_1062, %parallel_loop3A_1063, %parallel_loop3A_1064] {strides = array<i32>} : memref<2x8x2048xf32, #tpu.memory_space<vmem>>, vector<16xf32>,
          tpu.vector_store %arg9[%parallel_loop3A_1062, %parallel_loop3A_1063, %parallel_loop3A_1064], %parallel_loop3A_1057 {strides = array<i32>} : memref<2x8x2048xf32, #tpu.memory_space<vmem>>, vector<16xf32>,
          %parallel_loop3A_1066 = arith.constant 23 : i32
          %parallel_loop3A_1067 = vector.broadcast %parallel_loop3A_1066 : i32 to vector<16xi32>
          %parallel_loop3A_1068 = arith.shli %parallel_loop3A_1041, %parallel_loop3A_1067 : vector<16xi32>
          %parallel_loop3A_1069 = arith.constant 0 : i32
          %parallel_loop3A_1070 = vector.broadcast %parallel_loop3A_1069 : i32 to vector<16xi32>
          %parallel_loop3A_1071 = arith.cmpi slt, %parallel_loop3A_1068, %parallel_loop3A_1070 : vector<16xi32>
          %parallel_loop3A_1072 = arith.index_cast %select_n3A_863 : i32 to index
          %parallel_loop3A_1073 = arith.index_cast %scan3A_1023 : i32 to index
          %parallel_loop3A_1074 = arith.index_cast %parallel_loop3A_1033 : i32 to index
          %parallel_loop3A_1075 = arith.constant 16 : index
          %parallel_loop3A_1076 = tpu.vector_load %arg7[%parallel_loop3A_1072, %parallel_loop3A_1073, %parallel_loop3A_1074, %parallel_loop3A_1075] {strides = array<i32>} : memref<2x8x16x128xf32, #tpu.memory_space<vmem>>, vector<16xf32>,
          %parallel_loop3A_1077 = vector.broadcast %squeeze3A : f32 to vector<16xf32>
          %parallel_loop3A_1078 = arith.mulf %parallel_loop3A_1077, %parallel_loop3A_1076 : vector<16xf32>
          %parallel_loop3A_1079 = arith.subf %get3A_1030, %parallel_loop3A_1078 : vector<16xf32>
          %parallel_loop3A_1080 = vector.broadcast %scan3A_76 : f32 to vector<16xf32>
          %parallel_loop3A_1081 = arith.select %parallel_loop3A_1071, %parallel_loop3A_1079, %parallel_loop3A_1080 : vector<16xi1>, vector<16xf32>
          %parallel_loop3A_1082 = arith.constant 128 : i32
          %parallel_loop3A_1083 = arith.muli %parallel_loop3A_1033, %parallel_loop3A_1082 : i32
          %parallel_loop3A_1084 = arith.constant 16 : i32
          %parallel_loop3A_1085 = arith.addi %parallel_loop3A_1083, %parallel_loop3A_1084 : i32
          %parallel_loop3A_1086 = arith.index_cast %select_n3A_863 : i32 to index
          %parallel_loop3A_1087 = arith.index_cast %scan3A_1023 : i32 to index
          %parallel_loop3A_1088 = arith.index_cast %parallel_loop3A_1085 : i32 to index
          %parallel_loop3A_1089 = tpu.vector_load %arg9[%parallel_loop3A_1086, %parallel_loop3A_1087, %parallel_loop3A_1088] {strides = array<i32>} : memref<2x8x2048xf32, #tpu.memory_space<vmem>>, vector<16xf32>,
          tpu.vector_store %arg9[%parallel_loop3A_1086, %parallel_loop3A_1087, %parallel_loop3A_1088], %parallel_loop3A_1081 {strides = array<i32>} : memref<2x8x2048xf32, #tpu.memory_space<vmem>>, vector<16xf32>,
          %parallel_loop3A_1090 = arith.constant 15 : i32
          %parallel_loop3A_1091 = vector.broadcast %parallel_loop3A_1090 : i32 to vector<16xi32>
          %parallel_loop3A_1092 = arith.shli %parallel_loop3A_1041, %parallel_loop3A_1091 : vector<16xi32>
          %parallel_loop3A_1093 = arith.constant 0 : i32
          %parallel_loop3A_1094 = vector.broadcast %parallel_loop3A_1093 : i32 to vector<16xi32>
          %parallel_loop3A_1095 = arith.cmpi slt, %parallel_loop3A_1092, %parallel_loop3A_1094 : vector<16xi32>
          %parallel_loop3A_1096 = arith.index_cast %select_n3A_863 : i32 to index
          %parallel_loop3A_1097 = arith.index_cast %scan3A_1023 : i32 to index
          %parallel_loop3A_1098 = arith.index_cast %parallel_loop3A_1033 : i32 to index
          %parallel_loop3A_1099 = arith.constant 32 : index
          %parallel_loop3A_1100 = tpu.vector_load %arg7[%parallel_loop3A_1096, %parallel_loop3A_1097, %parallel_loop3A_1098, %parallel_loop3A_1099] {strides = array<i32>} : memref<2x8x16x128xf32, #tpu.memory_space<vmem>>, vector<16xf32>,
          %parallel_loop3A_1101 = vector.broadcast %squeeze3A : f32 to vector<16xf32>
          %parallel_loop3A_1102 = arith.mulf %parallel_loop3A_1101, %parallel_loop3A_1100 : vector<16xf32>
          %parallel_loop3A_1103 = arith.subf %get3A_1030, %parallel_loop3A_1102 : vector<16xf32>
          %parallel_loop3A_1104 = vector.broadcast %scan3A_76 : f32 to vector<16xf32>
          %parallel_loop3A_1105 = arith.select %parallel_loop3A_1095, %parallel_loop3A_1103, %parallel_loop3A_1104 : vector<16xi1>, vector<16xf32>
          %parallel_loop3A_1106 = arith.constant 128 : i32
          %parallel_loop3A_1107 = arith.muli %parallel_loop3A_1033, %parallel_loop3A_1106 : i32
          %parallel_loop3A_1108 = arith.constant 32 : i32
          %parallel_loop3A_1109 = arith.addi %parallel_loop3A_1107, %parallel_loop3A_1108 : i32
          %parallel_loop3A_1110 = arith.index_cast %select_n3A_863 : i32 to index
          %parallel_loop3A_1111 = arith.index_cast %scan3A_1023 : i32 to index
          %parallel_loop3A_1112 = arith.index_cast %parallel_loop3A_1109 : i32 to index
          %parallel_loop3A_1113 = tpu.vector_load %arg9[%parallel_loop3A_1110, %parallel_loop3A_1111, %parallel_loop3A_1112] {strides = array<i32>} : memref<2x8x2048xf32, #tpu.memory_space<vmem>>, vector<16xf32>,
          tpu.vector_store %arg9[%parallel_loop3A_1110, %parallel_loop3A_1111, %parallel_loop3A_1112], %parallel_loop3A_1105 {strides = array<i32>} : memref<2x8x2048xf32, #tpu.memory_space<vmem>>, vector<16xf32>,
          %parallel_loop3A_1114 = arith.constant 7 : i32
          %parallel_loop3A_1115 = vector.broadcast %parallel_loop3A_1114 : i32 to vector<16xi32>
          %parallel_loop3A_1116 = arith.shli %parallel_loop3A_1041, %parallel_loop3A_1115 : vector<16xi32>
          %parallel_loop3A_1117 = arith.constant 0 : i32
          %parallel_loop3A_1118 = vector.broadcast %parallel_loop3A_1117 : i32 to vector<16xi32>
          %parallel_loop3A_1119 = arith.cmpi slt, %parallel_loop3A_1116, %parallel_loop3A_1118 : vector<16xi32>
          %parallel_loop3A_1120 = arith.index_cast %select_n3A_863 : i32 to index
          %parallel_loop3A_1121 = arith.index_cast %scan3A_1023 : i32 to index
          %parallel_loop3A_1122 = arith.index_cast %parallel_loop3A_1033 : i32 to index
          %parallel_loop3A_1123 = arith.constant 48 : index
          %parallel_loop3A_1124 = tpu.vector_load %arg7[%parallel_loop3A_1120, %parallel_loop3A_1121, %parallel_loop3A_1122, %parallel_loop3A_1123] {strides = array<i32>} : memref<2x8x16x128xf32, #tpu.memory_space<vmem>>, vector<16xf32>,
          %parallel_loop3A_1125 = vector.broadcast %squeeze3A : f32 to vector<16xf32>
          %parallel_loop3A_1126 = arith.mulf %parallel_loop3A_1125, %parallel_loop3A_1124 : vector<16xf32>
          %parallel_loop3A_1127 = arith.subf %get3A_1030, %parallel_loop3A_1126 : vector<16xf32>
          %parallel_loop3A_1128 = vector.broadcast %scan3A_76 : f32 to vector<16xf32>
          %parallel_loop3A_1129 = arith.select %parallel_loop3A_1119, %parallel_loop3A_1127, %parallel_loop3A_1128 : vector<16xi1>, vector<16xf32>
          %parallel_loop3A_1130 = arith.constant 128 : i32
          %parallel_loop3A_1131 = arith.muli %parallel_loop3A_1033, %parallel_loop3A_1130 : i32
          %parallel_loop3A_1132 = arith.constant 48 : i32
          %parallel_loop3A_1133 = arith.addi %parallel_loop3A_1131, %parallel_loop3A_1132 : i32
          %parallel_loop3A_1134 = arith.index_cast %select_n3A_863 : i32 to index
          %parallel_loop3A_1135 = arith.index_cast %scan3A_1023 : i32 to index
          %parallel_loop3A_1136 = arith.index_cast %parallel_loop3A_1133 : i32 to index
          %parallel_loop3A_1137 = tpu.vector_load %arg9[%parallel_loop3A_1134, %parallel_loop3A_1135, %parallel_loop3A_1136] {strides = array<i32>} : memref<2x8x2048xf32, #tpu.memory_space<vmem>>, vector<16xf32>,
          tpu.vector_store %arg9[%parallel_loop3A_1134, %parallel_loop3A_1135, %parallel_loop3A_1136], %parallel_loop3A_1129 {strides = array<i32>} : memref<2x8x2048xf32, #tpu.memory_space<vmem>>, vector<16xf32>,
          %parallel_loop3A_1138 = arith.constant 32 : i32
          %parallel_loop3A_1139 = arith.muli %parallel_loop3A_1033, %parallel_loop3A_1138 : i32
          %parallel_loop3A_1140 = arith.constant 16 : i32
          %parallel_loop3A_1141 = arith.addi %parallel_loop3A_1139, %parallel_loop3A_1140 : i32
          %parallel_loop3A_1142 = arith.index_cast %select_n3A_863 : i32 to index
          %parallel_loop3A_1143 = arith.index_cast %scan3A_1023 : i32 to index
          %parallel_loop3A_1144 = arith.index_cast %parallel_loop3A_1141 : i32 to index
          %parallel_loop3A_1145 = tpu.vector_load %arg8[%parallel_loop3A_1142, %parallel_loop3A_1143, %parallel_loop3A_1144] {strides = array<i32>} : memref<2x8x512xi32, #tpu.memory_space<vmem>>, vector<16xi32>,
          %parallel_loop3A_1146 = arith.constant 31 : i32
          %parallel_loop3A_1147 = vector.broadcast %parallel_loop3A_1146 : i32 to vector<16xi32>
          %parallel_loop3A_1148 = arith.shli %parallel_loop3A_1145, %parallel_loop3A_1147 : vector<16xi32>
          %parallel_loop3A_1149 = arith.constant 0 : i32
          %parallel_loop3A_1150 = vector.broadcast %parallel_loop3A_1149 : i32 to vector<16xi32>
          %parallel_loop3A_1151 = arith.cmpi slt, %parallel_loop3A_1148, %parallel_loop3A_1150 : vector<16xi32>
          %parallel_loop3A_1152 = arith.index_cast %select_n3A_863 : i32 to index
          %parallel_loop3A_1153 = arith.index_cast %scan3A_1023 : i32 to index
          %parallel_loop3A_1154 = arith.index_cast %parallel_loop3A_1033 : i32 to index
          %parallel_loop3A_1155 = arith.constant 64 : index
          %parallel_loop3A_1156 = tpu.vector_load %arg7[%parallel_loop3A_1152, %parallel_loop3A_1153, %parallel_loop3A_1154, %parallel_loop3A_1155] {strides = array<i32>} : memref<2x8x16x128xf32, #tpu.memory_space<vmem>>, vector<16xf32>,
          %parallel_loop3A_1157 = vector.broadcast %squeeze3A : f32 to vector<16xf32>
          %parallel_loop3A_1158 = arith.mulf %parallel_loop3A_1157, %parallel_loop3A_1156 : vector<16xf32>
          %parallel_loop3A_1159 = arith.subf %get3A_1030, %parallel_loop3A_1158 : vector<16xf32>
          %parallel_loop3A_1160 = vector.broadcast %scan3A_76 : f32 to vector<16xf32>
          %parallel_loop3A_1161 = arith.select %parallel_loop3A_1151, %parallel_loop3A_1159, %parallel_loop3A_1160 : vector<16xi1>, vector<16xf32>
          %parallel_loop3A_1162 = arith.constant 128 : i32
          %parallel_loop3A_1163 = arith.muli %parallel_loop3A_1033, %parallel_loop3A_1162 : i32
          %parallel_loop3A_1164 = arith.constant 64 : i32
          %parallel_loop3A_1165 = arith.addi %parallel_loop3A_1163, %parallel_loop3A_1164 : i32
          %parallel_loop3A_1166 = arith.index_cast %select_n3A_863 : i32 to index
          %parallel_loop3A_1167 = arith.index_cast %scan3A_1023 : i32 to index
          %parallel_loop3A_1168 = arith.index_cast %parallel_loop3A_1165 : i32 to index
          %parallel_loop3A_1169 = tpu.vector_load %arg9[%parallel_loop3A_1166, %parallel_loop3A_1167, %parallel_loop3A_1168] {strides = array<i32>} : memref<2x8x2048xf32, #tpu.memory_space<vmem>>, vector<16xf32>,
          tpu.vector_store %arg9[%parallel_loop3A_1166, %parallel_loop3A_1167, %parallel_loop3A_1168], %parallel_loop3A_1161 {strides = array<i32>} : memref<2x8x2048xf32, #tpu.memory_space<vmem>>, vector<16xf32>,
          %parallel_loop3A_1170 = arith.constant 23 : i32
          %parallel_loop3A_1171 = vector.broadcast %parallel_loop3A_1170 : i32 to vector<16xi32>
          %parallel_loop3A_1172 = arith.shli %parallel_loop3A_1145, %parallel_loop3A_1171 : vector<16xi32>
          %parallel_loop3A_1173 = arith.constant 0 : i32
          %parallel_loop3A_1174 = vector.broadcast %parallel_loop3A_1173 : i32 to vector<16xi32>
          %parallel_loop3A_1175 = arith.cmpi slt, %parallel_loop3A_1172, %parallel_loop3A_1174 : vector<16xi32>
          %parallel_loop3A_1176 = arith.index_cast %select_n3A_863 : i32 to index
          %parallel_loop3A_1177 = arith.index_cast %scan3A_1023 : i32 to index
          %parallel_loop3A_1178 = arith.index_cast %parallel_loop3A_1033 : i32 to index
          %parallel_loop3A_1179 = arith.constant 80 : index
          %parallel_loop3A_1180 = tpu.vector_load %arg7[%parallel_loop3A_1176, %parallel_loop3A_1177, %parallel_loop3A_1178, %parallel_loop3A_1179] {strides = array<i32>} : memref<2x8x16x128xf32, #tpu.memory_space<vmem>>, vector<16xf32>,
          %parallel_loop3A_1181 = vector.broadcast %squeeze3A : f32 to vector<16xf32>
          %parallel_loop3A_1182 = arith.mulf %parallel_loop3A_1181, %parallel_loop3A_1180 : vector<16xf32>
          %parallel_loop3A_1183 = arith.subf %get3A_1030, %parallel_loop3A_1182 : vector<16xf32>
          %parallel_loop3A_1184 = vector.broadcast %scan3A_76 : f32 to vector<16xf32>
          %parallel_loop3A_1185 = arith.select %parallel_loop3A_1175, %parallel_loop3A_1183, %parallel_loop3A_1184 : vector<16xi1>, vector<16xf32>
          %parallel_loop3A_1186 = arith.constant 128 : i32
          %parallel_loop3A_1187 = arith.muli %parallel_loop3A_1033, %parallel_loop3A_1186 : i32
          %parallel_loop3A_1188 = arith.constant 80 : i32
          %parallel_loop3A_1189 = arith.addi %parallel_loop3A_1187, %parallel_loop3A_1188 : i32
          %parallel_loop3A_1190 = arith.index_cast %select_n3A_863 : i32 to index
          %parallel_loop3A_1191 = arith.index_cast %scan3A_1023 : i32 to index
          %parallel_loop3A_1192 = arith.index_cast %parallel_loop3A_1189 : i32 to index
          %parallel_loop3A_1193 = tpu.vector_load %arg9[%parallel_loop3A_1190, %parallel_loop3A_1191, %parallel_loop3A_1192] {strides = array<i32>} : memref<2x8x2048xf32, #tpu.memory_space<vmem>>, vector<16xf32>,
          tpu.vector_store %arg9[%parallel_loop3A_1190, %parallel_loop3A_1191, %parallel_loop3A_1192], %parallel_loop3A_1185 {strides = array<i32>} : memref<2x8x2048xf32, #tpu.memory_space<vmem>>, vector<16xf32>,
          %parallel_loop3A_1194 = arith.constant 15 : i32
          %parallel_loop3A_1195 = vector.broadcast %parallel_loop3A_1194 : i32 to vector<16xi32>
          %parallel_loop3A_1196 = arith.shli %parallel_loop3A_1145, %parallel_loop3A_1195 : vector<16xi32>
          %parallel_loop3A_1197 = arith.constant 0 : i32
          %parallel_loop3A_1198 = vector.broadcast %parallel_loop3A_1197 : i32 to vector<16xi32>
          %parallel_loop3A_1199 = arith.cmpi slt, %parallel_loop3A_1196, %parallel_loop3A_1198 : vector<16xi32>
          %parallel_loop3A_1200 = arith.index_cast %select_n3A_863 : i32 to index
          %parallel_loop3A_1201 = arith.index_cast %scan3A_1023 : i32 to index
          %parallel_loop3A_1202 = arith.index_cast %parallel_loop3A_1033 : i32 to index
          %parallel_loop3A_1203 = arith.constant 96 : index
          %parallel_loop3A_1204 = tpu.vector_load %arg7[%parallel_loop3A_1200, %parallel_loop3A_1201, %parallel_loop3A_1202, %parallel_loop3A_1203] {strides = array<i32>} : memref<2x8x16x128xf32, #tpu.memory_space<vmem>>, vector<16xf32>,
          %parallel_loop3A_1205 = vector.broadcast %squeeze3A : f32 to vector<16xf32>
          %parallel_loop3A_1206 = arith.mulf %parallel_loop3A_1205, %parallel_loop3A_1204 : vector<16xf32>
          %parallel_loop3A_1207 = arith.subf %get3A_1030, %parallel_loop3A_1206 : vector<16xf32>
          %parallel_loop3A_1208 = vector.broadcast %scan3A_76 : f32 to vector<16xf32>
          %parallel_loop3A_1209 = arith.select %parallel_loop3A_1199, %parallel_loop3A_1207, %parallel_loop3A_1208 : vector<16xi1>, vector<16xf32>
          %parallel_loop3A_1210 = arith.constant 128 : i32
          %parallel_loop3A_1211 = arith.muli %parallel_loop3A_1033, %parallel_loop3A_1210 : i32
          %parallel_loop3A_1212 = arith.constant 96 : i32
          %parallel_loop3A_1213 = arith.addi %parallel_loop3A_1211, %parallel_loop3A_1212 : i32
          %parallel_loop3A_1214 = arith.index_cast %select_n3A_863 : i32 to index
          %parallel_loop3A_1215 = arith.index_cast %scan3A_1023 : i32 to index
          %parallel_loop3A_1216 = arith.index_cast %parallel_loop3A_1213 : i32 to index
          %parallel_loop3A_1217 = tpu.vector_load %arg9[%parallel_loop3A_1214, %parallel_loop3A_1215, %parallel_loop3A_1216] {strides = array<i32>} : memref<2x8x2048xf32, #tpu.memory_space<vmem>>, vector<16xf32>,
          tpu.vector_store %arg9[%parallel_loop3A_1214, %parallel_loop3A_1215, %parallel_loop3A_1216], %parallel_loop3A_1209 {strides = array<i32>} : memref<2x8x2048xf32, #tpu.memory_space<vmem>>, vector<16xf32>,
          %parallel_loop3A_1218 = arith.constant 7 : i32
          %parallel_loop3A_1219 = vector.broadcast %parallel_loop3A_1218 : i32 to vector<16xi32>
          %parallel_loop3A_1220 = arith.shli %parallel_loop3A_1145, %parallel_loop3A_1219 : vector<16xi32>
          %parallel_loop3A_1221 = arith.constant 0 : i32
          %parallel_loop3A_1222 = vector.broadcast %parallel_loop3A_1221 : i32 to vector<16xi32>
          %parallel_loop3A_1223 = arith.cmpi slt, %parallel_loop3A_1220, %parallel_loop3A_1222 : vector<16xi32>
          %parallel_loop3A_1224 = arith.index_cast %select_n3A_863 : i32 to index
          %parallel_loop3A_1225 = arith.index_cast %scan3A_1023 : i32 to index
          %parallel_loop3A_1226 = arith.index_cast %parallel_loop3A_1033 : i32 to index
          %parallel_loop3A_1227 = arith.constant 112 : index
          %parallel_loop3A_1228 = tpu.vector_load %arg7[%parallel_loop3A_1224, %parallel_loop3A_1225, %parallel_loop3A_1226, %parallel_loop3A_1227] {strides = array<i32>} : memref<2x8x16x128xf32, #tpu.memory_space<vmem>>, vector<16xf32>,
          %parallel_loop3A_1229 = vector.broadcast %squeeze3A : f32 to vector<16xf32>
          %parallel_loop3A_1230 = arith.mulf %parallel_loop3A_1229, %parallel_loop3A_1228 : vector<16xf32>
          %parallel_loop3A_1231 = arith.subf %get3A_1030, %parallel_loop3A_1230 : vector<16xf32>
          %parallel_loop3A_1232 = vector.broadcast %scan3A_76 : f32 to vector<16xf32>
          %parallel_loop3A_1233 = arith.select %parallel_loop3A_1223, %parallel_loop3A_1231, %parallel_loop3A_1232 : vector<16xi1>, vector<16xf32>
          %parallel_loop3A_1234 = arith.constant 128 : i32
          %parallel_loop3A_1235 = arith.muli %parallel_loop3A_1033, %parallel_loop3A_1234 : i32
          %parallel_loop3A_1236 = arith.constant 112 : i32
          %parallel_loop3A_1237 = arith.addi %parallel_loop3A_1235, %parallel_loop3A_1236 : i32
          %parallel_loop3A_1238 = arith.index_cast %select_n3A_863 : i32 to index
          %parallel_loop3A_1239 = arith.index_cast %scan3A_1023 : i32 to index
          %parallel_loop3A_1240 = arith.index_cast %parallel_loop3A_1237 : i32 to index
          %parallel_loop3A_1241 = tpu.vector_load %arg9[%parallel_loop3A_1238, %parallel_loop3A_1239, %parallel_loop3A_1240] {strides = array<i32>} : memref<2x8x2048xf32, #tpu.memory_space<vmem>>, vector<16xf32>,
          tpu.vector_store %arg9[%parallel_loop3A_1238, %parallel_loop3A_1239, %parallel_loop3A_1240], %parallel_loop3A_1233 {strides = array<i32>} : memref<2x8x2048xf32, #tpu.memory_space<vmem>>, vector<16xf32>,
        } {sc.loop_unroll_factor = 4 : i64, sc.parallel_access}
      }
      %scan3A_958 = arith.constant 8 : i32
      %mul3A_959 = arith.constant 8 : i32
      %mul3A_960 = arith.muli %add3A_7, %mul3A_959 : i32
      %jit3A_961 = arith.constant 64 : i32
      %div3A_962 = arith.divsi %mul3A_960, %jit3A_961 : i32
      %sign3A_963 = arith.constant 0 : i32
      %sign3A_964 = arith.cmpi sgt, %mul3A_960, %sign3A_963 : i32
      %sign3A_965 = arith.extui %sign3A_964 : i1 to i32
      %sign3A_966 = arith.constant 0 : i32
      %sign3A_967 = arith.cmpi slt, %mul3A_960, %sign3A_966 : i32
      %sign3A_968 = arith.extui %sign3A_967 : i1 to i32
      %sign3A_969 = arith.subi %sign3A_965, %sign3A_968 : i32
      %sign3A_970 = arith.constant 0 : i32
      %sign3A_971 = arith.cmpi sgt, %jit3A_961, %sign3A_970 : i32
      %sign3A_972 = arith.extui %sign3A_971 : i1 to i32
      %sign3A_973 = arith.constant 0 : i32
      %sign3A_974 = arith.cmpi slt, %jit3A_961, %sign3A_973 : i32
      %sign3A_975 = arith.extui %sign3A_974 : i1 to i32
      %sign3A_976 = arith.subi %sign3A_972, %sign3A_975 : i32
      %ne3A_977 = arith.cmpi ne, %sign3A_969, %sign3A_976 : i32
      %rem3A_978 = arith.remsi %mul3A_960, %jit3A_961 : i32
      %ne3A_979 = arith.constant 0 : i32
      %ne3A_980 = arith.cmpi ne, %rem3A_978, %ne3A_979 : i32
      %and3A_981 = arith.andi %ne3A_977, %ne3A_980 : i1
      %sub3A_982 = arith.constant 1 : i32
      %sub3A_983 = arith.subi %div3A_962, %sub3A_982 : i32
      %select_n3A_984 = arith.select %and3A_981, %sub3A_983, %div3A_962 : i32
      %jit3A_985 = arith.constant 64 : i32
      %eq3A_986 = arith.constant 0 : i32
      %eq3A_987 = arith.cmpi eq, %jit3A_985, %eq3A_986 : i32
      %jit3A_988 = arith.constant 1 : i32
      %select_n3A_989 = arith.select %eq3A_987, %jit3A_988, %jit3A_985 : i32
      %rem3A_990 = arith.remsi %mul3A_960, %select_n3A_989 : i32
      %ne3A_991 = arith.constant 0 : i32
      %ne3A_992 = arith.cmpi ne, %rem3A_990, %ne3A_991 : i32
      %lt3A_993 = arith.constant 0 : i32
      %lt3A_994 = arith.cmpi slt, %rem3A_990, %lt3A_993 : i32
      %lt3A_995 = arith.constant 0 : i32
      %lt3A_996 = arith.cmpi slt, %select_n3A_989, %lt3A_995 : i32
      %ne3A_997 = arith.xori %lt3A_994, %lt3A_996 : i1
      %and3A_998 = arith.andi %ne3A_997, %ne3A_992 : i1
      %add3A_999 = arith.addi %rem3A_990, %select_n3A_989 : i32
      %select_n3A_1000 = arith.select %and3A_998, %add3A_999, %rem3A_990 : i32
      %mul3A_1001 = arith.constant 16 : i32
      %mul3A_1002 = arith.muli %scan3A_847, %mul3A_1001 : i32
      %multiple_of3A_1003 = tpu.assume_multiple %mul3A_1002, 16 : i32
      %mul3A_1004 = arith.constant 2048 : i32
      %mul3A_1005 = arith.muli %scan3A_847, %mul3A_1004 : i32
      %multiple_of3A_1006 = tpu.assume_multiple %mul3A_1005, 2048 : i32
      %mul3A_1007 = arith.constant 512 : i32
      %mul3A_1008 = arith.muli %scan3A_847, %mul3A_1007 : i32
      %multiple_of3A_1009 = tpu.assume_multiple %mul3A_1008, 512 : i32
      %multiple_of3A_1010 = tpu.assume_multiple %select_n3A_1000, 8 : i32
      %dma_start3A_1011 = arith.constant 0 : i32
      %dma_start3A_1012 = arith.constant 0 : i32
      %dma_start3A_1013 = tpu.memref_slice %arg9[%select_n3A_863, %dma_start3A_1011, %dma_start3A_1012] : memref<2x8x2048xf32, #tpu.memory_space<vmem>> -> memref<1x8x2048xf32, #tpu.memory_space<vmem>>
      %dma_start3A_1014 = tpu.memref_squeeze %dma_start3A_1013 : memref<1x8x2048xf32, #tpu.memory_space<vmem>> -> memref<8x2048xf32, #tpu.memory_space<vmem>>
      %dma_start3A_1015 = tpu.memref_slice %arg6[%select_n3A_984, %multiple_of3A_1010, %multiple_of3A_1006] : memref<16x64x16384xf32, #tpu.memory_space<hbm>> -> memref<1x8x2048xf32, #tpu.memory_space<hbm>>
      %dma_start3A_1016 = tpu.memref_squeeze %dma_start3A_1015 : memref<1x8x2048xf32, #tpu.memory_space<hbm>> -> memref<8x2048xf32, #tpu.memory_space<hbm>>
      %dma_start3A_1017 = tpu.memref_slice %arg6[%select_n3A_984, %multiple_of3A_1010, %multiple_of3A_1006] : memref<16x64x16384xf32, #tpu.memory_space<hbm>> -> memref<1x8x2048xf32, #tpu.memory_space<hbm>>
      %dma_start3A_1018 = tpu.memref_squeeze %dma_start3A_1017 : memref<1x8x2048xf32, #tpu.memory_space<hbm>> -> memref<8x2048xf32, #tpu.memory_space<hbm>>
      %dma_start3A_1019 = arith.constant 0 : i32
      %dma_start3A_1020 = arith.constant 0 : i32
      %dma_start3A_1021 = tpu.memref_slice %arg9[%select_n3A_863, %dma_start3A_1019, %dma_start3A_1020] : memref<2x8x2048xf32, #tpu.memory_space<vmem>> -> memref<1x8x2048xf32, #tpu.memory_space<vmem>>
      %dma_start3A_1022 = tpu.memref_squeeze %dma_start3A_1021 : memref<1x8x2048xf32, #tpu.memory_space<vmem>> -> memref<8x2048xf32, #tpu.memory_space<vmem>>
      tpu.enqueue_dma source(%dma_start3A_1022 : memref<8x2048xf32, #tpu.memory_space<vmem>>) target(%dma_start3A_1018 : memref<8x2048xf32, #tpu.memory_space<hbm>>) target_semaphore(%arg13 : memref<!tpu.dma_semaphore, #tpu.memory_space<semaphore_mem>>)
    }
    %scan3A_81 = arith.constant 8 : i32
    %mul3A_82 = arith.constant 8 : i32
    %mul3A_83 = arith.muli %add3A_7, %mul3A_82 : i32
    %jit3A_84 = arith.constant 64 : i32
    %div3A_85 = arith.divsi %mul3A_83, %jit3A_84 : i32
    %sign3A_86 = arith.constant 0 : i32
    %sign3A_87 = arith.cmpi sgt, %mul3A_83, %sign3A_86 : i32
    %sign3A_88 = arith.extui %sign3A_87 : i1 to i32
    %sign3A_89 = arith.constant 0 : i32
    %sign3A_90 = arith.cmpi slt, %mul3A_83, %sign3A_89 : i32
    %sign3A_91 = arith.extui %sign3A_90 : i1 to i32
    %sign3A_92 = arith.subi %sign3A_88, %sign3A_91 : i32
    %sign3A_93 = arith.constant 0 : i32
    %sign3A_94 = arith.cmpi sgt, %jit3A_84, %sign3A_93 : i32
    %sign3A_95 = arith.extui %sign3A_94 : i1 to i32
    %sign3A_96 = arith.constant 0 : i32
    %sign3A_97 = arith.cmpi slt, %jit3A_84, %sign3A_96 : i32
    %sign3A_98 = arith.extui %sign3A_97 : i1 to i32
    %sign3A_99 = arith.subi %sign3A_95, %sign3A_98 : i32
    %ne3A_100 = arith.cmpi ne, %sign3A_92, %sign3A_99 : i32
    %rem3A_101 = arith.remsi %mul3A_83, %jit3A_84 : i32
    %ne3A_102 = arith.constant 0 : i32
    %ne3A_103 = arith.cmpi ne, %rem3A_101, %ne3A_102 : i32
    %and3A_104 = arith.andi %ne3A_100, %ne3A_103 : i1
    %sub3A_105 = arith.constant 1 : i32
    %sub3A_106 = arith.subi %div3A_85, %sub3A_105 : i32
    %select_n3A_107 = arith.select %and3A_104, %sub3A_106, %div3A_85 : i32
    %jit3A_108 = arith.constant 64 : i32
    %eq3A_109 = arith.constant 0 : i32
    %eq3A_110 = arith.cmpi eq, %jit3A_108, %eq3A_109 : i32
    %jit3A_111 = arith.constant 1 : i32
    %select_n3A_112 = arith.select %eq3A_110, %jit3A_111, %jit3A_108 : i32
    %rem3A_113 = arith.remsi %mul3A_83, %select_n3A_112 : i32
    %ne3A_114 = arith.constant 0 : i32
    %ne3A_115 = arith.cmpi ne, %rem3A_113, %ne3A_114 : i32
    %lt3A_116 = arith.constant 0 : i32
    %lt3A_117 = arith.cmpi slt, %rem3A_113, %lt3A_116 : i32
    %lt3A_118 = arith.constant 0 : i32
    %lt3A_119 = arith.cmpi slt, %select_n3A_112, %lt3A_118 : i32
    %ne3A_120 = arith.xori %lt3A_117, %lt3A_119 : i1
    %and3A_121 = arith.andi %ne3A_120, %ne3A_115 : i1
    %add3A_122 = arith.addi %rem3A_113, %select_n3A_112 : i32
    %select_n3A_123 = arith.select %and3A_121, %add3A_122, %rem3A_113 : i32
    %multiple_of3A_124 = arith.constant 96 : i32
    %multiple_of3A_125 = tpu.assume_multiple %multiple_of3A_124, 16 : i32
    %multiple_of3A_126 = arith.constant 12288 : i32
    %multiple_of3A_127 = tpu.assume_multiple %multiple_of3A_126, 2048 : i32
    %multiple_of3A_128 = arith.constant 3072 : i32
    %multiple_of3A_129 = tpu.assume_multiple %multiple_of3A_128, 512 : i32
    %multiple_of3A_130 = tpu.assume_multiple %select_n3A_123, 8 : i32
    %dma_wait3A = arith.constant 0 : i32
    %dma_wait3A_131 = arith.constant 0 : i32
    %dma_wait3A_132 = arith.constant 0 : i32
    %dma_wait3A_133 = tpu.memref_slice %arg9[%dma_wait3A, %dma_wait3A_131, %dma_wait3A_132] : memref<2x8x2048xf32, #tpu.memory_space<vmem>> -> memref<1x8x2048xf32, #tpu.memory_space<vmem>>
    %dma_wait3A_134 = tpu.memref_squeeze %dma_wait3A_133 : memref<1x8x2048xf32, #tpu.memory_space<vmem>> -> memref<8x2048xf32, #tpu.memory_space<vmem>>
    %dma_wait3A_135 = tpu.memref_slice %arg6[%select_n3A_107, %multiple_of3A_130, %multiple_of3A_127] : memref<16x64x16384xf32, #tpu.memory_space<hbm>> -> memref<1x8x2048xf32, #tpu.memory_space<hbm>>
    %dma_wait3A_136 = tpu.memref_squeeze %dma_wait3A_135 : memref<1x8x2048xf32, #tpu.memory_space<hbm>> -> memref<8x2048xf32, #tpu.memory_space<hbm>>
    %dma_wait3A_137 = tpu.memref_slice %arg6[%select_n3A_107, %multiple_of3A_130, %multiple_of3A_127] : memref<16x64x16384xf32, #tpu.memory_space<hbm>> -> memref<1x8x2048xf32, #tpu.memory_space<hbm>>
    %dma_wait3A_138 = tpu.memref_squeeze %dma_wait3A_137 : memref<1x8x2048xf32, #tpu.memory_space<hbm>> -> memref<8x2048xf32, #tpu.memory_space<hbm>>
    %dma_wait3A_139 = arith.constant 0 : i32
    %dma_wait3A_140 = arith.constant 0 : i32
    %dma_wait3A_141 = tpu.memref_slice %arg9[%dma_wait3A, %dma_wait3A_139, %dma_wait3A_140] : memref<2x8x2048xf32, #tpu.memory_space<vmem>> -> memref<1x8x2048xf32, #tpu.memory_space<vmem>>
    %dma_wait3A_142 = tpu.memref_squeeze %dma_wait3A_141 : memref<1x8x2048xf32, #tpu.memory_space<vmem>> -> memref<8x2048xf32, #tpu.memory_space<vmem>>
    tpu.wait_dma2 semaphore(%arg13 : memref<!tpu.dma_semaphore, #tpu.memory_space<semaphore_mem>>) src(%dma_wait3A_142 : memref<8x2048xf32, #tpu.memory_space<vmem>>) dst(%dma_wait3A_138 : memref<8x2048xf32, #tpu.memory_space<hbm>>)
    %mul3A_143 = arith.constant 8 : i32
    %mul3A_144 = arith.muli %add3A_7, %mul3A_143 : i32
    %jit3A_145 = arith.constant 64 : i32
    %div3A_146 = arith.divsi %mul3A_144, %jit3A_145 : i32
    %sign3A_147 = arith.constant 0 : i32
    %sign3A_148 = arith.cmpi sgt, %mul3A_144, %sign3A_147 : i32
    %sign3A_149 = arith.extui %sign3A_148 : i1 to i32
    %sign3A_150 = arith.constant 0 : i32
    %sign3A_151 = arith.cmpi slt, %mul3A_144, %sign3A_150 : i32
    %sign3A_152 = arith.extui %sign3A_151 : i1 to i32
    %sign3A_153 = arith.subi %sign3A_149, %sign3A_152 : i32
    %sign3A_154 = arith.constant 0 : i32
    %sign3A_155 = arith.cmpi sgt, %jit3A_145, %sign3A_154 : i32
    %sign3A_156 = arith.extui %sign3A_155 : i1 to i32
    %sign3A_157 = arith.constant 0 : i32
    %sign3A_158 = arith.cmpi slt, %jit3A_145, %sign3A_157 : i32
    %sign3A_159 = arith.extui %sign3A_158 : i1 to i32
    %sign3A_160 = arith.subi %sign3A_156, %sign3A_159 : i32
    %ne3A_161 = arith.cmpi ne, %sign3A_153, %sign3A_160 : i32
    %rem3A_162 = arith.remsi %mul3A_144, %jit3A_145 : i32
    %ne3A_163 = arith.constant 0 : i32
    %ne3A_164 = arith.cmpi ne, %rem3A_162, %ne3A_163 : i32
    %and3A_165 = arith.andi %ne3A_161, %ne3A_164 : i1
    %sub3A_166 = arith.constant 1 : i32
    %sub3A_167 = arith.subi %div3A_146, %sub3A_166 : i32
    %select_n3A_168 = arith.select %and3A_165, %sub3A_167, %div3A_146 : i32
    %jit3A_169 = arith.constant 64 : i32
    %eq3A_170 = arith.constant 0 : i32
    %eq3A_171 = arith.cmpi eq, %jit3A_169, %eq3A_170 : i32
    %jit3A_172 = arith.constant 1 : i32
    %select_n3A_173 = arith.select %eq3A_171, %jit3A_172, %jit3A_169 : i32
    %rem3A_174 = arith.remsi %mul3A_144, %select_n3A_173 : i32
    %ne3A_175 = arith.constant 0 : i32
    %ne3A_176 = arith.cmpi ne, %rem3A_174, %ne3A_175 : i32
    %lt3A_177 = arith.constant 0 : i32
    %lt3A_178 = arith.cmpi slt, %rem3A_174, %lt3A_177 : i32
    %lt3A_179 = arith.constant 0 : i32
    %lt3A_180 = arith.cmpi slt, %select_n3A_173, %lt3A_179 : i32
    %ne3A_181 = arith.xori %lt3A_178, %lt3A_180 : i1
    %and3A_182 = arith.andi %ne3A_181, %ne3A_176 : i1
    %add3A_183 = arith.addi %rem3A_174, %select_n3A_173 : i32
    %select_n3A_184 = arith.select %and3A_182, %add3A_183, %rem3A_174 : i32
    %multiple_of3A_185 = arith.constant 112 : i32
    %multiple_of3A_186 = tpu.assume_multiple %multiple_of3A_185, 16 : i32
    %multiple_of3A_187 = arith.constant 14336 : i32
    %multiple_of3A_188 = tpu.assume_multiple %multiple_of3A_187, 2048 : i32
    %multiple_of3A_189 = arith.constant 3584 : i32
    %multiple_of3A_190 = tpu.assume_multiple %multiple_of3A_189, 512 : i32
    %multiple_of3A_191 = tpu.assume_multiple %select_n3A_184, 8 : i32
    %dma_wait3A_192 = arith.constant 1 : i32
    %dma_wait3A_193 = arith.constant 0 : i32
    %dma_wait3A_194 = arith.constant 0 : i32
    %dma_wait3A_195 = tpu.memref_slice %arg9[%dma_wait3A_192, %dma_wait3A_193, %dma_wait3A_194] : memref<2x8x2048xf32, #tpu.memory_space<vmem>> -> memref<1x8x2048xf32, #tpu.memory_space<vmem>>
    %dma_wait3A_196 = tpu.memref_squeeze %dma_wait3A_195 : memref<1x8x2048xf32, #tpu.memory_space<vmem>> -> memref<8x2048xf32, #tpu.memory_space<vmem>>
    %dma_wait3A_197 = tpu.memref_slice %arg6[%select_n3A_168, %multiple_of3A_191, %multiple_of3A_188] : memref<16x64x16384xf32, #tpu.memory_space<hbm>> -> memref<1x8x2048xf32, #tpu.memory_space<hbm>>
    %dma_wait3A_198 = tpu.memref_squeeze %dma_wait3A_197 : memref<1x8x2048xf32, #tpu.memory_space<hbm>> -> memref<8x2048xf32, #tpu.memory_space<hbm>>
    %dma_wait3A_199 = tpu.memref_slice %arg6[%select_n3A_168, %multiple_of3A_191, %multiple_of3A_188] : memref<16x64x16384xf32, #tpu.memory_space<hbm>> -> memref<1x8x2048xf32, #tpu.memory_space<hbm>>
    %dma_wait3A_200 = tpu.memref_squeeze %dma_wait3A_199 : memref<1x8x2048xf32, #tpu.memory_space<hbm>> -> memref<8x2048xf32, #tpu.memory_space<hbm>>
    %dma_wait3A_201 = arith.constant 0 : i32
    %dma_wait3A_202 = arith.constant 0 : i32
    %dma_wait3A_203 = tpu.memref_slice %arg9[%dma_wait3A_192, %dma_wait3A_201, %dma_wait3A_202] : memref<2x8x2048xf32, #tpu.memory_space<vmem>> -> memref<1x8x2048xf32, #tpu.memory_space<vmem>>
    %dma_wait3A_204 = tpu.memref_squeeze %dma_wait3A_203 : memref<1x8x2048xf32, #tpu.memory_space<vmem>> -> memref<8x2048xf32, #tpu.memory_space<vmem>>
    tpu.wait_dma2 semaphore(%arg13 : memref<!tpu.dma_semaphore, #tpu.memory_space<semaphore_mem>>) src(%dma_wait3A_204 : memref<8x2048xf32, #tpu.memory_space<vmem>>) dst(%dma_wait3A_200 : memref<8x2048xf32, #tpu.memory_space<hbm>>)
    %mul3A_205 = arith.constant 4 : i32
    %mul3A_206 = arith.muli %add3A, %mul3A_205 : i32
    %add3A_207 = arith.constant 1 : i32
    %add3A_208 = arith.addi %mul3A_206, %add3A_207 : i32
    %mul3A_209 = arith.constant 8 : i32
    %mul3A_210 = arith.muli %add3A_208, %mul3A_209 : i32
    %jit3A_211 = arith.constant 64 : i32
    %div3A_212 = arith.divsi %mul3A_210, %jit3A_211 : i32
    %sign3A_213 = arith.constant 0 : i32
    %sign3A_214 = arith.cmpi sgt, %mul3A_210, %sign3A_213 : i32
    %sign3A_215 = arith.extui %sign3A_214 : i1 to i32
    %sign3A_216 = arith.constant 0 : i32
    %sign3A_217 = arith.cmpi slt, %mul3A_210, %sign3A_216 : i32
    %sign3A_218 = arith.extui %sign3A_217 : i1 to i32
    %sign3A_219 = arith.subi %sign3A_215, %sign3A_218 : i32
    %sign3A_220 = arith.constant 0 : i32
    %sign3A_221 = arith.cmpi sgt, %jit3A_211, %sign3A_220 : i32
    %sign3A_222 = arith.extui %sign3A_221 : i1 to i32
    %sign3A_223 = arith.constant 0 : i32
    %sign3A_224 = arith.cmpi slt, %jit3A_211, %sign3A_223 : i32
    %sign3A_225 = arith.extui %sign3A_224 : i1 to i32
    %sign3A_226 = arith.subi %sign3A_222, %sign3A_225 : i32
    %ne3A_227 = arith.cmpi ne, %sign3A_219, %sign3A_226 : i32
    %rem3A_228 = arith.remsi %mul3A_210, %jit3A_211 : i32
    %ne3A_229 = arith.constant 0 : i32
    %ne3A_230 = arith.cmpi ne, %rem3A_228, %ne3A_229 : i32
    %and3A_231 = arith.andi %ne3A_227, %ne3A_230 : i1
    %sub3A_232 = arith.constant 1 : i32
    %sub3A_233 = arith.subi %div3A_212, %sub3A_232 : i32
    %select_n3A_234 = arith.select %and3A_231, %sub3A_233, %div3A_212 : i32
    %jit3A_235 = arith.constant 64 : i32
    %eq3A_236 = arith.constant 0 : i32
    %eq3A_237 = arith.cmpi eq, %jit3A_235, %eq3A_236 : i32
    %jit3A_238 = arith.constant 1 : i32
    %select_n3A_239 = arith.select %eq3A_237, %jit3A_238, %jit3A_235 : i32
    %rem3A_240 = arith.remsi %mul3A_210, %select_n3A_239 : i32
    %ne3A_241 = arith.constant 0 : i32
    %ne3A_242 = arith.cmpi ne, %rem3A_240, %ne3A_241 : i32
    %lt3A_243 = arith.constant 0 : i32
    %lt3A_244 = arith.cmpi slt, %rem3A_240, %lt3A_243 : i32
    %lt3A_245 = arith.constant 0 : i32
    %lt3A_246 = arith.cmpi slt, %select_n3A_239, %lt3A_245 : i32
    %ne3A_247 = arith.xori %lt3A_244, %lt3A_246 : i1
    %and3A_248 = arith.andi %ne3A_247, %ne3A_242 : i1
    %add3A_249 = arith.addi %rem3A_240, %select_n3A_239 : i32
    %select_n3A_250 = arith.select %and3A_248, %add3A_249, %rem3A_240 : i32
    %multiple_of3A_251 = arith.constant 0 : i32
    %multiple_of3A_252 = tpu.assume_multiple %multiple_of3A_251, 16 : i32
    %multiple_of3A_253 = arith.constant 0 : i32
    %multiple_of3A_254 = tpu.assume_multiple %multiple_of3A_253, 2048 : i32
    %multiple_of3A_255 = arith.constant 0 : i32
    %multiple_of3A_256 = tpu.assume_multiple %multiple_of3A_255, 512 : i32
    %multiple_of3A_257 = tpu.assume_multiple %select_n3A_250, 8 : i32
    %dma_start3A_258 = arith.constant 0 : i32
    %dma_start3A_259 = arith.constant 0 : i32
    %dma_start3A_260 = arith.constant 0 : i32
    %dma_start3A_261 = arith.constant 0 : i32
    %dma_start3A_262 = tpu.memref_slice %arg7[%dma_start3A_258, %dma_start3A_259, %dma_start3A_260, %dma_start3A_261] : memref<2x8x16x128xf32, #tpu.memory_space<vmem>> -> memref<1x8x16x128xf32, #tpu.memory_space<vmem>>
    %dma_start3A_263 = tpu.memref_squeeze %dma_start3A_262 : memref<1x8x16x128xf32, #tpu.memory_space<vmem>> -> memref<8x16x128xf32, #tpu.memory_space<vmem>>
    %dma_start3A_264 = arith.constant 0 : i32
    %dma_start3A_265 = tpu.memref_slice %arg2[%select_n3A_234, %select_n3A_250, %multiple_of3A_252, %dma_start3A_264] : memref<16x64x128x128xf32, #tpu.memory_space<hbm>> -> memref<1x8x16x128xf32, #tpu.memory_space<hbm>>
    %dma_start3A_266 = tpu.memref_squeeze %dma_start3A_265 : memref<1x8x16x128xf32, #tpu.memory_space<hbm>> -> memref<8x16x128xf32, #tpu.memory_space<hbm>>
    %dma_start3A_267 = arith.constant 0 : i32
    %dma_start3A_268 = arith.constant 0 : i32
    %dma_start3A_269 = arith.constant 0 : i32
    %dma_start3A_270 = tpu.memref_slice %arg7[%dma_start3A_258, %dma_start3A_267, %dma_start3A_268, %dma_start3A_269] : memref<2x8x16x128xf32, #tpu.memory_space<vmem>> -> memref<1x8x16x128xf32, #tpu.memory_space<vmem>>
    %dma_start3A_271 = tpu.memref_squeeze %dma_start3A_270 : memref<1x8x16x128xf32, #tpu.memory_space<vmem>> -> memref<8x16x128xf32, #tpu.memory_space<vmem>>
    %dma_start3A_272 = arith.constant 0 : i32
    %dma_start3A_273 = tpu.memref_slice %arg2[%select_n3A_234, %select_n3A_250, %multiple_of3A_252, %dma_start3A_272] : memref<16x64x128x128xf32, #tpu.memory_space<hbm>> -> memref<1x8x16x128xf32, #tpu.memory_space<hbm>>
    %dma_start3A_274 = tpu.memref_squeeze %dma_start3A_273 : memref<1x8x16x128xf32, #tpu.memory_space<hbm>> -> memref<8x16x128xf32, #tpu.memory_space<hbm>>
    tpu.enqueue_dma source(%dma_start3A_274 : memref<8x16x128xf32, #tpu.memory_space<hbm>>) target(%dma_start3A_271 : memref<8x16x128xf32, #tpu.memory_space<vmem>>) target_semaphore(%arg12 : memref<!tpu.dma_semaphore, #tpu.memory_space<semaphore_mem>>)
    %dma_start3A_275 = arith.constant 0 : i32
    %dma_start3A_276 = arith.constant 0 : i32
    %dma_start3A_277 = arith.constant 0 : i32
    %dma_start3A_278 = tpu.memref_slice %arg8[%dma_start3A_275, %dma_start3A_276, %dma_start3A_277] : memref<2x8x512xi32, #tpu.memory_space<vmem>> -> memref<1x8x512xi32, #tpu.memory_space<vmem>>
    %dma_start3A_279 = tpu.memref_squeeze %dma_start3A_278 : memref<1x8x512xi32, #tpu.memory_space<vmem>> -> memref<8x512xi32, #tpu.memory_space<vmem>>
    %dma_start3A_280 = tpu.memref_slice %arg3[%select_n3A_234, %multiple_of3A_257, %multiple_of3A_256] : memref<16x64x4096xi32, #tpu.memory_space<hbm>> -> memref<1x8x512xi32, #tpu.memory_space<hbm>>
    %dma_start3A_281 = tpu.memref_squeeze %dma_start3A_280 : memref<1x8x512xi32, #tpu.memory_space<hbm>> -> memref<8x512xi32, #tpu.memory_space<hbm>>
    %dma_start3A_282 = arith.constant 0 : i32
    %dma_start3A_283 = arith.constant 0 : i32
    %dma_start3A_284 = tpu.memref_slice %arg8[%dma_start3A_275, %dma_start3A_282, %dma_start3A_283] : memref<2x8x512xi32, #tpu.memory_space<vmem>> -> memref<1x8x512xi32, #tpu.memory_space<vmem>>
    %dma_start3A_285 = tpu.memref_squeeze %dma_start3A_284 : memref<1x8x512xi32, #tpu.memory_space<vmem>> -> memref<8x512xi32, #tpu.memory_space<vmem>>
    %dma_start3A_286 = tpu.memref_slice %arg3[%select_n3A_234, %multiple_of3A_257, %multiple_of3A_256] : memref<16x64x4096xi32, #tpu.memory_space<hbm>> -> memref<1x8x512xi32, #tpu.memory_space<hbm>>
    %dma_start3A_287 = tpu.memref_squeeze %dma_start3A_286 : memref<1x8x512xi32, #tpu.memory_space<hbm>> -> memref<8x512xi32, #tpu.memory_space<hbm>>
    tpu.enqueue_dma source(%dma_start3A_287 : memref<8x512xi32, #tpu.memory_space<hbm>>) target(%dma_start3A_285 : memref<8x512xi32, #tpu.memory_space<vmem>>) target_semaphore(%arg12 : memref<!tpu.dma_semaphore, #tpu.memory_space<semaphore_mem>>)
    %scan3A_288 = arith.constant 0 : i32
    %scan3A_289 = arith.constant -1.000000e+09 : f32
    %scan3A_290 = arith.constant 0 : i32
    %scan3A_291 = arith.constant 8 : i32
    %scan3A_292 = arith.addi %scan3A_290, %scan3A_291 : i32
    %scan3A_293 = arith.constant 1 : i32
    scf.for %scan3A_847 = %scan3A_290 to %scan3A_292 step %scan3A_293  : i32 {
      %jit3A_848 = arith.constant 2 : i32
      %eq3A_849 = arith.constant 0 : i32
      %eq3A_850 = arith.cmpi eq, %jit3A_848, %eq3A_849 : i32
      %jit3A_851 = arith.constant 1 : i32
      %select_n3A_852 = arith.select %eq3A_850, %jit3A_851, %jit3A_848 : i32
      %rem3A_853 = arith.remsi %scan3A_847, %select_n3A_852 : i32
      %ne3A_854 = arith.constant 0 : i32
      %ne3A_855 = arith.cmpi ne, %rem3A_853, %ne3A_854 : i32
      %lt3A_856 = arith.constant 0 : i32
      %lt3A_857 = arith.cmpi slt, %rem3A_853, %lt3A_856 : i32
      %lt3A_858 = arith.constant 0 : i32
      %lt3A_859 = arith.cmpi slt, %select_n3A_852, %lt3A_858 : i32
      %ne3A_860 = arith.xori %lt3A_857, %lt3A_859 : i1
      %and3A_861 = arith.andi %ne3A_860, %ne3A_855 : i1
      %add3A_862 = arith.addi %rem3A_853, %select_n3A_852 : i32
      %select_n3A_863 = arith.select %and3A_861, %add3A_862, %rem3A_853 : i32
      %add3A_864 = arith.constant 1 : i32
      %add3A_865 = arith.addi %scan3A_847, %add3A_864 : i32
      %lt3A_866 = arith.constant 8 : i32
      %lt3A_867 = arith.cmpi slt, %add3A_865, %lt3A_866 : i32
      %convert_element_type3A = arith.extui %lt3A_867 : i1 to i32
      %cond3A = arith.constant 0 : i32
      %cond3A_868 = arith.cmpi ne, %convert_element_type3A, %cond3A : i32
      scf.if %cond3A_868 {
        %add3A_1023 = arith.constant 1 : i32
        %add3A_1024 = arith.addi %scan3A_847, %add3A_1023 : i32
        %add3A_1025 = arith.constant 1 : i32
        %add3A_1026 = arith.addi %scan3A_847, %add3A_1025 : i32
        %jit3A_1027 = arith.constant 2 : i32
        %eq3A_1028 = arith.constant 0 : i32
        %eq3A_1029 = arith.cmpi eq, %jit3A_1027, %eq3A_1028 : i32
        %jit3A_1030 = arith.constant 1 : i32
        %select_n3A_1031 = arith.select %eq3A_1029, %jit3A_1030, %jit3A_1027 : i32
        %rem3A_1032 = arith.remsi %add3A_1026, %select_n3A_1031 : i32
        %ne3A_1033 = arith.constant 0 : i32
        %ne3A_1034 = arith.cmpi ne, %rem3A_1032, %ne3A_1033 : i32
        %lt3A_1035 = arith.constant 0 : i32
        %lt3A_1036 = arith.cmpi slt, %rem3A_1032, %lt3A_1035 : i32
        %lt3A_1037 = arith.constant 0 : i32
        %lt3A_1038 = arith.cmpi slt, %select_n3A_1031, %lt3A_1037 : i32
        %ne3A_1039 = arith.xori %lt3A_1036, %lt3A_1038 : i1
        %and3A_1040 = arith.andi %ne3A_1039, %ne3A_1034 : i1
        %add3A_1041 = arith.addi %rem3A_1032, %select_n3A_1031 : i32
        %select_n3A_1042 = arith.select %and3A_1040, %add3A_1041, %rem3A_1032 : i32
        %mul3A_1043 = arith.constant 8 : i32
        %mul3A_1044 = arith.muli %add3A_208, %mul3A_1043 : i32
        %jit3A_1045 = arith.constant 64 : i32
        %div3A_1046 = arith.divsi %mul3A_1044, %jit3A_1045 : i32
        %sign3A_1047 = arith.constant 0 : i32
        %sign3A_1048 = arith.cmpi sgt, %mul3A_1044, %sign3A_1047 : i32
        %sign3A_1049 = arith.extui %sign3A_1048 : i1 to i32
        %sign3A_1050 = arith.constant 0 : i32
        %sign3A_1051 = arith.cmpi slt, %mul3A_1044, %sign3A_1050 : i32
        %sign3A_1052 = arith.extui %sign3A_1051 : i1 to i32
        %sign3A_1053 = arith.subi %sign3A_1049, %sign3A_1052 : i32
        %sign3A_1054 = arith.constant 0 : i32
        %sign3A_1055 = arith.cmpi sgt, %jit3A_1045, %sign3A_1054 : i32
        %sign3A_1056 = arith.extui %sign3A_1055 : i1 to i32
        %sign3A_1057 = arith.constant 0 : i32
        %sign3A_1058 = arith.cmpi slt, %jit3A_1045, %sign3A_1057 : i32
        %sign3A_1059 = arith.extui %sign3A_1058 : i1 to i32
        %sign3A_1060 = arith.subi %sign3A_1056, %sign3A_1059 : i32
        %ne3A_1061 = arith.cmpi ne, %sign3A_1053, %sign3A_1060 : i32
        %rem3A_1062 = arith.remsi %mul3A_1044, %jit3A_1045 : i32
        %ne3A_1063 = arith.constant 0 : i32
        %ne3A_1064 = arith.cmpi ne, %rem3A_1062, %ne3A_1063 : i32
        %and3A_1065 = arith.andi %ne3A_1061, %ne3A_1064 : i1
        %sub3A_1066 = arith.constant 1 : i32
        %sub3A_1067 = arith.subi %div3A_1046, %sub3A_1066 : i32
        %select_n3A_1068 = arith.select %and3A_1065, %sub3A_1067, %div3A_1046 : i32
        %jit3A_1069 = arith.constant 64 : i32
        %eq3A_1070 = arith.constant 0 : i32
        %eq3A_1071 = arith.cmpi eq, %jit3A_1069, %eq3A_1070 : i32
        %jit3A_1072 = arith.constant 1 : i32
        %select_n3A_1073 = arith.select %eq3A_1071, %jit3A_1072, %jit3A_1069 : i32
        %rem3A_1074 = arith.remsi %mul3A_1044, %select_n3A_1073 : i32
        %ne3A_1075 = arith.constant 0 : i32
        %ne3A_1076 = arith.cmpi ne, %rem3A_1074, %ne3A_1075 : i32
        %lt3A_1077 = arith.constant 0 : i32
        %lt3A_1078 = arith.cmpi slt, %rem3A_1074, %lt3A_1077 : i32
        %lt3A_1079 = arith.constant 0 : i32
        %lt3A_1080 = arith.cmpi slt, %select_n3A_1073, %lt3A_1079 : i32
        %ne3A_1081 = arith.xori %lt3A_1078, %lt3A_1080 : i1
        %and3A_1082 = arith.andi %ne3A_1081, %ne3A_1076 : i1
        %add3A_1083 = arith.addi %rem3A_1074, %select_n3A_1073 : i32
        %select_n3A_1084 = arith.select %and3A_1082, %add3A_1083, %rem3A_1074 : i32
        %mul3A_1085 = arith.constant 16 : i32
        %mul3A_1086 = arith.muli %add3A_1024, %mul3A_1085 : i32
        %multiple_of3A_1087 = tpu.assume_multiple %mul3A_1086, 16 : i32
        %mul3A_1088 = arith.constant 2048 : i32
        %mul3A_1089 = arith.muli %add3A_1024, %mul3A_1088 : i32
        %multiple_of3A_1090 = tpu.assume_multiple %mul3A_1089, 2048 : i32
        %mul3A_1091 = arith.constant 512 : i32
        %mul3A_1092 = arith.muli %add3A_1024, %mul3A_1091 : i32
        %multiple_of3A_1093 = tpu.assume_multiple %mul3A_1092, 512 : i32
        %multiple_of3A_1094 = tpu.assume_multiple %select_n3A_1084, 8 : i32
        %dma_start3A_1095 = arith.constant 0 : i32
        %dma_start3A_1096 = arith.constant 0 : i32
        %dma_start3A_1097 = arith.constant 0 : i32
        %dma_start3A_1098 = tpu.memref_slice %arg7[%select_n3A_1042, %dma_start3A_1095, %dma_start3A_1096, %dma_start3A_1097] : memref<2x8x16x128xf32, #tpu.memory_space<vmem>> -> memref<1x8x16x128xf32, #tpu.memory_space<vmem>>
        %dma_start3A_1099 = tpu.memref_squeeze %dma_start3A_1098 : memref<1x8x16x128xf32, #tpu.memory_space<vmem>> -> memref<8x16x128xf32, #tpu.memory_space<vmem>>
        %dma_start3A_1100 = arith.constant 0 : i32
        %dma_start3A_1101 = tpu.memref_slice %arg2[%select_n3A_1068, %select_n3A_1084, %multiple_of3A_1087, %dma_start3A_1100] : memref<16x64x128x128xf32, #tpu.memory_space<hbm>> -> memref<1x8x16x128xf32, #tpu.memory_space<hbm>>
        %dma_start3A_1102 = tpu.memref_squeeze %dma_start3A_1101 : memref<1x8x16x128xf32, #tpu.memory_space<hbm>> -> memref<8x16x128xf32, #tpu.memory_space<hbm>>
        %dma_start3A_1103 = arith.constant 0 : i32
        %dma_start3A_1104 = arith.constant 0 : i32
        %dma_start3A_1105 = arith.constant 0 : i32
        %dma_start3A_1106 = tpu.memref_slice %arg7[%select_n3A_1042, %dma_start3A_1103, %dma_start3A_1104, %dma_start3A_1105] : memref<2x8x16x128xf32, #tpu.memory_space<vmem>> -> memref<1x8x16x128xf32, #tpu.memory_space<vmem>>
        %dma_start3A_1107 = tpu.memref_squeeze %dma_start3A_1106 : memref<1x8x16x128xf32, #tpu.memory_space<vmem>> -> memref<8x16x128xf32, #tpu.memory_space<vmem>>
        %dma_start3A_1108 = arith.constant 0 : i32
        %dma_start3A_1109 = tpu.memref_slice %arg2[%select_n3A_1068, %select_n3A_1084, %multiple_of3A_1087, %dma_start3A_1108] : memref<16x64x128x128xf32, #tpu.memory_space<hbm>> -> memref<1x8x16x128xf32, #tpu.memory_space<hbm>>
        %dma_start3A_1110 = tpu.memref_squeeze %dma_start3A_1109 : memref<1x8x16x128xf32, #tpu.memory_space<hbm>> -> memref<8x16x128xf32, #tpu.memory_space<hbm>>
        tpu.enqueue_dma source(%dma_start3A_1110 : memref<8x16x128xf32, #tpu.memory_space<hbm>>) target(%dma_start3A_1107 : memref<8x16x128xf32, #tpu.memory_space<vmem>>) target_semaphore(%arg12 : memref<!tpu.dma_semaphore, #tpu.memory_space<semaphore_mem>>)
        %dma_start3A_1111 = arith.constant 0 : i32
        %dma_start3A_1112 = arith.constant 0 : i32
        %dma_start3A_1113 = tpu.memref_slice %arg8[%select_n3A_1042, %dma_start3A_1111, %dma_start3A_1112] : memref<2x8x512xi32, #tpu.memory_space<vmem>> -> memref<1x8x512xi32, #tpu.memory_space<vmem>>
        %dma_start3A_1114 = tpu.memref_squeeze %dma_start3A_1113 : memref<1x8x512xi32, #tpu.memory_space<vmem>> -> memref<8x512xi32, #tpu.memory_space<vmem>>
        %dma_start3A_1115 = tpu.memref_slice %arg3[%select_n3A_1068, %multiple_of3A_1094, %multiple_of3A_1093] : memref<16x64x4096xi32, #tpu.memory_space<hbm>> -> memref<1x8x512xi32, #tpu.memory_space<hbm>>
        %dma_start3A_1116 = tpu.memref_squeeze %dma_start3A_1115 : memref<1x8x512xi32, #tpu.memory_space<hbm>> -> memref<8x512xi32, #tpu.memory_space<hbm>>
        %dma_start3A_1117 = arith.constant 0 : i32
        %dma_start3A_1118 = arith.constant 0 : i32
        %dma_start3A_1119 = tpu.memref_slice %arg8[%select_n3A_1042, %dma_start3A_1117, %dma_start3A_1118] : memref<2x8x512xi32, #tpu.memory_space<vmem>> -> memref<1x8x512xi32, #tpu.memory_space<vmem>>
        %dma_start3A_1120 = tpu.memref_squeeze %dma_start3A_1119 : memref<1x8x512xi32, #tpu.memory_space<vmem>> -> memref<8x512xi32, #tpu.memory_space<vmem>>
        %dma_start3A_1121 = tpu.memref_slice %arg3[%select_n3A_1068, %multiple_of3A_1094, %multiple_of3A_1093] : memref<16x64x4096xi32, #tpu.memory_space<hbm>> -> memref<1x8x512xi32, #tpu.memory_space<hbm>>
        %dma_start3A_1122 = tpu.memref_squeeze %dma_start3A_1121 : memref<1x8x512xi32, #tpu.memory_space<hbm>> -> memref<8x512xi32, #tpu.memory_space<hbm>>
        tpu.enqueue_dma source(%dma_start3A_1122 : memref<8x512xi32, #tpu.memory_space<hbm>>) target(%dma_start3A_1120 : memref<8x512xi32, #tpu.memory_space<vmem>>) target_semaphore(%arg12 : memref<!tpu.dma_semaphore, #tpu.memory_space<semaphore_mem>>)
      } else {
      }
      %mul3A_869 = arith.constant 8 : i32
      %mul3A_870 = arith.muli %add3A_208, %mul3A_869 : i32
      %jit3A_871 = arith.constant 64 : i32
      %div3A_872 = arith.divsi %mul3A_870, %jit3A_871 : i32
      %sign3A_873 = arith.constant 0 : i32
      %sign3A_874 = arith.cmpi sgt, %mul3A_870, %sign3A_873 : i32
      %sign3A_875 = arith.extui %sign3A_874 : i1 to i32
      %sign3A_876 = arith.constant 0 : i32
      %sign3A_877 = arith.cmpi slt, %mul3A_870, %sign3A_876 : i32
      %sign3A_878 = arith.extui %sign3A_877 : i1 to i32
      %sign3A_879 = arith.subi %sign3A_875, %sign3A_878 : i32
      %sign3A_880 = arith.constant 0 : i32
      %sign3A_881 = arith.cmpi sgt, %jit3A_871, %sign3A_880 : i32
      %sign3A_882 = arith.extui %sign3A_881 : i1 to i32
      %sign3A_883 = arith.constant 0 : i32
      %sign3A_884 = arith.cmpi slt, %jit3A_871, %sign3A_883 : i32
      %sign3A_885 = arith.extui %sign3A_884 : i1 to i32
      %sign3A_886 = arith.subi %sign3A_882, %sign3A_885 : i32
      %ne3A_887 = arith.cmpi ne, %sign3A_879, %sign3A_886 : i32
      %rem3A_888 = arith.remsi %mul3A_870, %jit3A_871 : i32
      %ne3A_889 = arith.constant 0 : i32
      %ne3A_890 = arith.cmpi ne, %rem3A_888, %ne3A_889 : i32
      %and3A_891 = arith.andi %ne3A_887, %ne3A_890 : i1
      %sub3A_892 = arith.constant 1 : i32
      %sub3A_893 = arith.subi %div3A_872, %sub3A_892 : i32
      %select_n3A_894 = arith.select %and3A_891, %sub3A_893, %div3A_872 : i32
      %jit3A_895 = arith.constant 64 : i32
      %eq3A_896 = arith.constant 0 : i32
      %eq3A_897 = arith.cmpi eq, %jit3A_895, %eq3A_896 : i32
      %jit3A_898 = arith.constant 1 : i32
      %select_n3A_899 = arith.select %eq3A_897, %jit3A_898, %jit3A_895 : i32
      %rem3A_900 = arith.remsi %mul3A_870, %select_n3A_899 : i32
      %ne3A_901 = arith.constant 0 : i32
      %ne3A_902 = arith.cmpi ne, %rem3A_900, %ne3A_901 : i32
      %lt3A_903 = arith.constant 0 : i32
      %lt3A_904 = arith.cmpi slt, %rem3A_900, %lt3A_903 : i32
      %lt3A_905 = arith.constant 0 : i32
      %lt3A_906 = arith.cmpi slt, %select_n3A_899, %lt3A_905 : i32
      %ne3A_907 = arith.xori %lt3A_904, %lt3A_906 : i1
      %and3A_908 = arith.andi %ne3A_907, %ne3A_902 : i1
      %add3A_909 = arith.addi %rem3A_900, %select_n3A_899 : i32
      %select_n3A_910 = arith.select %and3A_908, %add3A_909, %rem3A_900 : i32
      %mul3A_911 = arith.constant 16 : i32
      %mul3A_912 = arith.muli %scan3A_847, %mul3A_911 : i32
      %multiple_of3A_913 = tpu.assume_multiple %mul3A_912, 16 : i32
      %mul3A_914 = arith.constant 2048 : i32
      %mul3A_915 = arith.muli %scan3A_847, %mul3A_914 : i32
      %multiple_of3A_916 = tpu.assume_multiple %mul3A_915, 2048 : i32
      %mul3A_917 = arith.constant 512 : i32
      %mul3A_918 = arith.muli %scan3A_847, %mul3A_917 : i32
      %multiple_of3A_919 = tpu.assume_multiple %mul3A_918, 512 : i32
      %multiple_of3A_920 = tpu.assume_multiple %select_n3A_910, 8 : i32
      %dma_wait3A_921 = arith.constant 0 : i32
      %dma_wait3A_922 = arith.constant 0 : i32
      %dma_wait3A_923 = arith.constant 0 : i32
      %dma_wait3A_924 = tpu.memref_slice %arg7[%select_n3A_863, %dma_wait3A_921, %dma_wait3A_922, %dma_wait3A_923] : memref<2x8x16x128xf32, #tpu.memory_space<vmem>> -> memref<1x8x16x128xf32, #tpu.memory_space<vmem>>
      %dma_wait3A_925 = tpu.memref_squeeze %dma_wait3A_924 : memref<1x8x16x128xf32, #tpu.memory_space<vmem>> -> memref<8x16x128xf32, #tpu.memory_space<vmem>>
      %dma_wait3A_926 = arith.constant 0 : i32
      %dma_wait3A_927 = tpu.memref_slice %arg2[%select_n3A_894, %select_n3A_910, %multiple_of3A_913, %dma_wait3A_926] : memref<16x64x128x128xf32, #tpu.memory_space<hbm>> -> memref<1x8x16x128xf32, #tpu.memory_space<hbm>>
      %dma_wait3A_928 = tpu.memref_squeeze %dma_wait3A_927 : memref<1x8x16x128xf32, #tpu.memory_space<hbm>> -> memref<8x16x128xf32, #tpu.memory_space<hbm>>
      %dma_wait3A_929 = arith.constant 0 : i32
      %dma_wait3A_930 = arith.constant 0 : i32
      %dma_wait3A_931 = arith.constant 0 : i32
      %dma_wait3A_932 = tpu.memref_slice %arg7[%select_n3A_863, %dma_wait3A_929, %dma_wait3A_930, %dma_wait3A_931] : memref<2x8x16x128xf32, #tpu.memory_space<vmem>> -> memref<1x8x16x128xf32, #tpu.memory_space<vmem>>
      %dma_wait3A_933 = tpu.memref_squeeze %dma_wait3A_932 : memref<1x8x16x128xf32, #tpu.memory_space<vmem>> -> memref<8x16x128xf32, #tpu.memory_space<vmem>>
      %dma_wait3A_934 = arith.constant 0 : i32
      %dma_wait3A_935 = tpu.memref_slice %arg2[%select_n3A_894, %select_n3A_910, %multiple_of3A_913, %dma_wait3A_934] : memref<16x64x128x128xf32, #tpu.memory_space<hbm>> -> memref<1x8x16x128xf32, #tpu.memory_space<hbm>>
      %dma_wait3A_936 = tpu.memref_squeeze %dma_wait3A_935 : memref<1x8x16x128xf32, #tpu.memory_space<hbm>> -> memref<8x16x128xf32, #tpu.memory_space<hbm>>
      tpu.wait_dma2 semaphore(%arg12 : memref<!tpu.dma_semaphore, #tpu.memory_space<semaphore_mem>>) src(%dma_wait3A_936 : memref<8x16x128xf32, #tpu.memory_space<hbm>>) dst(%dma_wait3A_933 : memref<8x16x128xf32, #tpu.memory_space<vmem>>)
      %dma_wait3A_937 = arith.constant 0 : i32
      %dma_wait3A_938 = arith.constant 0 : i32
      %dma_wait3A_939 = tpu.memref_slice %arg8[%select_n3A_863, %dma_wait3A_937, %dma_wait3A_938] : memref<2x8x512xi32, #tpu.memory_space<vmem>> -> memref<1x8x512xi32, #tpu.memory_space<vmem>>
      %dma_wait3A_940 = tpu.memref_squeeze %dma_wait3A_939 : memref<1x8x512xi32, #tpu.memory_space<vmem>> -> memref<8x512xi32, #tpu.memory_space<vmem>>
      %dma_wait3A_941 = tpu.memref_slice %arg3[%select_n3A_894, %multiple_of3A_920, %multiple_of3A_919] : memref<16x64x4096xi32, #tpu.memory_space<hbm>> -> memref<1x8x512xi32, #tpu.memory_space<hbm>>
      %dma_wait3A_942 = tpu.memref_squeeze %dma_wait3A_941 : memref<1x8x512xi32, #tpu.memory_space<hbm>> -> memref<8x512xi32, #tpu.memory_space<hbm>>
      %dma_wait3A_943 = arith.constant 0 : i32
      %dma_wait3A_944 = arith.constant 0 : i32
      %dma_wait3A_945 = tpu.memref_slice %arg8[%select_n3A_863, %dma_wait3A_943, %dma_wait3A_944] : memref<2x8x512xi32, #tpu.memory_space<vmem>> -> memref<1x8x512xi32, #tpu.memory_space<vmem>>
      %dma_wait3A_946 = tpu.memref_squeeze %dma_wait3A_945 : memref<1x8x512xi32, #tpu.memory_space<vmem>> -> memref<8x512xi32, #tpu.memory_space<vmem>>
      %dma_wait3A_947 = tpu.memref_slice %arg3[%select_n3A_894, %multiple_of3A_920, %multiple_of3A_919] : memref<16x64x4096xi32, #tpu.memory_space<hbm>> -> memref<1x8x512xi32, #tpu.memory_space<hbm>>
      %dma_wait3A_948 = tpu.memref_squeeze %dma_wait3A_947 : memref<1x8x512xi32, #tpu.memory_space<hbm>> -> memref<8x512xi32, #tpu.memory_space<hbm>>
      tpu.wait_dma2 semaphore(%arg12 : memref<!tpu.dma_semaphore, #tpu.memory_space<semaphore_mem>>) src(%dma_wait3A_948 : memref<8x512xi32, #tpu.memory_space<hbm>>) dst(%dma_wait3A_946 : memref<8x512xi32, #tpu.memory_space<vmem>>)
      %ge3A = arith.constant 2 : i32
      %ge3A_949 = arith.cmpi sge, %scan3A_847, %ge3A : i32
      %convert_element_type3A_950 = arith.extui %ge3A_949 : i1 to i32
      %cond3A_951 = arith.constant 0 : i32
      %cond3A_952 = arith.cmpi ne, %convert_element_type3A_950, %cond3A_951 : i32
      scf.if %cond3A_952 {
        %sub3A_1023 = arith.constant 2 : i32
        %sub3A_1024 = arith.subi %scan3A_847, %sub3A_1023 : i32
        %mul3A_1025 = arith.constant 8 : i32
        %mul3A_1026 = arith.muli %add3A_208, %mul3A_1025 : i32
        %jit3A_1027 = arith.constant 64 : i32
        %div3A_1028 = arith.divsi %mul3A_1026, %jit3A_1027 : i32
        %sign3A_1029 = arith.constant 0 : i32
        %sign3A_1030 = arith.cmpi sgt, %mul3A_1026, %sign3A_1029 : i32
        %sign3A_1031 = arith.extui %sign3A_1030 : i1 to i32
        %sign3A_1032 = arith.constant 0 : i32
        %sign3A_1033 = arith.cmpi slt, %mul3A_1026, %sign3A_1032 : i32
        %sign3A_1034 = arith.extui %sign3A_1033 : i1 to i32
        %sign3A_1035 = arith.subi %sign3A_1031, %sign3A_1034 : i32
        %sign3A_1036 = arith.constant 0 : i32
        %sign3A_1037 = arith.cmpi sgt, %jit3A_1027, %sign3A_1036 : i32
        %sign3A_1038 = arith.extui %sign3A_1037 : i1 to i32
        %sign3A_1039 = arith.constant 0 : i32
        %sign3A_1040 = arith.cmpi slt, %jit3A_1027, %sign3A_1039 : i32
        %sign3A_1041 = arith.extui %sign3A_1040 : i1 to i32
        %sign3A_1042 = arith.subi %sign3A_1038, %sign3A_1041 : i32
        %ne3A_1043 = arith.cmpi ne, %sign3A_1035, %sign3A_1042 : i32
        %rem3A_1044 = arith.remsi %mul3A_1026, %jit3A_1027 : i32
        %ne3A_1045 = arith.constant 0 : i32
        %ne3A_1046 = arith.cmpi ne, %rem3A_1044, %ne3A_1045 : i32
        %and3A_1047 = arith.andi %ne3A_1043, %ne3A_1046 : i1
        %sub3A_1048 = arith.constant 1 : i32
        %sub3A_1049 = arith.subi %div3A_1028, %sub3A_1048 : i32
        %select_n3A_1050 = arith.select %and3A_1047, %sub3A_1049, %div3A_1028 : i32
        %jit3A_1051 = arith.constant 64 : i32
        %eq3A_1052 = arith.constant 0 : i32
        %eq3A_1053 = arith.cmpi eq, %jit3A_1051, %eq3A_1052 : i32
        %jit3A_1054 = arith.constant 1 : i32
        %select_n3A_1055 = arith.select %eq3A_1053, %jit3A_1054, %jit3A_1051 : i32
        %rem3A_1056 = arith.remsi %mul3A_1026, %select_n3A_1055 : i32
        %ne3A_1057 = arith.constant 0 : i32
        %ne3A_1058 = arith.cmpi ne, %rem3A_1056, %ne3A_1057 : i32
        %lt3A_1059 = arith.constant 0 : i32
        %lt3A_1060 = arith.cmpi slt, %rem3A_1056, %lt3A_1059 : i32
        %lt3A_1061 = arith.constant 0 : i32
        %lt3A_1062 = arith.cmpi slt, %select_n3A_1055, %lt3A_1061 : i32
        %ne3A_1063 = arith.xori %lt3A_1060, %lt3A_1062 : i1
        %and3A_1064 = arith.andi %ne3A_1063, %ne3A_1058 : i1
        %add3A_1065 = arith.addi %rem3A_1056, %select_n3A_1055 : i32
        %select_n3A_1066 = arith.select %and3A_1064, %add3A_1065, %rem3A_1056 : i32
        %mul3A_1067 = arith.constant 16 : i32
        %mul3A_1068 = arith.muli %sub3A_1024, %mul3A_1067 : i32
        %multiple_of3A_1069 = tpu.assume_multiple %mul3A_1068, 16 : i32
        %mul3A_1070 = arith.constant 2048 : i32
        %mul3A_1071 = arith.muli %sub3A_1024, %mul3A_1070 : i32
        %multiple_of3A_1072 = tpu.assume_multiple %mul3A_1071, 2048 : i32
        %mul3A_1073 = arith.constant 512 : i32
        %mul3A_1074 = arith.muli %sub3A_1024, %mul3A_1073 : i32
        %multiple_of3A_1075 = tpu.assume_multiple %mul3A_1074, 512 : i32
        %multiple_of3A_1076 = tpu.assume_multiple %select_n3A_1066, 8 : i32
        %dma_wait3A_1077 = arith.constant 0 : i32
        %dma_wait3A_1078 = arith.constant 0 : i32
        %dma_wait3A_1079 = tpu.memref_slice %arg9[%select_n3A_863, %dma_wait3A_1077, %dma_wait3A_1078] : memref<2x8x2048xf32, #tpu.memory_space<vmem>> -> memref<1x8x2048xf32, #tpu.memory_space<vmem>>
        %dma_wait3A_1080 = tpu.memref_squeeze %dma_wait3A_1079 : memref<1x8x2048xf32, #tpu.memory_space<vmem>> -> memref<8x2048xf32, #tpu.memory_space<vmem>>
        %dma_wait3A_1081 = tpu.memref_slice %arg6[%select_n3A_1050, %multiple_of3A_1076, %multiple_of3A_1072] : memref<16x64x16384xf32, #tpu.memory_space<hbm>> -> memref<1x8x2048xf32, #tpu.memory_space<hbm>>
        %dma_wait3A_1082 = tpu.memref_squeeze %dma_wait3A_1081 : memref<1x8x2048xf32, #tpu.memory_space<hbm>> -> memref<8x2048xf32, #tpu.memory_space<hbm>>
        %dma_wait3A_1083 = tpu.memref_slice %arg6[%select_n3A_1050, %multiple_of3A_1076, %multiple_of3A_1072] : memref<16x64x16384xf32, #tpu.memory_space<hbm>> -> memref<1x8x2048xf32, #tpu.memory_space<hbm>>
        %dma_wait3A_1084 = tpu.memref_squeeze %dma_wait3A_1083 : memref<1x8x2048xf32, #tpu.memory_space<hbm>> -> memref<8x2048xf32, #tpu.memory_space<hbm>>
        %dma_wait3A_1085 = arith.constant 0 : i32
        %dma_wait3A_1086 = arith.constant 0 : i32
        %dma_wait3A_1087 = tpu.memref_slice %arg9[%select_n3A_863, %dma_wait3A_1085, %dma_wait3A_1086] : memref<2x8x2048xf32, #tpu.memory_space<vmem>> -> memref<1x8x2048xf32, #tpu.memory_space<vmem>>
        %dma_wait3A_1088 = tpu.memref_squeeze %dma_wait3A_1087 : memref<1x8x2048xf32, #tpu.memory_space<vmem>> -> memref<8x2048xf32, #tpu.memory_space<vmem>>
        tpu.wait_dma2 semaphore(%arg13 : memref<!tpu.dma_semaphore, #tpu.memory_space<semaphore_mem>>) src(%dma_wait3A_1088 : memref<8x2048xf32, #tpu.memory_space<vmem>>) dst(%dma_wait3A_1084 : memref<8x2048xf32, #tpu.memory_space<hbm>>)
      } else {
      }
      %scan3A_953 = arith.constant 0 : i32
      %scan3A_954 = arith.constant 0 : i32
      %scan3A_955 = arith.constant 8 : i32
      %scan3A_956 = arith.addi %scan3A_954, %scan3A_955 : i32
      %scan3A_957 = arith.constant 1 : i32
      scf.for %scan3A_1023 = %scan3A_954 to %scan3A_956 step %scan3A_957  : i32 {
        %add3A_1024 = arith.constant 8 : i32
        %add3A_1025 = arith.addi %add3A_1024, %scan3A_1023 : i32
        %get3A_1026 = arith.constant 0 : i32
        %get3A_1027 = arith.index_cast %add3A_1025 : i32 to index
        %get3A_1028 = arith.index_cast %get3A_1026 : i32 to index
        %get3A_1029 = arith.constant 0 : index
        %get3A_1030 = tpu.vector_load %arg10[%get3A_1027, %get3A_1028, %get3A_1029] {strides = array<i32>} : memref<32x1x16xf32, #tpu.memory_space<vmem>>, vector<16xf32>,
        %parallel_loop3A = arith.constant 0 : i32
        %parallel_loop3A_1031 = arith.constant 16 : i32
        %parallel_loop3A_1032 = arith.constant 1 : i32
        scf.for %parallel_loop3A_1033 = %parallel_loop3A to %parallel_loop3A_1031 step %parallel_loop3A_1032  : i32 {
          %parallel_loop3A_1034 = arith.constant 32 : i32
          %parallel_loop3A_1035 = arith.muli %parallel_loop3A_1033, %parallel_loop3A_1034 : i32
          %parallel_loop3A_1036 = arith.constant 0 : i32
          %parallel_loop3A_1037 = arith.addi %parallel_loop3A_1035, %parallel_loop3A_1036 : i32
          %parallel_loop3A_1038 = arith.index_cast %select_n3A_863 : i32 to index
          %parallel_loop3A_1039 = arith.index_cast %scan3A_1023 : i32 to index
          %parallel_loop3A_1040 = arith.index_cast %parallel_loop3A_1037 : i32 to index
          %parallel_loop3A_1041 = tpu.vector_load %arg8[%parallel_loop3A_1038, %parallel_loop3A_1039, %parallel_loop3A_1040] {strides = array<i32>} : memref<2x8x512xi32, #tpu.memory_space<vmem>>, vector<16xi32>,
          %parallel_loop3A_1042 = arith.constant 31 : i32
          %parallel_loop3A_1043 = vector.broadcast %parallel_loop3A_1042 : i32 to vector<16xi32>
          %parallel_loop3A_1044 = arith.shli %parallel_loop3A_1041, %parallel_loop3A_1043 : vector<16xi32>
          %parallel_loop3A_1045 = arith.constant 0 : i32
          %parallel_loop3A_1046 = vector.broadcast %parallel_loop3A_1045 : i32 to vector<16xi32>
          %parallel_loop3A_1047 = arith.cmpi slt, %parallel_loop3A_1044, %parallel_loop3A_1046 : vector<16xi32>
          %parallel_loop3A_1048 = arith.index_cast %select_n3A_863 : i32 to index
          %parallel_loop3A_1049 = arith.index_cast %scan3A_1023 : i32 to index
          %parallel_loop3A_1050 = arith.index_cast %parallel_loop3A_1033 : i32 to index
          %parallel_loop3A_1051 = arith.constant 0 : index
          %parallel_loop3A_1052 = tpu.vector_load %arg7[%parallel_loop3A_1048, %parallel_loop3A_1049, %parallel_loop3A_1050, %parallel_loop3A_1051] {strides = array<i32>} : memref<2x8x16x128xf32, #tpu.memory_space<vmem>>, vector<16xf32>,
          %parallel_loop3A_1053 = vector.broadcast %squeeze3A : f32 to vector<16xf32>
          %parallel_loop3A_1054 = arith.mulf %parallel_loop3A_1053, %parallel_loop3A_1052 : vector<16xf32>
          %parallel_loop3A_1055 = arith.subf %get3A_1030, %parallel_loop3A_1054 : vector<16xf32>
          %parallel_loop3A_1056 = vector.broadcast %scan3A_289 : f32 to vector<16xf32>
          %parallel_loop3A_1057 = arith.select %parallel_loop3A_1047, %parallel_loop3A_1055, %parallel_loop3A_1056 : vector<16xi1>, vector<16xf32>
          %parallel_loop3A_1058 = arith.constant 128 : i32
          %parallel_loop3A_1059 = arith.muli %parallel_loop3A_1033, %parallel_loop3A_1058 : i32
          %parallel_loop3A_1060 = arith.constant 0 : i32
          %parallel_loop3A_1061 = arith.addi %parallel_loop3A_1059, %parallel_loop3A_1060 : i32
          %parallel_loop3A_1062 = arith.index_cast %select_n3A_863 : i32 to index
          %parallel_loop3A_1063 = arith.index_cast %scan3A_1023 : i32 to index
          %parallel_loop3A_1064 = arith.index_cast %parallel_loop3A_1061 : i32 to index
          %parallel_loop3A_1065 = tpu.vector_load %arg9[%parallel_loop3A_1062, %parallel_loop3A_1063, %parallel_loop3A_1064] {strides = array<i32>} : memref<2x8x2048xf32, #tpu.memory_space<vmem>>, vector<16xf32>,
          tpu.vector_store %arg9[%parallel_loop3A_1062, %parallel_loop3A_1063, %parallel_loop3A_1064], %parallel_loop3A_1057 {strides = array<i32>} : memref<2x8x2048xf32, #tpu.memory_space<vmem>>, vector<16xf32>,
          %parallel_loop3A_1066 = arith.constant 23 : i32
          %parallel_loop3A_1067 = vector.broadcast %parallel_loop3A_1066 : i32 to vector<16xi32>
          %parallel_loop3A_1068 = arith.shli %parallel_loop3A_1041, %parallel_loop3A_1067 : vector<16xi32>
          %parallel_loop3A_1069 = arith.constant 0 : i32
          %parallel_loop3A_1070 = vector.broadcast %parallel_loop3A_1069 : i32 to vector<16xi32>
          %parallel_loop3A_1071 = arith.cmpi slt, %parallel_loop3A_1068, %parallel_loop3A_1070 : vector<16xi32>
          %parallel_loop3A_1072 = arith.index_cast %select_n3A_863 : i32 to index
          %parallel_loop3A_1073 = arith.index_cast %scan3A_1023 : i32 to index
          %parallel_loop3A_1074 = arith.index_cast %parallel_loop3A_1033 : i32 to index
          %parallel_loop3A_1075 = arith.constant 16 : index
          %parallel_loop3A_1076 = tpu.vector_load %arg7[%parallel_loop3A_1072, %parallel_loop3A_1073, %parallel_loop3A_1074, %parallel_loop3A_1075] {strides = array<i32>} : memref<2x8x16x128xf32, #tpu.memory_space<vmem>>, vector<16xf32>,
          %parallel_loop3A_1077 = vector.broadcast %squeeze3A : f32 to vector<16xf32>
          %parallel_loop3A_1078 = arith.mulf %parallel_loop3A_1077, %parallel_loop3A_1076 : vector<16xf32>
          %parallel_loop3A_1079 = arith.subf %get3A_1030, %parallel_loop3A_1078 : vector<16xf32>
          %parallel_loop3A_1080 = vector.broadcast %scan3A_289 : f32 to vector<16xf32>
          %parallel_loop3A_1081 = arith.select %parallel_loop3A_1071, %parallel_loop3A_1079, %parallel_loop3A_1080 : vector<16xi1>, vector<16xf32>
          %parallel_loop3A_1082 = arith.constant 128 : i32
          %parallel_loop3A_1083 = arith.muli %parallel_loop3A_1033, %parallel_loop3A_1082 : i32
          %parallel_loop3A_1084 = arith.constant 16 : i32
          %parallel_loop3A_1085 = arith.addi %parallel_loop3A_1083, %parallel_loop3A_1084 : i32
          %parallel_loop3A_1086 = arith.index_cast %select_n3A_863 : i32 to index
          %parallel_loop3A_1087 = arith.index_cast %scan3A_1023 : i32 to index
          %parallel_loop3A_1088 = arith.index_cast %parallel_loop3A_1085 : i32 to index
          %parallel_loop3A_1089 = tpu.vector_load %arg9[%parallel_loop3A_1086, %parallel_loop3A_1087, %parallel_loop3A_1088] {strides = array<i32>} : memref<2x8x2048xf32, #tpu.memory_space<vmem>>, vector<16xf32>,
          tpu.vector_store %arg9[%parallel_loop3A_1086, %parallel_loop3A_1087, %parallel_loop3A_1088], %parallel_loop3A_1081 {strides = array<i32>} : memref<2x8x2048xf32, #tpu.memory_space<vmem>>, vector<16xf32>,
          %parallel_loop3A_1090 = arith.constant 15 : i32
          %parallel_loop3A_1091 = vector.broadcast %parallel_loop3A_1090 : i32 to vector<16xi32>
          %parallel_loop3A_1092 = arith.shli %parallel_loop3A_1041, %parallel_loop3A_1091 : vector<16xi32>
          %parallel_loop3A_1093 = arith.constant 0 : i32
          %parallel_loop3A_1094 = vector.broadcast %parallel_loop3A_1093 : i32 to vector<16xi32>
          %parallel_loop3A_1095 = arith.cmpi slt, %parallel_loop3A_1092, %parallel_loop3A_1094 : vector<16xi32>
          %parallel_loop3A_1096 = arith.index_cast %select_n3A_863 : i32 to index
          %parallel_loop3A_1097 = arith.index_cast %scan3A_1023 : i32 to index
          %parallel_loop3A_1098 = arith.index_cast %parallel_loop3A_1033 : i32 to index
          %parallel_loop3A_1099 = arith.constant 32 : index
          %parallel_loop3A_1100 = tpu.vector_load %arg7[%parallel_loop3A_1096, %parallel_loop3A_1097, %parallel_loop3A_1098, %parallel_loop3A_1099] {strides = array<i32>} : memref<2x8x16x128xf32, #tpu.memory_space<vmem>>, vector<16xf32>,
          %parallel_loop3A_1101 = vector.broadcast %squeeze3A : f32 to vector<16xf32>
          %parallel_loop3A_1102 = arith.mulf %parallel_loop3A_1101, %parallel_loop3A_1100 : vector<16xf32>
          %parallel_loop3A_1103 = arith.subf %get3A_1030, %parallel_loop3A_1102 : vector<16xf32>
          %parallel_loop3A_1104 = vector.broadcast %scan3A_289 : f32 to vector<16xf32>
          %parallel_loop3A_1105 = arith.select %parallel_loop3A_1095, %parallel_loop3A_1103, %parallel_loop3A_1104 : vector<16xi1>, vector<16xf32>
          %parallel_loop3A_1106 = arith.constant 128 : i32
          %parallel_loop3A_1107 = arith.muli %parallel_loop3A_1033, %parallel_loop3A_1106 : i32
          %parallel_loop3A_1108 = arith.constant 32 : i32
          %parallel_loop3A_1109 = arith.addi %parallel_loop3A_1107, %parallel_loop3A_1108 : i32
          %parallel_loop3A_1110 = arith.index_cast %select_n3A_863 : i32 to index
          %parallel_loop3A_1111 = arith.index_cast %scan3A_1023 : i32 to index
          %parallel_loop3A_1112 = arith.index_cast %parallel_loop3A_1109 : i32 to index
          %parallel_loop3A_1113 = tpu.vector_load %arg9[%parallel_loop3A_1110, %parallel_loop3A_1111, %parallel_loop3A_1112] {strides = array<i32>} : memref<2x8x2048xf32, #tpu.memory_space<vmem>>, vector<16xf32>,
          tpu.vector_store %arg9[%parallel_loop3A_1110, %parallel_loop3A_1111, %parallel_loop3A_1112], %parallel_loop3A_1105 {strides = array<i32>} : memref<2x8x2048xf32, #tpu.memory_space<vmem>>, vector<16xf32>,
          %parallel_loop3A_1114 = arith.constant 7 : i32
          %parallel_loop3A_1115 = vector.broadcast %parallel_loop3A_1114 : i32 to vector<16xi32>
          %parallel_loop3A_1116 = arith.shli %parallel_loop3A_1041, %parallel_loop3A_1115 : vector<16xi32>
          %parallel_loop3A_1117 = arith.constant 0 : i32
          %parallel_loop3A_1118 = vector.broadcast %parallel_loop3A_1117 : i32 to vector<16xi32>
          %parallel_loop3A_1119 = arith.cmpi slt, %parallel_loop3A_1116, %parallel_loop3A_1118 : vector<16xi32>
          %parallel_loop3A_1120 = arith.index_cast %select_n3A_863 : i32 to index
          %parallel_loop3A_1121 = arith.index_cast %scan3A_1023 : i32 to index
          %parallel_loop3A_1122 = arith.index_cast %parallel_loop3A_1033 : i32 to index
          %parallel_loop3A_1123 = arith.constant 48 : index
          %parallel_loop3A_1124 = tpu.vector_load %arg7[%parallel_loop3A_1120, %parallel_loop3A_1121, %parallel_loop3A_1122, %parallel_loop3A_1123] {strides = array<i32>} : memref<2x8x16x128xf32, #tpu.memory_space<vmem>>, vector<16xf32>,
          %parallel_loop3A_1125 = vector.broadcast %squeeze3A : f32 to vector<16xf32>
          %parallel_loop3A_1126 = arith.mulf %parallel_loop3A_1125, %parallel_loop3A_1124 : vector<16xf32>
          %parallel_loop3A_1127 = arith.subf %get3A_1030, %parallel_loop3A_1126 : vector<16xf32>
          %parallel_loop3A_1128 = vector.broadcast %scan3A_289 : f32 to vector<16xf32>
          %parallel_loop3A_1129 = arith.select %parallel_loop3A_1119, %parallel_loop3A_1127, %parallel_loop3A_1128 : vector<16xi1>, vector<16xf32>
          %parallel_loop3A_1130 = arith.constant 128 : i32
          %parallel_loop3A_1131 = arith.muli %parallel_loop3A_1033, %parallel_loop3A_1130 : i32
          %parallel_loop3A_1132 = arith.constant 48 : i32
          %parallel_loop3A_1133 = arith.addi %parallel_loop3A_1131, %parallel_loop3A_1132 : i32
          %parallel_loop3A_1134 = arith.index_cast %select_n3A_863 : i32 to index
          %parallel_loop3A_1135 = arith.index_cast %scan3A_1023 : i32 to index
          %parallel_loop3A_1136 = arith.index_cast %parallel_loop3A_1133 : i32 to index
          %parallel_loop3A_1137 = tpu.vector_load %arg9[%parallel_loop3A_1134, %parallel_loop3A_1135, %parallel_loop3A_1136] {strides = array<i32>} : memref<2x8x2048xf32, #tpu.memory_space<vmem>>, vector<16xf32>,
          tpu.vector_store %arg9[%parallel_loop3A_1134, %parallel_loop3A_1135, %parallel_loop3A_1136], %parallel_loop3A_1129 {strides = array<i32>} : memref<2x8x2048xf32, #tpu.memory_space<vmem>>, vector<16xf32>,
          %parallel_loop3A_1138 = arith.constant 32 : i32
          %parallel_loop3A_1139 = arith.muli %parallel_loop3A_1033, %parallel_loop3A_1138 : i32
          %parallel_loop3A_1140 = arith.constant 16 : i32
          %parallel_loop3A_1141 = arith.addi %parallel_loop3A_1139, %parallel_loop3A_1140 : i32
          %parallel_loop3A_1142 = arith.index_cast %select_n3A_863 : i32 to index
          %parallel_loop3A_1143 = arith.index_cast %scan3A_1023 : i32 to index
          %parallel_loop3A_1144 = arith.index_cast %parallel_loop3A_1141 : i32 to index
          %parallel_loop3A_1145 = tpu.vector_load %arg8[%parallel_loop3A_1142, %parallel_loop3A_1143, %parallel_loop3A_1144] {strides = array<i32>} : memref<2x8x512xi32, #tpu.memory_space<vmem>>, vector<16xi32>,
          %parallel_loop3A_1146 = arith.constant 31 : i32
          %parallel_loop3A_1147 = vector.broadcast %parallel_loop3A_1146 : i32 to vector<16xi32>
          %parallel_loop3A_1148 = arith.shli %parallel_loop3A_1145, %parallel_loop3A_1147 : vector<16xi32>
          %parallel_loop3A_1149 = arith.constant 0 : i32
          %parallel_loop3A_1150 = vector.broadcast %parallel_loop3A_1149 : i32 to vector<16xi32>
          %parallel_loop3A_1151 = arith.cmpi slt, %parallel_loop3A_1148, %parallel_loop3A_1150 : vector<16xi32>
          %parallel_loop3A_1152 = arith.index_cast %select_n3A_863 : i32 to index
          %parallel_loop3A_1153 = arith.index_cast %scan3A_1023 : i32 to index
          %parallel_loop3A_1154 = arith.index_cast %parallel_loop3A_1033 : i32 to index
          %parallel_loop3A_1155 = arith.constant 64 : index
          %parallel_loop3A_1156 = tpu.vector_load %arg7[%parallel_loop3A_1152, %parallel_loop3A_1153, %parallel_loop3A_1154, %parallel_loop3A_1155] {strides = array<i32>} : memref<2x8x16x128xf32, #tpu.memory_space<vmem>>, vector<16xf32>,
          %parallel_loop3A_1157 = vector.broadcast %squeeze3A : f32 to vector<16xf32>
          %parallel_loop3A_1158 = arith.mulf %parallel_loop3A_1157, %parallel_loop3A_1156 : vector<16xf32>
          %parallel_loop3A_1159 = arith.subf %get3A_1030, %parallel_loop3A_1158 : vector<16xf32>
          %parallel_loop3A_1160 = vector.broadcast %scan3A_289 : f32 to vector<16xf32>
          %parallel_loop3A_1161 = arith.select %parallel_loop3A_1151, %parallel_loop3A_1159, %parallel_loop3A_1160 : vector<16xi1>, vector<16xf32>
          %parallel_loop3A_1162 = arith.constant 128 : i32
          %parallel_loop3A_1163 = arith.muli %parallel_loop3A_1033, %parallel_loop3A_1162 : i32
          %parallel_loop3A_1164 = arith.constant 64 : i32
          %parallel_loop3A_1165 = arith.addi %parallel_loop3A_1163, %parallel_loop3A_1164 : i32
          %parallel_loop3A_1166 = arith.index_cast %select_n3A_863 : i32 to index
          %parallel_loop3A_1167 = arith.index_cast %scan3A_1023 : i32 to index
          %parallel_loop3A_1168 = arith.index_cast %parallel_loop3A_1165 : i32 to index
          %parallel_loop3A_1169 = tpu.vector_load %arg9[%parallel_loop3A_1166, %parallel_loop3A_1167, %parallel_loop3A_1168] {strides = array<i32>} : memref<2x8x2048xf32, #tpu.memory_space<vmem>>, vector<16xf32>,
          tpu.vector_store %arg9[%parallel_loop3A_1166, %parallel_loop3A_1167, %parallel_loop3A_1168], %parallel_loop3A_1161 {strides = array<i32>} : memref<2x8x2048xf32, #tpu.memory_space<vmem>>, vector<16xf32>,
          %parallel_loop3A_1170 = arith.constant 23 : i32
          %parallel_loop3A_1171 = vector.broadcast %parallel_loop3A_1170 : i32 to vector<16xi32>
          %parallel_loop3A_1172 = arith.shli %parallel_loop3A_1145, %parallel_loop3A_1171 : vector<16xi32>
          %parallel_loop3A_1173 = arith.constant 0 : i32
          %parallel_loop3A_1174 = vector.broadcast %parallel_loop3A_1173 : i32 to vector<16xi32>
          %parallel_loop3A_1175 = arith.cmpi slt, %parallel_loop3A_1172, %parallel_loop3A_1174 : vector<16xi32>
          %parallel_loop3A_1176 = arith.index_cast %select_n3A_863 : i32 to index
          %parallel_loop3A_1177 = arith.index_cast %scan3A_1023 : i32 to index
          %parallel_loop3A_1178 = arith.index_cast %parallel_loop3A_1033 : i32 to index
          %parallel_loop3A_1179 = arith.constant 80 : index
          %parallel_loop3A_1180 = tpu.vector_load %arg7[%parallel_loop3A_1176, %parallel_loop3A_1177, %parallel_loop3A_1178, %parallel_loop3A_1179] {strides = array<i32>} : memref<2x8x16x128xf32, #tpu.memory_space<vmem>>, vector<16xf32>,
          %parallel_loop3A_1181 = vector.broadcast %squeeze3A : f32 to vector<16xf32>
          %parallel_loop3A_1182 = arith.mulf %parallel_loop3A_1181, %parallel_loop3A_1180 : vector<16xf32>
          %parallel_loop3A_1183 = arith.subf %get3A_1030, %parallel_loop3A_1182 : vector<16xf32>
          %parallel_loop3A_1184 = vector.broadcast %scan3A_289 : f32 to vector<16xf32>
          %parallel_loop3A_1185 = arith.select %parallel_loop3A_1175, %parallel_loop3A_1183, %parallel_loop3A_1184 : vector<16xi1>, vector<16xf32>
          %parallel_loop3A_1186 = arith.constant 128 : i32
          %parallel_loop3A_1187 = arith.muli %parallel_loop3A_1033, %parallel_loop3A_1186 : i32
          %parallel_loop3A_1188 = arith.constant 80 : i32
          %parallel_loop3A_1189 = arith.addi %parallel_loop3A_1187, %parallel_loop3A_1188 : i32
          %parallel_loop3A_1190 = arith.index_cast %select_n3A_863 : i32 to index
          %parallel_loop3A_1191 = arith.index_cast %scan3A_1023 : i32 to index
          %parallel_loop3A_1192 = arith.index_cast %parallel_loop3A_1189 : i32 to index
          %parallel_loop3A_1193 = tpu.vector_load %arg9[%parallel_loop3A_1190, %parallel_loop3A_1191, %parallel_loop3A_1192] {strides = array<i32>} : memref<2x8x2048xf32, #tpu.memory_space<vmem>>, vector<16xf32>,
          tpu.vector_store %arg9[%parallel_loop3A_1190, %parallel_loop3A_1191, %parallel_loop3A_1192], %parallel_loop3A_1185 {strides = array<i32>} : memref<2x8x2048xf32, #tpu.memory_space<vmem>>, vector<16xf32>,
          %parallel_loop3A_1194 = arith.constant 15 : i32
          %parallel_loop3A_1195 = vector.broadcast %parallel_loop3A_1194 : i32 to vector<16xi32>
          %parallel_loop3A_1196 = arith.shli %parallel_loop3A_1145, %parallel_loop3A_1195 : vector<16xi32>
          %parallel_loop3A_1197 = arith.constant 0 : i32
          %parallel_loop3A_1198 = vector.broadcast %parallel_loop3A_1197 : i32 to vector<16xi32>
          %parallel_loop3A_1199 = arith.cmpi slt, %parallel_loop3A_1196, %parallel_loop3A_1198 : vector<16xi32>
          %parallel_loop3A_1200 = arith.index_cast %select_n3A_863 : i32 to index
          %parallel_loop3A_1201 = arith.index_cast %scan3A_1023 : i32 to index
          %parallel_loop3A_1202 = arith.index_cast %parallel_loop3A_1033 : i32 to index
          %parallel_loop3A_1203 = arith.constant 96 : index
          %parallel_loop3A_1204 = tpu.vector_load %arg7[%parallel_loop3A_1200, %parallel_loop3A_1201, %parallel_loop3A_1202, %parallel_loop3A_1203] {strides = array<i32>} : memref<2x8x16x128xf32, #tpu.memory_space<vmem>>, vector<16xf32>,
          %parallel_loop3A_1205 = vector.broadcast %squeeze3A : f32 to vector<16xf32>
          %parallel_loop3A_1206 = arith.mulf %parallel_loop3A_1205, %parallel_loop3A_1204 : vector<16xf32>
          %parallel_loop3A_1207 = arith.subf %get3A_1030, %parallel_loop3A_1206 : vector<16xf32>
          %parallel_loop3A_1208 = vector.broadcast %scan3A_289 : f32 to vector<16xf32>
          %parallel_loop3A_1209 = arith.select %parallel_loop3A_1199, %parallel_loop3A_1207, %parallel_loop3A_1208 : vector<16xi1>, vector<16xf32>
          %parallel_loop3A_1210 = arith.constant 128 : i32
          %parallel_loop3A_1211 = arith.muli %parallel_loop3A_1033, %parallel_loop3A_1210 : i32
          %parallel_loop3A_1212 = arith.constant 96 : i32
          %parallel_loop3A_1213 = arith.addi %parallel_loop3A_1211, %parallel_loop3A_1212 : i32
          %parallel_loop3A_1214 = arith.index_cast %select_n3A_863 : i32 to index
          %parallel_loop3A_1215 = arith.index_cast %scan3A_1023 : i32 to index
          %parallel_loop3A_1216 = arith.index_cast %parallel_loop3A_1213 : i32 to index
          %parallel_loop3A_1217 = tpu.vector_load %arg9[%parallel_loop3A_1214, %parallel_loop3A_1215, %parallel_loop3A_1216] {strides = array<i32>} : memref<2x8x2048xf32, #tpu.memory_space<vmem>>, vector<16xf32>,
          tpu.vector_store %arg9[%parallel_loop3A_1214, %parallel_loop3A_1215, %parallel_loop3A_1216], %parallel_loop3A_1209 {strides = array<i32>} : memref<2x8x2048xf32, #tpu.memory_space<vmem>>, vector<16xf32>,
          %parallel_loop3A_1218 = arith.constant 7 : i32
          %parallel_loop3A_1219 = vector.broadcast %parallel_loop3A_1218 : i32 to vector<16xi32>
          %parallel_loop3A_1220 = arith.shli %parallel_loop3A_1145, %parallel_loop3A_1219 : vector<16xi32>
          %parallel_loop3A_1221 = arith.constant 0 : i32
          %parallel_loop3A_1222 = vector.broadcast %parallel_loop3A_1221 : i32 to vector<16xi32>
          %parallel_loop3A_1223 = arith.cmpi slt, %parallel_loop3A_1220, %parallel_loop3A_1222 : vector<16xi32>
          %parallel_loop3A_1224 = arith.index_cast %select_n3A_863 : i32 to index
          %parallel_loop3A_1225 = arith.index_cast %scan3A_1023 : i32 to index
          %parallel_loop3A_1226 = arith.index_cast %parallel_loop3A_1033 : i32 to index
          %parallel_loop3A_1227 = arith.constant 112 : index
          %parallel_loop3A_1228 = tpu.vector_load %arg7[%parallel_loop3A_1224, %parallel_loop3A_1225, %parallel_loop3A_1226, %parallel_loop3A_1227] {strides = array<i32>} : memref<2x8x16x128xf32, #tpu.memory_space<vmem>>, vector<16xf32>,
          %parallel_loop3A_1229 = vector.broadcast %squeeze3A : f32 to vector<16xf32>
          %parallel_loop3A_1230 = arith.mulf %parallel_loop3A_1229, %parallel_loop3A_1228 : vector<16xf32>
          %parallel_loop3A_1231 = arith.subf %get3A_1030, %parallel_loop3A_1230 : vector<16xf32>
          %parallel_loop3A_1232 = vector.broadcast %scan3A_289 : f32 to vector<16xf32>
          %parallel_loop3A_1233 = arith.select %parallel_loop3A_1223, %parallel_loop3A_1231, %parallel_loop3A_1232 : vector<16xi1>, vector<16xf32>
          %parallel_loop3A_1234 = arith.constant 128 : i32
          %parallel_loop3A_1235 = arith.muli %parallel_loop3A_1033, %parallel_loop3A_1234 : i32
          %parallel_loop3A_1236 = arith.constant 112 : i32
          %parallel_loop3A_1237 = arith.addi %parallel_loop3A_1235, %parallel_loop3A_1236 : i32
          %parallel_loop3A_1238 = arith.index_cast %select_n3A_863 : i32 to index
          %parallel_loop3A_1239 = arith.index_cast %scan3A_1023 : i32 to index
          %parallel_loop3A_1240 = arith.index_cast %parallel_loop3A_1237 : i32 to index
          %parallel_loop3A_1241 = tpu.vector_load %arg9[%parallel_loop3A_1238, %parallel_loop3A_1239, %parallel_loop3A_1240] {strides = array<i32>} : memref<2x8x2048xf32, #tpu.memory_space<vmem>>, vector<16xf32>,
          tpu.vector_store %arg9[%parallel_loop3A_1238, %parallel_loop3A_1239, %parallel_loop3A_1240], %parallel_loop3A_1233 {strides = array<i32>} : memref<2x8x2048xf32, #tpu.memory_space<vmem>>, vector<16xf32>,
        } {sc.loop_unroll_factor = 4 : i64, sc.parallel_access}
      }
      %scan3A_958 = arith.constant 8 : i32
      %mul3A_959 = arith.constant 8 : i32
      %mul3A_960 = arith.muli %add3A_208, %mul3A_959 : i32
      %jit3A_961 = arith.constant 64 : i32
      %div3A_962 = arith.divsi %mul3A_960, %jit3A_961 : i32
      %sign3A_963 = arith.constant 0 : i32
      %sign3A_964 = arith.cmpi sgt, %mul3A_960, %sign3A_963 : i32
      %sign3A_965 = arith.extui %sign3A_964 : i1 to i32
      %sign3A_966 = arith.constant 0 : i32
      %sign3A_967 = arith.cmpi slt, %mul3A_960, %sign3A_966 : i32
      %sign3A_968 = arith.extui %sign3A_967 : i1 to i32
      %sign3A_969 = arith.subi %sign3A_965, %sign3A_968 : i32
      %sign3A_970 = arith.constant 0 : i32
      %sign3A_971 = arith.cmpi sgt, %jit3A_961, %sign3A_970 : i32
      %sign3A_972 = arith.extui %sign3A_971 : i1 to i32
      %sign3A_973 = arith.constant 0 : i32
      %sign3A_974 = arith.cmpi slt, %jit3A_961, %sign3A_973 : i32
      %sign3A_975 = arith.extui %sign3A_974 : i1 to i32
      %sign3A_976 = arith.subi %sign3A_972, %sign3A_975 : i32
      %ne3A_977 = arith.cmpi ne, %sign3A_969, %sign3A_976 : i32
      %rem3A_978 = arith.remsi %mul3A_960, %jit3A_961 : i32
      %ne3A_979 = arith.constant 0 : i32
      %ne3A_980 = arith.cmpi ne, %rem3A_978, %ne3A_979 : i32
      %and3A_981 = arith.andi %ne3A_977, %ne3A_980 : i1
      %sub3A_982 = arith.constant 1 : i32
      %sub3A_983 = arith.subi %div3A_962, %sub3A_982 : i32
      %select_n3A_984 = arith.select %and3A_981, %sub3A_983, %div3A_962 : i32
      %jit3A_985 = arith.constant 64 : i32
      %eq3A_986 = arith.constant 0 : i32
      %eq3A_987 = arith.cmpi eq, %jit3A_985, %eq3A_986 : i32
      %jit3A_988 = arith.constant 1 : i32
      %select_n3A_989 = arith.select %eq3A_987, %jit3A_988, %jit3A_985 : i32
      %rem3A_990 = arith.remsi %mul3A_960, %select_n3A_989 : i32
      %ne3A_991 = arith.constant 0 : i32
      %ne3A_992 = arith.cmpi ne, %rem3A_990, %ne3A_991 : i32
      %lt3A_993 = arith.constant 0 : i32
      %lt3A_994 = arith.cmpi slt, %rem3A_990, %lt3A_993 : i32
      %lt3A_995 = arith.constant 0 : i32
      %lt3A_996 = arith.cmpi slt, %select_n3A_989, %lt3A_995 : i32
      %ne3A_997 = arith.xori %lt3A_994, %lt3A_996 : i1
      %and3A_998 = arith.andi %ne3A_997, %ne3A_992 : i1
      %add3A_999 = arith.addi %rem3A_990, %select_n3A_989 : i32
      %select_n3A_1000 = arith.select %and3A_998, %add3A_999, %rem3A_990 : i32
      %mul3A_1001 = arith.constant 16 : i32
      %mul3A_1002 = arith.muli %scan3A_847, %mul3A_1001 : i32
      %multiple_of3A_1003 = tpu.assume_multiple %mul3A_1002, 16 : i32
      %mul3A_1004 = arith.constant 2048 : i32
      %mul3A_1005 = arith.muli %scan3A_847, %mul3A_1004 : i32
      %multiple_of3A_1006 = tpu.assume_multiple %mul3A_1005, 2048 : i32
      %mul3A_1007 = arith.constant 512 : i32
      %mul3A_1008 = arith.muli %scan3A_847, %mul3A_1007 : i32
      %multiple_of3A_1009 = tpu.assume_multiple %mul3A_1008, 512 : i32
      %multiple_of3A_1010 = tpu.assume_multiple %select_n3A_1000, 8 : i32
      %dma_start3A_1011 = arith.constant 0 : i32
      %dma_start3A_1012 = arith.constant 0 : i32
      %dma_start3A_1013 = tpu.memref_slice %arg9[%select_n3A_863, %dma_start3A_1011, %dma_start3A_1012] : memref<2x8x2048xf32, #tpu.memory_space<vmem>> -> memref<1x8x2048xf32, #tpu.memory_space<vmem>>
      %dma_start3A_1014 = tpu.memref_squeeze %dma_start3A_1013 : memref<1x8x2048xf32, #tpu.memory_space<vmem>> -> memref<8x2048xf32, #tpu.memory_space<vmem>>
      %dma_start3A_1015 = tpu.memref_slice %arg6[%select_n3A_984, %multiple_of3A_1010, %multiple_of3A_1006] : memref<16x64x16384xf32, #tpu.memory_space<hbm>> -> memref<1x8x2048xf32, #tpu.memory_space<hbm>>
      %dma_start3A_1016 = tpu.memref_squeeze %dma_start3A_1015 : memref<1x8x2048xf32, #tpu.memory_space<hbm>> -> memref<8x2048xf32, #tpu.memory_space<hbm>>
      %dma_start3A_1017 = tpu.memref_slice %arg6[%select_n3A_984, %multiple_of3A_1010, %multiple_of3A_1006] : memref<16x64x16384xf32, #tpu.memory_space<hbm>> -> memref<1x8x2048xf32, #tpu.memory_space<hbm>>
      %dma_start3A_1018 = tpu.memref_squeeze %dma_start3A_1017 : memref<1x8x2048xf32, #tpu.memory_space<hbm>> -> memref<8x2048xf32, #tpu.memory_space<hbm>>
      %dma_start3A_1019 = arith.constant 0 : i32
      %dma_start3A_1020 = arith.constant 0 : i32
      %dma_start3A_1021 = tpu.memref_slice %arg9[%select_n3A_863, %dma_start3A_1019, %dma_start3A_1020] : memref<2x8x2048xf32, #tpu.memory_space<vmem>> -> memref<1x8x2048xf32, #tpu.memory_space<vmem>>
      %dma_start3A_1022 = tpu.memref_squeeze %dma_start3A_1021 : memref<1x8x2048xf32, #tpu.memory_space<vmem>> -> memref<8x2048xf32, #tpu.memory_space<vmem>>
      tpu.enqueue_dma source(%dma_start3A_1022 : memref<8x2048xf32, #tpu.memory_space<vmem>>) target(%dma_start3A_1018 : memref<8x2048xf32, #tpu.memory_space<hbm>>) target_semaphore(%arg13 : memref<!tpu.dma_semaphore, #tpu.memory_space<semaphore_mem>>)
    }
    %scan3A_294 = arith.constant 8 : i32
    %mul3A_295 = arith.constant 8 : i32
    %mul3A_296 = arith.muli %add3A_208, %mul3A_295 : i32
    %jit3A_297 = arith.constant 64 : i32
    %div3A_298 = arith.divsi %mul3A_296, %jit3A_297 : i32
    %sign3A_299 = arith.constant 0 : i32
    %sign3A_300 = arith.cmpi sgt, %mul3A_296, %sign3A_299 : i32
    %sign3A_301 = arith.extui %sign3A_300 : i1 to i32
    %sign3A_302 = arith.constant 0 : i32
    %sign3A_303 = arith.cmpi slt, %mul3A_296, %sign3A_302 : i32
    %sign3A_304 = arith.extui %sign3A_303 : i1 to i32
    %sign3A_305 = arith.subi %sign3A_301, %sign3A_304 : i32
    %sign3A_306 = arith.constant 0 : i32
    %sign3A_307 = arith.cmpi sgt, %jit3A_297, %sign3A_306 : i32
    %sign3A_308 = arith.extui %sign3A_307 : i1 to i32
    %sign3A_309 = arith.constant 0 : i32
    %sign3A_310 = arith.cmpi slt, %jit3A_297, %sign3A_309 : i32
    %sign3A_311 = arith.extui %sign3A_310 : i1 to i32
    %sign3A_312 = arith.subi %sign3A_308, %sign3A_311 : i32
    %ne3A_313 = arith.cmpi ne, %sign3A_305, %sign3A_312 : i32
    %rem3A_314 = arith.remsi %mul3A_296, %jit3A_297 : i32
    %ne3A_315 = arith.constant 0 : i32
    %ne3A_316 = arith.cmpi ne, %rem3A_314, %ne3A_315 : i32
    %and3A_317 = arith.andi %ne3A_313, %ne3A_316 : i1
    %sub3A_318 = arith.constant 1 : i32
    %sub3A_319 = arith.subi %div3A_298, %sub3A_318 : i32
    %select_n3A_320 = arith.select %and3A_317, %sub3A_319, %div3A_298 : i32
    %jit3A_321 = arith.constant 64 : i32
    %eq3A_322 = arith.constant 0 : i32
    %eq3A_323 = arith.cmpi eq, %jit3A_321, %eq3A_322 : i32
    %jit3A_324 = arith.constant 1 : i32
    %select_n3A_325 = arith.select %eq3A_323, %jit3A_324, %jit3A_321 : i32
    %rem3A_326 = arith.remsi %mul3A_296, %select_n3A_325 : i32
    %ne3A_327 = arith.constant 0 : i32
    %ne3A_328 = arith.cmpi ne, %rem3A_326, %ne3A_327 : i32
    %lt3A_329 = arith.constant 0 : i32
    %lt3A_330 = arith.cmpi slt, %rem3A_326, %lt3A_329 : i32
    %lt3A_331 = arith.constant 0 : i32
    %lt3A_332 = arith.cmpi slt, %select_n3A_325, %lt3A_331 : i32
    %ne3A_333 = arith.xori %lt3A_330, %lt3A_332 : i1
    %and3A_334 = arith.andi %ne3A_333, %ne3A_328 : i1
    %add3A_335 = arith.addi %rem3A_326, %select_n3A_325 : i32
    %select_n3A_336 = arith.select %and3A_334, %add3A_335, %rem3A_326 : i32
    %multiple_of3A_337 = arith.constant 96 : i32
    %multiple_of3A_338 = tpu.assume_multiple %multiple_of3A_337, 16 : i32
    %multiple_of3A_339 = arith.constant 12288 : i32
    %multiple_of3A_340 = tpu.assume_multiple %multiple_of3A_339, 2048 : i32
    %multiple_of3A_341 = arith.constant 3072 : i32
    %multiple_of3A_342 = tpu.assume_multiple %multiple_of3A_341, 512 : i32
    %multiple_of3A_343 = tpu.assume_multiple %select_n3A_336, 8 : i32
    %dma_wait3A_344 = arith.constant 0 : i32
    %dma_wait3A_345 = arith.constant 0 : i32
    %dma_wait3A_346 = arith.constant 0 : i32
    %dma_wait3A_347 = tpu.memref_slice %arg9[%dma_wait3A_344, %dma_wait3A_345, %dma_wait3A_346] : memref<2x8x2048xf32, #tpu.memory_space<vmem>> -> memref<1x8x2048xf32, #tpu.memory_space<vmem>>
    %dma_wait3A_348 = tpu.memref_squeeze %dma_wait3A_347 : memref<1x8x2048xf32, #tpu.memory_space<vmem>> -> memref<8x2048xf32, #tpu.memory_space<vmem>>
    %dma_wait3A_349 = tpu.memref_slice %arg6[%select_n3A_320, %multiple_of3A_343, %multiple_of3A_340] : memref<16x64x16384xf32, #tpu.memory_space<hbm>> -> memref<1x8x2048xf32, #tpu.memory_space<hbm>>
    %dma_wait3A_350 = tpu.memref_squeeze %dma_wait3A_349 : memref<1x8x2048xf32, #tpu.memory_space<hbm>> -> memref<8x2048xf32, #tpu.memory_space<hbm>>
    %dma_wait3A_351 = tpu.memref_slice %arg6[%select_n3A_320, %multiple_of3A_343, %multiple_of3A_340] : memref<16x64x16384xf32, #tpu.memory_space<hbm>> -> memref<1x8x2048xf32, #tpu.memory_space<hbm>>
    %dma_wait3A_352 = tpu.memref_squeeze %dma_wait3A_351 : memref<1x8x2048xf32, #tpu.memory_space<hbm>> -> memref<8x2048xf32, #tpu.memory_space<hbm>>
    %dma_wait3A_353 = arith.constant 0 : i32
    %dma_wait3A_354 = arith.constant 0 : i32
    %dma_wait3A_355 = tpu.memref_slice %arg9[%dma_wait3A_344, %dma_wait3A_353, %dma_wait3A_354] : memref<2x8x2048xf32, #tpu.memory_space<vmem>> -> memref<1x8x2048xf32, #tpu.memory_space<vmem>>
    %dma_wait3A_356 = tpu.memref_squeeze %dma_wait3A_355 : memref<1x8x2048xf32, #tpu.memory_space<vmem>> -> memref<8x2048xf32, #tpu.memory_space<vmem>>
    tpu.wait_dma2 semaphore(%arg13 : memref<!tpu.dma_semaphore, #tpu.memory_space<semaphore_mem>>) src(%dma_wait3A_356 : memref<8x2048xf32, #tpu.memory_space<vmem>>) dst(%dma_wait3A_352 : memref<8x2048xf32, #tpu.memory_space<hbm>>)
    %mul3A_357 = arith.constant 8 : i32
    %mul3A_358 = arith.muli %add3A_208, %mul3A_357 : i32
    %jit3A_359 = arith.constant 64 : i32
    %div3A_360 = arith.divsi %mul3A_358, %jit3A_359 : i32
    %sign3A_361 = arith.constant 0 : i32
    %sign3A_362 = arith.cmpi sgt, %mul3A_358, %sign3A_361 : i32
    %sign3A_363 = arith.extui %sign3A_362 : i1 to i32
    %sign3A_364 = arith.constant 0 : i32
    %sign3A_365 = arith.cmpi slt, %mul3A_358, %sign3A_364 : i32
    %sign3A_366 = arith.extui %sign3A_365 : i1 to i32
    %sign3A_367 = arith.subi %sign3A_363, %sign3A_366 : i32
    %sign3A_368 = arith.constant 0 : i32
    %sign3A_369 = arith.cmpi sgt, %jit3A_359, %sign3A_368 : i32
    %sign3A_370 = arith.extui %sign3A_369 : i1 to i32
    %sign3A_371 = arith.constant 0 : i32
    %sign3A_372 = arith.cmpi slt, %jit3A_359, %sign3A_371 : i32
    %sign3A_373 = arith.extui %sign3A_372 : i1 to i32
    %sign3A_374 = arith.subi %sign3A_370, %sign3A_373 : i32
    %ne3A_375 = arith.cmpi ne, %sign3A_367, %sign3A_374 : i32
    %rem3A_376 = arith.remsi %mul3A_358, %jit3A_359 : i32
    %ne3A_377 = arith.constant 0 : i32
    %ne3A_378 = arith.cmpi ne, %rem3A_376, %ne3A_377 : i32
    %and3A_379 = arith.andi %ne3A_375, %ne3A_378 : i1
    %sub3A_380 = arith.constant 1 : i32
    %sub3A_381 = arith.subi %div3A_360, %sub3A_380 : i32
    %select_n3A_382 = arith.select %and3A_379, %sub3A_381, %div3A_360 : i32
    %jit3A_383 = arith.constant 64 : i32
    %eq3A_384 = arith.constant 0 : i32
    %eq3A_385 = arith.cmpi eq, %jit3A_383, %eq3A_384 : i32
    %jit3A_386 = arith.constant 1 : i32
    %select_n3A_387 = arith.select %eq3A_385, %jit3A_386, %jit3A_383 : i32
    %rem3A_388 = arith.remsi %mul3A_358, %select_n3A_387 : i32
    %ne3A_389 = arith.constant 0 : i32
    %ne3A_390 = arith.cmpi ne, %rem3A_388, %ne3A_389 : i32
    %lt3A_391 = arith.constant 0 : i32
    %lt3A_392 = arith.cmpi slt, %rem3A_388, %lt3A_391 : i32
    %lt3A_393 = arith.constant 0 : i32
    %lt3A_394 = arith.cmpi slt, %select_n3A_387, %lt3A_393 : i32
    %ne3A_395 = arith.xori %lt3A_392, %lt3A_394 : i1
    %and3A_396 = arith.andi %ne3A_395, %ne3A_390 : i1
    %add3A_397 = arith.addi %rem3A_388, %select_n3A_387 : i32
    %select_n3A_398 = arith.select %and3A_396, %add3A_397, %rem3A_388 : i32
    %multiple_of3A_399 = arith.constant 112 : i32
    %multiple_of3A_400 = tpu.assume_multiple %multiple_of3A_399, 16 : i32
    %multiple_of3A_401 = arith.constant 14336 : i32
    %multiple_of3A_402 = tpu.assume_multiple %multiple_of3A_401, 2048 : i32
    %multiple_of3A_403 = arith.constant 3584 : i32
    %multiple_of3A_404 = tpu.assume_multiple %multiple_of3A_403, 512 : i32
    %multiple_of3A_405 = tpu.assume_multiple %select_n3A_398, 8 : i32
    %dma_wait3A_406 = arith.constant 1 : i32
    %dma_wait3A_407 = arith.constant 0 : i32
    %dma_wait3A_408 = arith.constant 0 : i32
    %dma_wait3A_409 = tpu.memref_slice %arg9[%dma_wait3A_406, %dma_wait3A_407, %dma_wait3A_408] : memref<2x8x2048xf32, #tpu.memory_space<vmem>> -> memref<1x8x2048xf32, #tpu.memory_space<vmem>>
    %dma_wait3A_410 = tpu.memref_squeeze %dma_wait3A_409 : memref<1x8x2048xf32, #tpu.memory_space<vmem>> -> memref<8x2048xf32, #tpu.memory_space<vmem>>
    %dma_wait3A_411 = tpu.memref_slice %arg6[%select_n3A_382, %multiple_of3A_405, %multiple_of3A_402] : memref<16x64x16384xf32, #tpu.memory_space<hbm>> -> memref<1x8x2048xf32, #tpu.memory_space<hbm>>
    %dma_wait3A_412 = tpu.memref_squeeze %dma_wait3A_411 : memref<1x8x2048xf32, #tpu.memory_space<hbm>> -> memref<8x2048xf32, #tpu.memory_space<hbm>>
    %dma_wait3A_413 = tpu.memref_slice %arg6[%select_n3A_382, %multiple_of3A_405, %multiple_of3A_402] : memref<16x64x16384xf32, #tpu.memory_space<hbm>> -> memref<1x8x2048xf32, #tpu.memory_space<hbm>>
    %dma_wait3A_414 = tpu.memref_squeeze %dma_wait3A_413 : memref<1x8x2048xf32, #tpu.memory_space<hbm>> -> memref<8x2048xf32, #tpu.memory_space<hbm>>
    %dma_wait3A_415 = arith.constant 0 : i32
    %dma_wait3A_416 = arith.constant 0 : i32
    %dma_wait3A_417 = tpu.memref_slice %arg9[%dma_wait3A_406, %dma_wait3A_415, %dma_wait3A_416] : memref<2x8x2048xf32, #tpu.memory_space<vmem>> -> memref<1x8x2048xf32, #tpu.memory_space<vmem>>
    %dma_wait3A_418 = tpu.memref_squeeze %dma_wait3A_417 : memref<1x8x2048xf32, #tpu.memory_space<vmem>> -> memref<8x2048xf32, #tpu.memory_space<vmem>>
    tpu.wait_dma2 semaphore(%arg13 : memref<!tpu.dma_semaphore, #tpu.memory_space<semaphore_mem>>) src(%dma_wait3A_418 : memref<8x2048xf32, #tpu.memory_space<vmem>>) dst(%dma_wait3A_414 : memref<8x2048xf32, #tpu.memory_space<hbm>>)
    %mul3A_419 = arith.constant 4 : i32
    %mul3A_420 = arith.muli %add3A, %mul3A_419 : i32
    %add3A_421 = arith.constant 2 : i32
    %add3A_422 = arith.addi %mul3A_420, %add3A_421 : i32
    %mul3A_423 = arith.constant 8 : i32
    %mul3A_424 = arith.muli %add3A_422, %mul3A_423 : i32
    %jit3A_425 = arith.constant 64 : i32
    %div3A_426 = arith.divsi %mul3A_424, %jit3A_425 : i32
    %sign3A_427 = arith.constant 0 : i32
    %sign3A_428 = arith.cmpi sgt, %mul3A_424, %sign3A_427 : i32
    %sign3A_429 = arith.extui %sign3A_428 : i1 to i32
    %sign3A_430 = arith.constant 0 : i32
    %sign3A_431 = arith.cmpi slt, %mul3A_424, %sign3A_430 : i32
    %sign3A_432 = arith.extui %sign3A_431 : i1 to i32
    %sign3A_433 = arith.subi %sign3A_429, %sign3A_432 : i32
    %sign3A_434 = arith.constant 0 : i32
    %sign3A_435 = arith.cmpi sgt, %jit3A_425, %sign3A_434 : i32
    %sign3A_436 = arith.extui %sign3A_435 : i1 to i32
    %sign3A_437 = arith.constant 0 : i32
    %sign3A_438 = arith.cmpi slt, %jit3A_425, %sign3A_437 : i32
    %sign3A_439 = arith.extui %sign3A_438 : i1 to i32
    %sign3A_440 = arith.subi %sign3A_436, %sign3A_439 : i32
    %ne3A_441 = arith.cmpi ne, %sign3A_433, %sign3A_440 : i32
    %rem3A_442 = arith.remsi %mul3A_424, %jit3A_425 : i32
    %ne3A_443 = arith.constant 0 : i32
    %ne3A_444 = arith.cmpi ne, %rem3A_442, %ne3A_443 : i32
    %and3A_445 = arith.andi %ne3A_441, %ne3A_444 : i1
    %sub3A_446 = arith.constant 1 : i32
    %sub3A_447 = arith.subi %div3A_426, %sub3A_446 : i32
    %select_n3A_448 = arith.select %and3A_445, %sub3A_447, %div3A_426 : i32
    %jit3A_449 = arith.constant 64 : i32
    %eq3A_450 = arith.constant 0 : i32
    %eq3A_451 = arith.cmpi eq, %jit3A_449, %eq3A_450 : i32
    %jit3A_452 = arith.constant 1 : i32
    %select_n3A_453 = arith.select %eq3A_451, %jit3A_452, %jit3A_449 : i32
    %rem3A_454 = arith.remsi %mul3A_424, %select_n3A_453 : i32
    %ne3A_455 = arith.constant 0 : i32
    %ne3A_456 = arith.cmpi ne, %rem3A_454, %ne3A_455 : i32
    %lt3A_457 = arith.constant 0 : i32
    %lt3A_458 = arith.cmpi slt, %rem3A_454, %lt3A_457 : i32
    %lt3A_459 = arith.constant 0 : i32
    %lt3A_460 = arith.cmpi slt, %select_n3A_453, %lt3A_459 : i32
    %ne3A_461 = arith.xori %lt3A_458, %lt3A_460 : i1
    %and3A_462 = arith.andi %ne3A_461, %ne3A_456 : i1
    %add3A_463 = arith.addi %rem3A_454, %select_n3A_453 : i32
    %select_n3A_464 = arith.select %and3A_462, %add3A_463, %rem3A_454 : i32
    %multiple_of3A_465 = arith.constant 0 : i32
    %multiple_of3A_466 = tpu.assume_multiple %multiple_of3A_465, 16 : i32
    %multiple_of3A_467 = arith.constant 0 : i32
    %multiple_of3A_468 = tpu.assume_multiple %multiple_of3A_467, 2048 : i32
    %multiple_of3A_469 = arith.constant 0 : i32
    %multiple_of3A_470 = tpu.assume_multiple %multiple_of3A_469, 512 : i32
    %multiple_of3A_471 = tpu.assume_multiple %select_n3A_464, 8 : i32
    %dma_start3A_472 = arith.constant 0 : i32
    %dma_start3A_473 = arith.constant 0 : i32
    %dma_start3A_474 = arith.constant 0 : i32
    %dma_start3A_475 = arith.constant 0 : i32
    %dma_start3A_476 = tpu.memref_slice %arg7[%dma_start3A_472, %dma_start3A_473, %dma_start3A_474, %dma_start3A_475] : memref<2x8x16x128xf32, #tpu.memory_space<vmem>> -> memref<1x8x16x128xf32, #tpu.memory_space<vmem>>
    %dma_start3A_477 = tpu.memref_squeeze %dma_start3A_476 : memref<1x8x16x128xf32, #tpu.memory_space<vmem>> -> memref<8x16x128xf32, #tpu.memory_space<vmem>>
    %dma_start3A_478 = arith.constant 0 : i32
    %dma_start3A_479 = tpu.memref_slice %arg2[%select_n3A_448, %select_n3A_464, %multiple_of3A_466, %dma_start3A_478] : memref<16x64x128x128xf32, #tpu.memory_space<hbm>> -> memref<1x8x16x128xf32, #tpu.memory_space<hbm>>
    %dma_start3A_480 = tpu.memref_squeeze %dma_start3A_479 : memref<1x8x16x128xf32, #tpu.memory_space<hbm>> -> memref<8x16x128xf32, #tpu.memory_space<hbm>>
    %dma_start3A_481 = arith.constant 0 : i32
    %dma_start3A_482 = arith.constant 0 : i32
    %dma_start3A_483 = arith.constant 0 : i32
    %dma_start3A_484 = tpu.memref_slice %arg7[%dma_start3A_472, %dma_start3A_481, %dma_start3A_482, %dma_start3A_483] : memref<2x8x16x128xf32, #tpu.memory_space<vmem>> -> memref<1x8x16x128xf32, #tpu.memory_space<vmem>>
    %dma_start3A_485 = tpu.memref_squeeze %dma_start3A_484 : memref<1x8x16x128xf32, #tpu.memory_space<vmem>> -> memref<8x16x128xf32, #tpu.memory_space<vmem>>
    %dma_start3A_486 = arith.constant 0 : i32
    %dma_start3A_487 = tpu.memref_slice %arg2[%select_n3A_448, %select_n3A_464, %multiple_of3A_466, %dma_start3A_486] : memref<16x64x128x128xf32, #tpu.memory_space<hbm>> -> memref<1x8x16x128xf32, #tpu.memory_space<hbm>>
    %dma_start3A_488 = tpu.memref_squeeze %dma_start3A_487 : memref<1x8x16x128xf32, #tpu.memory_space<hbm>> -> memref<8x16x128xf32, #tpu.memory_space<hbm>>
    tpu.enqueue_dma source(%dma_start3A_488 : memref<8x16x128xf32, #tpu.memory_space<hbm>>) target(%dma_start3A_485 : memref<8x16x128xf32, #tpu.memory_space<vmem>>) target_semaphore(%arg12 : memref<!tpu.dma_semaphore, #tpu.memory_space<semaphore_mem>>)
    %dma_start3A_489 = arith.constant 0 : i32
    %dma_start3A_490 = arith.constant 0 : i32
    %dma_start3A_491 = arith.constant 0 : i32
    %dma_start3A_492 = tpu.memref_slice %arg8[%dma_start3A_489, %dma_start3A_490, %dma_start3A_491] : memref<2x8x512xi32, #tpu.memory_space<vmem>> -> memref<1x8x512xi32, #tpu.memory_space<vmem>>
    %dma_start3A_493 = tpu.memref_squeeze %dma_start3A_492 : memref<1x8x512xi32, #tpu.memory_space<vmem>> -> memref<8x512xi32, #tpu.memory_space<vmem>>
    %dma_start3A_494 = tpu.memref_slice %arg3[%select_n3A_448, %multiple_of3A_471, %multiple_of3A_470] : memref<16x64x4096xi32, #tpu.memory_space<hbm>> -> memref<1x8x512xi32, #tpu.memory_space<hbm>>
    %dma_start3A_495 = tpu.memref_squeeze %dma_start3A_494 : memref<1x8x512xi32, #tpu.memory_space<hbm>> -> memref<8x512xi32, #tpu.memory_space<hbm>>
    %dma_start3A_496 = arith.constant 0 : i32
    %dma_start3A_497 = arith.constant 0 : i32
    %dma_start3A_498 = tpu.memref_slice %arg8[%dma_start3A_489, %dma_start3A_496, %dma_start3A_497] : memref<2x8x512xi32, #tpu.memory_space<vmem>> -> memref<1x8x512xi32, #tpu.memory_space<vmem>>
    %dma_start3A_499 = tpu.memref_squeeze %dma_start3A_498 : memref<1x8x512xi32, #tpu.memory_space<vmem>> -> memref<8x512xi32, #tpu.memory_space<vmem>>
    %dma_start3A_500 = tpu.memref_slice %arg3[%select_n3A_448, %multiple_of3A_471, %multiple_of3A_470] : memref<16x64x4096xi32, #tpu.memory_space<hbm>> -> memref<1x8x512xi32, #tpu.memory_space<hbm>>
    %dma_start3A_501 = tpu.memref_squeeze %dma_start3A_500 : memref<1x8x512xi32, #tpu.memory_space<hbm>> -> memref<8x512xi32, #tpu.memory_space<hbm>>
    tpu.enqueue_dma source(%dma_start3A_501 : memref<8x512xi32, #tpu.memory_space<hbm>>) target(%dma_start3A_499 : memref<8x512xi32, #tpu.memory_space<vmem>>) target_semaphore(%arg12 : memref<!tpu.dma_semaphore, #tpu.memory_space<semaphore_mem>>)
    %scan3A_502 = arith.constant 0 : i32
    %scan3A_503 = arith.constant -1.000000e+09 : f32
    %scan3A_504 = arith.constant 0 : i32
    %scan3A_505 = arith.constant 8 : i32
    %scan3A_506 = arith.addi %scan3A_504, %scan3A_505 : i32
    %scan3A_507 = arith.constant 1 : i32
    scf.for %scan3A_847 = %scan3A_504 to %scan3A_506 step %scan3A_507  : i32 {
      %jit3A_848 = arith.constant 2 : i32
      %eq3A_849 = arith.constant 0 : i32
      %eq3A_850 = arith.cmpi eq, %jit3A_848, %eq3A_849 : i32
      %jit3A_851 = arith.constant 1 : i32
      %select_n3A_852 = arith.select %eq3A_850, %jit3A_851, %jit3A_848 : i32
      %rem3A_853 = arith.remsi %scan3A_847, %select_n3A_852 : i32
      %ne3A_854 = arith.constant 0 : i32
      %ne3A_855 = arith.cmpi ne, %rem3A_853, %ne3A_854 : i32
      %lt3A_856 = arith.constant 0 : i32
      %lt3A_857 = arith.cmpi slt, %rem3A_853, %lt3A_856 : i32
      %lt3A_858 = arith.constant 0 : i32
      %lt3A_859 = arith.cmpi slt, %select_n3A_852, %lt3A_858 : i32
      %ne3A_860 = arith.xori %lt3A_857, %lt3A_859 : i1
      %and3A_861 = arith.andi %ne3A_860, %ne3A_855 : i1
      %add3A_862 = arith.addi %rem3A_853, %select_n3A_852 : i32
      %select_n3A_863 = arith.select %and3A_861, %add3A_862, %rem3A_853 : i32
      %add3A_864 = arith.constant 1 : i32
      %add3A_865 = arith.addi %scan3A_847, %add3A_864 : i32
      %lt3A_866 = arith.constant 8 : i32
      %lt3A_867 = arith.cmpi slt, %add3A_865, %lt3A_866 : i32
      %convert_element_type3A = arith.extui %lt3A_867 : i1 to i32
      %cond3A = arith.constant 0 : i32
      %cond3A_868 = arith.cmpi ne, %convert_element_type3A, %cond3A : i32
      scf.if %cond3A_868 {
        %add3A_1023 = arith.constant 1 : i32
        %add3A_1024 = arith.addi %scan3A_847, %add3A_1023 : i32
        %add3A_1025 = arith.constant 1 : i32
        %add3A_1026 = arith.addi %scan3A_847, %add3A_1025 : i32
        %jit3A_1027 = arith.constant 2 : i32
        %eq3A_1028 = arith.constant 0 : i32
        %eq3A_1029 = arith.cmpi eq, %jit3A_1027, %eq3A_1028 : i32
        %jit3A_1030 = arith.constant 1 : i32
        %select_n3A_1031 = arith.select %eq3A_1029, %jit3A_1030, %jit3A_1027 : i32
        %rem3A_1032 = arith.remsi %add3A_1026, %select_n3A_1031 : i32
        %ne3A_1033 = arith.constant 0 : i32
        %ne3A_1034 = arith.cmpi ne, %rem3A_1032, %ne3A_1033 : i32
        %lt3A_1035 = arith.constant 0 : i32
        %lt3A_1036 = arith.cmpi slt, %rem3A_1032, %lt3A_1035 : i32
        %lt3A_1037 = arith.constant 0 : i32
        %lt3A_1038 = arith.cmpi slt, %select_n3A_1031, %lt3A_1037 : i32
        %ne3A_1039 = arith.xori %lt3A_1036, %lt3A_1038 : i1
        %and3A_1040 = arith.andi %ne3A_1039, %ne3A_1034 : i1
        %add3A_1041 = arith.addi %rem3A_1032, %select_n3A_1031 : i32
        %select_n3A_1042 = arith.select %and3A_1040, %add3A_1041, %rem3A_1032 : i32
        %mul3A_1043 = arith.constant 8 : i32
        %mul3A_1044 = arith.muli %add3A_422, %mul3A_1043 : i32
        %jit3A_1045 = arith.constant 64 : i32
        %div3A_1046 = arith.divsi %mul3A_1044, %jit3A_1045 : i32
        %sign3A_1047 = arith.constant 0 : i32
        %sign3A_1048 = arith.cmpi sgt, %mul3A_1044, %sign3A_1047 : i32
        %sign3A_1049 = arith.extui %sign3A_1048 : i1 to i32
        %sign3A_1050 = arith.constant 0 : i32
        %sign3A_1051 = arith.cmpi slt, %mul3A_1044, %sign3A_1050 : i32
        %sign3A_1052 = arith.extui %sign3A_1051 : i1 to i32
        %sign3A_1053 = arith.subi %sign3A_1049, %sign3A_1052 : i32
        %sign3A_1054 = arith.constant 0 : i32
        %sign3A_1055 = arith.cmpi sgt, %jit3A_1045, %sign3A_1054 : i32
        %sign3A_1056 = arith.extui %sign3A_1055 : i1 to i32
        %sign3A_1057 = arith.constant 0 : i32
        %sign3A_1058 = arith.cmpi slt, %jit3A_1045, %sign3A_1057 : i32
        %sign3A_1059 = arith.extui %sign3A_1058 : i1 to i32
        %sign3A_1060 = arith.subi %sign3A_1056, %sign3A_1059 : i32
        %ne3A_1061 = arith.cmpi ne, %sign3A_1053, %sign3A_1060 : i32
        %rem3A_1062 = arith.remsi %mul3A_1044, %jit3A_1045 : i32
        %ne3A_1063 = arith.constant 0 : i32
        %ne3A_1064 = arith.cmpi ne, %rem3A_1062, %ne3A_1063 : i32
        %and3A_1065 = arith.andi %ne3A_1061, %ne3A_1064 : i1
        %sub3A_1066 = arith.constant 1 : i32
        %sub3A_1067 = arith.subi %div3A_1046, %sub3A_1066 : i32
        %select_n3A_1068 = arith.select %and3A_1065, %sub3A_1067, %div3A_1046 : i32
        %jit3A_1069 = arith.constant 64 : i32
        %eq3A_1070 = arith.constant 0 : i32
        %eq3A_1071 = arith.cmpi eq, %jit3A_1069, %eq3A_1070 : i32
        %jit3A_1072 = arith.constant 1 : i32
        %select_n3A_1073 = arith.select %eq3A_1071, %jit3A_1072, %jit3A_1069 : i32
        %rem3A_1074 = arith.remsi %mul3A_1044, %select_n3A_1073 : i32
        %ne3A_1075 = arith.constant 0 : i32
        %ne3A_1076 = arith.cmpi ne, %rem3A_1074, %ne3A_1075 : i32
        %lt3A_1077 = arith.constant 0 : i32
        %lt3A_1078 = arith.cmpi slt, %rem3A_1074, %lt3A_1077 : i32
        %lt3A_1079 = arith.constant 0 : i32
        %lt3A_1080 = arith.cmpi slt, %select_n3A_1073, %lt3A_1079 : i32
        %ne3A_1081 = arith.xori %lt3A_1078, %lt3A_1080 : i1
        %and3A_1082 = arith.andi %ne3A_1081, %ne3A_1076 : i1
        %add3A_1083 = arith.addi %rem3A_1074, %select_n3A_1073 : i32
        %select_n3A_1084 = arith.select %and3A_1082, %add3A_1083, %rem3A_1074 : i32
        %mul3A_1085 = arith.constant 16 : i32
        %mul3A_1086 = arith.muli %add3A_1024, %mul3A_1085 : i32
        %multiple_of3A_1087 = tpu.assume_multiple %mul3A_1086, 16 : i32
        %mul3A_1088 = arith.constant 2048 : i32
        %mul3A_1089 = arith.muli %add3A_1024, %mul3A_1088 : i32
        %multiple_of3A_1090 = tpu.assume_multiple %mul3A_1089, 2048 : i32
        %mul3A_1091 = arith.constant 512 : i32
        %mul3A_1092 = arith.muli %add3A_1024, %mul3A_1091 : i32
        %multiple_of3A_1093 = tpu.assume_multiple %mul3A_1092, 512 : i32
        %multiple_of3A_1094 = tpu.assume_multiple %select_n3A_1084, 8 : i32
        %dma_start3A_1095 = arith.constant 0 : i32
        %dma_start3A_1096 = arith.constant 0 : i32
        %dma_start3A_1097 = arith.constant 0 : i32
        %dma_start3A_1098 = tpu.memref_slice %arg7[%select_n3A_1042, %dma_start3A_1095, %dma_start3A_1096, %dma_start3A_1097] : memref<2x8x16x128xf32, #tpu.memory_space<vmem>> -> memref<1x8x16x128xf32, #tpu.memory_space<vmem>>
        %dma_start3A_1099 = tpu.memref_squeeze %dma_start3A_1098 : memref<1x8x16x128xf32, #tpu.memory_space<vmem>> -> memref<8x16x128xf32, #tpu.memory_space<vmem>>
        %dma_start3A_1100 = arith.constant 0 : i32
        %dma_start3A_1101 = tpu.memref_slice %arg2[%select_n3A_1068, %select_n3A_1084, %multiple_of3A_1087, %dma_start3A_1100] : memref<16x64x128x128xf32, #tpu.memory_space<hbm>> -> memref<1x8x16x128xf32, #tpu.memory_space<hbm>>
        %dma_start3A_1102 = tpu.memref_squeeze %dma_start3A_1101 : memref<1x8x16x128xf32, #tpu.memory_space<hbm>> -> memref<8x16x128xf32, #tpu.memory_space<hbm>>
        %dma_start3A_1103 = arith.constant 0 : i32
        %dma_start3A_1104 = arith.constant 0 : i32
        %dma_start3A_1105 = arith.constant 0 : i32
        %dma_start3A_1106 = tpu.memref_slice %arg7[%select_n3A_1042, %dma_start3A_1103, %dma_start3A_1104, %dma_start3A_1105] : memref<2x8x16x128xf32, #tpu.memory_space<vmem>> -> memref<1x8x16x128xf32, #tpu.memory_space<vmem>>
        %dma_start3A_1107 = tpu.memref_squeeze %dma_start3A_1106 : memref<1x8x16x128xf32, #tpu.memory_space<vmem>> -> memref<8x16x128xf32, #tpu.memory_space<vmem>>
        %dma_start3A_1108 = arith.constant 0 : i32
        %dma_start3A_1109 = tpu.memref_slice %arg2[%select_n3A_1068, %select_n3A_1084, %multiple_of3A_1087, %dma_start3A_1108] : memref<16x64x128x128xf32, #tpu.memory_space<hbm>> -> memref<1x8x16x128xf32, #tpu.memory_space<hbm>>
        %dma_start3A_1110 = tpu.memref_squeeze %dma_start3A_1109 : memref<1x8x16x128xf32, #tpu.memory_space<hbm>> -> memref<8x16x128xf32, #tpu.memory_space<hbm>>
        tpu.enqueue_dma source(%dma_start3A_1110 : memref<8x16x128xf32, #tpu.memory_space<hbm>>) target(%dma_start3A_1107 : memref<8x16x128xf32, #tpu.memory_space<vmem>>) target_semaphore(%arg12 : memref<!tpu.dma_semaphore, #tpu.memory_space<semaphore_mem>>)
        %dma_start3A_1111 = arith.constant 0 : i32
        %dma_start3A_1112 = arith.constant 0 : i32
        %dma_start3A_1113 = tpu.memref_slice %arg8[%select_n3A_1042, %dma_start3A_1111, %dma_start3A_1112] : memref<2x8x512xi32, #tpu.memory_space<vmem>> -> memref<1x8x512xi32, #tpu.memory_space<vmem>>
        %dma_start3A_1114 = tpu.memref_squeeze %dma_start3A_1113 : memref<1x8x512xi32, #tpu.memory_space<vmem>> -> memref<8x512xi32, #tpu.memory_space<vmem>>
        %dma_start3A_1115 = tpu.memref_slice %arg3[%select_n3A_1068, %multiple_of3A_1094, %multiple_of3A_1093] : memref<16x64x4096xi32, #tpu.memory_space<hbm>> -> memref<1x8x512xi32, #tpu.memory_space<hbm>>
        %dma_start3A_1116 = tpu.memref_squeeze %dma_start3A_1115 : memref<1x8x512xi32, #tpu.memory_space<hbm>> -> memref<8x512xi32, #tpu.memory_space<hbm>>
        %dma_start3A_1117 = arith.constant 0 : i32
        %dma_start3A_1118 = arith.constant 0 : i32
        %dma_start3A_1119 = tpu.memref_slice %arg8[%select_n3A_1042, %dma_start3A_1117, %dma_start3A_1118] : memref<2x8x512xi32, #tpu.memory_space<vmem>> -> memref<1x8x512xi32, #tpu.memory_space<vmem>>
        %dma_start3A_1120 = tpu.memref_squeeze %dma_start3A_1119 : memref<1x8x512xi32, #tpu.memory_space<vmem>> -> memref<8x512xi32, #tpu.memory_space<vmem>>
        %dma_start3A_1121 = tpu.memref_slice %arg3[%select_n3A_1068, %multiple_of3A_1094, %multiple_of3A_1093] : memref<16x64x4096xi32, #tpu.memory_space<hbm>> -> memref<1x8x512xi32, #tpu.memory_space<hbm>>
        %dma_start3A_1122 = tpu.memref_squeeze %dma_start3A_1121 : memref<1x8x512xi32, #tpu.memory_space<hbm>> -> memref<8x512xi32, #tpu.memory_space<hbm>>
        tpu.enqueue_dma source(%dma_start3A_1122 : memref<8x512xi32, #tpu.memory_space<hbm>>) target(%dma_start3A_1120 : memref<8x512xi32, #tpu.memory_space<vmem>>) target_semaphore(%arg12 : memref<!tpu.dma_semaphore, #tpu.memory_space<semaphore_mem>>)
      } else {
      }
      %mul3A_869 = arith.constant 8 : i32
      %mul3A_870 = arith.muli %add3A_422, %mul3A_869 : i32
      %jit3A_871 = arith.constant 64 : i32
      %div3A_872 = arith.divsi %mul3A_870, %jit3A_871 : i32
      %sign3A_873 = arith.constant 0 : i32
      %sign3A_874 = arith.cmpi sgt, %mul3A_870, %sign3A_873 : i32
      %sign3A_875 = arith.extui %sign3A_874 : i1 to i32
      %sign3A_876 = arith.constant 0 : i32
      %sign3A_877 = arith.cmpi slt, %mul3A_870, %sign3A_876 : i32
      %sign3A_878 = arith.extui %sign3A_877 : i1 to i32
      %sign3A_879 = arith.subi %sign3A_875, %sign3A_878 : i32
      %sign3A_880 = arith.constant 0 : i32
      %sign3A_881 = arith.cmpi sgt, %jit3A_871, %sign3A_880 : i32
      %sign3A_882 = arith.extui %sign3A_881 : i1 to i32
      %sign3A_883 = arith.constant 0 : i32
      %sign3A_884 = arith.cmpi slt, %jit3A_871, %sign3A_883 : i32
      %sign3A_885 = arith.extui %sign3A_884 : i1 to i32
      %sign3A_886 = arith.subi %sign3A_882, %sign3A_885 : i32
      %ne3A_887 = arith.cmpi ne, %sign3A_879, %sign3A_886 : i32
      %rem3A_888 = arith.remsi %mul3A_870, %jit3A_871 : i32
      %ne3A_889 = arith.constant 0 : i32
      %ne3A_890 = arith.cmpi ne, %rem3A_888, %ne3A_889 : i32
      %and3A_891 = arith.andi %ne3A_887, %ne3A_890 : i1
      %sub3A_892 = arith.constant 1 : i32
      %sub3A_893 = arith.subi %div3A_872, %sub3A_892 : i32
      %select_n3A_894 = arith.select %and3A_891, %sub3A_893, %div3A_872 : i32
      %jit3A_895 = arith.constant 64 : i32
      %eq3A_896 = arith.constant 0 : i32
      %eq3A_897 = arith.cmpi eq, %jit3A_895, %eq3A_896 : i32
      %jit3A_898 = arith.constant 1 : i32
      %select_n3A_899 = arith.select %eq3A_897, %jit3A_898, %jit3A_895 : i32
      %rem3A_900 = arith.remsi %mul3A_870, %select_n3A_899 : i32
      %ne3A_901 = arith.constant 0 : i32
      %ne3A_902 = arith.cmpi ne, %rem3A_900, %ne3A_901 : i32
      %lt3A_903 = arith.constant 0 : i32
      %lt3A_904 = arith.cmpi slt, %rem3A_900, %lt3A_903 : i32
      %lt3A_905 = arith.constant 0 : i32
      %lt3A_906 = arith.cmpi slt, %select_n3A_899, %lt3A_905 : i32
      %ne3A_907 = arith.xori %lt3A_904, %lt3A_906 : i1
      %and3A_908 = arith.andi %ne3A_907, %ne3A_902 : i1
      %add3A_909 = arith.addi %rem3A_900, %select_n3A_899 : i32
      %select_n3A_910 = arith.select %and3A_908, %add3A_909, %rem3A_900 : i32
      %mul3A_911 = arith.constant 16 : i32
      %mul3A_912 = arith.muli %scan3A_847, %mul3A_911 : i32
      %multiple_of3A_913 = tpu.assume_multiple %mul3A_912, 16 : i32
      %mul3A_914 = arith.constant 2048 : i32
      %mul3A_915 = arith.muli %scan3A_847, %mul3A_914 : i32
      %multiple_of3A_916 = tpu.assume_multiple %mul3A_915, 2048 : i32
      %mul3A_917 = arith.constant 512 : i32
      %mul3A_918 = arith.muli %scan3A_847, %mul3A_917 : i32
      %multiple_of3A_919 = tpu.assume_multiple %mul3A_918, 512 : i32
      %multiple_of3A_920 = tpu.assume_multiple %select_n3A_910, 8 : i32
      %dma_wait3A_921 = arith.constant 0 : i32
      %dma_wait3A_922 = arith.constant 0 : i32
      %dma_wait3A_923 = arith.constant 0 : i32
      %dma_wait3A_924 = tpu.memref_slice %arg7[%select_n3A_863, %dma_wait3A_921, %dma_wait3A_922, %dma_wait3A_923] : memref<2x8x16x128xf32, #tpu.memory_space<vmem>> -> memref<1x8x16x128xf32, #tpu.memory_space<vmem>>
      %dma_wait3A_925 = tpu.memref_squeeze %dma_wait3A_924 : memref<1x8x16x128xf32, #tpu.memory_space<vmem>> -> memref<8x16x128xf32, #tpu.memory_space<vmem>>
      %dma_wait3A_926 = arith.constant 0 : i32
      %dma_wait3A_927 = tpu.memref_slice %arg2[%select_n3A_894, %select_n3A_910, %multiple_of3A_913, %dma_wait3A_926] : memref<16x64x128x128xf32, #tpu.memory_space<hbm>> -> memref<1x8x16x128xf32, #tpu.memory_space<hbm>>
      %dma_wait3A_928 = tpu.memref_squeeze %dma_wait3A_927 : memref<1x8x16x128xf32, #tpu.memory_space<hbm>> -> memref<8x16x128xf32, #tpu.memory_space<hbm>>
      %dma_wait3A_929 = arith.constant 0 : i32
      %dma_wait3A_930 = arith.constant 0 : i32
      %dma_wait3A_931 = arith.constant 0 : i32
      %dma_wait3A_932 = tpu.memref_slice %arg7[%select_n3A_863, %dma_wait3A_929, %dma_wait3A_930, %dma_wait3A_931] : memref<2x8x16x128xf32, #tpu.memory_space<vmem>> -> memref<1x8x16x128xf32, #tpu.memory_space<vmem>>
      %dma_wait3A_933 = tpu.memref_squeeze %dma_wait3A_932 : memref<1x8x16x128xf32, #tpu.memory_space<vmem>> -> memref<8x16x128xf32, #tpu.memory_space<vmem>>
      %dma_wait3A_934 = arith.constant 0 : i32
      %dma_wait3A_935 = tpu.memref_slice %arg2[%select_n3A_894, %select_n3A_910, %multiple_of3A_913, %dma_wait3A_934] : memref<16x64x128x128xf32, #tpu.memory_space<hbm>> -> memref<1x8x16x128xf32, #tpu.memory_space<hbm>>
      %dma_wait3A_936 = tpu.memref_squeeze %dma_wait3A_935 : memref<1x8x16x128xf32, #tpu.memory_space<hbm>> -> memref<8x16x128xf32, #tpu.memory_space<hbm>>
      tpu.wait_dma2 semaphore(%arg12 : memref<!tpu.dma_semaphore, #tpu.memory_space<semaphore_mem>>) src(%dma_wait3A_936 : memref<8x16x128xf32, #tpu.memory_space<hbm>>) dst(%dma_wait3A_933 : memref<8x16x128xf32, #tpu.memory_space<vmem>>)
      %dma_wait3A_937 = arith.constant 0 : i32
      %dma_wait3A_938 = arith.constant 0 : i32
      %dma_wait3A_939 = tpu.memref_slice %arg8[%select_n3A_863, %dma_wait3A_937, %dma_wait3A_938] : memref<2x8x512xi32, #tpu.memory_space<vmem>> -> memref<1x8x512xi32, #tpu.memory_space<vmem>>
      %dma_wait3A_940 = tpu.memref_squeeze %dma_wait3A_939 : memref<1x8x512xi32, #tpu.memory_space<vmem>> -> memref<8x512xi32, #tpu.memory_space<vmem>>
      %dma_wait3A_941 = tpu.memref_slice %arg3[%select_n3A_894, %multiple_of3A_920, %multiple_of3A_919] : memref<16x64x4096xi32, #tpu.memory_space<hbm>> -> memref<1x8x512xi32, #tpu.memory_space<hbm>>
      %dma_wait3A_942 = tpu.memref_squeeze %dma_wait3A_941 : memref<1x8x512xi32, #tpu.memory_space<hbm>> -> memref<8x512xi32, #tpu.memory_space<hbm>>
      %dma_wait3A_943 = arith.constant 0 : i32
      %dma_wait3A_944 = arith.constant 0 : i32
      %dma_wait3A_945 = tpu.memref_slice %arg8[%select_n3A_863, %dma_wait3A_943, %dma_wait3A_944] : memref<2x8x512xi32, #tpu.memory_space<vmem>> -> memref<1x8x512xi32, #tpu.memory_space<vmem>>
      %dma_wait3A_946 = tpu.memref_squeeze %dma_wait3A_945 : memref<1x8x512xi32, #tpu.memory_space<vmem>> -> memref<8x512xi32, #tpu.memory_space<vmem>>
      %dma_wait3A_947 = tpu.memref_slice %arg3[%select_n3A_894, %multiple_of3A_920, %multiple_of3A_919] : memref<16x64x4096xi32, #tpu.memory_space<hbm>> -> memref<1x8x512xi32, #tpu.memory_space<hbm>>
      %dma_wait3A_948 = tpu.memref_squeeze %dma_wait3A_947 : memref<1x8x512xi32, #tpu.memory_space<hbm>> -> memref<8x512xi32, #tpu.memory_space<hbm>>
      tpu.wait_dma2 semaphore(%arg12 : memref<!tpu.dma_semaphore, #tpu.memory_space<semaphore_mem>>) src(%dma_wait3A_948 : memref<8x512xi32, #tpu.memory_space<hbm>>) dst(%dma_wait3A_946 : memref<8x512xi32, #tpu.memory_space<vmem>>)
      %ge3A = arith.constant 2 : i32
      %ge3A_949 = arith.cmpi sge, %scan3A_847, %ge3A : i32
      %convert_element_type3A_950 = arith.extui %ge3A_949 : i1 to i32
      %cond3A_951 = arith.constant 0 : i32
      %cond3A_952 = arith.cmpi ne, %convert_element_type3A_950, %cond3A_951 : i32
      scf.if %cond3A_952 {
        %sub3A_1023 = arith.constant 2 : i32
        %sub3A_1024 = arith.subi %scan3A_847, %sub3A_1023 : i32
        %mul3A_1025 = arith.constant 8 : i32
        %mul3A_1026 = arith.muli %add3A_422, %mul3A_1025 : i32
        %jit3A_1027 = arith.constant 64 : i32
        %div3A_1028 = arith.divsi %mul3A_1026, %jit3A_1027 : i32
        %sign3A_1029 = arith.constant 0 : i32
        %sign3A_1030 = arith.cmpi sgt, %mul3A_1026, %sign3A_1029 : i32
        %sign3A_1031 = arith.extui %sign3A_1030 : i1 to i32
        %sign3A_1032 = arith.constant 0 : i32
        %sign3A_1033 = arith.cmpi slt, %mul3A_1026, %sign3A_1032 : i32
        %sign3A_1034 = arith.extui %sign3A_1033 : i1 to i32
        %sign3A_1035 = arith.subi %sign3A_1031, %sign3A_1034 : i32
        %sign3A_1036 = arith.constant 0 : i32
        %sign3A_1037 = arith.cmpi sgt, %jit3A_1027, %sign3A_1036 : i32
        %sign3A_1038 = arith.extui %sign3A_1037 : i1 to i32
        %sign3A_1039 = arith.constant 0 : i32
        %sign3A_1040 = arith.cmpi slt, %jit3A_1027, %sign3A_1039 : i32
        %sign3A_1041 = arith.extui %sign3A_1040 : i1 to i32
        %sign3A_1042 = arith.subi %sign3A_1038, %sign3A_1041 : i32
        %ne3A_1043 = arith.cmpi ne, %sign3A_1035, %sign3A_1042 : i32
        %rem3A_1044 = arith.remsi %mul3A_1026, %jit3A_1027 : i32
        %ne3A_1045 = arith.constant 0 : i32
        %ne3A_1046 = arith.cmpi ne, %rem3A_1044, %ne3A_1045 : i32
        %and3A_1047 = arith.andi %ne3A_1043, %ne3A_1046 : i1
        %sub3A_1048 = arith.constant 1 : i32
        %sub3A_1049 = arith.subi %div3A_1028, %sub3A_1048 : i32
        %select_n3A_1050 = arith.select %and3A_1047, %sub3A_1049, %div3A_1028 : i32
        %jit3A_1051 = arith.constant 64 : i32
        %eq3A_1052 = arith.constant 0 : i32
        %eq3A_1053 = arith.cmpi eq, %jit3A_1051, %eq3A_1052 : i32
        %jit3A_1054 = arith.constant 1 : i32
        %select_n3A_1055 = arith.select %eq3A_1053, %jit3A_1054, %jit3A_1051 : i32
        %rem3A_1056 = arith.remsi %mul3A_1026, %select_n3A_1055 : i32
        %ne3A_1057 = arith.constant 0 : i32
        %ne3A_1058 = arith.cmpi ne, %rem3A_1056, %ne3A_1057 : i32
        %lt3A_1059 = arith.constant 0 : i32
        %lt3A_1060 = arith.cmpi slt, %rem3A_1056, %lt3A_1059 : i32
        %lt3A_1061 = arith.constant 0 : i32
        %lt3A_1062 = arith.cmpi slt, %select_n3A_1055, %lt3A_1061 : i32
        %ne3A_1063 = arith.xori %lt3A_1060, %lt3A_1062 : i1
        %and3A_1064 = arith.andi %ne3A_1063, %ne3A_1058 : i1
        %add3A_1065 = arith.addi %rem3A_1056, %select_n3A_1055 : i32
        %select_n3A_1066 = arith.select %and3A_1064, %add3A_1065, %rem3A_1056 : i32
        %mul3A_1067 = arith.constant 16 : i32
        %mul3A_1068 = arith.muli %sub3A_1024, %mul3A_1067 : i32
        %multiple_of3A_1069 = tpu.assume_multiple %mul3A_1068, 16 : i32
        %mul3A_1070 = arith.constant 2048 : i32
        %mul3A_1071 = arith.muli %sub3A_1024, %mul3A_1070 : i32
        %multiple_of3A_1072 = tpu.assume_multiple %mul3A_1071, 2048 : i32
        %mul3A_1073 = arith.constant 512 : i32
        %mul3A_1074 = arith.muli %sub3A_1024, %mul3A_1073 : i32
        %multiple_of3A_1075 = tpu.assume_multiple %mul3A_1074, 512 : i32
        %multiple_of3A_1076 = tpu.assume_multiple %select_n3A_1066, 8 : i32
        %dma_wait3A_1077 = arith.constant 0 : i32
        %dma_wait3A_1078 = arith.constant 0 : i32
        %dma_wait3A_1079 = tpu.memref_slice %arg9[%select_n3A_863, %dma_wait3A_1077, %dma_wait3A_1078] : memref<2x8x2048xf32, #tpu.memory_space<vmem>> -> memref<1x8x2048xf32, #tpu.memory_space<vmem>>
        %dma_wait3A_1080 = tpu.memref_squeeze %dma_wait3A_1079 : memref<1x8x2048xf32, #tpu.memory_space<vmem>> -> memref<8x2048xf32, #tpu.memory_space<vmem>>
        %dma_wait3A_1081 = tpu.memref_slice %arg6[%select_n3A_1050, %multiple_of3A_1076, %multiple_of3A_1072] : memref<16x64x16384xf32, #tpu.memory_space<hbm>> -> memref<1x8x2048xf32, #tpu.memory_space<hbm>>
        %dma_wait3A_1082 = tpu.memref_squeeze %dma_wait3A_1081 : memref<1x8x2048xf32, #tpu.memory_space<hbm>> -> memref<8x2048xf32, #tpu.memory_space<hbm>>
        %dma_wait3A_1083 = tpu.memref_slice %arg6[%select_n3A_1050, %multiple_of3A_1076, %multiple_of3A_1072] : memref<16x64x16384xf32, #tpu.memory_space<hbm>> -> memref<1x8x2048xf32, #tpu.memory_space<hbm>>
        %dma_wait3A_1084 = tpu.memref_squeeze %dma_wait3A_1083 : memref<1x8x2048xf32, #tpu.memory_space<hbm>> -> memref<8x2048xf32, #tpu.memory_space<hbm>>
        %dma_wait3A_1085 = arith.constant 0 : i32
        %dma_wait3A_1086 = arith.constant 0 : i32
        %dma_wait3A_1087 = tpu.memref_slice %arg9[%select_n3A_863, %dma_wait3A_1085, %dma_wait3A_1086] : memref<2x8x2048xf32, #tpu.memory_space<vmem>> -> memref<1x8x2048xf32, #tpu.memory_space<vmem>>
        %dma_wait3A_1088 = tpu.memref_squeeze %dma_wait3A_1087 : memref<1x8x2048xf32, #tpu.memory_space<vmem>> -> memref<8x2048xf32, #tpu.memory_space<vmem>>
        tpu.wait_dma2 semaphore(%arg13 : memref<!tpu.dma_semaphore, #tpu.memory_space<semaphore_mem>>) src(%dma_wait3A_1088 : memref<8x2048xf32, #tpu.memory_space<vmem>>) dst(%dma_wait3A_1084 : memref<8x2048xf32, #tpu.memory_space<hbm>>)
      } else {
      }
      %scan3A_953 = arith.constant 0 : i32
      %scan3A_954 = arith.constant 0 : i32
      %scan3A_955 = arith.constant 8 : i32
      %scan3A_956 = arith.addi %scan3A_954, %scan3A_955 : i32
      %scan3A_957 = arith.constant 1 : i32
      scf.for %scan3A_1023 = %scan3A_954 to %scan3A_956 step %scan3A_957  : i32 {
        %add3A_1024 = arith.constant 16 : i32
        %add3A_1025 = arith.addi %add3A_1024, %scan3A_1023 : i32
        %get3A_1026 = arith.constant 0 : i32
        %get3A_1027 = arith.index_cast %add3A_1025 : i32 to index
        %get3A_1028 = arith.index_cast %get3A_1026 : i32 to index
        %get3A_1029 = arith.constant 0 : index
        %get3A_1030 = tpu.vector_load %arg10[%get3A_1027, %get3A_1028, %get3A_1029] {strides = array<i32>} : memref<32x1x16xf32, #tpu.memory_space<vmem>>, vector<16xf32>,
        %parallel_loop3A = arith.constant 0 : i32
        %parallel_loop3A_1031 = arith.constant 16 : i32
        %parallel_loop3A_1032 = arith.constant 1 : i32
        scf.for %parallel_loop3A_1033 = %parallel_loop3A to %parallel_loop3A_1031 step %parallel_loop3A_1032  : i32 {
          %parallel_loop3A_1034 = arith.constant 32 : i32
          %parallel_loop3A_1035 = arith.muli %parallel_loop3A_1033, %parallel_loop3A_1034 : i32
          %parallel_loop3A_1036 = arith.constant 0 : i32
          %parallel_loop3A_1037 = arith.addi %parallel_loop3A_1035, %parallel_loop3A_1036 : i32
          %parallel_loop3A_1038 = arith.index_cast %select_n3A_863 : i32 to index
          %parallel_loop3A_1039 = arith.index_cast %scan3A_1023 : i32 to index
          %parallel_loop3A_1040 = arith.index_cast %parallel_loop3A_1037 : i32 to index
          %parallel_loop3A_1041 = tpu.vector_load %arg8[%parallel_loop3A_1038, %parallel_loop3A_1039, %parallel_loop3A_1040] {strides = array<i32>} : memref<2x8x512xi32, #tpu.memory_space<vmem>>, vector<16xi32>,
          %parallel_loop3A_1042 = arith.constant 31 : i32
          %parallel_loop3A_1043 = vector.broadcast %parallel_loop3A_1042 : i32 to vector<16xi32>
          %parallel_loop3A_1044 = arith.shli %parallel_loop3A_1041, %parallel_loop3A_1043 : vector<16xi32>
          %parallel_loop3A_1045 = arith.constant 0 : i32
          %parallel_loop3A_1046 = vector.broadcast %parallel_loop3A_1045 : i32 to vector<16xi32>
          %parallel_loop3A_1047 = arith.cmpi slt, %parallel_loop3A_1044, %parallel_loop3A_1046 : vector<16xi32>
          %parallel_loop3A_1048 = arith.index_cast %select_n3A_863 : i32 to index
          %parallel_loop3A_1049 = arith.index_cast %scan3A_1023 : i32 to index
          %parallel_loop3A_1050 = arith.index_cast %parallel_loop3A_1033 : i32 to index
          %parallel_loop3A_1051 = arith.constant 0 : index
          %parallel_loop3A_1052 = tpu.vector_load %arg7[%parallel_loop3A_1048, %parallel_loop3A_1049, %parallel_loop3A_1050, %parallel_loop3A_1051] {strides = array<i32>} : memref<2x8x16x128xf32, #tpu.memory_space<vmem>>, vector<16xf32>,
          %parallel_loop3A_1053 = vector.broadcast %squeeze3A : f32 to vector<16xf32>
          %parallel_loop3A_1054 = arith.mulf %parallel_loop3A_1053, %parallel_loop3A_1052 : vector<16xf32>
          %parallel_loop3A_1055 = arith.subf %get3A_1030, %parallel_loop3A_1054 : vector<16xf32>
          %parallel_loop3A_1056 = vector.broadcast %scan3A_503 : f32 to vector<16xf32>
          %parallel_loop3A_1057 = arith.select %parallel_loop3A_1047, %parallel_loop3A_1055, %parallel_loop3A_1056 : vector<16xi1>, vector<16xf32>
          %parallel_loop3A_1058 = arith.constant 128 : i32
          %parallel_loop3A_1059 = arith.muli %parallel_loop3A_1033, %parallel_loop3A_1058 : i32
          %parallel_loop3A_1060 = arith.constant 0 : i32
          %parallel_loop3A_1061 = arith.addi %parallel_loop3A_1059, %parallel_loop3A_1060 : i32
          %parallel_loop3A_1062 = arith.index_cast %select_n3A_863 : i32 to index
          %parallel_loop3A_1063 = arith.index_cast %scan3A_1023 : i32 to index
          %parallel_loop3A_1064 = arith.index_cast %parallel_loop3A_1061 : i32 to index
          %parallel_loop3A_1065 = tpu.vector_load %arg9[%parallel_loop3A_1062, %parallel_loop3A_1063, %parallel_loop3A_1064] {strides = array<i32>} : memref<2x8x2048xf32, #tpu.memory_space<vmem>>, vector<16xf32>,
          tpu.vector_store %arg9[%parallel_loop3A_1062, %parallel_loop3A_1063, %parallel_loop3A_1064], %parallel_loop3A_1057 {strides = array<i32>} : memref<2x8x2048xf32, #tpu.memory_space<vmem>>, vector<16xf32>,
          %parallel_loop3A_1066 = arith.constant 23 : i32
          %parallel_loop3A_1067 = vector.broadcast %parallel_loop3A_1066 : i32 to vector<16xi32>
          %parallel_loop3A_1068 = arith.shli %parallel_loop3A_1041, %parallel_loop3A_1067 : vector<16xi32>
          %parallel_loop3A_1069 = arith.constant 0 : i32
          %parallel_loop3A_1070 = vector.broadcast %parallel_loop3A_1069 : i32 to vector<16xi32>
          %parallel_loop3A_1071 = arith.cmpi slt, %parallel_loop3A_1068, %parallel_loop3A_1070 : vector<16xi32>
          %parallel_loop3A_1072 = arith.index_cast %select_n3A_863 : i32 to index
          %parallel_loop3A_1073 = arith.index_cast %scan3A_1023 : i32 to index
          %parallel_loop3A_1074 = arith.index_cast %parallel_loop3A_1033 : i32 to index
          %parallel_loop3A_1075 = arith.constant 16 : index
          %parallel_loop3A_1076 = tpu.vector_load %arg7[%parallel_loop3A_1072, %parallel_loop3A_1073, %parallel_loop3A_1074, %parallel_loop3A_1075] {strides = array<i32>} : memref<2x8x16x128xf32, #tpu.memory_space<vmem>>, vector<16xf32>,
          %parallel_loop3A_1077 = vector.broadcast %squeeze3A : f32 to vector<16xf32>
          %parallel_loop3A_1078 = arith.mulf %parallel_loop3A_1077, %parallel_loop3A_1076 : vector<16xf32>
          %parallel_loop3A_1079 = arith.subf %get3A_1030, %parallel_loop3A_1078 : vector<16xf32>
          %parallel_loop3A_1080 = vector.broadcast %scan3A_503 : f32 to vector<16xf32>
          %parallel_loop3A_1081 = arith.select %parallel_loop3A_1071, %parallel_loop3A_1079, %parallel_loop3A_1080 : vector<16xi1>, vector<16xf32>
          %parallel_loop3A_1082 = arith.constant 128 : i32
          %parallel_loop3A_1083 = arith.muli %parallel_loop3A_1033, %parallel_loop3A_1082 : i32
          %parallel_loop3A_1084 = arith.constant 16 : i32
          %parallel_loop3A_1085 = arith.addi %parallel_loop3A_1083, %parallel_loop3A_1084 : i32
          %parallel_loop3A_1086 = arith.index_cast %select_n3A_863 : i32 to index
          %parallel_loop3A_1087 = arith.index_cast %scan3A_1023 : i32 to index
          %parallel_loop3A_1088 = arith.index_cast %parallel_loop3A_1085 : i32 to index
          %parallel_loop3A_1089 = tpu.vector_load %arg9[%parallel_loop3A_1086, %parallel_loop3A_1087, %parallel_loop3A_1088] {strides = array<i32>} : memref<2x8x2048xf32, #tpu.memory_space<vmem>>, vector<16xf32>,
          tpu.vector_store %arg9[%parallel_loop3A_1086, %parallel_loop3A_1087, %parallel_loop3A_1088], %parallel_loop3A_1081 {strides = array<i32>} : memref<2x8x2048xf32, #tpu.memory_space<vmem>>, vector<16xf32>,
          %parallel_loop3A_1090 = arith.constant 15 : i32
          %parallel_loop3A_1091 = vector.broadcast %parallel_loop3A_1090 : i32 to vector<16xi32>
          %parallel_loop3A_1092 = arith.shli %parallel_loop3A_1041, %parallel_loop3A_1091 : vector<16xi32>
          %parallel_loop3A_1093 = arith.constant 0 : i32
          %parallel_loop3A_1094 = vector.broadcast %parallel_loop3A_1093 : i32 to vector<16xi32>
          %parallel_loop3A_1095 = arith.cmpi slt, %parallel_loop3A_1092, %parallel_loop3A_1094 : vector<16xi32>
          %parallel_loop3A_1096 = arith.index_cast %select_n3A_863 : i32 to index
          %parallel_loop3A_1097 = arith.index_cast %scan3A_1023 : i32 to index
          %parallel_loop3A_1098 = arith.index_cast %parallel_loop3A_1033 : i32 to index
          %parallel_loop3A_1099 = arith.constant 32 : index
          %parallel_loop3A_1100 = tpu.vector_load %arg7[%parallel_loop3A_1096, %parallel_loop3A_1097, %parallel_loop3A_1098, %parallel_loop3A_1099] {strides = array<i32>} : memref<2x8x16x128xf32, #tpu.memory_space<vmem>>, vector<16xf32>,
          %parallel_loop3A_1101 = vector.broadcast %squeeze3A : f32 to vector<16xf32>
          %parallel_loop3A_1102 = arith.mulf %parallel_loop3A_1101, %parallel_loop3A_1100 : vector<16xf32>
          %parallel_loop3A_1103 = arith.subf %get3A_1030, %parallel_loop3A_1102 : vector<16xf32>
          %parallel_loop3A_1104 = vector.broadcast %scan3A_503 : f32 to vector<16xf32>
          %parallel_loop3A_1105 = arith.select %parallel_loop3A_1095, %parallel_loop3A_1103, %parallel_loop3A_1104 : vector<16xi1>, vector<16xf32>
          %parallel_loop3A_1106 = arith.constant 128 : i32
          %parallel_loop3A_1107 = arith.muli %parallel_loop3A_1033, %parallel_loop3A_1106 : i32
          %parallel_loop3A_1108 = arith.constant 32 : i32
          %parallel_loop3A_1109 = arith.addi %parallel_loop3A_1107, %parallel_loop3A_1108 : i32
          %parallel_loop3A_1110 = arith.index_cast %select_n3A_863 : i32 to index
          %parallel_loop3A_1111 = arith.index_cast %scan3A_1023 : i32 to index
          %parallel_loop3A_1112 = arith.index_cast %parallel_loop3A_1109 : i32 to index
          %parallel_loop3A_1113 = tpu.vector_load %arg9[%parallel_loop3A_1110, %parallel_loop3A_1111, %parallel_loop3A_1112] {strides = array<i32>} : memref<2x8x2048xf32, #tpu.memory_space<vmem>>, vector<16xf32>,
          tpu.vector_store %arg9[%parallel_loop3A_1110, %parallel_loop3A_1111, %parallel_loop3A_1112], %parallel_loop3A_1105 {strides = array<i32>} : memref<2x8x2048xf32, #tpu.memory_space<vmem>>, vector<16xf32>,
          %parallel_loop3A_1114 = arith.constant 7 : i32
          %parallel_loop3A_1115 = vector.broadcast %parallel_loop3A_1114 : i32 to vector<16xi32>
          %parallel_loop3A_1116 = arith.shli %parallel_loop3A_1041, %parallel_loop3A_1115 : vector<16xi32>
          %parallel_loop3A_1117 = arith.constant 0 : i32
          %parallel_loop3A_1118 = vector.broadcast %parallel_loop3A_1117 : i32 to vector<16xi32>
          %parallel_loop3A_1119 = arith.cmpi slt, %parallel_loop3A_1116, %parallel_loop3A_1118 : vector<16xi32>
          %parallel_loop3A_1120 = arith.index_cast %select_n3A_863 : i32 to index
          %parallel_loop3A_1121 = arith.index_cast %scan3A_1023 : i32 to index
          %parallel_loop3A_1122 = arith.index_cast %parallel_loop3A_1033 : i32 to index
          %parallel_loop3A_1123 = arith.constant 48 : index
          %parallel_loop3A_1124 = tpu.vector_load %arg7[%parallel_loop3A_1120, %parallel_loop3A_1121, %parallel_loop3A_1122, %parallel_loop3A_1123] {strides = array<i32>} : memref<2x8x16x128xf32, #tpu.memory_space<vmem>>, vector<16xf32>,
          %parallel_loop3A_1125 = vector.broadcast %squeeze3A : f32 to vector<16xf32>
          %parallel_loop3A_1126 = arith.mulf %parallel_loop3A_1125, %parallel_loop3A_1124 : vector<16xf32>
          %parallel_loop3A_1127 = arith.subf %get3A_1030, %parallel_loop3A_1126 : vector<16xf32>
          %parallel_loop3A_1128 = vector.broadcast %scan3A_503 : f32 to vector<16xf32>
          %parallel_loop3A_1129 = arith.select %parallel_loop3A_1119, %parallel_loop3A_1127, %parallel_loop3A_1128 : vector<16xi1>, vector<16xf32>
          %parallel_loop3A_1130 = arith.constant 128 : i32
          %parallel_loop3A_1131 = arith.muli %parallel_loop3A_1033, %parallel_loop3A_1130 : i32
          %parallel_loop3A_1132 = arith.constant 48 : i32
          %parallel_loop3A_1133 = arith.addi %parallel_loop3A_1131, %parallel_loop3A_1132 : i32
          %parallel_loop3A_1134 = arith.index_cast %select_n3A_863 : i32 to index
          %parallel_loop3A_1135 = arith.index_cast %scan3A_1023 : i32 to index
          %parallel_loop3A_1136 = arith.index_cast %parallel_loop3A_1133 : i32 to index
          %parallel_loop3A_1137 = tpu.vector_load %arg9[%parallel_loop3A_1134, %parallel_loop3A_1135, %parallel_loop3A_1136] {strides = array<i32>} : memref<2x8x2048xf32, #tpu.memory_space<vmem>>, vector<16xf32>,
          tpu.vector_store %arg9[%parallel_loop3A_1134, %parallel_loop3A_1135, %parallel_loop3A_1136], %parallel_loop3A_1129 {strides = array<i32>} : memref<2x8x2048xf32, #tpu.memory_space<vmem>>, vector<16xf32>,
          %parallel_loop3A_1138 = arith.constant 32 : i32
          %parallel_loop3A_1139 = arith.muli %parallel_loop3A_1033, %parallel_loop3A_1138 : i32
          %parallel_loop3A_1140 = arith.constant 16 : i32
          %parallel_loop3A_1141 = arith.addi %parallel_loop3A_1139, %parallel_loop3A_1140 : i32
          %parallel_loop3A_1142 = arith.index_cast %select_n3A_863 : i32 to index
          %parallel_loop3A_1143 = arith.index_cast %scan3A_1023 : i32 to index
          %parallel_loop3A_1144 = arith.index_cast %parallel_loop3A_1141 : i32 to index
          %parallel_loop3A_1145 = tpu.vector_load %arg8[%parallel_loop3A_1142, %parallel_loop3A_1143, %parallel_loop3A_1144] {strides = array<i32>} : memref<2x8x512xi32, #tpu.memory_space<vmem>>, vector<16xi32>,
          %parallel_loop3A_1146 = arith.constant 31 : i32
          %parallel_loop3A_1147 = vector.broadcast %parallel_loop3A_1146 : i32 to vector<16xi32>
          %parallel_loop3A_1148 = arith.shli %parallel_loop3A_1145, %parallel_loop3A_1147 : vector<16xi32>
          %parallel_loop3A_1149 = arith.constant 0 : i32
          %parallel_loop3A_1150 = vector.broadcast %parallel_loop3A_1149 : i32 to vector<16xi32>
          %parallel_loop3A_1151 = arith.cmpi slt, %parallel_loop3A_1148, %parallel_loop3A_1150 : vector<16xi32>
          %parallel_loop3A_1152 = arith.index_cast %select_n3A_863 : i32 to index
          %parallel_loop3A_1153 = arith.index_cast %scan3A_1023 : i32 to index
          %parallel_loop3A_1154 = arith.index_cast %parallel_loop3A_1033 : i32 to index
          %parallel_loop3A_1155 = arith.constant 64 : index
          %parallel_loop3A_1156 = tpu.vector_load %arg7[%parallel_loop3A_1152, %parallel_loop3A_1153, %parallel_loop3A_1154, %parallel_loop3A_1155] {strides = array<i32>} : memref<2x8x16x128xf32, #tpu.memory_space<vmem>>, vector<16xf32>,
          %parallel_loop3A_1157 = vector.broadcast %squeeze3A : f32 to vector<16xf32>
          %parallel_loop3A_1158 = arith.mulf %parallel_loop3A_1157, %parallel_loop3A_1156 : vector<16xf32>
          %parallel_loop3A_1159 = arith.subf %get3A_1030, %parallel_loop3A_1158 : vector<16xf32>
          %parallel_loop3A_1160 = vector.broadcast %scan3A_503 : f32 to vector<16xf32>
          %parallel_loop3A_1161 = arith.select %parallel_loop3A_1151, %parallel_loop3A_1159, %parallel_loop3A_1160 : vector<16xi1>, vector<16xf32>
          %parallel_loop3A_1162 = arith.constant 128 : i32
          %parallel_loop3A_1163 = arith.muli %parallel_loop3A_1033, %parallel_loop3A_1162 : i32
          %parallel_loop3A_1164 = arith.constant 64 : i32
          %parallel_loop3A_1165 = arith.addi %parallel_loop3A_1163, %parallel_loop3A_1164 : i32
          %parallel_loop3A_1166 = arith.index_cast %select_n3A_863 : i32 to index
          %parallel_loop3A_1167 = arith.index_cast %scan3A_1023 : i32 to index
          %parallel_loop3A_1168 = arith.index_cast %parallel_loop3A_1165 : i32 to index
          %parallel_loop3A_1169 = tpu.vector_load %arg9[%parallel_loop3A_1166, %parallel_loop3A_1167, %parallel_loop3A_1168] {strides = array<i32>} : memref<2x8x2048xf32, #tpu.memory_space<vmem>>, vector<16xf32>,
          tpu.vector_store %arg9[%parallel_loop3A_1166, %parallel_loop3A_1167, %parallel_loop3A_1168], %parallel_loop3A_1161 {strides = array<i32>} : memref<2x8x2048xf32, #tpu.memory_space<vmem>>, vector<16xf32>,
          %parallel_loop3A_1170 = arith.constant 23 : i32
          %parallel_loop3A_1171 = vector.broadcast %parallel_loop3A_1170 : i32 to vector<16xi32>
          %parallel_loop3A_1172 = arith.shli %parallel_loop3A_1145, %parallel_loop3A_1171 : vector<16xi32>
          %parallel_loop3A_1173 = arith.constant 0 : i32
          %parallel_loop3A_1174 = vector.broadcast %parallel_loop3A_1173 : i32 to vector<16xi32>
          %parallel_loop3A_1175 = arith.cmpi slt, %parallel_loop3A_1172, %parallel_loop3A_1174 : vector<16xi32>
          %parallel_loop3A_1176 = arith.index_cast %select_n3A_863 : i32 to index
          %parallel_loop3A_1177 = arith.index_cast %scan3A_1023 : i32 to index
          %parallel_loop3A_1178 = arith.index_cast %parallel_loop3A_1033 : i32 to index
          %parallel_loop3A_1179 = arith.constant 80 : index
          %parallel_loop3A_1180 = tpu.vector_load %arg7[%parallel_loop3A_1176, %parallel_loop3A_1177, %parallel_loop3A_1178, %parallel_loop3A_1179] {strides = array<i32>} : memref<2x8x16x128xf32, #tpu.memory_space<vmem>>, vector<16xf32>,
          %parallel_loop3A_1181 = vector.broadcast %squeeze3A : f32 to vector<16xf32>
          %parallel_loop3A_1182 = arith.mulf %parallel_loop3A_1181, %parallel_loop3A_1180 : vector<16xf32>
          %parallel_loop3A_1183 = arith.subf %get3A_1030, %parallel_loop3A_1182 : vector<16xf32>
          %parallel_loop3A_1184 = vector.broadcast %scan3A_503 : f32 to vector<16xf32>
          %parallel_loop3A_1185 = arith.select %parallel_loop3A_1175, %parallel_loop3A_1183, %parallel_loop3A_1184 : vector<16xi1>, vector<16xf32>
          %parallel_loop3A_1186 = arith.constant 128 : i32
          %parallel_loop3A_1187 = arith.muli %parallel_loop3A_1033, %parallel_loop3A_1186 : i32
          %parallel_loop3A_1188 = arith.constant 80 : i32
          %parallel_loop3A_1189 = arith.addi %parallel_loop3A_1187, %parallel_loop3A_1188 : i32
          %parallel_loop3A_1190 = arith.index_cast %select_n3A_863 : i32 to index
          %parallel_loop3A_1191 = arith.index_cast %scan3A_1023 : i32 to index
          %parallel_loop3A_1192 = arith.index_cast %parallel_loop3A_1189 : i32 to index
          %parallel_loop3A_1193 = tpu.vector_load %arg9[%parallel_loop3A_1190, %parallel_loop3A_1191, %parallel_loop3A_1192] {strides = array<i32>} : memref<2x8x2048xf32, #tpu.memory_space<vmem>>, vector<16xf32>,
          tpu.vector_store %arg9[%parallel_loop3A_1190, %parallel_loop3A_1191, %parallel_loop3A_1192], %parallel_loop3A_1185 {strides = array<i32>} : memref<2x8x2048xf32, #tpu.memory_space<vmem>>, vector<16xf32>,
          %parallel_loop3A_1194 = arith.constant 15 : i32
          %parallel_loop3A_1195 = vector.broadcast %parallel_loop3A_1194 : i32 to vector<16xi32>
          %parallel_loop3A_1196 = arith.shli %parallel_loop3A_1145, %parallel_loop3A_1195 : vector<16xi32>
          %parallel_loop3A_1197 = arith.constant 0 : i32
          %parallel_loop3A_1198 = vector.broadcast %parallel_loop3A_1197 : i32 to vector<16xi32>
          %parallel_loop3A_1199 = arith.cmpi slt, %parallel_loop3A_1196, %parallel_loop3A_1198 : vector<16xi32>
          %parallel_loop3A_1200 = arith.index_cast %select_n3A_863 : i32 to index
          %parallel_loop3A_1201 = arith.index_cast %scan3A_1023 : i32 to index
          %parallel_loop3A_1202 = arith.index_cast %parallel_loop3A_1033 : i32 to index
          %parallel_loop3A_1203 = arith.constant 96 : index
          %parallel_loop3A_1204 = tpu.vector_load %arg7[%parallel_loop3A_1200, %parallel_loop3A_1201, %parallel_loop3A_1202, %parallel_loop3A_1203] {strides = array<i32>} : memref<2x8x16x128xf32, #tpu.memory_space<vmem>>, vector<16xf32>,
          %parallel_loop3A_1205 = vector.broadcast %squeeze3A : f32 to vector<16xf32>
          %parallel_loop3A_1206 = arith.mulf %parallel_loop3A_1205, %parallel_loop3A_1204 : vector<16xf32>
          %parallel_loop3A_1207 = arith.subf %get3A_1030, %parallel_loop3A_1206 : vector<16xf32>
          %parallel_loop3A_1208 = vector.broadcast %scan3A_503 : f32 to vector<16xf32>
          %parallel_loop3A_1209 = arith.select %parallel_loop3A_1199, %parallel_loop3A_1207, %parallel_loop3A_1208 : vector<16xi1>, vector<16xf32>
          %parallel_loop3A_1210 = arith.constant 128 : i32
          %parallel_loop3A_1211 = arith.muli %parallel_loop3A_1033, %parallel_loop3A_1210 : i32
          %parallel_loop3A_1212 = arith.constant 96 : i32
          %parallel_loop3A_1213 = arith.addi %parallel_loop3A_1211, %parallel_loop3A_1212 : i32
          %parallel_loop3A_1214 = arith.index_cast %select_n3A_863 : i32 to index
          %parallel_loop3A_1215 = arith.index_cast %scan3A_1023 : i32 to index
          %parallel_loop3A_1216 = arith.index_cast %parallel_loop3A_1213 : i32 to index
          %parallel_loop3A_1217 = tpu.vector_load %arg9[%parallel_loop3A_1214, %parallel_loop3A_1215, %parallel_loop3A_1216] {strides = array<i32>} : memref<2x8x2048xf32, #tpu.memory_space<vmem>>, vector<16xf32>,
          tpu.vector_store %arg9[%parallel_loop3A_1214, %parallel_loop3A_1215, %parallel_loop3A_1216], %parallel_loop3A_1209 {strides = array<i32>} : memref<2x8x2048xf32, #tpu.memory_space<vmem>>, vector<16xf32>,
          %parallel_loop3A_1218 = arith.constant 7 : i32
          %parallel_loop3A_1219 = vector.broadcast %parallel_loop3A_1218 : i32 to vector<16xi32>
          %parallel_loop3A_1220 = arith.shli %parallel_loop3A_1145, %parallel_loop3A_1219 : vector<16xi32>
          %parallel_loop3A_1221 = arith.constant 0 : i32
          %parallel_loop3A_1222 = vector.broadcast %parallel_loop3A_1221 : i32 to vector<16xi32>
          %parallel_loop3A_1223 = arith.cmpi slt, %parallel_loop3A_1220, %parallel_loop3A_1222 : vector<16xi32>
          %parallel_loop3A_1224 = arith.index_cast %select_n3A_863 : i32 to index
          %parallel_loop3A_1225 = arith.index_cast %scan3A_1023 : i32 to index
          %parallel_loop3A_1226 = arith.index_cast %parallel_loop3A_1033 : i32 to index
          %parallel_loop3A_1227 = arith.constant 112 : index
          %parallel_loop3A_1228 = tpu.vector_load %arg7[%parallel_loop3A_1224, %parallel_loop3A_1225, %parallel_loop3A_1226, %parallel_loop3A_1227] {strides = array<i32>} : memref<2x8x16x128xf32, #tpu.memory_space<vmem>>, vector<16xf32>,
          %parallel_loop3A_1229 = vector.broadcast %squeeze3A : f32 to vector<16xf32>
          %parallel_loop3A_1230 = arith.mulf %parallel_loop3A_1229, %parallel_loop3A_1228 : vector<16xf32>
          %parallel_loop3A_1231 = arith.subf %get3A_1030, %parallel_loop3A_1230 : vector<16xf32>
          %parallel_loop3A_1232 = vector.broadcast %scan3A_503 : f32 to vector<16xf32>
          %parallel_loop3A_1233 = arith.select %parallel_loop3A_1223, %parallel_loop3A_1231, %parallel_loop3A_1232 : vector<16xi1>, vector<16xf32>
          %parallel_loop3A_1234 = arith.constant 128 : i32
          %parallel_loop3A_1235 = arith.muli %parallel_loop3A_1033, %parallel_loop3A_1234 : i32
          %parallel_loop3A_1236 = arith.constant 112 : i32
          %parallel_loop3A_1237 = arith.addi %parallel_loop3A_1235, %parallel_loop3A_1236 : i32
          %parallel_loop3A_1238 = arith.index_cast %select_n3A_863 : i32 to index
          %parallel_loop3A_1239 = arith.index_cast %scan3A_1023 : i32 to index
          %parallel_loop3A_1240 = arith.index_cast %parallel_loop3A_1237 : i32 to index
          %parallel_loop3A_1241 = tpu.vector_load %arg9[%parallel_loop3A_1238, %parallel_loop3A_1239, %parallel_loop3A_1240] {strides = array<i32>} : memref<2x8x2048xf32, #tpu.memory_space<vmem>>, vector<16xf32>,
          tpu.vector_store %arg9[%parallel_loop3A_1238, %parallel_loop3A_1239, %parallel_loop3A_1240], %parallel_loop3A_1233 {strides = array<i32>} : memref<2x8x2048xf32, #tpu.memory_space<vmem>>, vector<16xf32>,
        } {sc.loop_unroll_factor = 4 : i64, sc.parallel_access}
      }
      %scan3A_958 = arith.constant 8 : i32
      %mul3A_959 = arith.constant 8 : i32
      %mul3A_960 = arith.muli %add3A_422, %mul3A_959 : i32
      %jit3A_961 = arith.constant 64 : i32
      %div3A_962 = arith.divsi %mul3A_960, %jit3A_961 : i32
      %sign3A_963 = arith.constant 0 : i32
      %sign3A_964 = arith.cmpi sgt, %mul3A_960, %sign3A_963 : i32
      %sign3A_965 = arith.extui %sign3A_964 : i1 to i32
      %sign3A_966 = arith.constant 0 : i32
      %sign3A_967 = arith.cmpi slt, %mul3A_960, %sign3A_966 : i32
      %sign3A_968 = arith.extui %sign3A_967 : i1 to i32
      %sign3A_969 = arith.subi %sign3A_965, %sign3A_968 : i32
      %sign3A_970 = arith.constant 0 : i32
      %sign3A_971 = arith.cmpi sgt, %jit3A_961, %sign3A_970 : i32
      %sign3A_972 = arith.extui %sign3A_971 : i1 to i32
      %sign3A_973 = arith.constant 0 : i32
      %sign3A_974 = arith.cmpi slt, %jit3A_961, %sign3A_973 : i32
      %sign3A_975 = arith.extui %sign3A_974 : i1 to i32
      %sign3A_976 = arith.subi %sign3A_972, %sign3A_975 : i32
      %ne3A_977 = arith.cmpi ne, %sign3A_969, %sign3A_976 : i32
      %rem3A_978 = arith.remsi %mul3A_960, %jit3A_961 : i32
      %ne3A_979 = arith.constant 0 : i32
      %ne3A_980 = arith.cmpi ne, %rem3A_978, %ne3A_979 : i32
      %and3A_981 = arith.andi %ne3A_977, %ne3A_980 : i1
      %sub3A_982 = arith.constant 1 : i32
      %sub3A_983 = arith.subi %div3A_962, %sub3A_982 : i32
      %select_n3A_984 = arith.select %and3A_981, %sub3A_983, %div3A_962 : i32
      %jit3A_985 = arith.constant 64 : i32
      %eq3A_986 = arith.constant 0 : i32
      %eq3A_987 = arith.cmpi eq, %jit3A_985, %eq3A_986 : i32
      %jit3A_988 = arith.constant 1 : i32
      %select_n3A_989 = arith.select %eq3A_987, %jit3A_988, %jit3A_985 : i32
      %rem3A_990 = arith.remsi %mul3A_960, %select_n3A_989 : i32
      %ne3A_991 = arith.constant 0 : i32
      %ne3A_992 = arith.cmpi ne, %rem3A_990, %ne3A_991 : i32
      %lt3A_993 = arith.constant 0 : i32
      %lt3A_994 = arith.cmpi slt, %rem3A_990, %lt3A_993 : i32
      %lt3A_995 = arith.constant 0 : i32
      %lt3A_996 = arith.cmpi slt, %select_n3A_989, %lt3A_995 : i32
      %ne3A_997 = arith.xori %lt3A_994, %lt3A_996 : i1
      %and3A_998 = arith.andi %ne3A_997, %ne3A_992 : i1
      %add3A_999 = arith.addi %rem3A_990, %select_n3A_989 : i32
      %select_n3A_1000 = arith.select %and3A_998, %add3A_999, %rem3A_990 : i32
      %mul3A_1001 = arith.constant 16 : i32
      %mul3A_1002 = arith.muli %scan3A_847, %mul3A_1001 : i32
      %multiple_of3A_1003 = tpu.assume_multiple %mul3A_1002, 16 : i32
      %mul3A_1004 = arith.constant 2048 : i32
      %mul3A_1005 = arith.muli %scan3A_847, %mul3A_1004 : i32
      %multiple_of3A_1006 = tpu.assume_multiple %mul3A_1005, 2048 : i32
      %mul3A_1007 = arith.constant 512 : i32
      %mul3A_1008 = arith.muli %scan3A_847, %mul3A_1007 : i32
      %multiple_of3A_1009 = tpu.assume_multiple %mul3A_1008, 512 : i32
      %multiple_of3A_1010 = tpu.assume_multiple %select_n3A_1000, 8 : i32
      %dma_start3A_1011 = arith.constant 0 : i32
      %dma_start3A_1012 = arith.constant 0 : i32
      %dma_start3A_1013 = tpu.memref_slice %arg9[%select_n3A_863, %dma_start3A_1011, %dma_start3A_1012] : memref<2x8x2048xf32, #tpu.memory_space<vmem>> -> memref<1x8x2048xf32, #tpu.memory_space<vmem>>
      %dma_start3A_1014 = tpu.memref_squeeze %dma_start3A_1013 : memref<1x8x2048xf32, #tpu.memory_space<vmem>> -> memref<8x2048xf32, #tpu.memory_space<vmem>>
      %dma_start3A_1015 = tpu.memref_slice %arg6[%select_n3A_984, %multiple_of3A_1010, %multiple_of3A_1006] : memref<16x64x16384xf32, #tpu.memory_space<hbm>> -> memref<1x8x2048xf32, #tpu.memory_space<hbm>>
      %dma_start3A_1016 = tpu.memref_squeeze %dma_start3A_1015 : memref<1x8x2048xf32, #tpu.memory_space<hbm>> -> memref<8x2048xf32, #tpu.memory_space<hbm>>
      %dma_start3A_1017 = tpu.memref_slice %arg6[%select_n3A_984, %multiple_of3A_1010, %multiple_of3A_1006] : memref<16x64x16384xf32, #tpu.memory_space<hbm>> -> memref<1x8x2048xf32, #tpu.memory_space<hbm>>
      %dma_start3A_1018 = tpu.memref_squeeze %dma_start3A_1017 : memref<1x8x2048xf32, #tpu.memory_space<hbm>> -> memref<8x2048xf32, #tpu.memory_space<hbm>>
      %dma_start3A_1019 = arith.constant 0 : i32
      %dma_start3A_1020 = arith.constant 0 : i32
      %dma_start3A_1021 = tpu.memref_slice %arg9[%select_n3A_863, %dma_start3A_1019, %dma_start3A_1020] : memref<2x8x2048xf32, #tpu.memory_space<vmem>> -> memref<1x8x2048xf32, #tpu.memory_space<vmem>>
      %dma_start3A_1022 = tpu.memref_squeeze %dma_start3A_1021 : memref<1x8x2048xf32, #tpu.memory_space<vmem>> -> memref<8x2048xf32, #tpu.memory_space<vmem>>
      tpu.enqueue_dma source(%dma_start3A_1022 : memref<8x2048xf32, #tpu.memory_space<vmem>>) target(%dma_start3A_1018 : memref<8x2048xf32, #tpu.memory_space<hbm>>) target_semaphore(%arg13 : memref<!tpu.dma_semaphore, #tpu.memory_space<semaphore_mem>>)
    }
    %scan3A_508 = arith.constant 8 : i32
    %mul3A_509 = arith.constant 8 : i32
    %mul3A_510 = arith.muli %add3A_422, %mul3A_509 : i32
    %jit3A_511 = arith.constant 64 : i32
    %div3A_512 = arith.divsi %mul3A_510, %jit3A_511 : i32
    %sign3A_513 = arith.constant 0 : i32
    %sign3A_514 = arith.cmpi sgt, %mul3A_510, %sign3A_513 : i32
    %sign3A_515 = arith.extui %sign3A_514 : i1 to i32
    %sign3A_516 = arith.constant 0 : i32
    %sign3A_517 = arith.cmpi slt, %mul3A_510, %sign3A_516 : i32
    %sign3A_518 = arith.extui %sign3A_517 : i1 to i32
    %sign3A_519 = arith.subi %sign3A_515, %sign3A_518 : i32
    %sign3A_520 = arith.constant 0 : i32
    %sign3A_521 = arith.cmpi sgt, %jit3A_511, %sign3A_520 : i32
    %sign3A_522 = arith.extui %sign3A_521 : i1 to i32
    %sign3A_523 = arith.constant 0 : i32
    %sign3A_524 = arith.cmpi slt, %jit3A_511, %sign3A_523 : i32
    %sign3A_525 = arith.extui %sign3A_524 : i1 to i32
    %sign3A_526 = arith.subi %sign3A_522, %sign3A_525 : i32
    %ne3A_527 = arith.cmpi ne, %sign3A_519, %sign3A_526 : i32
    %rem3A_528 = arith.remsi %mul3A_510, %jit3A_511 : i32
    %ne3A_529 = arith.constant 0 : i32
    %ne3A_530 = arith.cmpi ne, %rem3A_528, %ne3A_529 : i32
    %and3A_531 = arith.andi %ne3A_527, %ne3A_530 : i1
    %sub3A_532 = arith.constant 1 : i32
    %sub3A_533 = arith.subi %div3A_512, %sub3A_532 : i32
    %select_n3A_534 = arith.select %and3A_531, %sub3A_533, %div3A_512 : i32
    %jit3A_535 = arith.constant 64 : i32
    %eq3A_536 = arith.constant 0 : i32
    %eq3A_537 = arith.cmpi eq, %jit3A_535, %eq3A_536 : i32
    %jit3A_538 = arith.constant 1 : i32
    %select_n3A_539 = arith.select %eq3A_537, %jit3A_538, %jit3A_535 : i32
    %rem3A_540 = arith.remsi %mul3A_510, %select_n3A_539 : i32
    %ne3A_541 = arith.constant 0 : i32
    %ne3A_542 = arith.cmpi ne, %rem3A_540, %ne3A_541 : i32
    %lt3A_543 = arith.constant 0 : i32
    %lt3A_544 = arith.cmpi slt, %rem3A_540, %lt3A_543 : i32
    %lt3A_545 = arith.constant 0 : i32
    %lt3A_546 = arith.cmpi slt, %select_n3A_539, %lt3A_545 : i32
    %ne3A_547 = arith.xori %lt3A_544, %lt3A_546 : i1
    %and3A_548 = arith.andi %ne3A_547, %ne3A_542 : i1
    %add3A_549 = arith.addi %rem3A_540, %select_n3A_539 : i32
    %select_n3A_550 = arith.select %and3A_548, %add3A_549, %rem3A_540 : i32
    %multiple_of3A_551 = arith.constant 96 : i32
    %multiple_of3A_552 = tpu.assume_multiple %multiple_of3A_551, 16 : i32
    %multiple_of3A_553 = arith.constant 12288 : i32
    %multiple_of3A_554 = tpu.assume_multiple %multiple_of3A_553, 2048 : i32
    %multiple_of3A_555 = arith.constant 3072 : i32
    %multiple_of3A_556 = tpu.assume_multiple %multiple_of3A_555, 512 : i32
    %multiple_of3A_557 = tpu.assume_multiple %select_n3A_550, 8 : i32
    %dma_wait3A_558 = arith.constant 0 : i32
    %dma_wait3A_559 = arith.constant 0 : i32
    %dma_wait3A_560 = arith.constant 0 : i32
    %dma_wait3A_561 = tpu.memref_slice %arg9[%dma_wait3A_558, %dma_wait3A_559, %dma_wait3A_560] : memref<2x8x2048xf32, #tpu.memory_space<vmem>> -> memref<1x8x2048xf32, #tpu.memory_space<vmem>>
    %dma_wait3A_562 = tpu.memref_squeeze %dma_wait3A_561 : memref<1x8x2048xf32, #tpu.memory_space<vmem>> -> memref<8x2048xf32, #tpu.memory_space<vmem>>
    %dma_wait3A_563 = tpu.memref_slice %arg6[%select_n3A_534, %multiple_of3A_557, %multiple_of3A_554] : memref<16x64x16384xf32, #tpu.memory_space<hbm>> -> memref<1x8x2048xf32, #tpu.memory_space<hbm>>
    %dma_wait3A_564 = tpu.memref_squeeze %dma_wait3A_563 : memref<1x8x2048xf32, #tpu.memory_space<hbm>> -> memref<8x2048xf32, #tpu.memory_space<hbm>>
    %dma_wait3A_565 = tpu.memref_slice %arg6[%select_n3A_534, %multiple_of3A_557, %multiple_of3A_554] : memref<16x64x16384xf32, #tpu.memory_space<hbm>> -> memref<1x8x2048xf32, #tpu.memory_space<hbm>>
    %dma_wait3A_566 = tpu.memref_squeeze %dma_wait3A_565 : memref<1x8x2048xf32, #tpu.memory_space<hbm>> -> memref<8x2048xf32, #tpu.memory_space<hbm>>
    %dma_wait3A_567 = arith.constant 0 : i32
    %dma_wait3A_568 = arith.constant 0 : i32
    %dma_wait3A_569 = tpu.memref_slice %arg9[%dma_wait3A_558, %dma_wait3A_567, %dma_wait3A_568] : memref<2x8x2048xf32, #tpu.memory_space<vmem>> -> memref<1x8x2048xf32, #tpu.memory_space<vmem>>
    %dma_wait3A_570 = tpu.memref_squeeze %dma_wait3A_569 : memref<1x8x2048xf32, #tpu.memory_space<vmem>> -> memref<8x2048xf32, #tpu.memory_space<vmem>>
    tpu.wait_dma2 semaphore(%arg13 : memref<!tpu.dma_semaphore, #tpu.memory_space<semaphore_mem>>) src(%dma_wait3A_570 : memref<8x2048xf32, #tpu.memory_space<vmem>>) dst(%dma_wait3A_566 : memref<8x2048xf32, #tpu.memory_space<hbm>>)
    %mul3A_571 = arith.constant 8 : i32
    %mul3A_572 = arith.muli %add3A_422, %mul3A_571 : i32
    %jit3A_573 = arith.constant 64 : i32
    %div3A_574 = arith.divsi %mul3A_572, %jit3A_573 : i32
    %sign3A_575 = arith.constant 0 : i32
    %sign3A_576 = arith.cmpi sgt, %mul3A_572, %sign3A_575 : i32
    %sign3A_577 = arith.extui %sign3A_576 : i1 to i32
    %sign3A_578 = arith.constant 0 : i32
    %sign3A_579 = arith.cmpi slt, %mul3A_572, %sign3A_578 : i32
    %sign3A_580 = arith.extui %sign3A_579 : i1 to i32
    %sign3A_581 = arith.subi %sign3A_577, %sign3A_580 : i32
    %sign3A_582 = arith.constant 0 : i32
    %sign3A_583 = arith.cmpi sgt, %jit3A_573, %sign3A_582 : i32
    %sign3A_584 = arith.extui %sign3A_583 : i1 to i32
    %sign3A_585 = arith.constant 0 : i32
    %sign3A_586 = arith.cmpi slt, %jit3A_573, %sign3A_585 : i32
    %sign3A_587 = arith.extui %sign3A_586 : i1 to i32
    %sign3A_588 = arith.subi %sign3A_584, %sign3A_587 : i32
    %ne3A_589 = arith.cmpi ne, %sign3A_581, %sign3A_588 : i32
    %rem3A_590 = arith.remsi %mul3A_572, %jit3A_573 : i32
    %ne3A_591 = arith.constant 0 : i32
    %ne3A_592 = arith.cmpi ne, %rem3A_590, %ne3A_591 : i32
    %and3A_593 = arith.andi %ne3A_589, %ne3A_592 : i1
    %sub3A_594 = arith.constant 1 : i32
    %sub3A_595 = arith.subi %div3A_574, %sub3A_594 : i32
    %select_n3A_596 = arith.select %and3A_593, %sub3A_595, %div3A_574 : i32
    %jit3A_597 = arith.constant 64 : i32
    %eq3A_598 = arith.constant 0 : i32
    %eq3A_599 = arith.cmpi eq, %jit3A_597, %eq3A_598 : i32
    %jit3A_600 = arith.constant 1 : i32
    %select_n3A_601 = arith.select %eq3A_599, %jit3A_600, %jit3A_597 : i32
    %rem3A_602 = arith.remsi %mul3A_572, %select_n3A_601 : i32
    %ne3A_603 = arith.constant 0 : i32
    %ne3A_604 = arith.cmpi ne, %rem3A_602, %ne3A_603 : i32
    %lt3A_605 = arith.constant 0 : i32
    %lt3A_606 = arith.cmpi slt, %rem3A_602, %lt3A_605 : i32
    %lt3A_607 = arith.constant 0 : i32
    %lt3A_608 = arith.cmpi slt, %select_n3A_601, %lt3A_607 : i32
    %ne3A_609 = arith.xori %lt3A_606, %lt3A_608 : i1
    %and3A_610 = arith.andi %ne3A_609, %ne3A_604 : i1
    %add3A_611 = arith.addi %rem3A_602, %select_n3A_601 : i32
    %select_n3A_612 = arith.select %and3A_610, %add3A_611, %rem3A_602 : i32
    %multiple_of3A_613 = arith.constant 112 : i32
    %multiple_of3A_614 = tpu.assume_multiple %multiple_of3A_613, 16 : i32
    %multiple_of3A_615 = arith.constant 14336 : i32
    %multiple_of3A_616 = tpu.assume_multiple %multiple_of3A_615, 2048 : i32
    %multiple_of3A_617 = arith.constant 3584 : i32
    %multiple_of3A_618 = tpu.assume_multiple %multiple_of3A_617, 512 : i32
    %multiple_of3A_619 = tpu.assume_multiple %select_n3A_612, 8 : i32
    %dma_wait3A_620 = arith.constant 1 : i32
    %dma_wait3A_621 = arith.constant 0 : i32
    %dma_wait3A_622 = arith.constant 0 : i32
    %dma_wait3A_623 = tpu.memref_slice %arg9[%dma_wait3A_620, %dma_wait3A_621, %dma_wait3A_622] : memref<2x8x2048xf32, #tpu.memory_space<vmem>> -> memref<1x8x2048xf32, #tpu.memory_space<vmem>>
    %dma_wait3A_624 = tpu.memref_squeeze %dma_wait3A_623 : memref<1x8x2048xf32, #tpu.memory_space<vmem>> -> memref<8x2048xf32, #tpu.memory_space<vmem>>
    %dma_wait3A_625 = tpu.memref_slice %arg6[%select_n3A_596, %multiple_of3A_619, %multiple_of3A_616] : memref<16x64x16384xf32, #tpu.memory_space<hbm>> -> memref<1x8x2048xf32, #tpu.memory_space<hbm>>
    %dma_wait3A_626 = tpu.memref_squeeze %dma_wait3A_625 : memref<1x8x2048xf32, #tpu.memory_space<hbm>> -> memref<8x2048xf32, #tpu.memory_space<hbm>>
    %dma_wait3A_627 = tpu.memref_slice %arg6[%select_n3A_596, %multiple_of3A_619, %multiple_of3A_616] : memref<16x64x16384xf32, #tpu.memory_space<hbm>> -> memref<1x8x2048xf32, #tpu.memory_space<hbm>>
    %dma_wait3A_628 = tpu.memref_squeeze %dma_wait3A_627 : memref<1x8x2048xf32, #tpu.memory_space<hbm>> -> memref<8x2048xf32, #tpu.memory_space<hbm>>
    %dma_wait3A_629 = arith.constant 0 : i32
    %dma_wait3A_630 = arith.constant 0 : i32
    %dma_wait3A_631 = tpu.memref_slice %arg9[%dma_wait3A_620, %dma_wait3A_629, %dma_wait3A_630] : memref<2x8x2048xf32, #tpu.memory_space<vmem>> -> memref<1x8x2048xf32, #tpu.memory_space<vmem>>
    %dma_wait3A_632 = tpu.memref_squeeze %dma_wait3A_631 : memref<1x8x2048xf32, #tpu.memory_space<vmem>> -> memref<8x2048xf32, #tpu.memory_space<vmem>>
    tpu.wait_dma2 semaphore(%arg13 : memref<!tpu.dma_semaphore, #tpu.memory_space<semaphore_mem>>) src(%dma_wait3A_632 : memref<8x2048xf32, #tpu.memory_space<vmem>>) dst(%dma_wait3A_628 : memref<8x2048xf32, #tpu.memory_space<hbm>>)
    %mul3A_633 = arith.constant 4 : i32
    %mul3A_634 = arith.muli %add3A, %mul3A_633 : i32
    %add3A_635 = arith.constant 3 : i32
    %add3A_636 = arith.addi %mul3A_634, %add3A_635 : i32
    %mul3A_637 = arith.constant 8 : i32
    %mul3A_638 = arith.muli %add3A_636, %mul3A_637 : i32
    %jit3A_639 = arith.constant 64 : i32
    %div3A_640 = arith.divsi %mul3A_638, %jit3A_639 : i32
    %sign3A_641 = arith.constant 0 : i32
    %sign3A_642 = arith.cmpi sgt, %mul3A_638, %sign3A_641 : i32
    %sign3A_643 = arith.extui %sign3A_642 : i1 to i32
    %sign3A_644 = arith.constant 0 : i32
    %sign3A_645 = arith.cmpi slt, %mul3A_638, %sign3A_644 : i32
    %sign3A_646 = arith.extui %sign3A_645 : i1 to i32
    %sign3A_647 = arith.subi %sign3A_643, %sign3A_646 : i32
    %sign3A_648 = arith.constant 0 : i32
    %sign3A_649 = arith.cmpi sgt, %jit3A_639, %sign3A_648 : i32
    %sign3A_650 = arith.extui %sign3A_649 : i1 to i32
    %sign3A_651 = arith.constant 0 : i32
    %sign3A_652 = arith.cmpi slt, %jit3A_639, %sign3A_651 : i32
    %sign3A_653 = arith.extui %sign3A_652 : i1 to i32
    %sign3A_654 = arith.subi %sign3A_650, %sign3A_653 : i32
    %ne3A_655 = arith.cmpi ne, %sign3A_647, %sign3A_654 : i32
    %rem3A_656 = arith.remsi %mul3A_638, %jit3A_639 : i32
    %ne3A_657 = arith.constant 0 : i32
    %ne3A_658 = arith.cmpi ne, %rem3A_656, %ne3A_657 : i32
    %and3A_659 = arith.andi %ne3A_655, %ne3A_658 : i1
    %sub3A_660 = arith.constant 1 : i32
    %sub3A_661 = arith.subi %div3A_640, %sub3A_660 : i32
    %select_n3A_662 = arith.select %and3A_659, %sub3A_661, %div3A_640 : i32
    %jit3A_663 = arith.constant 64 : i32
    %eq3A_664 = arith.constant 0 : i32
    %eq3A_665 = arith.cmpi eq, %jit3A_663, %eq3A_664 : i32
    %jit3A_666 = arith.constant 1 : i32
    %select_n3A_667 = arith.select %eq3A_665, %jit3A_666, %jit3A_663 : i32
    %rem3A_668 = arith.remsi %mul3A_638, %select_n3A_667 : i32
    %ne3A_669 = arith.constant 0 : i32
    %ne3A_670 = arith.cmpi ne, %rem3A_668, %ne3A_669 : i32
    %lt3A_671 = arith.constant 0 : i32
    %lt3A_672 = arith.cmpi slt, %rem3A_668, %lt3A_671 : i32
    %lt3A_673 = arith.constant 0 : i32
    %lt3A_674 = arith.cmpi slt, %select_n3A_667, %lt3A_673 : i32
    %ne3A_675 = arith.xori %lt3A_672, %lt3A_674 : i1
    %and3A_676 = arith.andi %ne3A_675, %ne3A_670 : i1
    %add3A_677 = arith.addi %rem3A_668, %select_n3A_667 : i32
    %select_n3A_678 = arith.select %and3A_676, %add3A_677, %rem3A_668 : i32
    %multiple_of3A_679 = arith.constant 0 : i32
    %multiple_of3A_680 = tpu.assume_multiple %multiple_of3A_679, 16 : i32
    %multiple_of3A_681 = arith.constant 0 : i32
    %multiple_of3A_682 = tpu.assume_multiple %multiple_of3A_681, 2048 : i32
    %multiple_of3A_683 = arith.constant 0 : i32
    %multiple_of3A_684 = tpu.assume_multiple %multiple_of3A_683, 512 : i32
    %multiple_of3A_685 = tpu.assume_multiple %select_n3A_678, 8 : i32
    %dma_start3A_686 = arith.constant 0 : i32
    %dma_start3A_687 = arith.constant 0 : i32
    %dma_start3A_688 = arith.constant 0 : i32
    %dma_start3A_689 = arith.constant 0 : i32
    %dma_start3A_690 = tpu.memref_slice %arg7[%dma_start3A_686, %dma_start3A_687, %dma_start3A_688, %dma_start3A_689] : memref<2x8x16x128xf32, #tpu.memory_space<vmem>> -> memref<1x8x16x128xf32, #tpu.memory_space<vmem>>
    %dma_start3A_691 = tpu.memref_squeeze %dma_start3A_690 : memref<1x8x16x128xf32, #tpu.memory_space<vmem>> -> memref<8x16x128xf32, #tpu.memory_space<vmem>>
    %dma_start3A_692 = arith.constant 0 : i32
    %dma_start3A_693 = tpu.memref_slice %arg2[%select_n3A_662, %select_n3A_678, %multiple_of3A_680, %dma_start3A_692] : memref<16x64x128x128xf32, #tpu.memory_space<hbm>> -> memref<1x8x16x128xf32, #tpu.memory_space<hbm>>
    %dma_start3A_694 = tpu.memref_squeeze %dma_start3A_693 : memref<1x8x16x128xf32, #tpu.memory_space<hbm>> -> memref<8x16x128xf32, #tpu.memory_space<hbm>>
    %dma_start3A_695 = arith.constant 0 : i32
    %dma_start3A_696 = arith.constant 0 : i32
    %dma_start3A_697 = arith.constant 0 : i32
    %dma_start3A_698 = tpu.memref_slice %arg7[%dma_start3A_686, %dma_start3A_695, %dma_start3A_696, %dma_start3A_697] : memref<2x8x16x128xf32, #tpu.memory_space<vmem>> -> memref<1x8x16x128xf32, #tpu.memory_space<vmem>>
    %dma_start3A_699 = tpu.memref_squeeze %dma_start3A_698 : memref<1x8x16x128xf32, #tpu.memory_space<vmem>> -> memref<8x16x128xf32, #tpu.memory_space<vmem>>
    %dma_start3A_700 = arith.constant 0 : i32
    %dma_start3A_701 = tpu.memref_slice %arg2[%select_n3A_662, %select_n3A_678, %multiple_of3A_680, %dma_start3A_700] : memref<16x64x128x128xf32, #tpu.memory_space<hbm>> -> memref<1x8x16x128xf32, #tpu.memory_space<hbm>>
    %dma_start3A_702 = tpu.memref_squeeze %dma_start3A_701 : memref<1x8x16x128xf32, #tpu.memory_space<hbm>> -> memref<8x16x128xf32, #tpu.memory_space<hbm>>
    tpu.enqueue_dma source(%dma_start3A_702 : memref<8x16x128xf32, #tpu.memory_space<hbm>>) target(%dma_start3A_699 : memref<8x16x128xf32, #tpu.memory_space<vmem>>) target_semaphore(%arg12 : memref<!tpu.dma_semaphore, #tpu.memory_space<semaphore_mem>>)
    %dma_start3A_703 = arith.constant 0 : i32
    %dma_start3A_704 = arith.constant 0 : i32
    %dma_start3A_705 = arith.constant 0 : i32
    %dma_start3A_706 = tpu.memref_slice %arg8[%dma_start3A_703, %dma_start3A_704, %dma_start3A_705] : memref<2x8x512xi32, #tpu.memory_space<vmem>> -> memref<1x8x512xi32, #tpu.memory_space<vmem>>
    %dma_start3A_707 = tpu.memref_squeeze %dma_start3A_706 : memref<1x8x512xi32, #tpu.memory_space<vmem>> -> memref<8x512xi32, #tpu.memory_space<vmem>>
    %dma_start3A_708 = tpu.memref_slice %arg3[%select_n3A_662, %multiple_of3A_685, %multiple_of3A_684] : memref<16x64x4096xi32, #tpu.memory_space<hbm>> -> memref<1x8x512xi32, #tpu.memory_space<hbm>>
    %dma_start3A_709 = tpu.memref_squeeze %dma_start3A_708 : memref<1x8x512xi32, #tpu.memory_space<hbm>> -> memref<8x512xi32, #tpu.memory_space<hbm>>
    %dma_start3A_710 = arith.constant 0 : i32
    %dma_start3A_711 = arith.constant 0 : i32
    %dma_start3A_712 = tpu.memref_slice %arg8[%dma_start3A_703, %dma_start3A_710, %dma_start3A_711] : memref<2x8x512xi32, #tpu.memory_space<vmem>> -> memref<1x8x512xi32, #tpu.memory_space<vmem>>
    %dma_start3A_713 = tpu.memref_squeeze %dma_start3A_712 : memref<1x8x512xi32, #tpu.memory_space<vmem>> -> memref<8x512xi32, #tpu.memory_space<vmem>>
    %dma_start3A_714 = tpu.memref_slice %arg3[%select_n3A_662, %multiple_of3A_685, %multiple_of3A_684] : memref<16x64x4096xi32, #tpu.memory_space<hbm>> -> memref<1x8x512xi32, #tpu.memory_space<hbm>>
    %dma_start3A_715 = tpu.memref_squeeze %dma_start3A_714 : memref<1x8x512xi32, #tpu.memory_space<hbm>> -> memref<8x512xi32, #tpu.memory_space<hbm>>
    tpu.enqueue_dma source(%dma_start3A_715 : memref<8x512xi32, #tpu.memory_space<hbm>>) target(%dma_start3A_713 : memref<8x512xi32, #tpu.memory_space<vmem>>) target_semaphore(%arg12 : memref<!tpu.dma_semaphore, #tpu.memory_space<semaphore_mem>>)
    %scan3A_716 = arith.constant 0 : i32
    %scan3A_717 = arith.constant -1.000000e+09 : f32
    %scan3A_718 = arith.constant 0 : i32
    %scan3A_719 = arith.constant 8 : i32
    %scan3A_720 = arith.addi %scan3A_718, %scan3A_719 : i32
    %scan3A_721 = arith.constant 1 : i32
    scf.for %scan3A_847 = %scan3A_718 to %scan3A_720 step %scan3A_721  : i32 {
      %jit3A_848 = arith.constant 2 : i32
      %eq3A_849 = arith.constant 0 : i32
      %eq3A_850 = arith.cmpi eq, %jit3A_848, %eq3A_849 : i32
      %jit3A_851 = arith.constant 1 : i32
      %select_n3A_852 = arith.select %eq3A_850, %jit3A_851, %jit3A_848 : i32
      %rem3A_853 = arith.remsi %scan3A_847, %select_n3A_852 : i32
      %ne3A_854 = arith.constant 0 : i32
      %ne3A_855 = arith.cmpi ne, %rem3A_853, %ne3A_854 : i32
      %lt3A_856 = arith.constant 0 : i32
      %lt3A_857 = arith.cmpi slt, %rem3A_853, %lt3A_856 : i32
      %lt3A_858 = arith.constant 0 : i32
      %lt3A_859 = arith.cmpi slt, %select_n3A_852, %lt3A_858 : i32
      %ne3A_860 = arith.xori %lt3A_857, %lt3A_859 : i1
      %and3A_861 = arith.andi %ne3A_860, %ne3A_855 : i1
      %add3A_862 = arith.addi %rem3A_853, %select_n3A_852 : i32
      %select_n3A_863 = arith.select %and3A_861, %add3A_862, %rem3A_853 : i32
      %add3A_864 = arith.constant 1 : i32
      %add3A_865 = arith.addi %scan3A_847, %add3A_864 : i32
      %lt3A_866 = arith.constant 8 : i32
      %lt3A_867 = arith.cmpi slt, %add3A_865, %lt3A_866 : i32
      %convert_element_type3A = arith.extui %lt3A_867 : i1 to i32
      %cond3A = arith.constant 0 : i32
      %cond3A_868 = arith.cmpi ne, %convert_element_type3A, %cond3A : i32
      scf.if %cond3A_868 {
        %add3A_1023 = arith.constant 1 : i32
        %add3A_1024 = arith.addi %scan3A_847, %add3A_1023 : i32
        %add3A_1025 = arith.constant 1 : i32
        %add3A_1026 = arith.addi %scan3A_847, %add3A_1025 : i32
        %jit3A_1027 = arith.constant 2 : i32
        %eq3A_1028 = arith.constant 0 : i32
        %eq3A_1029 = arith.cmpi eq, %jit3A_1027, %eq3A_1028 : i32
        %jit3A_1030 = arith.constant 1 : i32
        %select_n3A_1031 = arith.select %eq3A_1029, %jit3A_1030, %jit3A_1027 : i32
        %rem3A_1032 = arith.remsi %add3A_1026, %select_n3A_1031 : i32
        %ne3A_1033 = arith.constant 0 : i32
        %ne3A_1034 = arith.cmpi ne, %rem3A_1032, %ne3A_1033 : i32
        %lt3A_1035 = arith.constant 0 : i32
        %lt3A_1036 = arith.cmpi slt, %rem3A_1032, %lt3A_1035 : i32
        %lt3A_1037 = arith.constant 0 : i32
        %lt3A_1038 = arith.cmpi slt, %select_n3A_1031, %lt3A_1037 : i32
        %ne3A_1039 = arith.xori %lt3A_1036, %lt3A_1038 : i1
        %and3A_1040 = arith.andi %ne3A_1039, %ne3A_1034 : i1
        %add3A_1041 = arith.addi %rem3A_1032, %select_n3A_1031 : i32
        %select_n3A_1042 = arith.select %and3A_1040, %add3A_1041, %rem3A_1032 : i32
        %mul3A_1043 = arith.constant 8 : i32
        %mul3A_1044 = arith.muli %add3A_636, %mul3A_1043 : i32
        %jit3A_1045 = arith.constant 64 : i32
        %div3A_1046 = arith.divsi %mul3A_1044, %jit3A_1045 : i32
        %sign3A_1047 = arith.constant 0 : i32
        %sign3A_1048 = arith.cmpi sgt, %mul3A_1044, %sign3A_1047 : i32
        %sign3A_1049 = arith.extui %sign3A_1048 : i1 to i32
        %sign3A_1050 = arith.constant 0 : i32
        %sign3A_1051 = arith.cmpi slt, %mul3A_1044, %sign3A_1050 : i32
        %sign3A_1052 = arith.extui %sign3A_1051 : i1 to i32
        %sign3A_1053 = arith.subi %sign3A_1049, %sign3A_1052 : i32
        %sign3A_1054 = arith.constant 0 : i32
        %sign3A_1055 = arith.cmpi sgt, %jit3A_1045, %sign3A_1054 : i32
        %sign3A_1056 = arith.extui %sign3A_1055 : i1 to i32
        %sign3A_1057 = arith.constant 0 : i32
        %sign3A_1058 = arith.cmpi slt, %jit3A_1045, %sign3A_1057 : i32
        %sign3A_1059 = arith.extui %sign3A_1058 : i1 to i32
        %sign3A_1060 = arith.subi %sign3A_1056, %sign3A_1059 : i32
        %ne3A_1061 = arith.cmpi ne, %sign3A_1053, %sign3A_1060 : i32
        %rem3A_1062 = arith.remsi %mul3A_1044, %jit3A_1045 : i32
        %ne3A_1063 = arith.constant 0 : i32
        %ne3A_1064 = arith.cmpi ne, %rem3A_1062, %ne3A_1063 : i32
        %and3A_1065 = arith.andi %ne3A_1061, %ne3A_1064 : i1
        %sub3A_1066 = arith.constant 1 : i32
        %sub3A_1067 = arith.subi %div3A_1046, %sub3A_1066 : i32
        %select_n3A_1068 = arith.select %and3A_1065, %sub3A_1067, %div3A_1046 : i32
        %jit3A_1069 = arith.constant 64 : i32
        %eq3A_1070 = arith.constant 0 : i32
        %eq3A_1071 = arith.cmpi eq, %jit3A_1069, %eq3A_1070 : i32
        %jit3A_1072 = arith.constant 1 : i32
        %select_n3A_1073 = arith.select %eq3A_1071, %jit3A_1072, %jit3A_1069 : i32
        %rem3A_1074 = arith.remsi %mul3A_1044, %select_n3A_1073 : i32
        %ne3A_1075 = arith.constant 0 : i32
        %ne3A_1076 = arith.cmpi ne, %rem3A_1074, %ne3A_1075 : i32
        %lt3A_1077 = arith.constant 0 : i32
        %lt3A_1078 = arith.cmpi slt, %rem3A_1074, %lt3A_1077 : i32
        %lt3A_1079 = arith.constant 0 : i32
        %lt3A_1080 = arith.cmpi slt, %select_n3A_1073, %lt3A_1079 : i32
        %ne3A_1081 = arith.xori %lt3A_1078, %lt3A_1080 : i1
        %and3A_1082 = arith.andi %ne3A_1081, %ne3A_1076 : i1
        %add3A_1083 = arith.addi %rem3A_1074, %select_n3A_1073 : i32
        %select_n3A_1084 = arith.select %and3A_1082, %add3A_1083, %rem3A_1074 : i32
        %mul3A_1085 = arith.constant 16 : i32
        %mul3A_1086 = arith.muli %add3A_1024, %mul3A_1085 : i32
        %multiple_of3A_1087 = tpu.assume_multiple %mul3A_1086, 16 : i32
        %mul3A_1088 = arith.constant 2048 : i32
        %mul3A_1089 = arith.muli %add3A_1024, %mul3A_1088 : i32
        %multiple_of3A_1090 = tpu.assume_multiple %mul3A_1089, 2048 : i32
        %mul3A_1091 = arith.constant 512 : i32
        %mul3A_1092 = arith.muli %add3A_1024, %mul3A_1091 : i32
        %multiple_of3A_1093 = tpu.assume_multiple %mul3A_1092, 512 : i32
        %multiple_of3A_1094 = tpu.assume_multiple %select_n3A_1084, 8 : i32
        %dma_start3A_1095 = arith.constant 0 : i32
        %dma_start3A_1096 = arith.constant 0 : i32
        %dma_start3A_1097 = arith.constant 0 : i32
        %dma_start3A_1098 = tpu.memref_slice %arg7[%select_n3A_1042, %dma_start3A_1095, %dma_start3A_1096, %dma_start3A_1097] : memref<2x8x16x128xf32, #tpu.memory_space<vmem>> -> memref<1x8x16x128xf32, #tpu.memory_space<vmem>>
        %dma_start3A_1099 = tpu.memref_squeeze %dma_start3A_1098 : memref<1x8x16x128xf32, #tpu.memory_space<vmem>> -> memref<8x16x128xf32, #tpu.memory_space<vmem>>
        %dma_start3A_1100 = arith.constant 0 : i32
        %dma_start3A_1101 = tpu.memref_slice %arg2[%select_n3A_1068, %select_n3A_1084, %multiple_of3A_1087, %dma_start3A_1100] : memref<16x64x128x128xf32, #tpu.memory_space<hbm>> -> memref<1x8x16x128xf32, #tpu.memory_space<hbm>>
        %dma_start3A_1102 = tpu.memref_squeeze %dma_start3A_1101 : memref<1x8x16x128xf32, #tpu.memory_space<hbm>> -> memref<8x16x128xf32, #tpu.memory_space<hbm>>
        %dma_start3A_1103 = arith.constant 0 : i32
        %dma_start3A_1104 = arith.constant 0 : i32
        %dma_start3A_1105 = arith.constant 0 : i32
        %dma_start3A_1106 = tpu.memref_slice %arg7[%select_n3A_1042, %dma_start3A_1103, %dma_start3A_1104, %dma_start3A_1105] : memref<2x8x16x128xf32, #tpu.memory_space<vmem>> -> memref<1x8x16x128xf32, #tpu.memory_space<vmem>>
        %dma_start3A_1107 = tpu.memref_squeeze %dma_start3A_1106 : memref<1x8x16x128xf32, #tpu.memory_space<vmem>> -> memref<8x16x128xf32, #tpu.memory_space<vmem>>
        %dma_start3A_1108 = arith.constant 0 : i32
        %dma_start3A_1109 = tpu.memref_slice %arg2[%select_n3A_1068, %select_n3A_1084, %multiple_of3A_1087, %dma_start3A_1108] : memref<16x64x128x128xf32, #tpu.memory_space<hbm>> -> memref<1x8x16x128xf32, #tpu.memory_space<hbm>>
        %dma_start3A_1110 = tpu.memref_squeeze %dma_start3A_1109 : memref<1x8x16x128xf32, #tpu.memory_space<hbm>> -> memref<8x16x128xf32, #tpu.memory_space<hbm>>
        tpu.enqueue_dma source(%dma_start3A_1110 : memref<8x16x128xf32, #tpu.memory_space<hbm>>) target(%dma_start3A_1107 : memref<8x16x128xf32, #tpu.memory_space<vmem>>) target_semaphore(%arg12 : memref<!tpu.dma_semaphore, #tpu.memory_space<semaphore_mem>>)
        %dma_start3A_1111 = arith.constant 0 : i32
        %dma_start3A_1112 = arith.constant 0 : i32
        %dma_start3A_1113 = tpu.memref_slice %arg8[%select_n3A_1042, %dma_start3A_1111, %dma_start3A_1112] : memref<2x8x512xi32, #tpu.memory_space<vmem>> -> memref<1x8x512xi32, #tpu.memory_space<vmem>>
        %dma_start3A_1114 = tpu.memref_squeeze %dma_start3A_1113 : memref<1x8x512xi32, #tpu.memory_space<vmem>> -> memref<8x512xi32, #tpu.memory_space<vmem>>
        %dma_start3A_1115 = tpu.memref_slice %arg3[%select_n3A_1068, %multiple_of3A_1094, %multiple_of3A_1093] : memref<16x64x4096xi32, #tpu.memory_space<hbm>> -> memref<1x8x512xi32, #tpu.memory_space<hbm>>
        %dma_start3A_1116 = tpu.memref_squeeze %dma_start3A_1115 : memref<1x8x512xi32, #tpu.memory_space<hbm>> -> memref<8x512xi32, #tpu.memory_space<hbm>>
        %dma_start3A_1117 = arith.constant 0 : i32
        %dma_start3A_1118 = arith.constant 0 : i32
        %dma_start3A_1119 = tpu.memref_slice %arg8[%select_n3A_1042, %dma_start3A_1117, %dma_start3A_1118] : memref<2x8x512xi32, #tpu.memory_space<vmem>> -> memref<1x8x512xi32, #tpu.memory_space<vmem>>
        %dma_start3A_1120 = tpu.memref_squeeze %dma_start3A_1119 : memref<1x8x512xi32, #tpu.memory_space<vmem>> -> memref<8x512xi32, #tpu.memory_space<vmem>>
        %dma_start3A_1121 = tpu.memref_slice %arg3[%select_n3A_1068, %multiple_of3A_1094, %multiple_of3A_1093] : memref<16x64x4096xi32, #tpu.memory_space<hbm>> -> memref<1x8x512xi32, #tpu.memory_space<hbm>>
        %dma_start3A_1122 = tpu.memref_squeeze %dma_start3A_1121 : memref<1x8x512xi32, #tpu.memory_space<hbm>> -> memref<8x512xi32, #tpu.memory_space<hbm>>
        tpu.enqueue_dma source(%dma_start3A_1122 : memref<8x512xi32, #tpu.memory_space<hbm>>) target(%dma_start3A_1120 : memref<8x512xi32, #tpu.memory_space<vmem>>) target_semaphore(%arg12 : memref<!tpu.dma_semaphore, #tpu.memory_space<semaphore_mem>>)
      } else {
      }
      %mul3A_869 = arith.constant 8 : i32
      %mul3A_870 = arith.muli %add3A_636, %mul3A_869 : i32
      %jit3A_871 = arith.constant 64 : i32
      %div3A_872 = arith.divsi %mul3A_870, %jit3A_871 : i32
      %sign3A_873 = arith.constant 0 : i32
      %sign3A_874 = arith.cmpi sgt, %mul3A_870, %sign3A_873 : i32
      %sign3A_875 = arith.extui %sign3A_874 : i1 to i32
      %sign3A_876 = arith.constant 0 : i32
      %sign3A_877 = arith.cmpi slt, %mul3A_870, %sign3A_876 : i32
      %sign3A_878 = arith.extui %sign3A_877 : i1 to i32
      %sign3A_879 = arith.subi %sign3A_875, %sign3A_878 : i32
      %sign3A_880 = arith.constant 0 : i32
      %sign3A_881 = arith.cmpi sgt, %jit3A_871, %sign3A_880 : i32
      %sign3A_882 = arith.extui %sign3A_881 : i1 to i32
      %sign3A_883 = arith.constant 0 : i32
      %sign3A_884 = arith.cmpi slt, %jit3A_871, %sign3A_883 : i32
      %sign3A_885 = arith.extui %sign3A_884 : i1 to i32
      %sign3A_886 = arith.subi %sign3A_882, %sign3A_885 : i32
      %ne3A_887 = arith.cmpi ne, %sign3A_879, %sign3A_886 : i32
      %rem3A_888 = arith.remsi %mul3A_870, %jit3A_871 : i32
      %ne3A_889 = arith.constant 0 : i32
      %ne3A_890 = arith.cmpi ne, %rem3A_888, %ne3A_889 : i32
      %and3A_891 = arith.andi %ne3A_887, %ne3A_890 : i1
      %sub3A_892 = arith.constant 1 : i32
      %sub3A_893 = arith.subi %div3A_872, %sub3A_892 : i32
      %select_n3A_894 = arith.select %and3A_891, %sub3A_893, %div3A_872 : i32
      %jit3A_895 = arith.constant 64 : i32
      %eq3A_896 = arith.constant 0 : i32
      %eq3A_897 = arith.cmpi eq, %jit3A_895, %eq3A_896 : i32
      %jit3A_898 = arith.constant 1 : i32
      %select_n3A_899 = arith.select %eq3A_897, %jit3A_898, %jit3A_895 : i32
      %rem3A_900 = arith.remsi %mul3A_870, %select_n3A_899 : i32
      %ne3A_901 = arith.constant 0 : i32
      %ne3A_902 = arith.cmpi ne, %rem3A_900, %ne3A_901 : i32
      %lt3A_903 = arith.constant 0 : i32
      %lt3A_904 = arith.cmpi slt, %rem3A_900, %lt3A_903 : i32
      %lt3A_905 = arith.constant 0 : i32
      %lt3A_906 = arith.cmpi slt, %select_n3A_899, %lt3A_905 : i32
      %ne3A_907 = arith.xori %lt3A_904, %lt3A_906 : i1
      %and3A_908 = arith.andi %ne3A_907, %ne3A_902 : i1
      %add3A_909 = arith.addi %rem3A_900, %select_n3A_899 : i32
      %select_n3A_910 = arith.select %and3A_908, %add3A_909, %rem3A_900 : i32
      %mul3A_911 = arith.constant 16 : i32
      %mul3A_912 = arith.muli %scan3A_847, %mul3A_911 : i32
      %multiple_of3A_913 = tpu.assume_multiple %mul3A_912, 16 : i32
      %mul3A_914 = arith.constant 2048 : i32
      %mul3A_915 = arith.muli %scan3A_847, %mul3A_914 : i32
      %multiple_of3A_916 = tpu.assume_multiple %mul3A_915, 2048 : i32
      %mul3A_917 = arith.constant 512 : i32
      %mul3A_918 = arith.muli %scan3A_847, %mul3A_917 : i32
      %multiple_of3A_919 = tpu.assume_multiple %mul3A_918, 512 : i32
      %multiple_of3A_920 = tpu.assume_multiple %select_n3A_910, 8 : i32
      %dma_wait3A_921 = arith.constant 0 : i32
      %dma_wait3A_922 = arith.constant 0 : i32
      %dma_wait3A_923 = arith.constant 0 : i32
      %dma_wait3A_924 = tpu.memref_slice %arg7[%select_n3A_863, %dma_wait3A_921, %dma_wait3A_922, %dma_wait3A_923] : memref<2x8x16x128xf32, #tpu.memory_space<vmem>> -> memref<1x8x16x128xf32, #tpu.memory_space<vmem>>
      %dma_wait3A_925 = tpu.memref_squeeze %dma_wait3A_924 : memref<1x8x16x128xf32, #tpu.memory_space<vmem>> -> memref<8x16x128xf32, #tpu.memory_space<vmem>>
      %dma_wait3A_926 = arith.constant 0 : i32
      %dma_wait3A_927 = tpu.memref_slice %arg2[%select_n3A_894, %select_n3A_910, %multiple_of3A_913, %dma_wait3A_926] : memref<16x64x128x128xf32, #tpu.memory_space<hbm>> -> memref<1x8x16x128xf32, #tpu.memory_space<hbm>>
      %dma_wait3A_928 = tpu.memref_squeeze %dma_wait3A_927 : memref<1x8x16x128xf32, #tpu.memory_space<hbm>> -> memref<8x16x128xf32, #tpu.memory_space<hbm>>
      %dma_wait3A_929 = arith.constant 0 : i32
      %dma_wait3A_930 = arith.constant 0 : i32
      %dma_wait3A_931 = arith.constant 0 : i32
      %dma_wait3A_932 = tpu.memref_slice %arg7[%select_n3A_863, %dma_wait3A_929, %dma_wait3A_930, %dma_wait3A_931] : memref<2x8x16x128xf32, #tpu.memory_space<vmem>> -> memref<1x8x16x128xf32, #tpu.memory_space<vmem>>
      %dma_wait3A_933 = tpu.memref_squeeze %dma_wait3A_932 : memref<1x8x16x128xf32, #tpu.memory_space<vmem>> -> memref<8x16x128xf32, #tpu.memory_space<vmem>>
      %dma_wait3A_934 = arith.constant 0 : i32
      %dma_wait3A_935 = tpu.memref_slice %arg2[%select_n3A_894, %select_n3A_910, %multiple_of3A_913, %dma_wait3A_934] : memref<16x64x128x128xf32, #tpu.memory_space<hbm>> -> memref<1x8x16x128xf32, #tpu.memory_space<hbm>>
      %dma_wait3A_936 = tpu.memref_squeeze %dma_wait3A_935 : memref<1x8x16x128xf32, #tpu.memory_space<hbm>> -> memref<8x16x128xf32, #tpu.memory_space<hbm>>
      tpu.wait_dma2 semaphore(%arg12 : memref<!tpu.dma_semaphore, #tpu.memory_space<semaphore_mem>>) src(%dma_wait3A_936 : memref<8x16x128xf32, #tpu.memory_space<hbm>>) dst(%dma_wait3A_933 : memref<8x16x128xf32, #tpu.memory_space<vmem>>)
      %dma_wait3A_937 = arith.constant 0 : i32
      %dma_wait3A_938 = arith.constant 0 : i32
      %dma_wait3A_939 = tpu.memref_slice %arg8[%select_n3A_863, %dma_wait3A_937, %dma_wait3A_938] : memref<2x8x512xi32, #tpu.memory_space<vmem>> -> memref<1x8x512xi32, #tpu.memory_space<vmem>>
      %dma_wait3A_940 = tpu.memref_squeeze %dma_wait3A_939 : memref<1x8x512xi32, #tpu.memory_space<vmem>> -> memref<8x512xi32, #tpu.memory_space<vmem>>
      %dma_wait3A_941 = tpu.memref_slice %arg3[%select_n3A_894, %multiple_of3A_920, %multiple_of3A_919] : memref<16x64x4096xi32, #tpu.memory_space<hbm>> -> memref<1x8x512xi32, #tpu.memory_space<hbm>>
      %dma_wait3A_942 = tpu.memref_squeeze %dma_wait3A_941 : memref<1x8x512xi32, #tpu.memory_space<hbm>> -> memref<8x512xi32, #tpu.memory_space<hbm>>
      %dma_wait3A_943 = arith.constant 0 : i32
      %dma_wait3A_944 = arith.constant 0 : i32
      %dma_wait3A_945 = tpu.memref_slice %arg8[%select_n3A_863, %dma_wait3A_943, %dma_wait3A_944] : memref<2x8x512xi32, #tpu.memory_space<vmem>> -> memref<1x8x512xi32, #tpu.memory_space<vmem>>
      %dma_wait3A_946 = tpu.memref_squeeze %dma_wait3A_945 : memref<1x8x512xi32, #tpu.memory_space<vmem>> -> memref<8x512xi32, #tpu.memory_space<vmem>>
      %dma_wait3A_947 = tpu.memref_slice %arg3[%select_n3A_894, %multiple_of3A_920, %multiple_of3A_919] : memref<16x64x4096xi32, #tpu.memory_space<hbm>> -> memref<1x8x512xi32, #tpu.memory_space<hbm>>
      %dma_wait3A_948 = tpu.memref_squeeze %dma_wait3A_947 : memref<1x8x512xi32, #tpu.memory_space<hbm>> -> memref<8x512xi32, #tpu.memory_space<hbm>>
      tpu.wait_dma2 semaphore(%arg12 : memref<!tpu.dma_semaphore, #tpu.memory_space<semaphore_mem>>) src(%dma_wait3A_948 : memref<8x512xi32, #tpu.memory_space<hbm>>) dst(%dma_wait3A_946 : memref<8x512xi32, #tpu.memory_space<vmem>>)
      %ge3A = arith.constant 2 : i32
      %ge3A_949 = arith.cmpi sge, %scan3A_847, %ge3A : i32
      %convert_element_type3A_950 = arith.extui %ge3A_949 : i1 to i32
      %cond3A_951 = arith.constant 0 : i32
      %cond3A_952 = arith.cmpi ne, %convert_element_type3A_950, %cond3A_951 : i32
      scf.if %cond3A_952 {
        %sub3A_1023 = arith.constant 2 : i32
        %sub3A_1024 = arith.subi %scan3A_847, %sub3A_1023 : i32
        %mul3A_1025 = arith.constant 8 : i32
        %mul3A_1026 = arith.muli %add3A_636, %mul3A_1025 : i32
        %jit3A_1027 = arith.constant 64 : i32
        %div3A_1028 = arith.divsi %mul3A_1026, %jit3A_1027 : i32
        %sign3A_1029 = arith.constant 0 : i32
        %sign3A_1030 = arith.cmpi sgt, %mul3A_1026, %sign3A_1029 : i32
        %sign3A_1031 = arith.extui %sign3A_1030 : i1 to i32
        %sign3A_1032 = arith.constant 0 : i32
        %sign3A_1033 = arith.cmpi slt, %mul3A_1026, %sign3A_1032 : i32
        %sign3A_1034 = arith.extui %sign3A_1033 : i1 to i32
        %sign3A_1035 = arith.subi %sign3A_1031, %sign3A_1034 : i32
        %sign3A_1036 = arith.constant 0 : i32
        %sign3A_1037 = arith.cmpi sgt, %jit3A_1027, %sign3A_1036 : i32
        %sign3A_1038 = arith.extui %sign3A_1037 : i1 to i32
        %sign3A_1039 = arith.constant 0 : i32
        %sign3A_1040 = arith.cmpi slt, %jit3A_1027, %sign3A_1039 : i32
        %sign3A_1041 = arith.extui %sign3A_1040 : i1 to i32
        %sign3A_1042 = arith.subi %sign3A_1038, %sign3A_1041 : i32
        %ne3A_1043 = arith.cmpi ne, %sign3A_1035, %sign3A_1042 : i32
        %rem3A_1044 = arith.remsi %mul3A_1026, %jit3A_1027 : i32
        %ne3A_1045 = arith.constant 0 : i32
        %ne3A_1046 = arith.cmpi ne, %rem3A_1044, %ne3A_1045 : i32
        %and3A_1047 = arith.andi %ne3A_1043, %ne3A_1046 : i1
        %sub3A_1048 = arith.constant 1 : i32
        %sub3A_1049 = arith.subi %div3A_1028, %sub3A_1048 : i32
        %select_n3A_1050 = arith.select %and3A_1047, %sub3A_1049, %div3A_1028 : i32
        %jit3A_1051 = arith.constant 64 : i32
        %eq3A_1052 = arith.constant 0 : i32
        %eq3A_1053 = arith.cmpi eq, %jit3A_1051, %eq3A_1052 : i32
        %jit3A_1054 = arith.constant 1 : i32
        %select_n3A_1055 = arith.select %eq3A_1053, %jit3A_1054, %jit3A_1051 : i32
        %rem3A_1056 = arith.remsi %mul3A_1026, %select_n3A_1055 : i32
        %ne3A_1057 = arith.constant 0 : i32
        %ne3A_1058 = arith.cmpi ne, %rem3A_1056, %ne3A_1057 : i32
        %lt3A_1059 = arith.constant 0 : i32
        %lt3A_1060 = arith.cmpi slt, %rem3A_1056, %lt3A_1059 : i32
        %lt3A_1061 = arith.constant 0 : i32
        %lt3A_1062 = arith.cmpi slt, %select_n3A_1055, %lt3A_1061 : i32
        %ne3A_1063 = arith.xori %lt3A_1060, %lt3A_1062 : i1
        %and3A_1064 = arith.andi %ne3A_1063, %ne3A_1058 : i1
        %add3A_1065 = arith.addi %rem3A_1056, %select_n3A_1055 : i32
        %select_n3A_1066 = arith.select %and3A_1064, %add3A_1065, %rem3A_1056 : i32
        %mul3A_1067 = arith.constant 16 : i32
        %mul3A_1068 = arith.muli %sub3A_1024, %mul3A_1067 : i32
        %multiple_of3A_1069 = tpu.assume_multiple %mul3A_1068, 16 : i32
        %mul3A_1070 = arith.constant 2048 : i32
        %mul3A_1071 = arith.muli %sub3A_1024, %mul3A_1070 : i32
        %multiple_of3A_1072 = tpu.assume_multiple %mul3A_1071, 2048 : i32
        %mul3A_1073 = arith.constant 512 : i32
        %mul3A_1074 = arith.muli %sub3A_1024, %mul3A_1073 : i32
        %multiple_of3A_1075 = tpu.assume_multiple %mul3A_1074, 512 : i32
        %multiple_of3A_1076 = tpu.assume_multiple %select_n3A_1066, 8 : i32
        %dma_wait3A_1077 = arith.constant 0 : i32
        %dma_wait3A_1078 = arith.constant 0 : i32
        %dma_wait3A_1079 = tpu.memref_slice %arg9[%select_n3A_863, %dma_wait3A_1077, %dma_wait3A_1078] : memref<2x8x2048xf32, #tpu.memory_space<vmem>> -> memref<1x8x2048xf32, #tpu.memory_space<vmem>>
        %dma_wait3A_1080 = tpu.memref_squeeze %dma_wait3A_1079 : memref<1x8x2048xf32, #tpu.memory_space<vmem>> -> memref<8x2048xf32, #tpu.memory_space<vmem>>
        %dma_wait3A_1081 = tpu.memref_slice %arg6[%select_n3A_1050, %multiple_of3A_1076, %multiple_of3A_1072] : memref<16x64x16384xf32, #tpu.memory_space<hbm>> -> memref<1x8x2048xf32, #tpu.memory_space<hbm>>
        %dma_wait3A_1082 = tpu.memref_squeeze %dma_wait3A_1081 : memref<1x8x2048xf32, #tpu.memory_space<hbm>> -> memref<8x2048xf32, #tpu.memory_space<hbm>>
        %dma_wait3A_1083 = tpu.memref_slice %arg6[%select_n3A_1050, %multiple_of3A_1076, %multiple_of3A_1072] : memref<16x64x16384xf32, #tpu.memory_space<hbm>> -> memref<1x8x2048xf32, #tpu.memory_space<hbm>>
        %dma_wait3A_1084 = tpu.memref_squeeze %dma_wait3A_1083 : memref<1x8x2048xf32, #tpu.memory_space<hbm>> -> memref<8x2048xf32, #tpu.memory_space<hbm>>
        %dma_wait3A_1085 = arith.constant 0 : i32
        %dma_wait3A_1086 = arith.constant 0 : i32
        %dma_wait3A_1087 = tpu.memref_slice %arg9[%select_n3A_863, %dma_wait3A_1085, %dma_wait3A_1086] : memref<2x8x2048xf32, #tpu.memory_space<vmem>> -> memref<1x8x2048xf32, #tpu.memory_space<vmem>>
        %dma_wait3A_1088 = tpu.memref_squeeze %dma_wait3A_1087 : memref<1x8x2048xf32, #tpu.memory_space<vmem>> -> memref<8x2048xf32, #tpu.memory_space<vmem>>
        tpu.wait_dma2 semaphore(%arg13 : memref<!tpu.dma_semaphore, #tpu.memory_space<semaphore_mem>>) src(%dma_wait3A_1088 : memref<8x2048xf32, #tpu.memory_space<vmem>>) dst(%dma_wait3A_1084 : memref<8x2048xf32, #tpu.memory_space<hbm>>)
      } else {
      }
      %scan3A_953 = arith.constant 0 : i32
      %scan3A_954 = arith.constant 0 : i32
      %scan3A_955 = arith.constant 8 : i32
      %scan3A_956 = arith.addi %scan3A_954, %scan3A_955 : i32
      %scan3A_957 = arith.constant 1 : i32
      scf.for %scan3A_1023 = %scan3A_954 to %scan3A_956 step %scan3A_957  : i32 {
        %add3A_1024 = arith.constant 24 : i32
        %add3A_1025 = arith.addi %add3A_1024, %scan3A_1023 : i32
        %get3A_1026 = arith.constant 0 : i32
        %get3A_1027 = arith.index_cast %add3A_1025 : i32 to index
        %get3A_1028 = arith.index_cast %get3A_1026 : i32 to index
        %get3A_1029 = arith.constant 0 : index
        %get3A_1030 = tpu.vector_load %arg10[%get3A_1027, %get3A_1028, %get3A_1029] {strides = array<i32>} : memref<32x1x16xf32, #tpu.memory_space<vmem>>, vector<16xf32>,
        %parallel_loop3A = arith.constant 0 : i32
        %parallel_loop3A_1031 = arith.constant 16 : i32
        %parallel_loop3A_1032 = arith.constant 1 : i32
        scf.for %parallel_loop3A_1033 = %parallel_loop3A to %parallel_loop3A_1031 step %parallel_loop3A_1032  : i32 {
          %parallel_loop3A_1034 = arith.constant 32 : i32
          %parallel_loop3A_1035 = arith.muli %parallel_loop3A_1033, %parallel_loop3A_1034 : i32
          %parallel_loop3A_1036 = arith.constant 0 : i32
          %parallel_loop3A_1037 = arith.addi %parallel_loop3A_1035, %parallel_loop3A_1036 : i32
          %parallel_loop3A_1038 = arith.index_cast %select_n3A_863 : i32 to index
          %parallel_loop3A_1039 = arith.index_cast %scan3A_1023 : i32 to index
          %parallel_loop3A_1040 = arith.index_cast %parallel_loop3A_1037 : i32 to index
          %parallel_loop3A_1041 = tpu.vector_load %arg8[%parallel_loop3A_1038, %parallel_loop3A_1039, %parallel_loop3A_1040] {strides = array<i32>} : memref<2x8x512xi32, #tpu.memory_space<vmem>>, vector<16xi32>,
          %parallel_loop3A_1042 = arith.constant 31 : i32
          %parallel_loop3A_1043 = vector.broadcast %parallel_loop3A_1042 : i32 to vector<16xi32>
          %parallel_loop3A_1044 = arith.shli %parallel_loop3A_1041, %parallel_loop3A_1043 : vector<16xi32>
          %parallel_loop3A_1045 = arith.constant 0 : i32
          %parallel_loop3A_1046 = vector.broadcast %parallel_loop3A_1045 : i32 to vector<16xi32>
          %parallel_loop3A_1047 = arith.cmpi slt, %parallel_loop3A_1044, %parallel_loop3A_1046 : vector<16xi32>
          %parallel_loop3A_1048 = arith.index_cast %select_n3A_863 : i32 to index
          %parallel_loop3A_1049 = arith.index_cast %scan3A_1023 : i32 to index
          %parallel_loop3A_1050 = arith.index_cast %parallel_loop3A_1033 : i32 to index
          %parallel_loop3A_1051 = arith.constant 0 : index
          %parallel_loop3A_1052 = tpu.vector_load %arg7[%parallel_loop3A_1048, %parallel_loop3A_1049, %parallel_loop3A_1050, %parallel_loop3A_1051] {strides = array<i32>} : memref<2x8x16x128xf32, #tpu.memory_space<vmem>>, vector<16xf32>,
          %parallel_loop3A_1053 = vector.broadcast %squeeze3A : f32 to vector<16xf32>
          %parallel_loop3A_1054 = arith.mulf %parallel_loop3A_1053, %parallel_loop3A_1052 : vector<16xf32>
          %parallel_loop3A_1055 = arith.subf %get3A_1030, %parallel_loop3A_1054 : vector<16xf32>
          %parallel_loop3A_1056 = vector.broadcast %scan3A_717 : f32 to vector<16xf32>
          %parallel_loop3A_1057 = arith.select %parallel_loop3A_1047, %parallel_loop3A_1055, %parallel_loop3A_1056 : vector<16xi1>, vector<16xf32>
          %parallel_loop3A_1058 = arith.constant 128 : i32
          %parallel_loop3A_1059 = arith.muli %parallel_loop3A_1033, %parallel_loop3A_1058 : i32
          %parallel_loop3A_1060 = arith.constant 0 : i32
          %parallel_loop3A_1061 = arith.addi %parallel_loop3A_1059, %parallel_loop3A_1060 : i32
          %parallel_loop3A_1062 = arith.index_cast %select_n3A_863 : i32 to index
          %parallel_loop3A_1063 = arith.index_cast %scan3A_1023 : i32 to index
          %parallel_loop3A_1064 = arith.index_cast %parallel_loop3A_1061 : i32 to index
          %parallel_loop3A_1065 = tpu.vector_load %arg9[%parallel_loop3A_1062, %parallel_loop3A_1063, %parallel_loop3A_1064] {strides = array<i32>} : memref<2x8x2048xf32, #tpu.memory_space<vmem>>, vector<16xf32>,
          tpu.vector_store %arg9[%parallel_loop3A_1062, %parallel_loop3A_1063, %parallel_loop3A_1064], %parallel_loop3A_1057 {strides = array<i32>} : memref<2x8x2048xf32, #tpu.memory_space<vmem>>, vector<16xf32>,
          %parallel_loop3A_1066 = arith.constant 23 : i32
          %parallel_loop3A_1067 = vector.broadcast %parallel_loop3A_1066 : i32 to vector<16xi32>
          %parallel_loop3A_1068 = arith.shli %parallel_loop3A_1041, %parallel_loop3A_1067 : vector<16xi32>
          %parallel_loop3A_1069 = arith.constant 0 : i32
          %parallel_loop3A_1070 = vector.broadcast %parallel_loop3A_1069 : i32 to vector<16xi32>
          %parallel_loop3A_1071 = arith.cmpi slt, %parallel_loop3A_1068, %parallel_loop3A_1070 : vector<16xi32>
          %parallel_loop3A_1072 = arith.index_cast %select_n3A_863 : i32 to index
          %parallel_loop3A_1073 = arith.index_cast %scan3A_1023 : i32 to index
          %parallel_loop3A_1074 = arith.index_cast %parallel_loop3A_1033 : i32 to index
          %parallel_loop3A_1075 = arith.constant 16 : index
          %parallel_loop3A_1076 = tpu.vector_load %arg7[%parallel_loop3A_1072, %parallel_loop3A_1073, %parallel_loop3A_1074, %parallel_loop3A_1075] {strides = array<i32>} : memref<2x8x16x128xf32, #tpu.memory_space<vmem>>, vector<16xf32>,
          %parallel_loop3A_1077 = vector.broadcast %squeeze3A : f32 to vector<16xf32>
          %parallel_loop3A_1078 = arith.mulf %parallel_loop3A_1077, %parallel_loop3A_1076 : vector<16xf32>
          %parallel_loop3A_1079 = arith.subf %get3A_1030, %parallel_loop3A_1078 : vector<16xf32>
          %parallel_loop3A_1080 = vector.broadcast %scan3A_717 : f32 to vector<16xf32>
          %parallel_loop3A_1081 = arith.select %parallel_loop3A_1071, %parallel_loop3A_1079, %parallel_loop3A_1080 : vector<16xi1>, vector<16xf32>
          %parallel_loop3A_1082 = arith.constant 128 : i32
          %parallel_loop3A_1083 = arith.muli %parallel_loop3A_1033, %parallel_loop3A_1082 : i32
          %parallel_loop3A_1084 = arith.constant 16 : i32
          %parallel_loop3A_1085 = arith.addi %parallel_loop3A_1083, %parallel_loop3A_1084 : i32
          %parallel_loop3A_1086 = arith.index_cast %select_n3A_863 : i32 to index
          %parallel_loop3A_1087 = arith.index_cast %scan3A_1023 : i32 to index
          %parallel_loop3A_1088 = arith.index_cast %parallel_loop3A_1085 : i32 to index
          %parallel_loop3A_1089 = tpu.vector_load %arg9[%parallel_loop3A_1086, %parallel_loop3A_1087, %parallel_loop3A_1088] {strides = array<i32>} : memref<2x8x2048xf32, #tpu.memory_space<vmem>>, vector<16xf32>,
          tpu.vector_store %arg9[%parallel_loop3A_1086, %parallel_loop3A_1087, %parallel_loop3A_1088], %parallel_loop3A_1081 {strides = array<i32>} : memref<2x8x2048xf32, #tpu.memory_space<vmem>>, vector<16xf32>,
          %parallel_loop3A_1090 = arith.constant 15 : i32
          %parallel_loop3A_1091 = vector.broadcast %parallel_loop3A_1090 : i32 to vector<16xi32>
          %parallel_loop3A_1092 = arith.shli %parallel_loop3A_1041, %parallel_loop3A_1091 : vector<16xi32>
          %parallel_loop3A_1093 = arith.constant 0 : i32
          %parallel_loop3A_1094 = vector.broadcast %parallel_loop3A_1093 : i32 to vector<16xi32>
          %parallel_loop3A_1095 = arith.cmpi slt, %parallel_loop3A_1092, %parallel_loop3A_1094 : vector<16xi32>
          %parallel_loop3A_1096 = arith.index_cast %select_n3A_863 : i32 to index
          %parallel_loop3A_1097 = arith.index_cast %scan3A_1023 : i32 to index
          %parallel_loop3A_1098 = arith.index_cast %parallel_loop3A_1033 : i32 to index
          %parallel_loop3A_1099 = arith.constant 32 : index
          %parallel_loop3A_1100 = tpu.vector_load %arg7[%parallel_loop3A_1096, %parallel_loop3A_1097, %parallel_loop3A_1098, %parallel_loop3A_1099] {strides = array<i32>} : memref<2x8x16x128xf32, #tpu.memory_space<vmem>>, vector<16xf32>,
          %parallel_loop3A_1101 = vector.broadcast %squeeze3A : f32 to vector<16xf32>
          %parallel_loop3A_1102 = arith.mulf %parallel_loop3A_1101, %parallel_loop3A_1100 : vector<16xf32>
          %parallel_loop3A_1103 = arith.subf %get3A_1030, %parallel_loop3A_1102 : vector<16xf32>
          %parallel_loop3A_1104 = vector.broadcast %scan3A_717 : f32 to vector<16xf32>
          %parallel_loop3A_1105 = arith.select %parallel_loop3A_1095, %parallel_loop3A_1103, %parallel_loop3A_1104 : vector<16xi1>, vector<16xf32>
          %parallel_loop3A_1106 = arith.constant 128 : i32
          %parallel_loop3A_1107 = arith.muli %parallel_loop3A_1033, %parallel_loop3A_1106 : i32
          %parallel_loop3A_1108 = arith.constant 32 : i32
          %parallel_loop3A_1109 = arith.addi %parallel_loop3A_1107, %parallel_loop3A_1108 : i32
          %parallel_loop3A_1110 = arith.index_cast %select_n3A_863 : i32 to index
          %parallel_loop3A_1111 = arith.index_cast %scan3A_1023 : i32 to index
          %parallel_loop3A_1112 = arith.index_cast %parallel_loop3A_1109 : i32 to index
          %parallel_loop3A_1113 = tpu.vector_load %arg9[%parallel_loop3A_1110, %parallel_loop3A_1111, %parallel_loop3A_1112] {strides = array<i32>} : memref<2x8x2048xf32, #tpu.memory_space<vmem>>, vector<16xf32>,
          tpu.vector_store %arg9[%parallel_loop3A_1110, %parallel_loop3A_1111, %parallel_loop3A_1112], %parallel_loop3A_1105 {strides = array<i32>} : memref<2x8x2048xf32, #tpu.memory_space<vmem>>, vector<16xf32>,
          %parallel_loop3A_1114 = arith.constant 7 : i32
          %parallel_loop3A_1115 = vector.broadcast %parallel_loop3A_1114 : i32 to vector<16xi32>
          %parallel_loop3A_1116 = arith.shli %parallel_loop3A_1041, %parallel_loop3A_1115 : vector<16xi32>
          %parallel_loop3A_1117 = arith.constant 0 : i32
          %parallel_loop3A_1118 = vector.broadcast %parallel_loop3A_1117 : i32 to vector<16xi32>
          %parallel_loop3A_1119 = arith.cmpi slt, %parallel_loop3A_1116, %parallel_loop3A_1118 : vector<16xi32>
          %parallel_loop3A_1120 = arith.index_cast %select_n3A_863 : i32 to index
          %parallel_loop3A_1121 = arith.index_cast %scan3A_1023 : i32 to index
          %parallel_loop3A_1122 = arith.index_cast %parallel_loop3A_1033 : i32 to index
          %parallel_loop3A_1123 = arith.constant 48 : index
          %parallel_loop3A_1124 = tpu.vector_load %arg7[%parallel_loop3A_1120, %parallel_loop3A_1121, %parallel_loop3A_1122, %parallel_loop3A_1123] {strides = array<i32>} : memref<2x8x16x128xf32, #tpu.memory_space<vmem>>, vector<16xf32>,
          %parallel_loop3A_1125 = vector.broadcast %squeeze3A : f32 to vector<16xf32>
          %parallel_loop3A_1126 = arith.mulf %parallel_loop3A_1125, %parallel_loop3A_1124 : vector<16xf32>
          %parallel_loop3A_1127 = arith.subf %get3A_1030, %parallel_loop3A_1126 : vector<16xf32>
          %parallel_loop3A_1128 = vector.broadcast %scan3A_717 : f32 to vector<16xf32>
          %parallel_loop3A_1129 = arith.select %parallel_loop3A_1119, %parallel_loop3A_1127, %parallel_loop3A_1128 : vector<16xi1>, vector<16xf32>
          %parallel_loop3A_1130 = arith.constant 128 : i32
          %parallel_loop3A_1131 = arith.muli %parallel_loop3A_1033, %parallel_loop3A_1130 : i32
          %parallel_loop3A_1132 = arith.constant 48 : i32
          %parallel_loop3A_1133 = arith.addi %parallel_loop3A_1131, %parallel_loop3A_1132 : i32
          %parallel_loop3A_1134 = arith.index_cast %select_n3A_863 : i32 to index
          %parallel_loop3A_1135 = arith.index_cast %scan3A_1023 : i32 to index
          %parallel_loop3A_1136 = arith.index_cast %parallel_loop3A_1133 : i32 to index
          %parallel_loop3A_1137 = tpu.vector_load %arg9[%parallel_loop3A_1134, %parallel_loop3A_1135, %parallel_loop3A_1136] {strides = array<i32>} : memref<2x8x2048xf32, #tpu.memory_space<vmem>>, vector<16xf32>,
          tpu.vector_store %arg9[%parallel_loop3A_1134, %parallel_loop3A_1135, %parallel_loop3A_1136], %parallel_loop3A_1129 {strides = array<i32>} : memref<2x8x2048xf32, #tpu.memory_space<vmem>>, vector<16xf32>,
          %parallel_loop3A_1138 = arith.constant 32 : i32
          %parallel_loop3A_1139 = arith.muli %parallel_loop3A_1033, %parallel_loop3A_1138 : i32
          %parallel_loop3A_1140 = arith.constant 16 : i32
          %parallel_loop3A_1141 = arith.addi %parallel_loop3A_1139, %parallel_loop3A_1140 : i32
          %parallel_loop3A_1142 = arith.index_cast %select_n3A_863 : i32 to index
          %parallel_loop3A_1143 = arith.index_cast %scan3A_1023 : i32 to index
          %parallel_loop3A_1144 = arith.index_cast %parallel_loop3A_1141 : i32 to index
          %parallel_loop3A_1145 = tpu.vector_load %arg8[%parallel_loop3A_1142, %parallel_loop3A_1143, %parallel_loop3A_1144] {strides = array<i32>} : memref<2x8x512xi32, #tpu.memory_space<vmem>>, vector<16xi32>,
          %parallel_loop3A_1146 = arith.constant 31 : i32
          %parallel_loop3A_1147 = vector.broadcast %parallel_loop3A_1146 : i32 to vector<16xi32>
          %parallel_loop3A_1148 = arith.shli %parallel_loop3A_1145, %parallel_loop3A_1147 : vector<16xi32>
          %parallel_loop3A_1149 = arith.constant 0 : i32
          %parallel_loop3A_1150 = vector.broadcast %parallel_loop3A_1149 : i32 to vector<16xi32>
          %parallel_loop3A_1151 = arith.cmpi slt, %parallel_loop3A_1148, %parallel_loop3A_1150 : vector<16xi32>
          %parallel_loop3A_1152 = arith.index_cast %select_n3A_863 : i32 to index
          %parallel_loop3A_1153 = arith.index_cast %scan3A_1023 : i32 to index
          %parallel_loop3A_1154 = arith.index_cast %parallel_loop3A_1033 : i32 to index
          %parallel_loop3A_1155 = arith.constant 64 : index
          %parallel_loop3A_1156 = tpu.vector_load %arg7[%parallel_loop3A_1152, %parallel_loop3A_1153, %parallel_loop3A_1154, %parallel_loop3A_1155] {strides = array<i32>} : memref<2x8x16x128xf32, #tpu.memory_space<vmem>>, vector<16xf32>,
          %parallel_loop3A_1157 = vector.broadcast %squeeze3A : f32 to vector<16xf32>
          %parallel_loop3A_1158 = arith.mulf %parallel_loop3A_1157, %parallel_loop3A_1156 : vector<16xf32>
          %parallel_loop3A_1159 = arith.subf %get3A_1030, %parallel_loop3A_1158 : vector<16xf32>
          %parallel_loop3A_1160 = vector.broadcast %scan3A_717 : f32 to vector<16xf32>
          %parallel_loop3A_1161 = arith.select %parallel_loop3A_1151, %parallel_loop3A_1159, %parallel_loop3A_1160 : vector<16xi1>, vector<16xf32>
          %parallel_loop3A_1162 = arith.constant 128 : i32
          %parallel_loop3A_1163 = arith.muli %parallel_loop3A_1033, %parallel_loop3A_1162 : i32
          %parallel_loop3A_1164 = arith.constant 64 : i32
          %parallel_loop3A_1165 = arith.addi %parallel_loop3A_1163, %parallel_loop3A_1164 : i32
          %parallel_loop3A_1166 = arith.index_cast %select_n3A_863 : i32 to index
          %parallel_loop3A_1167 = arith.index_cast %scan3A_1023 : i32 to index
          %parallel_loop3A_1168 = arith.index_cast %parallel_loop3A_1165 : i32 to index
          %parallel_loop3A_1169 = tpu.vector_load %arg9[%parallel_loop3A_1166, %parallel_loop3A_1167, %parallel_loop3A_1168] {strides = array<i32>} : memref<2x8x2048xf32, #tpu.memory_space<vmem>>, vector<16xf32>,
          tpu.vector_store %arg9[%parallel_loop3A_1166, %parallel_loop3A_1167, %parallel_loop3A_1168], %parallel_loop3A_1161 {strides = array<i32>} : memref<2x8x2048xf32, #tpu.memory_space<vmem>>, vector<16xf32>,
          %parallel_loop3A_1170 = arith.constant 23 : i32
          %parallel_loop3A_1171 = vector.broadcast %parallel_loop3A_1170 : i32 to vector<16xi32>
          %parallel_loop3A_1172 = arith.shli %parallel_loop3A_1145, %parallel_loop3A_1171 : vector<16xi32>
          %parallel_loop3A_1173 = arith.constant 0 : i32
          %parallel_loop3A_1174 = vector.broadcast %parallel_loop3A_1173 : i32 to vector<16xi32>
          %parallel_loop3A_1175 = arith.cmpi slt, %parallel_loop3A_1172, %parallel_loop3A_1174 : vector<16xi32>
          %parallel_loop3A_1176 = arith.index_cast %select_n3A_863 : i32 to index
          %parallel_loop3A_1177 = arith.index_cast %scan3A_1023 : i32 to index
          %parallel_loop3A_1178 = arith.index_cast %parallel_loop3A_1033 : i32 to index
          %parallel_loop3A_1179 = arith.constant 80 : index
          %parallel_loop3A_1180 = tpu.vector_load %arg7[%parallel_loop3A_1176, %parallel_loop3A_1177, %parallel_loop3A_1178, %parallel_loop3A_1179] {strides = array<i32>} : memref<2x8x16x128xf32, #tpu.memory_space<vmem>>, vector<16xf32>,
          %parallel_loop3A_1181 = vector.broadcast %squeeze3A : f32 to vector<16xf32>
          %parallel_loop3A_1182 = arith.mulf %parallel_loop3A_1181, %parallel_loop3A_1180 : vector<16xf32>
          %parallel_loop3A_1183 = arith.subf %get3A_1030, %parallel_loop3A_1182 : vector<16xf32>
          %parallel_loop3A_1184 = vector.broadcast %scan3A_717 : f32 to vector<16xf32>
          %parallel_loop3A_1185 = arith.select %parallel_loop3A_1175, %parallel_loop3A_1183, %parallel_loop3A_1184 : vector<16xi1>, vector<16xf32>
          %parallel_loop3A_1186 = arith.constant 128 : i32
          %parallel_loop3A_1187 = arith.muli %parallel_loop3A_1033, %parallel_loop3A_1186 : i32
          %parallel_loop3A_1188 = arith.constant 80 : i32
          %parallel_loop3A_1189 = arith.addi %parallel_loop3A_1187, %parallel_loop3A_1188 : i32
          %parallel_loop3A_1190 = arith.index_cast %select_n3A_863 : i32 to index
          %parallel_loop3A_1191 = arith.index_cast %scan3A_1023 : i32 to index
          %parallel_loop3A_1192 = arith.index_cast %parallel_loop3A_1189 : i32 to index
          %parallel_loop3A_1193 = tpu.vector_load %arg9[%parallel_loop3A_1190, %parallel_loop3A_1191, %parallel_loop3A_1192] {strides = array<i32>} : memref<2x8x2048xf32, #tpu.memory_space<vmem>>, vector<16xf32>,
          tpu.vector_store %arg9[%parallel_loop3A_1190, %parallel_loop3A_1191, %parallel_loop3A_1192], %parallel_loop3A_1185 {strides = array<i32>} : memref<2x8x2048xf32, #tpu.memory_space<vmem>>, vector<16xf32>,
          %parallel_loop3A_1194 = arith.constant 15 : i32
          %parallel_loop3A_1195 = vector.broadcast %parallel_loop3A_1194 : i32 to vector<16xi32>
          %parallel_loop3A_1196 = arith.shli %parallel_loop3A_1145, %parallel_loop3A_1195 : vector<16xi32>
          %parallel_loop3A_1197 = arith.constant 0 : i32
          %parallel_loop3A_1198 = vector.broadcast %parallel_loop3A_1197 : i32 to vector<16xi32>
          %parallel_loop3A_1199 = arith.cmpi slt, %parallel_loop3A_1196, %parallel_loop3A_1198 : vector<16xi32>
          %parallel_loop3A_1200 = arith.index_cast %select_n3A_863 : i32 to index
          %parallel_loop3A_1201 = arith.index_cast %scan3A_1023 : i32 to index
          %parallel_loop3A_1202 = arith.index_cast %parallel_loop3A_1033 : i32 to index
          %parallel_loop3A_1203 = arith.constant 96 : index
          %parallel_loop3A_1204 = tpu.vector_load %arg7[%parallel_loop3A_1200, %parallel_loop3A_1201, %parallel_loop3A_1202, %parallel_loop3A_1203] {strides = array<i32>} : memref<2x8x16x128xf32, #tpu.memory_space<vmem>>, vector<16xf32>,
          %parallel_loop3A_1205 = vector.broadcast %squeeze3A : f32 to vector<16xf32>
          %parallel_loop3A_1206 = arith.mulf %parallel_loop3A_1205, %parallel_loop3A_1204 : vector<16xf32>
          %parallel_loop3A_1207 = arith.subf %get3A_1030, %parallel_loop3A_1206 : vector<16xf32>
          %parallel_loop3A_1208 = vector.broadcast %scan3A_717 : f32 to vector<16xf32>
          %parallel_loop3A_1209 = arith.select %parallel_loop3A_1199, %parallel_loop3A_1207, %parallel_loop3A_1208 : vector<16xi1>, vector<16xf32>
          %parallel_loop3A_1210 = arith.constant 128 : i32
          %parallel_loop3A_1211 = arith.muli %parallel_loop3A_1033, %parallel_loop3A_1210 : i32
          %parallel_loop3A_1212 = arith.constant 96 : i32
          %parallel_loop3A_1213 = arith.addi %parallel_loop3A_1211, %parallel_loop3A_1212 : i32
          %parallel_loop3A_1214 = arith.index_cast %select_n3A_863 : i32 to index
          %parallel_loop3A_1215 = arith.index_cast %scan3A_1023 : i32 to index
          %parallel_loop3A_1216 = arith.index_cast %parallel_loop3A_1213 : i32 to index
          %parallel_loop3A_1217 = tpu.vector_load %arg9[%parallel_loop3A_1214, %parallel_loop3A_1215, %parallel_loop3A_1216] {strides = array<i32>} : memref<2x8x2048xf32, #tpu.memory_space<vmem>>, vector<16xf32>,
          tpu.vector_store %arg9[%parallel_loop3A_1214, %parallel_loop3A_1215, %parallel_loop3A_1216], %parallel_loop3A_1209 {strides = array<i32>} : memref<2x8x2048xf32, #tpu.memory_space<vmem>>, vector<16xf32>,
          %parallel_loop3A_1218 = arith.constant 7 : i32
          %parallel_loop3A_1219 = vector.broadcast %parallel_loop3A_1218 : i32 to vector<16xi32>
          %parallel_loop3A_1220 = arith.shli %parallel_loop3A_1145, %parallel_loop3A_1219 : vector<16xi32>
          %parallel_loop3A_1221 = arith.constant 0 : i32
          %parallel_loop3A_1222 = vector.broadcast %parallel_loop3A_1221 : i32 to vector<16xi32>
          %parallel_loop3A_1223 = arith.cmpi slt, %parallel_loop3A_1220, %parallel_loop3A_1222 : vector<16xi32>
          %parallel_loop3A_1224 = arith.index_cast %select_n3A_863 : i32 to index
          %parallel_loop3A_1225 = arith.index_cast %scan3A_1023 : i32 to index
          %parallel_loop3A_1226 = arith.index_cast %parallel_loop3A_1033 : i32 to index
          %parallel_loop3A_1227 = arith.constant 112 : index
          %parallel_loop3A_1228 = tpu.vector_load %arg7[%parallel_loop3A_1224, %parallel_loop3A_1225, %parallel_loop3A_1226, %parallel_loop3A_1227] {strides = array<i32>} : memref<2x8x16x128xf32, #tpu.memory_space<vmem>>, vector<16xf32>,
          %parallel_loop3A_1229 = vector.broadcast %squeeze3A : f32 to vector<16xf32>
          %parallel_loop3A_1230 = arith.mulf %parallel_loop3A_1229, %parallel_loop3A_1228 : vector<16xf32>
          %parallel_loop3A_1231 = arith.subf %get3A_1030, %parallel_loop3A_1230 : vector<16xf32>
          %parallel_loop3A_1232 = vector.broadcast %scan3A_717 : f32 to vector<16xf32>
          %parallel_loop3A_1233 = arith.select %parallel_loop3A_1223, %parallel_loop3A_1231, %parallel_loop3A_1232 : vector<16xi1>, vector<16xf32>
          %parallel_loop3A_1234 = arith.constant 128 : i32
          %parallel_loop3A_1235 = arith.muli %parallel_loop3A_1033, %parallel_loop3A_1234 : i32
          %parallel_loop3A_1236 = arith.constant 112 : i32
          %parallel_loop3A_1237 = arith.addi %parallel_loop3A_1235, %parallel_loop3A_1236 : i32
          %parallel_loop3A_1238 = arith.index_cast %select_n3A_863 : i32 to index
          %parallel_loop3A_1239 = arith.index_cast %scan3A_1023 : i32 to index
          %parallel_loop3A_1240 = arith.index_cast %parallel_loop3A_1237 : i32 to index
          %parallel_loop3A_1241 = tpu.vector_load %arg9[%parallel_loop3A_1238, %parallel_loop3A_1239, %parallel_loop3A_1240] {strides = array<i32>} : memref<2x8x2048xf32, #tpu.memory_space<vmem>>, vector<16xf32>,
          tpu.vector_store %arg9[%parallel_loop3A_1238, %parallel_loop3A_1239, %parallel_loop3A_1240], %parallel_loop3A_1233 {strides = array<i32>} : memref<2x8x2048xf32, #tpu.memory_space<vmem>>, vector<16xf32>,
        } {sc.loop_unroll_factor = 4 : i64, sc.parallel_access}
      }
      %scan3A_958 = arith.constant 8 : i32
      %mul3A_959 = arith.constant 8 : i32
      %mul3A_960 = arith.muli %add3A_636, %mul3A_959 : i32
      %jit3A_961 = arith.constant 64 : i32
      %div3A_962 = arith.divsi %mul3A_960, %jit3A_961 : i32
      %sign3A_963 = arith.constant 0 : i32
      %sign3A_964 = arith.cmpi sgt, %mul3A_960, %sign3A_963 : i32
      %sign3A_965 = arith.extui %sign3A_964 : i1 to i32
      %sign3A_966 = arith.constant 0 : i32
      %sign3A_967 = arith.cmpi slt, %mul3A_960, %sign3A_966 : i32
      %sign3A_968 = arith.extui %sign3A_967 : i1 to i32
      %sign3A_969 = arith.subi %sign3A_965, %sign3A_968 : i32
      %sign3A_970 = arith.constant 0 : i32
      %sign3A_971 = arith.cmpi sgt, %jit3A_961, %sign3A_970 : i32
      %sign3A_972 = arith.extui %sign3A_971 : i1 to i32
      %sign3A_973 = arith.constant 0 : i32
      %sign3A_974 = arith.cmpi slt, %jit3A_961, %sign3A_973 : i32
      %sign3A_975 = arith.extui %sign3A_974 : i1 to i32
      %sign3A_976 = arith.subi %sign3A_972, %sign3A_975 : i32
      %ne3A_977 = arith.cmpi ne, %sign3A_969, %sign3A_976 : i32
      %rem3A_978 = arith.remsi %mul3A_960, %jit3A_961 : i32
      %ne3A_979 = arith.constant 0 : i32
      %ne3A_980 = arith.cmpi ne, %rem3A_978, %ne3A_979 : i32
      %and3A_981 = arith.andi %ne3A_977, %ne3A_980 : i1
      %sub3A_982 = arith.constant 1 : i32
      %sub3A_983 = arith.subi %div3A_962, %sub3A_982 : i32
      %select_n3A_984 = arith.select %and3A_981, %sub3A_983, %div3A_962 : i32
      %jit3A_985 = arith.constant 64 : i32
      %eq3A_986 = arith.constant 0 : i32
      %eq3A_987 = arith.cmpi eq, %jit3A_985, %eq3A_986 : i32
      %jit3A_988 = arith.constant 1 : i32
      %select_n3A_989 = arith.select %eq3A_987, %jit3A_988, %jit3A_985 : i32
      %rem3A_990 = arith.remsi %mul3A_960, %select_n3A_989 : i32
      %ne3A_991 = arith.constant 0 : i32
      %ne3A_992 = arith.cmpi ne, %rem3A_990, %ne3A_991 : i32
      %lt3A_993 = arith.constant 0 : i32
      %lt3A_994 = arith.cmpi slt, %rem3A_990, %lt3A_993 : i32
      %lt3A_995 = arith.constant 0 : i32
      %lt3A_996 = arith.cmpi slt, %select_n3A_989, %lt3A_995 : i32
      %ne3A_997 = arith.xori %lt3A_994, %lt3A_996 : i1
      %and3A_998 = arith.andi %ne3A_997, %ne3A_992 : i1
      %add3A_999 = arith.addi %rem3A_990, %select_n3A_989 : i32
      %select_n3A_1000 = arith.select %and3A_998, %add3A_999, %rem3A_990 : i32
      %mul3A_1001 = arith.constant 16 : i32
      %mul3A_1002 = arith.muli %scan3A_847, %mul3A_1001 : i32
      %multiple_of3A_1003 = tpu.assume_multiple %mul3A_1002, 16 : i32
      %mul3A_1004 = arith.constant 2048 : i32
      %mul3A_1005 = arith.muli %scan3A_847, %mul3A_1004 : i32
      %multiple_of3A_1006 = tpu.assume_multiple %mul3A_1005, 2048 : i32
      %mul3A_1007 = arith.constant 512 : i32
      %mul3A_1008 = arith.muli %scan3A_847, %mul3A_1007 : i32
      %multiple_of3A_1009 = tpu.assume_multiple %mul3A_1008, 512 : i32
      %multiple_of3A_1010 = tpu.assume_multiple %select_n3A_1000, 8 : i32
      %dma_start3A_1011 = arith.constant 0 : i32
      %dma_start3A_1012 = arith.constant 0 : i32
      %dma_start3A_1013 = tpu.memref_slice %arg9[%select_n3A_863, %dma_start3A_1011, %dma_start3A_1012] : memref<2x8x2048xf32, #tpu.memory_space<vmem>> -> memref<1x8x2048xf32, #tpu.memory_space<vmem>>
      %dma_start3A_1014 = tpu.memref_squeeze %dma_start3A_1013 : memref<1x8x2048xf32, #tpu.memory_space<vmem>> -> memref<8x2048xf32, #tpu.memory_space<vmem>>
      %dma_start3A_1015 = tpu.memref_slice %arg6[%select_n3A_984, %multiple_of3A_1010, %multiple_of3A_1006] : memref<16x64x16384xf32, #tpu.memory_space<hbm>> -> memref<1x8x2048xf32, #tpu.memory_space<hbm>>
      %dma_start3A_1016 = tpu.memref_squeeze %dma_start3A_1015 : memref<1x8x2048xf32, #tpu.memory_space<hbm>> -> memref<8x2048xf32, #tpu.memory_space<hbm>>
      %dma_start3A_1017 = tpu.memref_slice %arg6[%select_n3A_984, %multiple_of3A_1010, %multiple_of3A_1006] : memref<16x64x16384xf32, #tpu.memory_space<hbm>> -> memref<1x8x2048xf32, #tpu.memory_space<hbm>>
      %dma_start3A_1018 = tpu.memref_squeeze %dma_start3A_1017 : memref<1x8x2048xf32, #tpu.memory_space<hbm>> -> memref<8x2048xf32, #tpu.memory_space<hbm>>
      %dma_start3A_1019 = arith.constant 0 : i32
      %dma_start3A_1020 = arith.constant 0 : i32
      %dma_start3A_1021 = tpu.memref_slice %arg9[%select_n3A_863, %dma_start3A_1019, %dma_start3A_1020] : memref<2x8x2048xf32, #tpu.memory_space<vmem>> -> memref<1x8x2048xf32, #tpu.memory_space<vmem>>
      %dma_start3A_1022 = tpu.memref_squeeze %dma_start3A_1021 : memref<1x8x2048xf32, #tpu.memory_space<vmem>> -> memref<8x2048xf32, #tpu.memory_space<vmem>>
      tpu.enqueue_dma source(%dma_start3A_1022 : memref<8x2048xf32, #tpu.memory_space<vmem>>) target(%dma_start3A_1018 : memref<8x2048xf32, #tpu.memory_space<hbm>>) target_semaphore(%arg13 : memref<!tpu.dma_semaphore, #tpu.memory_space<semaphore_mem>>)
    }
    %scan3A_722 = arith.constant 8 : i32
    %mul3A_723 = arith.constant 8 : i32
    %mul3A_724 = arith.muli %add3A_636, %mul3A_723 : i32
    %jit3A_725 = arith.constant 64 : i32
    %div3A_726 = arith.divsi %mul3A_724, %jit3A_725 : i32
    %sign3A_727 = arith.constant 0 : i32
    %sign3A_728 = arith.cmpi sgt, %mul3A_724, %sign3A_727 : i32
    %sign3A_729 = arith.extui %sign3A_728 : i1 to i32
    %sign3A_730 = arith.constant 0 : i32
    %sign3A_731 = arith.cmpi slt, %mul3A_724, %sign3A_730 : i32
    %sign3A_732 = arith.extui %sign3A_731 : i1 to i32
    %sign3A_733 = arith.subi %sign3A_729, %sign3A_732 : i32
    %sign3A_734 = arith.constant 0 : i32
    %sign3A_735 = arith.cmpi sgt, %jit3A_725, %sign3A_734 : i32
    %sign3A_736 = arith.extui %sign3A_735 : i1 to i32
    %sign3A_737 = arith.constant 0 : i32
    %sign3A_738 = arith.cmpi slt, %jit3A_725, %sign3A_737 : i32
    %sign3A_739 = arith.extui %sign3A_738 : i1 to i32
    %sign3A_740 = arith.subi %sign3A_736, %sign3A_739 : i32
    %ne3A_741 = arith.cmpi ne, %sign3A_733, %sign3A_740 : i32
    %rem3A_742 = arith.remsi %mul3A_724, %jit3A_725 : i32
    %ne3A_743 = arith.constant 0 : i32
    %ne3A_744 = arith.cmpi ne, %rem3A_742, %ne3A_743 : i32
    %and3A_745 = arith.andi %ne3A_741, %ne3A_744 : i1
    %sub3A_746 = arith.constant 1 : i32
    %sub3A_747 = arith.subi %div3A_726, %sub3A_746 : i32
    %select_n3A_748 = arith.select %and3A_745, %sub3A_747, %div3A_726 : i32
    %jit3A_749 = arith.constant 64 : i32
    %eq3A_750 = arith.constant 0 : i32
    %eq3A_751 = arith.cmpi eq, %jit3A_749, %eq3A_750 : i32
    %jit3A_752 = arith.constant 1 : i32
    %select_n3A_753 = arith.select %eq3A_751, %jit3A_752, %jit3A_749 : i32
    %rem3A_754 = arith.remsi %mul3A_724, %select_n3A_753 : i32
    %ne3A_755 = arith.constant 0 : i32
    %ne3A_756 = arith.cmpi ne, %rem3A_754, %ne3A_755 : i32
    %lt3A_757 = arith.constant 0 : i32
    %lt3A_758 = arith.cmpi slt, %rem3A_754, %lt3A_757 : i32
    %lt3A_759 = arith.constant 0 : i32
    %lt3A_760 = arith.cmpi slt, %select_n3A_753, %lt3A_759 : i32
    %ne3A_761 = arith.xori %lt3A_758, %lt3A_760 : i1
    %and3A_762 = arith.andi %ne3A_761, %ne3A_756 : i1
    %add3A_763 = arith.addi %rem3A_754, %select_n3A_753 : i32
    %select_n3A_764 = arith.select %and3A_762, %add3A_763, %rem3A_754 : i32
    %multiple_of3A_765 = arith.constant 96 : i32
    %multiple_of3A_766 = tpu.assume_multiple %multiple_of3A_765, 16 : i32
    %multiple_of3A_767 = arith.constant 12288 : i32
    %multiple_of3A_768 = tpu.assume_multiple %multiple_of3A_767, 2048 : i32
    %multiple_of3A_769 = arith.constant 3072 : i32
    %multiple_of3A_770 = tpu.assume_multiple %multiple_of3A_769, 512 : i32
    %multiple_of3A_771 = tpu.assume_multiple %select_n3A_764, 8 : i32
    %dma_wait3A_772 = arith.constant 0 : i32
    %dma_wait3A_773 = arith.constant 0 : i32
    %dma_wait3A_774 = arith.constant 0 : i32
    %dma_wait3A_775 = tpu.memref_slice %arg9[%dma_wait3A_772, %dma_wait3A_773, %dma_wait3A_774] : memref<2x8x2048xf32, #tpu.memory_space<vmem>> -> memref<1x8x2048xf32, #tpu.memory_space<vmem>>
    %dma_wait3A_776 = tpu.memref_squeeze %dma_wait3A_775 : memref<1x8x2048xf32, #tpu.memory_space<vmem>> -> memref<8x2048xf32, #tpu.memory_space<vmem>>
    %dma_wait3A_777 = tpu.memref_slice %arg6[%select_n3A_748, %multiple_of3A_771, %multiple_of3A_768] : memref<16x64x16384xf32, #tpu.memory_space<hbm>> -> memref<1x8x2048xf32, #tpu.memory_space<hbm>>
    %dma_wait3A_778 = tpu.memref_squeeze %dma_wait3A_777 : memref<1x8x2048xf32, #tpu.memory_space<hbm>> -> memref<8x2048xf32, #tpu.memory_space<hbm>>
    %dma_wait3A_779 = tpu.memref_slice %arg6[%select_n3A_748, %multiple_of3A_771, %multiple_of3A_768] : memref<16x64x16384xf32, #tpu.memory_space<hbm>> -> memref<1x8x2048xf32, #tpu.memory_space<hbm>>
    %dma_wait3A_780 = tpu.memref_squeeze %dma_wait3A_779 : memref<1x8x2048xf32, #tpu.memory_space<hbm>> -> memref<8x2048xf32, #tpu.memory_space<hbm>>
    %dma_wait3A_781 = arith.constant 0 : i32
    %dma_wait3A_782 = arith.constant 0 : i32
    %dma_wait3A_783 = tpu.memref_slice %arg9[%dma_wait3A_772, %dma_wait3A_781, %dma_wait3A_782] : memref<2x8x2048xf32, #tpu.memory_space<vmem>> -> memref<1x8x2048xf32, #tpu.memory_space<vmem>>
    %dma_wait3A_784 = tpu.memref_squeeze %dma_wait3A_783 : memref<1x8x2048xf32, #tpu.memory_space<vmem>> -> memref<8x2048xf32, #tpu.memory_space<vmem>>
    tpu.wait_dma2 semaphore(%arg13 : memref<!tpu.dma_semaphore, #tpu.memory_space<semaphore_mem>>) src(%dma_wait3A_784 : memref<8x2048xf32, #tpu.memory_space<vmem>>) dst(%dma_wait3A_780 : memref<8x2048xf32, #tpu.memory_space<hbm>>)
    %mul3A_785 = arith.constant 8 : i32
    %mul3A_786 = arith.muli %add3A_636, %mul3A_785 : i32
    %jit3A_787 = arith.constant 64 : i32
    %div3A_788 = arith.divsi %mul3A_786, %jit3A_787 : i32
    %sign3A_789 = arith.constant 0 : i32
    %sign3A_790 = arith.cmpi sgt, %mul3A_786, %sign3A_789 : i32
    %sign3A_791 = arith.extui %sign3A_790 : i1 to i32
    %sign3A_792 = arith.constant 0 : i32
    %sign3A_793 = arith.cmpi slt, %mul3A_786, %sign3A_792 : i32
    %sign3A_794 = arith.extui %sign3A_793 : i1 to i32
    %sign3A_795 = arith.subi %sign3A_791, %sign3A_794 : i32
    %sign3A_796 = arith.constant 0 : i32
    %sign3A_797 = arith.cmpi sgt, %jit3A_787, %sign3A_796 : i32
    %sign3A_798 = arith.extui %sign3A_797 : i1 to i32
    %sign3A_799 = arith.constant 0 : i32
    %sign3A_800 = arith.cmpi slt, %jit3A_787, %sign3A_799 : i32
    %sign3A_801 = arith.extui %sign3A_800 : i1 to i32
    %sign3A_802 = arith.subi %sign3A_798, %sign3A_801 : i32
    %ne3A_803 = arith.cmpi ne, %sign3A_795, %sign3A_802 : i32
    %rem3A_804 = arith.remsi %mul3A_786, %jit3A_787 : i32
    %ne3A_805 = arith.constant 0 : i32
    %ne3A_806 = arith.cmpi ne, %rem3A_804, %ne3A_805 : i32
    %and3A_807 = arith.andi %ne3A_803, %ne3A_806 : i1
    %sub3A_808 = arith.constant 1 : i32
    %sub3A_809 = arith.subi %div3A_788, %sub3A_808 : i32
    %select_n3A_810 = arith.select %and3A_807, %sub3A_809, %div3A_788 : i32
    %jit3A_811 = arith.constant 64 : i32
    %eq3A_812 = arith.constant 0 : i32
    %eq3A_813 = arith.cmpi eq, %jit3A_811, %eq3A_812 : i32
    %jit3A_814 = arith.constant 1 : i32
    %select_n3A_815 = arith.select %eq3A_813, %jit3A_814, %jit3A_811 : i32
    %rem3A_816 = arith.remsi %mul3A_786, %select_n3A_815 : i32
    %ne3A_817 = arith.constant 0 : i32
    %ne3A_818 = arith.cmpi ne, %rem3A_816, %ne3A_817 : i32
    %lt3A_819 = arith.constant 0 : i32
    %lt3A_820 = arith.cmpi slt, %rem3A_816, %lt3A_819 : i32
    %lt3A_821 = arith.constant 0 : i32
    %lt3A_822 = arith.cmpi slt, %select_n3A_815, %lt3A_821 : i32
    %ne3A_823 = arith.xori %lt3A_820, %lt3A_822 : i1
    %and3A_824 = arith.andi %ne3A_823, %ne3A_818 : i1
    %add3A_825 = arith.addi %rem3A_816, %select_n3A_815 : i32
    %select_n3A_826 = arith.select %and3A_824, %add3A_825, %rem3A_816 : i32
    %multiple_of3A_827 = arith.constant 112 : i32
    %multiple_of3A_828 = tpu.assume_multiple %multiple_of3A_827, 16 : i32
    %multiple_of3A_829 = arith.constant 14336 : i32
    %multiple_of3A_830 = tpu.assume_multiple %multiple_of3A_829, 2048 : i32
    %multiple_of3A_831 = arith.constant 3584 : i32
    %multiple_of3A_832 = tpu.assume_multiple %multiple_of3A_831, 512 : i32
    %multiple_of3A_833 = tpu.assume_multiple %select_n3A_826, 8 : i32
    %dma_wait3A_834 = arith.constant 1 : i32
    %dma_wait3A_835 = arith.constant 0 : i32
    %dma_wait3A_836 = arith.constant 0 : i32
    %dma_wait3A_837 = tpu.memref_slice %arg9[%dma_wait3A_834, %dma_wait3A_835, %dma_wait3A_836] : memref<2x8x2048xf32, #tpu.memory_space<vmem>> -> memref<1x8x2048xf32, #tpu.memory_space<vmem>>
    %dma_wait3A_838 = tpu.memref_squeeze %dma_wait3A_837 : memref<1x8x2048xf32, #tpu.memory_space<vmem>> -> memref<8x2048xf32, #tpu.memory_space<vmem>>
    %dma_wait3A_839 = tpu.memref_slice %arg6[%select_n3A_810, %multiple_of3A_833, %multiple_of3A_830] : memref<16x64x16384xf32, #tpu.memory_space<hbm>> -> memref<1x8x2048xf32, #tpu.memory_space<hbm>>
    %dma_wait3A_840 = tpu.memref_squeeze %dma_wait3A_839 : memref<1x8x2048xf32, #tpu.memory_space<hbm>> -> memref<8x2048xf32, #tpu.memory_space<hbm>>
    %dma_wait3A_841 = tpu.memref_slice %arg6[%select_n3A_810, %multiple_of3A_833, %multiple_of3A_830] : memref<16x64x16384xf32, #tpu.memory_space<hbm>> -> memref<1x8x2048xf32, #tpu.memory_space<hbm>>
    %dma_wait3A_842 = tpu.memref_squeeze %dma_wait3A_841 : memref<1x8x2048xf32, #tpu.memory_space<hbm>> -> memref<8x2048xf32, #tpu.memory_space<hbm>>
    %dma_wait3A_843 = arith.constant 0 : i32
    %dma_wait3A_844 = arith.constant 0 : i32
    %dma_wait3A_845 = tpu.memref_slice %arg9[%dma_wait3A_834, %dma_wait3A_843, %dma_wait3A_844] : memref<2x8x2048xf32, #tpu.memory_space<vmem>> -> memref<1x8x2048xf32, #tpu.memory_space<vmem>>
    %dma_wait3A_846 = tpu.memref_squeeze %dma_wait3A_845 : memref<1x8x2048xf32, #tpu.memory_space<vmem>> -> memref<8x2048xf32, #tpu.memory_space<vmem>>
    tpu.wait_dma2 semaphore(%arg13 : memref<!tpu.dma_semaphore, #tpu.memory_space<semaphore_mem>>) src(%dma_wait3A_846 : memref<8x2048xf32, #tpu.memory_space<vmem>>) dst(%dma_wait3A_842 : memref<8x2048xf32, #tpu.memory_space<hbm>>)
    return
  }
}

</mosaic_0001>

<sc_bundles>
// kernel: kernel.3.cloned.1.call-start
scs
__scs_entry_jumppad:
0x0: {  	(pc) =	sbr.rel $0x88, $3  }
0x1: {  	(tag) =	ssettag $0x0;
	lr =	simm.s32 $0x1  }
0x2: {  	[smem:$0x3F9C] =	sst lr;
	_ =	strace $0xD0000000  }
0x3: {  	_ = 	snop  }
0x4: {  	_ = 	snop  }
0x5: {  	_ = 	snop  }
0x6: {  	_ = 	snop  }
0x7: {  	_ = 	snop  }
__scs_overlays_trampoline_lowered:
0x8: {  	[smem:$0x3FAB] =	sst s0  }
0x9: {  	[smem:$0x3FAC] =	sst s1  }
0xa: {  	[smem:$0x3FAD] =	sst s2  }
0xb: {  	[smem:$0x3FAE] =	sst s3  }
0xc: {  	[smem:$0x3FAF] =	sst s4  }
0xd: {  	[smem:$0x3FB0] =	sst s5  }
0xe: {  	[smem:$0x3FB1] =	sst s6  }
0xf: {  	[smem:$0x3FB2] =	sst s7  }
0x10: {  	[smem:$0x3FB3] =	sst s8  }
0x11: {  	[smem:$0x3FB4] =	sst s9;
	s0 =	simm.s32 @!p0 $0x0  }
0x12: {  	s1 =	sld [smem:$0x3F9A];
	s0 =	simm.s32 @p0 $0x1  }
0x13: {  	[smem:$0x3FB5] =	sst s0;
	s0 =	simm.s32 @!p1 $0x0  }
0x14: {  	s2 =	sld [smem:$0x3F99];
	s0 =	simm.s32 @p1 $0x1  }
0x15: {  	[smem:$0x3FB6] =	sst s0;
	s0 =	simm.s32 @!p2 $0x0  }
0x16: {  	s3 =	sld [smem:$0x3FDB];
	s0 =	simm.s32 @p2 $0x1  }
0x17: {  	s4 =	simm.s32 $0x1BF5;
	[smem:$0x3FB8] =	sst s0  }
0x18: {  	s0 =	sld [smem:$0x3F9B];
	_ =	swait.ge [sflag:s4], $0x0  }
0x19: {  	s7 =	sld [smem:$0x3F9C]  }
0x1a: {  	s8 =	sadd.s32 $0xFFFFE003, lr  }
0x1b: {  	s9 =	sadd.s32 $0xFFFFFEF7, lr;
	s5 =	simm.s32 $0xFFFFFFFF;
	p2 =	slt.u32 s8, $0xFFFFF086  }
0x1c: {  	p1 =	slt.u32 s9, $0xF7A;
	s5 =	simm.s32 @!p2 $0x0  }
0x1d: {  	s5 =	simm.s32 @p1 $0x1;
	p0 =	seq.s32 s7, s2  }
0x1e: {  	s7 =	smul.u32 @!p0 $0xF7A, s2;
	p2 =	seq.s32 @!p0 s5, $0x0  }
0x1f: {  	s9 =	smul.u32 $0xF7A, s1;
	s8 =	simm.s32 @!p0 $0x1BF5;
	p2 =	por !p2, p0  }
0x20: {  	[sflag:s8] =	ssyncset.s32 @!p0 $0xFFFFF086;
	s6 =	sadd.s32 @!p0 s3, s7;
	s7 =	simm.s32 @!p0 $0x108  }
0x21: {  	s3 =	sadd.s32 s3, s9;
	s6 =	sadd.s32 @!p0 $0x88, s6;
	s7 =	simm.s32 @p2 $0x1082  }
0x22: {  	[simem:s7], [sflag:s8] =	dma.local @!p0 [hbm:s6], $0xF7A  }
0x23: {  	s9 =	sor.u32 $0xD0000000, s2;
	s6 =	simm.s32 $0x108;
	_ =	swait.ge @!p0 [sflag:s8], $0x0  }
0x24: {  	s3 =	sadd.s32 $0x88, s3;
	s6 =	simm.s32 @!p1 $0x1082;
	[sflag:s4] =	ssyncset.s32 $0xFFFFF086  }
0x25: {  	[simem:s6], [sflag:s4] =	dma.local [hbm:s3], $0xF7A  }
0x26: {  	[smem:$0x3F9C] =	sst s1;
	(tag) =	ssettag s2;
	_ =	strace s9  }
0x27: {  	s1 =	sld [smem:$0x3FAC]  }
0x28: {  	s2 =	sld [smem:$0x3FAD]  }
0x29: {  	s4 =	sld [smem:$0x3FAF]  }
0x2a: {  	p0 =	seq.s32 s5, $0x0;
	s5 =	sld [smem:$0x3FB0]  }
0x2b: {  	s6 =	sld [smem:$0x3FB1]  }
0x2c: {  	s7 =	sld [smem:$0x3FB2]  }
0x2d: {  	s3 =	simm.s32 $0x108;
	s8 =	sld [smem:$0x3FB3]  }
0x2e: {  	s3 =	simm.s32 @!p0 $0x1082;
	s9 =	sld [smem:$0x3FB4]  }
0x2f: {  	lr =	sadd.s32 s0, s3;
	s0 =	sld [smem:$0x3FAB]  }
0x30: {  	s3 =	sld [smem:$0x3FAE]  }
0x31: {  	[smem:$0x3FB7] =	sst s10  }
0x32: {  	s10 =	sld [smem:$0x3FB5];
	_ =	sdelay $0x3  }
0x33: {  	p0 =	seq.s32 s10, $0x1;
	s10 =	sld [smem:$0x3FB7];
	_ =	sdelay $0x3  }
0x34: {  	[smem:$0x3FB7] =	sst s10  }
0x35: {  	s10 =	sld [smem:$0x3FB6];
	_ =	sdelay $0x3  }
0x36: {  	p1 =	seq.s32 s10, $0x1;
	s10 =	sld [smem:$0x3FB7];
	_ =	sdelay $0x3  }
0x37: {  	[smem:$0x3FB7] =	sst s10  }
0x38: {  	s10 =	sld [smem:$0x3FB8]  }
0x39: {  	_ = 	snop;
	(pc) =	sbr.ind lr, $3  }
0x3a: {  	_ = 	snop  }
0x3b: {  	_ = 	snop  }
0x3c: {  	p2 =	seq.s32 s10, $0x1;
	s10 =	sld [smem:$0x3FB7]  }
0x3d: {  	_ =	shalt  }
0x3e: {  	_ =	shalt  }
0x3f: {  	_ =	shalt  }
0x40: {  	_ =	shalt  }
0x41: {  	_ =	shalt  }
0x42: {  	_ =	shalt  }
0x43: {  	_ =	shalt  }
0x44: {  	_ =	shalt  }
0x45: {  	_ =	shalt  }
0x46: {  	_ =	shalt  }
0x47: {  	_ =	shalt  }
0x48: {  	_ =	shalt  }
0x49: {  	_ =	shalt  }
0x4a: {  	_ =	shalt  }
0x4b: {  	_ =	shalt  }
0x4c: {  	_ =	shalt  }
0x4d: {  	_ =	shalt  }
0x4e: {  	_ =	shalt  }
0x4f: {  	_ =	shalt  }
0x50: {  	_ =	shalt  }
0x51: {  	_ =	shalt  }
0x52: {  	_ =	shalt  }
0x53: {  	_ =	shalt  }
0x54: {  	_ =	shalt  }
0x55: {  	_ =	shalt  }
0x56: {  	_ =	shalt  }
0x57: {  	_ =	shalt  }
0x58: {  	_ =	shalt  }
0x59: {  	_ =	shalt  }
0x5a: {  	_ =	shalt  }
0x5b: {  	_ =	shalt  }
0x5c: {  	_ =	shalt  }
0x5d: {  	_ =	shalt  }
0x5e: {  	_ =	shalt  }
0x5f: {  	_ =	shalt  }
0x60: {  	_ =	shalt  }
0x61: {  	_ =	shalt  }
0x62: {  	_ =	shalt  }
0x63: {  	_ =	shalt  }
0x64: {  	_ =	shalt  }
0x65: {  	_ =	shalt  }
0x66: {  	_ =	shalt  }
0x67: {  	_ =	shalt  }
0x68: {  	_ =	shalt  }
0x69: {  	_ =	shalt  }
0x6a: {  	_ =	shalt  }
0x6b: {  	_ =	shalt  }
0x6c: {  	_ =	shalt  }
0x6d: {  	_ =	shalt  }
0x6e: {  	_ =	shalt  }
0x6f: {  	_ =	shalt  }
0x70: {  	_ =	shalt  }
0x71: {  	_ =	shalt  }
0x72: {  	_ =	shalt  }
0x73: {  	_ =	shalt  }
0x74: {  	_ =	shalt  }
0x75: {  	_ =	shalt  }
0x76: {  	_ =	shalt  }
0x77: {  	_ =	shalt  }
0x78: {  	_ =	shalt  }
0x79: {  	_ =	shalt  }
0x7a: {  	_ =	shalt  }
0x7b: {  	_ =	shalt  }
0x7c: {  	_ =	shalt  }
0x7d: {  	_ =	shalt  }
0x7e: {  	_ =	shalt  }
0x7f: {  	_ =	shalt  }
0x80: {  	_ =	shalt  }
0x81: {  	_ =	shalt  }
0x82: {  	_ =	shalt  }
0x83: {  	_ =	shalt  }
0x84: {  	_ =	shalt  }
0x85: {  	_ =	shalt  }
0x86: {  	_ =	shalt  }
0x87: {  	_ =	shalt  }
.Lfunc_end0:
.L_simem_size_0:
called_computation.1_lowered:
.L_overlay_start_0:
0x88: {  	s2 =	sld [smem:$0x3FD9]  }
0x89: {  	s3 =	sld [smem:$0x3FFE];
	_ =	sdelay $0x1  }
0x8a: {  	s1 =	srdreg.scid  }
0x8b: {  	s0 =	sand.u32 $0x1, s1  }
0x8c: {  	s17 =	sshll.u32 s0, $0xA;
	s2 =	sadd.s32 s3, s2  }
0x8d: {  	s2 =	sadd.s32 s2, s17  }
0x8e: {  	[smem:$0x3FC3] =	sst s2  }
0x8f: {  	_ = 	snop  }
0x90: {  	s2 =	sld [smem:$0x3FC9]  }
0x91: {  	s18 =	sld [smem:$0x3FD0];
	(tm) =	ssettm $0x1  }
0x92: {  	s4 =	sld [smem:$0x3FFB];
	_ =	sdelay $0x3  }
0x93: {  	_ =	strace s4  }
0x94: {  	s4 =	sld [smem:$0x3FFC];
	_ =	sdelay $0x3  }
0x95: {  	_ =	strace s4  }
0x96: {  	s4 =	sld [smem:$0x3FFD];
	_ =	sdelay $0x3  }
0x97: {  	_ =	strace s4  }
0x98: {  	_ =	strace $0x8FFFFFFF  }
0x99: {  	s19 =	sld [smem:$0x3FDB];
	_ =	sdelay $0x1  }
0x9a: {  	s5 =	simm.s32 $_scs_section_size  }
0x9b: {  	s6 =	simm.s32 $_size__tile_overlayer_lowered;
	s7 =	simm.s32 $_tile_overlayer_lowered  }
0x9c: {  	s22 =	simm.s32 $0x1BFF;
	s21 =	sshll.u32 s7, $0x1;
	s4 =	sadd.s32 s5, s19  }
0x9d: {  	s8 =	simm.s32 $0x0;
	s20 =	sshll.u32 s6, $0x1;
	s6 =	sadd.s32 s21, s4  }
0x9e: {  	[timem:s8], [sflag:s22] =	dma.local [hbm:s6], s20  }
0x9f: {  	_ =	swait.ge [sflag:s22], s20  }
0xa0: {  	s5 =	ssub.s32 $0x0, s20;
	[sflag:s22] =	ssyncset.done $0x0  }
0xa1: {  	[sflag:s22] =	ssyncadd.s32 s5;
	_ =	sdelay $0x1  }
0xa2: {  	s23 =	simm.s32 $0x1B8B  }
0xa3: {  	_ =	swait.ge [sflag:s23], $0x1  }
0xa4: {  	[sflag:s23] =	ssyncset.done $0x0  }
0xa5: {  	s25 =	simm.s32 $0x1B8E;
	s24 =	sld [smem:$0x3FFE];
	[sflag:s23] =	ssyncadd.s32 $0xFFFFFFFF  }
0xa6: {  	s26 =	simm.s32 $execute0_lowered;
	[smem:$0x3FD2] =	sst s25  }
0xa7: {  	s6 =	sshll.u32 s26, $0x1;
	_ =	strace $0x80000049;
	[dreg:$0x1] =	wrdreg $0xFFFFFFFF  }
0xa8: {  	s28 =	simm.s32 $_size_execute0_lowered;
	s4 =	sadd.s32 s4, s6;
	[dreg:$0x0] =	wrdreg $0x0  }
0xa9: {  	s6 =	sshll.u32 s28, $0x1;
	[dreg:$0x2] =	wrdreg s4  }
0xaa: {  	[dreg:$0x3] =	wrdreg s6  }
0xab: {  	[dreg:$0x4] =	wrdreg $0xC0  }
0xac: {  	_ =	task [dreg:s8], $0x5FFFF  }
0xad: {  	[dreg:$0x1] =	wrdreg $0xFFFFFFFF  }
0xae: {  	[dreg:$0x0] =	wrdreg $0x60  }
0xaf: {  	[dreg:$0x2] =	wrdreg s2  }
0xb0: {  	[dreg:$0x3] =	wrdreg s24  }
0xb1: {  	[dreg:$0x4] =	wrdreg s18  }
0xb2: {  	[dreg:$0x5] =	wrdreg $0x9  }
0xb3: {  	_ =	task.clear_ibuf [dreg:s8], $0x6FFFF;
	_ =	strace $0x90000049  }
0xb4: {  	s29 =	simm.s32 $0x9;
	_ =	strace $0x8000004B  }
0xb5: {  	_ =	swait.ge [sflag:s29], $0x1  }
0xb6: {  	[sflag:s29] =	ssyncadd.s32 $0xFFFFFFFF  }
0xb7: {  	_ =	strace $0x9000004B  }
0xb8: {  	_ =	sfence  }
0xb9: {  	s30 =	sld [smem:$0x0];
	_ =	sdelay $0x2  }
0xba: {  	s31 =	sshll.u32 s1, $0xD;
	s1 =	sshrl.u32 s1, $0x2  }
0xbb: {  	s3 =	sand.u32 $0x4000, s31;
	s1 =	sadd.s32 s1, s30  }
0xbc: {  	s0 =	sor.u32 s3, s0;
	s1 =	sshll.u32 s1, $0x11  }
0xbd: {  	s0 =	sor.u32 s1, s0  }
0xbe: {  	s0 =	sadd.s32 $0x8F2B, s0  }
0xbf: {  	[sflag:s0] =	ssyncadd.remote.s32 $0x1  }
0xc0: {  	_ =	sfence.sel $0xFFFF  }
0xc1: {  	[dreg:$0x0] =	wrdreg $0xFFFFFFFF;
	(pc) =	sbr.abs _section_cstart, $3  }
0xc2: {  	[dreg:$0x1] =	wrdreg $0xFFFFFFFF  }
0xc3: {  	_ =	task.clear_ibuf [dreg:s8], $0x2FFFF;
	_ =	strace $0x9FFFFFFF  }
0xc4: {  	(tm) =	ssettm $0x7FFFFFFF  }
0xc5: {  	_ =	shalt  }
tec
execute0_lowered:
.L_overlay_start_1:
0x0: {  	(tag) =	ssettag $0x1  }
0x1: {  	s1 =	rddreg [dreg:$0x0]  }
0x2: {  	s0 =	rddreg [dreg:$0x1]  }
0x3: {  	s2 =	rddreg [dreg:$0x2];
	s3 =	simm.s32 $0x0;
	s4 =	srdreg.scid  }
0x4: {  	s11 =	stileid.u32;
	[smem:$0x7FF] =	sst s3;
	s4 =	sand.u32 $0x1, s4  }
0x5: {  	s5 =	sadd.s32 $0x600, s0;
	s7 =	sshll.u32 s11, $0x14;
	s10 =	sshll.u32 s11, $0xA  }
0x6: {  	s11 =	sshll.u32 s11, $0x12;
	_ =	strace $0x8000004A;
	s6 =	sshll.u32 s4, $0x9  }
0x7: {  	s30 =	ssub.s32 $0x2, s4;
	s8 =	sshll.u32 s4, $0x13;
	s31 =	sshll.u32 s4, $0x5  }
0x8: {  	s4 =	sshll.u32 s4, $0x11;
	s6 =	sadd.s32 s6, s0;
	s0 =	sadd.s32 $0x84600, s0  }
0x9: {  	s9 =	sshrl.u32 s30, $0x1;
	s8 =	sor.u32 s8, s7;
	s12 =	sor.u32 $0x8, s31  }
0xa: {  	s13 =	sor.u32 s4, s11;
	s16 =	sor.u32 $0x10, s31;
	[dreg:$0x4] =	wrdreg s0  }
0xb: {  	s0 =	ssub.s32 s30, s9;
	s6 =	sadd.s32 s10, s6;
	[dreg:$0xa] =	wrdreg s8  }
0xc: {  	s8 =	sshrl.u32 s8, $0x3;
	s14 =	sshll.u32 s12, $0xE;
	[dreg:$0xb] =	wrdreg s12  }
0xd: {  	[dreg:$0xd] =	wrdreg s13;
	s17 =	sshll.u32 s16, $0xE;
	s23 =	smov.u32 s16  }
0xe: {  	s10 =	sor.u32 $0x18, s31;
	s6 =	sadd.s32 $0x80600, s6;
	s9 =	sadd.s32 s1, s8  }
0xf: {  	s8 =	sshll.u32 s12, $0xC;
	s4 =	sor.u32 s7, s14;
	s14 =	smov.u32 s31  }
0x10: {  	s18 =	sor.u32 s7, s17;
	s21 =	sshll.u32 s10, $0xC;
	s25 =	smov.u32 s10  }
0x11: {  	s26 =	sshll.u32 s10, $0xE;
	s0 =	smax.u32 s0, $0x1;
	[dreg:$0x5] =	wrdreg s6  }
0x12: {  	s10 =	simm.s32 $0x1;
	[dreg:$0x6] =	wrdreg s9;
	s9 =	sshrl.u32 s13, $0x3  }
0x13: {  	s8 =	sor.u32 s11, s8;
	s19 =	smov.u32 s4;
	s4 =	sshrl.u32 s4, $0x3  }
0x14: {  	s20 =	smov.u32 s18;
	s24 =	sshrl.u32 s18, $0x3;
	s6 =	sor.u32 s7, s26  }
0x15: {  	[dreg:$0x11] =	wrdreg s0;
	s9 =	sadd.s32 s5, s9;
	s22 =	smov.u32 s8  }
0x16: {  	s8 =	sshrl.u32 s8, $0x3;
	s4 =	sadd.s32 s1, s4;
	s29 =	sshrl.u32 s6, $0x3  }
0x17: {  	[dreg:$0x7] =	wrdreg s9;
	s15 =	sadd.s32 s5, s8;
	s8 =	sshll.u32 s16, $0xC  }
0x18: {  	[dreg:$0x8] =	wrdreg s4;
	s4 =	sadd.s32 s1, s24;
	s8 =	sor.u32 s11, s8  }
0x19: {  	[dreg:$0x9] =	wrdreg s15;
	s11 =	sor.u32 s11, s21;
	s28 =	sshrl.u32 s8, $0x3  }
0x1a: {  	[dreg:$0xc] =	wrdreg s4;
	s30 =	sshrl.u32 s11, $0x3;
	s4 =	sadd.s32 s5, s28  }
0x1b: {  	s21 =	smov.u32 s6;
	s31 =	sadd.s32 s5, s30;
	[dreg:$0xe] =	wrdreg s4  }
0x1c: {  	s6 =	simm.s32 $0x0;
	s4 =	sadd.s32 s1, s29;
	[dreg:$0x10] =	wrdreg s31  }
0x1d: {  	s12 =	smov.u32 s8;
	s15 =	smov.u32 s11;
	[dreg:$0xf] =	wrdreg s4  }
.LBB2_1:
0x1e: {  	[dreg:$0x12] =	wrdreg s6  }
0x1f: {  	s0 =	rddreg [dreg:$0x5];
	s4 =	simm.s32 $0x12000;
	s17 =	simm.s32 $0x3  }
0x20: {  	[tilespmem:s4], [sflag:$0x3] =	stream.linear.gather [hbm4b:s0+s3], $0x1000, $0x38;
	[tilespmem:$0x13080] =	vst v63  }
0x21: {  	_ =	swait.ge [sflag:s17], $0x1000  }
0x22: {  	[sflag:s17] =	ssyncset.done $0x0  }
0x23: {  	s24 =	simm.s32 $0x13000;
	s18 =	rddreg [dreg:$0x4];
	[sflag:s17] =	ssyncadd.s32 $0xFFFFF000  }
0x24: {  	[tilespmem:s24], [sflag:$0x3] =	stream.linear.gather [hbm4b:s18+s3], $0x80, $0x38;
	[tilespmem:$0x13080] =	vst v63  }
0x25: {  	_ =	swait.ge [sflag:s17], $0x80  }
0x26: {  	[sflag:s17] =	ssyncset.done $0x0  }
0x27: {  	[sflag:s17] =	ssyncadd.s32 $0xFFFFFF80  }
0x28: {  	s28 =	simm.s32 $0x800;
	v0 =	vld.msk [tilespmem:$0x13000 ss:$0x0], $0xffff  }
0x29: {  	s29 =	simm.s32 $0x4000;
	s31 =	simm.s32 $0x8000;
	s26 =	rddreg [dreg:$0x6]  }
0x2a: {  	[tilespmem:s3], [sflag:$0x1] =	stream.strided.gather [hbm4b:s26+s28], $0x4000, s29, s28, $0x38;
	[tilespmem:$0x13080] =	vst v63  }
0x2b: {  	p0 =	por $0x0, $0x0;
	s18 =	simm.s32 $0x0;
	s30 =	rddreg [dreg:$0x7]  }
0x2c: {  	[tilespmem:s31], [sflag:$0x1] =	stream.linear.gather [hbm4b:s30+s3], $0x1000, $0x38;
	[tilespmem:$0x13080] =	vst v63  }
.LBB2_2:
0x2d: {  	s17 =	sadd.s32 $0x1, s18;
	p1 =	seq.s32 s18, $0x7  }
0x2e: {  	s4 =	rddreg [dreg:$0xa];
	s0 =	sshll.u32 @!p1 s17, $0xB  }
0x2f: {  	s0 =	sadd.s32 @!p1 s4, s0  }
0x30: {  	s8 =	simm.s32 @!p1 $0x800;
	s4 =	sand.u32 @!p1 $0x1, s17;
	s0 =	sshrl.u32 @!p1 s0, $0x3  }
0x31: {  	s9 =	simm.s32 @!p1 $0x4000;
	s6 =	sshll.u32 @!p1 s4, $0xE;
	s0 =	sadd.s32 @!p1 s1, s0  }
0x32: {  	[tilespmem:s6], [sflag:$0x1] =	stream.strided.gather @!p1 [hbm4b:s0+s8], $0x4000, s9, s8, $0x38;
	[tilespmem:$0x13080] =	vst v63  }
0x33: {  	s0 =	sshll.u32 @!p1 s17, $0xC;
	s6 =	rddreg [dreg:$0xd]  }
0x34: {  	s0 =	sadd.s32 @!p1 s6, s0  }
0x35: {  	s4 =	sshll.u32 @!p1 s4, $0xC;
	s0 =	sshrl.u32 @!p1 s0, $0x3  }
0x36: {  	s4 =	sor.u32 @!p1 $0x8000, s4;
	s6 =	simm.s32 @!p1 $0x0;
	s0 =	sadd.s32 @!p1 s5, s0  }
0x37: {  	[tilespmem:s4], [sflag:$0x1] =	stream.linear.gather @!p1 [hbm4b:s0+s6], $0x1000, $0x38;
	[tilespmem:$0x13080] =	vst v63  }
0x38: {  	_ =	swait.ge [sflag:s10], $0x4000  }
0x39: {  	[sflag:s10] =	ssyncset.done $0x0  }
0x3a: {  	[sflag:s10] =	ssyncadd.s32 $0xFFFFC000  }
0x3b: {  	s24 =	sand.u32 $0x1, s18;
	_ =	swait.ge [sflag:s10], $0x1000  }
0x3c: {  	s0 =	simm.s32 $0x1;
	p1 =	slt.u32 s18, $0x2;
	[sflag:s10] =	ssyncset.done $0x0  }
0x3d: {  	s0 =	simm.s32 @!p0 $0x0;
	s6 =	simm.s32 @!p1 $0x2;
	[sflag:s10] =	ssyncadd.s32 $0xFFFFF000  }
0x3e: {  	s30 =	simm.s32 $0x0;
	s0 =	sshll.u32 s0, $0xE;
	_ =	swait.ge @!p1 [sflag:s6], $0x4000  }
0x3f: {  	s31 =	sshrl.u32 s0, $0x2;
	s28 =	sor.u32 $0x100, s0;
	[sflag:s6] =	ssyncset.done @!p1 $0x0  }
0x40: {  	s11 =	sor.u32 $0xA800, s0;
	s26 =	sor.u32 $0x8040, s31;
	[sflag:s6] =	ssyncadd.s32 @!p1 $0xFFFFC000  }
.LBB2_3:
0x41: {  	s0 =	sshll.u32 s30, $0x7;
	v2 =	vld [tilespmem:s28+$0x80]  }
0x42: {  	v3 =	vld [tilespmem:s26+$0x20];
	s0 =	sand.u32 $0x3FFFFF80, s0  }
0x43: {  	v1 =	vld [tilespmem:s0+$0x12000];
	_ =	sdelay $0x1  }
0x44: {  	v4 =	vld [tilespmem:s28+$0xFFFFFF00]  }
0x45: {  	v5 =	vld [tilespmem:s28+$0xFFFFFF80];
	v2 =	vmul.f32 v2, v0  }
0x46: {  	v6 =	vld [tilespmem:s28+$0x0]  }
0x47: {  	v7 =	vld [tilespmem:s26+$0xFFFFFFE0];
	v9 =	vand.u32 $0x1, v3;
	v2 =	vsub.f32 v1, v2  }
0x48: {  	v10 =	vld [tilespmem:s26+$0xFFFFFFC0];
	vm0 =	veq.s32 v9, $0x0  }
0x49: {  	v2 =	vsel vm0, $0xCE6E6B28, v2  }
0x4a: {  	v8 =	vld [tilespmem:s26+$0x0];
	v5 =	vmul.f32 v5, v0;
	[tilespmem:s11+$0x400] =	vst v2  }
0x4b: {  	v4 =	vmul.f32 v4, v0;
	v2 =	vmul.f32 v6, v0;
	v6 =	vld [tilespmem:s28+$0x90]  }
0x4c: {  	v9 =	vand.u32 $0x1, v7;
	v5 =	vsub.f32 v1, v5  }
0x4d: {  	v12 =	vand.u32 $0x1, v10;
	v4 =	vsub.f32 v1, v4;
	vm0 =	veq.s32 v9, $0x0  }
0x4e: {  	vm1 =	veq.s32 v12, $0x0;
	v5 =	vsel vm0, $0xCE6E6B28, v5  }
0x4f: {  	v11 =	vand.u32 $0x1, v8;
	v4 =	vsel vm1, $0xCE6E6B28, v4;
	[tilespmem:s11+$0xFFFFFC00] =	vst v5;
	v2 =	vsub.f32 v1, v2  }
0x50: {  	vm0 =	veq.s32 v11, $0x0;
	[tilespmem:s11+$0xFFFFF800] =	vst v4;
	v4 =	vld [tilespmem:s28+$0xFFFFFF90];
	v5 =	vmul.f32 v6, v0  }
0x51: {  	v2 =	vsel vm0, $0xCE6E6B28, v2;
	v6 =	vld [tilespmem:s28+$0xFFFFFF10]  }
0x52: {  	v9 =	vand.u32 $0x100, v3;
	[tilespmem:s11+$0x0] =	vst v2;
	v5 =	vsub.f32 v1, v5  }
0x53: {  	vm0 =	veq.s32 v9, $0x0;
	v2 =	vld [tilespmem:s28+$0x10]  }
0x54: {  	v5 =	vsel vm0, $0xCE6E6B28, v5  }
0x55: {  	v4 =	vmul.f32 v4, v0;
	[tilespmem:s11+$0x410] =	vst v5  }
0x56: {  	v6 =	vmul.f32 v6, v0;
	v9 =	vld [tilespmem:s28+$0xA0]  }
0x57: {  	v11 =	vand.u32 $0x100, v10;
	v4 =	vsub.f32 v1, v4;
	v5 =	vand.u32 $0x100, v7  }
0x58: {  	v2 =	vmul.f32 v2, v0;
	vm0 =	veq.s32 v5, $0x0;
	v5 =	vsub.f32 v1, v6  }
0x59: {  	vm1 =	veq.s32 v11, $0x0;
	v4 =	vsel vm0, $0xCE6E6B28, v4  }
0x5a: {  	v12 =	vand.u32 $0x100, v8;
	v2 =	vsub.f32 v1, v2;
	[tilespmem:s11+$0xFFFFFC10] =	vst v4;
	v5 =	vsel vm1, $0xCE6E6B28, v5  }
0x5b: {  	vm0 =	veq.s32 v12, $0x0;
	v4 =	vld [tilespmem:s28+$0xFFFFFFA0];
	[tilespmem:s11+$0xFFFFF810] =	vst v5;
	v5 =	vmul.f32 v9, v0  }
0x5c: {  	v2 =	vsel vm0, $0xCE6E6B28, v2;
	v6 =	vld [tilespmem:s28+$0xFFFFFF20]  }
0x5d: {  	[tilespmem:s11+$0x10] =	vst v2;
	v9 =	vand.u32 $0x10000, v3;
	v5 =	vsub.f32 v1, v5  }
0x5e: {  	v2 =	vld [tilespmem:s28+$0x20];
	vm0 =	veq.s32 v9, $0x0  }
0x5f: {  	v5 =	vsel vm0, $0xCE6E6B28, v5  }
0x60: {  	v4 =	vmul.f32 v4, v0;
	[tilespmem:s11+$0x420] =	vst v5  }
0x61: {  	v11 =	vand.u32 $0x10000, v7;
	v6 =	vmul.f32 v6, v0;
	v9 =	vld [tilespmem:s28+$0xB0]  }
0x62: {  	vm0 =	veq.s32 v11, $0x0;
	v4 =	vsub.f32 v1, v4  }
0x63: {  	v5 =	vand.u32 $0x10000, v10;
	v2 =	vmul.f32 v2, v0;
	v6 =	vsub.f32 v1, v6  }
0x64: {  	vm1 =	veq.s32 v5, $0x0;
	v4 =	vsel vm0, $0xCE6E6B28, v4  }
0x65: {  	v12 =	vand.u32 $0x10000, v8;
	v2 =	vsub.f32 v1, v2;
	[tilespmem:s11+$0xFFFFFC20] =	vst v4;
	v5 =	vsel vm1, $0xCE6E6B28, v6  }
0x66: {  	vm0 =	veq.s32 v12, $0x0;
	v4 =	vld [tilespmem:s28+$0xFFFFFFB0];
	[tilespmem:s11+$0xFFFFF820] =	vst v5;
	v5 =	vmul.f32 v9, v0  }
0x67: {  	v2 =	vsel vm0, $0xCE6E6B28, v2;
	v6 =	vld [tilespmem:s28+$0xFFFFFF30]  }
0x68: {  	v3 =	vand.u32 $0x1000000, v3;
	[tilespmem:s11+$0x20] =	vst v2;
	v5 =	vsub.f32 v1, v5  }
0x69: {  	vm0 =	veq.s32 v3, $0x0;
	v2 =	vld [tilespmem:s28+$0x30]  }
0x6a: {  	v3 =	vsel vm0, $0xCE6E6B28, v5  }
0x6b: {  	[tilespmem:s11+$0x430] =	vst v3  }
0x6c: {  	s8 =	sadd.s32 $0x400, s26;
	v7 =	vand.u32 $0x1000000, v7;
	v4 =	vmul.f32 v4, v0;
	v5 =	vmul.f32 v6, v0;
	v6 =	vld [tilespmem:s28+$0xC0]  }
0x6d: {  	v17 =	vld [tilespmem:s8+$0x0];
	vm0 =	veq.s32 v7, $0x0  }
0x6e: {  	v4 =	vsub.f32 v1, v4;
	v2 =	vmul.f32 v2, v0;
	v7 =	vsub.f32 v1, v5;
	v5 =	vld [tilespmem:s26+$0x30]  }
0x6f: {  	v19 =	vld [tilespmem:s8+$0xFFFFFFC0];
	s16 =	sadd.s32 $0x400, s8;
	v8 =	vand.u32 $0x1000000, v8;
	v3 =	vand.u32 $0x1000000, v10  }
0x70: {  	v33 =	vld [tilespmem:s16+$0xFFFFFFE0];
	vm1 =	veq.s32 v3, $0x0;
	v3 =	vsel vm0, $0xCE6E6B28, v4;
	v2 =	vsub.f32 v1, v2  }
0x71: {  	s4 =	sadd.s32 $0x200, s28;
	v36 =	vld [tilespmem:s16+$0xFFFFFFC0];
	vm0 =	veq.s32 v8, $0x0;
	[tilespmem:s11+$0xFFFFFC30] =	vst v3;
	v4 =	vsel vm1, $0xCE6E6B28, v7;
	v3 =	vmul.f32 v6, v0  }
0x72: {  	v11 =	vld [tilespmem:s4+$0xFFFFFF00];
	v2 =	vsel vm0, $0xCE6E6B28, v2;
	[tilespmem:s11+$0xFFFFF830] =	vst v4  }
0x73: {  	v12 =	vld [tilespmem:s4+$0xFFFFFF80];
	[tilespmem:s11+$0x30] =	vst v2;
	v2 =	vand.u32 $0x1, v5;
	v9 =	vsub.f32 v1, v3  }
0x74: {  	v6 =	vld [tilespmem:s28+$0xFFFFFF40];
	vm0 =	veq.s32 v2, $0x0  }
0x75: {  	v2 =	vsel vm0, $0xCE6E6B28, v9;
	v9 =	vld [tilespmem:s4+$0x80]  }
0x76: {  	v4 =	vld [tilespmem:s26+$0xFFFFFFD0]  }
0x77: {  	v20 =	vand.u32 $0x1, v19;
	[tilespmem:s11+$0x440] =	vst v2;
	v2 =	vld [tilespmem:s8+$0x20]  }
0x78: {  	v59 =	vand.u32 $0x1, v17;
	vm2 =	veq.s32 v20, $0x0;
	v11 =	vmul.f32 v11, v0;
	v10 =	vld [tilespmem:s28+$0xD0]  }
0x79: {  	v38 =	vand.u32 $0x100, v33;
	v40 =	vand.u32 $0x100, v36;
	v3 =	vld [tilespmem:s26+$0xFFFFFFF0];
	v6 =	vmul.f32 v6, v0  }
0x7a: {  	v14 =	vld [tilespmem:s4+$0x0];
	v43 =	vand.u32 $0x10000, v36;
	v11 =	vsub.f32 v1, v11;
	v9 =	vmul.f32 v9, v0  }
0x7b: {  	v16 =	vld [tilespmem:s8+$0xFFFFFFE0];
	v12 =	vmul.f32 v12, v0;
	v13 =	vand.u32 $0x1, v4;
	v6 =	vsub.f32 v1, v6  }
0x7c: {  	v7 =	vld [tilespmem:s28+$0xFFFFFFC0];
	vm0 =	veq.s32 v13, $0x0;
	v18 =	vand.u32 $0x1, v2;
	v9 =	vsub.f32 v1, v9  }
0x7d: {  	v8 =	vld [tilespmem:s28+$0x40];
	v6 =	vsel vm0, $0xCE6E6B28, v6;
	v10 =	vmul.f32 v10, v0;
	vm0 =	veq.s32 v18, $0x0  }
0x7e: {  	s31 =	sadd.s32 $0x1000, s11;
	v12 =	vsub.f32 v1, v12;
	v13 =	vand.u32 $0x1, v3;
	v9 =	vsel vm0, $0xCE6E6B28, v9  }
0x7f: {  	v63 =	vld [tilespmem:s26+$0x10];
	v58 =	vand.u32 $0x100, v5;
	vm1 =	veq.s32 v13, $0x0;
	v10 =	vsub.f32 v1, v10;
	[tilespmem:s31+$0x400] =	vst v9  }
0x80: {  	vm0 =	veq.s32 v58, $0x0;
	v9 =	vmul.f32 v14, v0;
	v14 =	vand.u32 $0x1, v16;
	v13 =	vld [tilespmem:s4+$0x90]  }
0x81: {  	v7 =	vmul.f32 v7, v0;
	v10 =	vsel vm0, $0xCE6E6B28, v10;
	vm0 =	veq.s32 v14, $0x0  }
0x82: {  	v11 =	vsel vm2, $0xCE6E6B28, v11;
	v8 =	vmul.f32 v8, v0;
	[tilespmem:s11+$0x450] =	vst v10;
	v10 =	vsel vm0, $0xCE6E6B28, v12  }
0x83: {  	v7 =	vsub.f32 v1, v7;
	v15 =	vand.u32 $0x100, v4;
	v9 =	vsub.f32 v1, v9;
	v12 =	vld [tilespmem:s28+$0xE0];
	[tilespmem:s31+$0xFFFFFC00] =	vst v10  }
0x84: {  	[tilespmem:s31+$0xFFFFF800] =	vst v11;
	v25 =	vand.u32 $0x1, v63;
	v8 =	vsub.f32 v1, v8;
	vm0 =	veq.s32 v59, $0x0;
	v11 =	vld [tilespmem:s4+$0xFFFFFF90]  }
0x85: {  	v60 =	vld [tilespmem:s4+$0xFFFFFF10];
	v21 =	vand.u32 $0x100, v2;
	v9 =	vsel vm0, $0xCE6E6B28, v9;
	v13 =	vmul.f32 v13, v0  }
0x86: {  	v7 =	vsel vm1, $0xCE6E6B28, v7;
	vm3 =	veq.s32 v21, $0x0;
	v14 =	vand.u32 $0x100, v16;
	[tilespmem:s31+$0x0] =	vst v9  }
0x87: {  	vm2 =	veq.s32 v14, $0x0;
	v14 =	vand.u32 $0x10000, v19;
	v61 =	vld [tilespmem:s4+$0x10];
	v13 =	vsub.f32 v1, v13  }
0x88: {  	vm0 =	veq.s32 v15, $0x0;
	v15 =	vand.u32 $0x100, v19;
	v12 =	vmul.f32 v12, v0  }
0x89: {  	vm1 =	veq.s32 v15, $0x0;
	v11 =	vmul.f32 v11, v0;
	v13 =	vsel vm3, $0xCE6E6B28, v13  }
0x8a: {  	v15 =	vmul.f32 v60, v0;
	v12 =	vsub.f32 v1, v12;
	[tilespmem:s31+$0x410] =	vst v13;
	v13 =	vand.u32 $0x10000, v5  }
0x8b: {  	[tilespmem:s11+$0xFFFFF840] =	vst v6;
	v9 =	vand.u32 $0x100, v17;
	v11 =	vsub.f32 v1, v11;
	v62 =	vld [tilespmem:s4+$0xA0];
	vm4 =	veq.s32 v13, $0x0  }
0x8c: {  	[tilespmem:s11+$0xFFFFFC40] =	vst v7;
	v15 =	vsub.f32 v1, v15;
	v13 =	vmul.f32 v61, v0;
	v12 =	vsel vm4, $0xCE6E6B28, v12  }
0x8d: {  	v24 =	vld [tilespmem:s28+$0xFFFFFF50];
	vm3 =	veq.s32 v9, $0x0;
	v9 =	vand.u32 $0x10000, v16;
	v11 =	vsel vm2, $0xCE6E6B28, v11;
	[tilespmem:s11+$0x460] =	vst v12  }
0x8e: {  	v27 =	vld [tilespmem:s28+$0xFFFFFFD0];
	vm6 =	veq.s32 v9, $0x0;
	v9 =	vsel vm1, $0xCE6E6B28, v15;
	v12 =	vsub.f32 v1, v13;
	[tilespmem:s31+$0xFFFFFC10] =	vst v11  }
0x8f: {  	v6 =	vand.u32 $0x10000, v17;
	v10 =	vand.u32 $0x100, v3;
	vm5 =	veq.s32 v14, $0x0;
	[tilespmem:s31+$0xFFFFF810] =	vst v9;
	v9 =	vld [tilespmem:s4+$0xFFFFFFA0]  }
0x90: {  	v26 =	vld [tilespmem:s4+$0xFFFFFF20];
	vm2 =	veq.s32 v25, $0x0;
	v12 =	vsel vm3, $0xCE6E6B28, v12;
	v13 =	vmul.f32 v62, v0  }
0x91: {  	v14 =	vand.u32 $0x1000000, v16;
	vm4 =	veq.s32 v6, $0x0;
	v8 =	vsel vm2, $0xCE6E6B28, v8;
	v6 =	vld [tilespmem:s28+$0xF0];
	[tilespmem:s31+$0x10] =	vst v12  }
0x92: {  	v11 =	vand.u32 $0x1000000, v19;
	[tilespmem:s11+$0x40] =	vst v8;
	v12 =	vand.u32 $0x10000, v2;
	v7 =	vld [tilespmem:s4+$0x20];
	v13 =	vsub.f32 v1, v13  }
0x93: {  	vm1 =	veq.s32 v11, $0x0;
	v11 =	vmul.f32 v24, v0;
	vm2 =	veq.s32 v12, $0x0;
	v12 =	vld [tilespmem:s28+$0x50]  }
0x94: {  	v5 =	vand.u32 $0x1000000, v5;
	v9 =	vmul.f32 v9, v0;
	v8 =	vsel vm2, $0xCE6E6B28, v13  }
0x95: {  	vm3 =	veq.s32 v14, $0x0;
	[tilespmem:s31+$0x420] =	vst v8;
	v8 =	vsub.f32 v1, v11;
	v11 =	vmul.f32 v26, v0  }
0x96: {  	v14 =	vmul.f32 v27, v0;
	v6 =	vmul.f32 v6, v0;
	v9 =	vsub.f32 v1, v9;
	v13 =	vld [tilespmem:s4+$0xB0]  }
0x97: {  	v7 =	vmul.f32 v7, v0;
	v11 =	vsub.f32 v1, v11;
	v8 =	vsel vm0, $0xCE6E6B28, v8  }
0x98: {  	vm0 =	veq.s32 v5, $0x0;
	v5 =	vsel vm6, $0xCE6E6B28, v9;
	v9 =	vmul.f32 v12, v0;
	[tilespmem:s11+$0xFFFFF850] =	vst v8  }
0x99: {  	v12 =	vand.u32 $0x100, v63;
	v7 =	vsub.f32 v1, v7;
	[tilespmem:s31+$0xFFFFFC20] =	vst v5;
	v11 =	vsel vm5, $0xCE6E6B28, v11;
	v5 =	vld [tilespmem:s28+$0xFFFFFF60]  }
0x9a: {  	v6 =	vsub.f32 v1, v6;
	v8 =	vsub.f32 v1, v14;
	vm5 =	veq.s32 v12, $0x0;
	[tilespmem:s31+$0xFFFFF820] =	vst v11;
	v11 =	vld [tilespmem:s4+$0xFFFFFFB0]  }
0x9b: {  	v7 =	vsel vm4, $0xCE6E6B28, v7;
	vm4 =	veq.s32 v10, $0x0;
	v13 =	vmul.f32 v13, v0;
	v10 =	vld [tilespmem:s4+$0xFFFFFF30]  }
0x9c: {  	v9 =	vsub.f32 v1, v9;
	v12 =	vand.u32 $0x1000000, v2;
	v2 =	vsel vm0, $0xCE6E6B28, v6  }
0x9d: {  	vm0 =	veq.s32 v12, $0x0;
	[tilespmem:s31+$0x20] =	vst v7;
	v7 =	vsel vm4, $0xCE6E6B28, v8;
	v13 =	vsub.f32 v1, v13  }
0x9e: {  	v6 =	vsel vm5, $0xCE6E6B28, v9;
	v8 =	vld [tilespmem:s4+$0x30];
	[tilespmem:s11+$0xFFFFFC50] =	vst v7;
	v7 =	vand.u32 $0x10000, v4;
	v5 =	vmul.f32 v5, v0  }
0x9f: {  	[tilespmem:s11+$0x50] =	vst v6;
	v9 =	vld [tilespmem:s28+$0xFFFFFFE0];
	v6 =	vsel vm0, $0xCE6E6B28, v13;
	vm0 =	veq.s32 v7, $0x0;
	v11 =	vmul.f32 v11, v0  }
0xa0: {  	v12 =	vld [tilespmem:s28+$0x60];
	v7 =	vand.u32 $0x10000, v3;
	[tilespmem:s31+$0x430] =	vst v6;
	v10 =	vmul.f32 v10, v0;
	v5 =	vsub.f32 v1, v5  }
0xa1: {  	s6 =	sadd.s32 $0x200, s4;
	vm8 =	veq.s32 v43, $0x0;
	vm4 =	veq.s32 v7, $0x0;
	v13 =	vld [tilespmem:s4+$0xC0];
	v7 =	vsub.f32 v1, v11  }
0xa2: {  	v30 =	vld [tilespmem:s6+$0xFFFFFF80];
	v6 =	vand.u32 $0x10000, v63;
	v10 =	vsub.f32 v1, v10;
	v5 =	vsel vm0, $0xCE6E6B28, v5  }
0xa3: {  	v15 =	vand.u32 $0x1000000, v17;
	vm5 =	veq.s32 v6, $0x0;
	v6 =	vld [tilespmem:s8+$0x30];
	v7 =	vsel vm3, $0xCE6E6B28, v7;
	[tilespmem:s11+$0xFFFFF860] =	vst v5  }
0xa4: {  	vm2 =	veq.s32 v15, $0x0;
	v4 =	vand.u32 $0x1000000, v4;
	v10 =	vsel vm1, $0xCE6E6B28, v10;
	[tilespmem:s31+$0xFFFFFC30] =	vst v7;
	v7 =	vld [tilespmem:s28+$0xFFFFFF70]  }
0xa5: {  	v32 =	vld [tilespmem:s6+$0x0];
	v3 =	vand.u32 $0x1000000, v3;
	v8 =	vmul.f32 v8, v0;
	v9 =	vmul.f32 v9, v0;
	[tilespmem:s31+$0xFFFFF830] =	vst v10  }
0xa6: {  	vm0 =	veq.s32 v4, $0x0;
	v5 =	vmul.f32 v12, v0;
	v11 =	vmul.f32 v13, v0;
	v12 =	vld [tilespmem:s4+$0xFFFFFF40]  }
0xa7: {  	v8 =	vsub.f32 v1, v8;
	vm3 =	veq.s32 v3, $0x0;
	v9 =	vsub.f32 v1, v9;
	v10 =	vld [tilespmem:s4+$0xFFFFFFC0]  }
0xa8: {  	v5 =	vsub.f32 v1, v5;
	v14 =	vand.u32 $0x1, v6;
	v4 =	vld [tilespmem:s8+$0xFFFFFFD0];
	v11 =	vsub.f32 v1, v11  }
0xa9: {  	v8 =	vsel vm2, $0xCE6E6B28, v8;
	v3 =	vld [tilespmem:s8+$0xFFFFFFF0];
	vm1 =	veq.s32 v14, $0x0;
	v7 =	vmul.f32 v7, v0  }
0xaa: {  	[tilespmem:s31+$0x30] =	vst v8;
	v8 =	vsel vm4, $0xCE6E6B28, v9;
	v9 =	vsel vm5, $0xCE6E6B28, v5;
	v5 =	vsel vm1, $0xCE6E6B28, v11;
	v11 =	vld [tilespmem:s6+$0x80]  }
0xab: {  	v15 =	vand.u32 $0x1000000, v63;
	[tilespmem:s31+$0x440] =	vst v5;
	v12 =	vmul.f32 v12, v0;
	v5 =	vsub.f32 v1, v7;
	v7 =	vld [tilespmem:s16+$0x20]  }
0xac: {  	v18 =	vmul.f32 v30, v0;
	vm4 =	veq.s32 v15, $0x0;
	v10 =	vmul.f32 v10, v0;
	v14 =	vld [tilespmem:s4+$0xD0]  }
0xad: {  	vm1 =	vmmov vm3;
	v28 =	vand.u32 $0x1, v4;
	v12 =	vsub.f32 v1, v12  }
0xae: {  	v31 =	vand.u32 $0x1, v3;
	v10 =	vsub.f32 v1, v10;
	vm3 =	veq.s32 v28, $0x0  }
0xaf: {  	v15 =	vld [tilespmem:s6+$0xFFFFFF00];
	v11 =	vmul.f32 v11, v0;
	v12 =	vsel vm3, $0xCE6E6B28, v12;
	vm3 =	veq.s32 v31, $0x0  }
0xb0: {  	v16 =	vand.u32 $0x1000000, v33;
	v19 =	vmul.f32 v32, v0;
	v34 =	vsel vm3, $0xCE6E6B28, v10  }
0xb1: {  	v22 =	vand.u32 $0x1, v7;
	v10 =	vmul.f32 v14, v0;
	v11 =	vsub.f32 v1, v11  }
0xb2: {  	vm2 =	vmmov vm0;
	vm0 =	vmmov vm4;
	vm4 =	veq.s32 v22, $0x0  }
0xb3: {  	s0 =	sadd.s32 $0x1000, s31;
	v37 =	vand.u32 $0x100, v6;
	v14 =	vld [tilespmem:s16+$0x0];
	v10 =	vsub.f32 v1, v10;
	v11 =	vsel vm4, $0xCE6E6B28, v11  }
0xb4: {  	v25 =	vand.u32 $0x1, v36;
	v15 =	vmul.f32 v15, v0;
	vm4 =	veq.s32 v37, $0x0;
	[tilespmem:s0+$0x400] =	vst v11  }
0xb5: {  	v19 =	vsub.f32 v1, v19;
	vm6 =	veq.s32 v25, $0x0;
	v10 =	vsel vm4, $0xCE6E6B28, v10;
	v23 =	vld [tilespmem:s6+$0x90]  }
0xb6: {  	v13 =	vld [tilespmem:s4+$0x40];
	v11 =	vsub.f32 v1, v15;
	v15 =	vand.u32 $0x1, v33;
	[tilespmem:s31+$0x450] =	vst v10;
	v10 =	vsub.f32 v1, v18  }
0xb7: {  	v46 =	vand.u32 $0x10000, v6;
	v6 =	vand.u32 $0x1000000, v6;
	vm4 =	veq.s32 v15, $0x0  }
0xb8: {  	vm12 =	veq.s32 v6, $0x0;
	v39 =	vand.u32 $0x1, v14;
	v10 =	vsel vm4, $0xCE6E6B28, v10  }
0xb9: {  	v35 =	vand.u32 $0x100, v3;
	v11 =	vsel vm6, $0xCE6E6B28, v11;
	v24 =	vld [tilespmem:s4+$0xE0];
	vm5 =	veq.s32 v39, $0x0;
	[tilespmem:s0+$0xFFFFFC00] =	vst v10  }
0xba: {  	v29 =	vand.u32 $0x100, v4;
	[tilespmem:s0+$0xFFFFF800] =	vst v11;
	v15 =	vsel vm5, $0xCE6E6B28, v19;
	v11 =	vld [tilespmem:s6+$0xFFFFFF90];
	v41 =	vmul.f32 v23, v0  }
0xbb: {  	vm13 =	veq.s32 v35, $0x0;
	v13 =	vmul.f32 v13, v0;
	v45 =	vand.u32 $0x100, v7;
	v42 =	vld [tilespmem:s6+$0xFFFFFF10];
	[tilespmem:s0+$0x0] =	vst v15  }
0xbc: {  	[tilespmem:s31+$0xFFFFF840] =	vst v12;
	vm6 =	veq.s32 v38, $0x0;
	v12 =	vand.u32 $0x10000, v14;
	v44 =	vld [tilespmem:s6+$0x10];
	v18 =	vsub.f32 v1, v41  }
0xbd: {  	[tilespmem:s11+$0xFFFFFC60] =	vst v8;
	vm7 =	veq.s32 v12, $0x0;
	vm4 =	veq.s32 v45, $0x0;
	v10 =	vand.u32 $0x100, v14  }
0xbe: {  	[tilespmem:s11+$0x60] =	vst v9;
	vm10 =	veq.s32 v10, $0x0;
	v10 =	vmul.f32 v24, v0;
	v18 =	vsel vm4, $0xCE6E6B28, v18  }
0xbf: {  	v9 =	vld [tilespmem:s28+$0xFFFFFFF0];
	vm5 =	veq.s32 v40, $0x0;
	v15 =	vand.u32 $0x10000, v33;
	v11 =	vmul.f32 v11, v0;
	[tilespmem:s0+$0x410] =	vst v18  }
0xc0: {  	vm9 =	veq.s32 v15, $0x0;
	v19 =	vmul.f32 v42, v0;
	v47 =	vsub.f32 v1, v10;
	v12 =	vld [tilespmem:s6+$0xA0]  }
0xc1: {  	v10 =	vld [tilespmem:s8+$0x10];
	vm4 =	veq.s32 v46, $0x0;
	v50 =	vmul.f32 v44, v0;
	v11 =	vsub.f32 v1, v11  }
0xc2: {  	v48 =	vld [tilespmem:s4+$0xFFFFFF50];
	[tilespmem:s31+$0xFFFFFC40] =	vst v34;
	v15 =	vand.u32 $0x1000000, v36;
	v19 =	vsub.f32 v1, v19;
	v49 =	vsel vm4, $0xCE6E6B28, v47  }
0xc3: {  	v51 =	vld [tilespmem:s4+$0xFFFFFFD0];
	vm4 =	veq.s32 v15, $0x0;
	[tilespmem:s31+$0x460] =	vst v49;
	v15 =	vsub.f32 v1, v50;
	v11 =	vsel vm6, $0xCE6E6B28, v11  }
0xc4: {  	v9 =	vmul.f32 v9, v0;
	v14 =	vand.u32 $0x1000000, v14;
	v19 =	vsel vm5, $0xCE6E6B28, v19;
	v18 =	vld [tilespmem:s4+$0xF0];
	[tilespmem:s0+$0xFFFFFC10] =	vst v11  }
0xc5: {  	vm5 =	veq.s32 v14, $0x0;
	[tilespmem:s0+$0xFFFFF810] =	vst v19;
	v14 =	vsel vm10, $0xCE6E6B28, v15;
	v11 =	vld [tilespmem:s6+$0xFFFFFFA0];
	v12 =	vmul.f32 v12, v0  }
0xc6: {  	v13 =	vsub.f32 v1, v13;
	vm3 =	veq.s32 v29, $0x0;
	v15 =	vand.u32 $0x1, v10;
	v52 =	vld [tilespmem:s6+$0xFFFFFF20];
	[tilespmem:s0+$0x10] =	vst v14  }
0xc7: {  	v54 =	vand.u32 $0x10000, v7;
	vm14 =	veq.s32 v15, $0x0;
	v53 =	vld [tilespmem:s6+$0x20];
	v12 =	vsub.f32 v1, v12  }
0xc8: {  	v7 =	vand.u32 $0x1000000, v7;
	vm15 =	veq.s32 v54, $0x0;
	v13 =	vsel vm14, $0xCE6E6B28, v13  }
0xc9: {  	v14 =	vmul.f32 v48, v0;
	[tilespmem:s31+$0x40] =	vst v13;
	v15 =	vmul.f32 v18, v0;
	v12 =	vsel vm15, $0xCE6E6B28, v12  }
0xca: {  	vm6 =	veq.s32 v16, $0x0;
	v56 =	vand.u32 $0x100, v10;
	v55 =	vld [tilespmem:s4+$0x50];
	v6 =	vmul.f32 v11, v0;
	[tilespmem:s0+$0x420] =	vst v12  }
0xcb: {  	v13 =	vsub.f32 v1, v15;
	v11 =	vsub.f32 v1, v14;
	v12 =	vmul.f32 v52, v0;
	v14 =	vld [tilespmem:s6+$0xB0]  }
0xcc: {  	v15 =	vmul.f32 v51, v0;
	v8 =	vmul.f32 v53, v0;
	v6 =	vsub.f32 v1, v6  }
0xcd: {  	v13 =	vsel vm12, $0xCE6E6B28, v13;
	v12 =	vsub.f32 v1, v12;
	v11 =	vsel vm3, $0xCE6E6B28, v11  }
0xce: {  	v57 =	vld [tilespmem:s28+$0x70];
	v15 =	vsub.f32 v1, v15;
	v8 =	vsub.f32 v1, v8;
	[tilespmem:s31+$0xFFFFF850] =	vst v11;
	v6 =	vsel vm9, $0xCE6E6B28, v6  }
0xcf: {  	vm3 =	veq.s32 v56, $0x0;
	v11 =	vmul.f32 v55, v0;
	v12 =	vsel vm8, $0xCE6E6B28, v12;
	v58 =	vld [tilespmem:s4+$0xFFFFFF60];
	[tilespmem:s0+$0xFFFFFC20] =	vst v6  }
0xd0: {  	v15 =	vsel vm13, $0xCE6E6B28, v15;
	v8 =	vsel vm7, $0xCE6E6B28, v8;
	[tilespmem:s0+$0xFFFFF820] =	vst v12;
	v12 =	vld [tilespmem:s6+$0xFFFFFFB0];
	v14 =	vmul.f32 v14, v0  }
0xd1: {  	v6 =	vand.u32 $0x10000, v4;
	v11 =	vsub.f32 v1, v11;
	[tilespmem:s0+$0x20] =	vst v8;
	v8 =	vand.u32 $0x10000, v10;
	v59 =	vld [tilespmem:s6+$0xFFFFFF30]  }
0xd2: {  	[tilespmem:s31+$0xFFFFFC50] =	vst v15;
	vm14 =	veq.s32 v6, $0x0;
	v6 =	vand.u32 $0x10000, v3;
	v60 =	vld [tilespmem:s6+$0x30];
	v14 =	vsub.f32 v1, v14  }
0xd3: {  	v11 =	vsel vm3, $0xCE6E6B28, v11;
	vm3 =	veq.s32 v7, $0x0;
	vm15 =	veq.s32 v6, $0x0;
	v6 =	vld [tilespmem:s4+$0xFFFFFFE0]  }
0xd4: {  	vm7 =	veq.s32 v8, $0x0;
	[tilespmem:s31+$0x50] =	vst v11;
	v8 =	vmul.f32 v58, v0;
	v7 =	vsel vm3, $0xCE6E6B28, v14  }
0xd5: {  	v11 =	vld [tilespmem:s4+$0x60];
	v14 =	vand.u32 $0x1000000, v4;
	v4 =	vmul.f32 v57, v0;
	v12 =	vmul.f32 v12, v0;
	[tilespmem:s0+$0x430] =	vst v7  }
0xd6: {  	v15 =	vmul.f32 v59, v0;
	v17 =	vsub.f32 v1, v8;
	v7 =	vsub.f32 v1, v9;
	v61 =	vld [tilespmem:s6+$0xC0]  }
0xd7: {  	[tilespmem:s11+$0x470] =	vst v2;
	v8 =	vsub.f32 v1, v4;
	v4 =	vld [tilespmem:s16+$0x30];
	v9 =	vsub.f32 v1, v12;
	v12 =	vmul.f32 v60, v0  }
0xd8: {  	[tilespmem:s31+$0x470] =	vst v13;
	v6 =	vmul.f32 v6, v0;
	v2 =	vsub.f32 v1, v15;
	v15 =	vsel vm14, $0xCE6E6B28, v17  }
0xd9: {  	vm3 =	veq.s32 v14, $0x0;
	[tilespmem:s31+$0xFFFFF860] =	vst v15;
	v9 =	vsel vm6, $0xCE6E6B28, v9;
	v62 =	vsub.f32 v1, v12  }
0xda: {  	v11 =	vmul.f32 v11, v0;
	v6 =	vsub.f32 v1, v6;
	v2 =	vsel vm4, $0xCE6E6B28, v2;
	[tilespmem:s0+$0xFFFFFC30] =	vst v9;
	v9 =	vld [tilespmem:s4+$0xFFFFFF70]  }
0xdb: {  	v15 =	vand.u32 $0x1000000, v3;
	[tilespmem:s0+$0xFFFFF830] =	vst v2;
	v12 =	vld [tilespmem:s6+$0xFFFFFFC0];
	v2 =	vsel vm5, $0xCE6E6B28, v62;
	v3 =	vmul.f32 v61, v0  }
0xdc: {  	vm4 =	veq.s32 v15, $0x0;
	v63 =	vsub.f32 v1, v11;
	v11 =	vld [tilespmem:s6+$0xFFFFFF40];
	v13 =	vand.u32 $0x1, v4;
	[tilespmem:s0+$0x30] =	vst v2  }
0xdd: {  	v2 =	vsel vm15, $0xCE6E6B28, v6;
	v6 =	vand.u32 $0x1000000, v10;
	v10 =	vld [tilespmem:s6+$0x40];
	v14 =	vsub.f32 v1, v3  }
0xde: {  	s29 =	smov.u32 s11;
	v16 =	vsel vm7, $0xCE6E6B28, v63;
	vm6 =	veq.s32 v13, $0x0;
	[tilespmem:s31+$0xFFFFFC60] =	vst v2;
	v3 =	vld [tilespmem:s16+$0xFFFFFFD0];
	vm5 =	veq.s32 v6, $0x0  }
0xdf: {  	s13 =	sadd.s32 $0x200, s6;
	s9 =	smov.u32 s16;
	s8 =	simm.s32 $0x8;
	[tilespmem:s31+$0x60] =	vst v16;
	v2 =	vld [tilespmem:s16+$0xFFFFFFF0];
	v6 =	vsel vm2, $0xCE6E6B28, v5;
	v13 =	vsel vm6, $0xCE6E6B28, v14;
	v9 =	vmul.f32 v9, v0  }
.LBB2_4:
0xe0: {  	v14 =	vld [tilespmem:s13+$0x80];
	v12 =	vmul.f32 v12, v0;
	[tilespmem:s0+$0x440] =	vst v13;
	v13 =	vsel vm1, $0xCE6E6B28, v7;
	v8 =	vsel vm0, $0xCE6E6B28, v8  }
0xe1: {  	s8 =	sadd.s32 $0x4, s8;
	vm2 =	vmmov vm3;
	vm1 =	vmmov vm4;
	vm0 =	vmmov vm5  }
0xe2: {  	s16 =	sadd.s32 $0x400, s16;
	p1 =	slt.u32 s8, $0xC;
	v11 =	vmul.f32 v11, v0;
	v15 =	vld [tilespmem:s6+$0xD0];
	v5 =	vsub.f32 v1, v9;
	[tilespmem:s29+$0xFFFFF870] =	vst v6  }
0xe3: {  	v7 =	vld [tilespmem:s16+$0x20];
	v6 =	vsub.f32 v1, v12;
	v9 =	vmul.f32 v10, v0;
	[tilespmem:s29+$0xFFFFFC70] =	vst v13  }
0xe4: {  	v10 =	vld [tilespmem:s13+$0xFFFFFF00];
	v12 =	vand.u32 $0x1, v3;
	v13 =	vsub.f32 v1, v11;
	v16 =	vand.u32 $0x100, v3;
	[tilespmem:s29+$0x70] =	vst v8;
	s29 =	smov.u32 s31;
	s31 =	smov.u32 s0  }
0xe5: {  	v17 =	vld [tilespmem:s13+$0xFFFFFF80];
	vm3 =	veq.s32 v12, $0x0;
	v8 =	vand.u32 $0x1, v2;
	v11 =	vsub.f32 v1, v9  }
0xe6: {  	v9 =	vld [tilespmem:s13+$0x0];
	v12 =	vmul.f32 v14, v0;
	v13 =	vsel vm3, $0xCE6E6B28, v13;
	vm3 =	veq.s32 v8, $0x0  }
0xe7: {  	v8 =	vand.u32 $0x100, v2;
	v14 =	vld [tilespmem:s16+$0xFFFFFFE0];
	[tilespmem:s0+$0xFFFFF840] =	vst v13;
	v6 =	vsel vm3, $0xCE6E6B28, v6;
	v13 =	vmul.f32 v15, v0  }
0xe8: {  	vm3 =	veq.s32 v16, $0x0;
	v15 =	vld [tilespmem:s16+$0x0];
	v18 =	vand.u32 $0x1, v7;
	v12 =	vsub.f32 v1, v12;
	[tilespmem:s0+$0xFFFFFC40] =	vst v6  }
0xe9: {  	v16 =	vld [tilespmem:s16+$0xFFFFFFC0];
	vm4 =	veq.s32 v18, $0x0;
	v18 =	vand.u32 $0x100, v4;
	v13 =	vsub.f32 v1, v13  }
0xea: {  	s0 =	sadd.s32 $0x1000, s0;
	v10 =	vmul.f32 v10, v0;
	v12 =	vsel vm4, $0xCE6E6B28, v12;
	v6 =	vld [tilespmem:s9+$0x10];
	vm4 =	veq.s32 v18, $0x0;
	s9 =	smov.u32 s16  }
0xeb: {  	v17 =	vmul.f32 v17, v0;
	v9 =	vmul.f32 v9, v0;
	[tilespmem:s0+$0x400] =	vst v12;
	v12 =	vld [tilespmem:s6+$0xFFFFFF50];
	v13 =	vsel vm4, $0xCE6E6B28, v13  }
0xec: {  	v10 =	vsub.f32 v1, v10;
	v18 =	vand.u32 $0x1, v14;
	v19 =	vand.u32 $0x100, v14;
	v20 =	vld [tilespmem:s13+$0x90];
	[tilespmem:s31+$0x450] =	vst v13  }
0xed: {  	v13 =	vsub.f32 v1, v17;
	v17 =	vand.u32 $0x1, v15;
	v9 =	vsub.f32 v1, v9;
	v21 =	vld [tilespmem:s6+$0xE0]  }
0xee: {  	vm4 =	veq.s32 v18, $0x0;
	v22 =	vand.u32 $0x1, v16;
	vm5 =	veq.s32 v17, $0x0;
	v17 =	vld [tilespmem:s6+$0xFFFFFFD0]  }
0xef: {  	v13 =	vsel vm4, $0xCE6E6B28, v13;
	vm6 =	veq.s32 v22, $0x0;
	v18 =	vsel vm5, $0xCE6E6B28, v9;
	v9 =	vld [tilespmem:s4+$0xFFFFFFF0]  }
0xf0: {  	v23 =	vand.u32 $0x100, v16;
	v22 =	vsel vm6, $0xCE6E6B28, v10;
	[tilespmem:s0+$0xFFFFFC00] =	vst v13;
	v13 =	vand.u32 $0x100, v15;
	v10 =	vld [tilespmem:s4+$0x70];
	s4 =	smov.u32 s6;
	s6 =	smov.u32 s13  }
0xf1: {  	vm4 =	veq.s32 v23, $0x0;
	vm6 =	veq.s32 v19, $0x0;
	[tilespmem:s0+$0xFFFFF800] =	vst v22;
	v19 =	vld [tilespmem:s13+$0xFFFFFF90];
	v20 =	vmul.f32 v20, v0  }
0xf2: {  	v23 =	vand.u32 $0x10000, v16;
	vm10 =	veq.s32 v13, $0x0;
	v22 =	vld [tilespmem:s13+$0xFFFFFF10];
	[tilespmem:s0+$0x0] =	vst v18;
	v13 =	vmul.f32 v21, v0  }
0xf3: {  	v24 =	vand.u32 $0x100, v7;
	v18 =	vand.u32 $0x10000, v14;
	v21 =	vld [tilespmem:s13+$0x10];
	v20 =	vsub.f32 v1, v20  }
0xf4: {  	vm5 =	veq.s32 v24, $0x0;
	v24 =	vand.u32 $0x10000, v4;
	v13 =	vsub.f32 v1, v13  }
0xf5: {  	v25 =	vand.u32 $0x10000, v15;
	v20 =	vsel vm5, $0xCE6E6B28, v20;
	vm5 =	veq.s32 v24, $0x0  }
0xf6: {  	vm8 =	veq.s32 v23, $0x0;
	v19 =	vmul.f32 v19, v0;
	[tilespmem:s0+$0x410] =	vst v20;
	v13 =	vsel vm5, $0xCE6E6B28, v13  }
0xf7: {  	vm7 =	veq.s32 v25, $0x0;
	vm9 =	veq.s32 v18, $0x0;
	v20 =	vmul.f32 v22, v0;
	v18 =	vld [tilespmem:s13+$0xA0];
	[tilespmem:s31+$0x460] =	vst v13  }
0xf8: {  	v13 =	vand.u32 $0x1000000, v16;
	v16 =	vsub.f32 v1, v19;
	v19 =	vmul.f32 v21, v0;
	v21 =	vld [tilespmem:s4+$0xF0]  }
0xf9: {  	v15 =	vand.u32 $0x1000000, v15;
	v14 =	vand.u32 $0x1000000, v14;
	v20 =	vsub.f32 v1, v20  }
0xfa: {  	vm5 =	veq.s32 v13, $0x0;
	v13 =	vsel vm6, $0xCE6E6B28, v16;
	v16 =	vsub.f32 v1, v19  }
0xfb: {  	vm6 =	veq.s32 v14, $0x0;
	v19 =	vsel vm4, $0xCE6E6B28, v20;
	[tilespmem:s0+$0xFFFFFC10] =	vst v13;
	vm4 =	veq.s32 v15, $0x0  }
0xfc: {  	[tilespmem:s0+$0xFFFFF810] =	vst v19;
	v13 =	vld [tilespmem:s13+$0xFFFFFFA0];
	v14 =	vsel vm10, $0xCE6E6B28, v16;
	v15 =	vmul.f32 v18, v0;
	v16 =	vand.u32 $0x1, v6  }
0xfd: {  	v12 =	vmul.f32 v12, v0;
	v18 =	vld [tilespmem:s13+$0xFFFFFF20];
	[tilespmem:s0+$0x10] =	vst v14;
	vm10 =	veq.s32 v16, $0x0;
	v14 =	vmul.f32 v21, v0  }
0xfe: {  	v19 =	vand.u32 $0x10000, v7;
	v16 =	vld [tilespmem:s13+$0x20];
	v15 =	vsub.f32 v1, v15;
	v11 =	vsel vm10, $0xCE6E6B28, v11  }
0xff: {  	v4 =	vand.u32 $0x1000000, v4;
	vm10 =	veq.s32 v19, $0x0;
	[tilespmem:s31+$0x40] =	vst v11;
	v11 =	vsub.f32 v1, v14  }
0x100: {  	v14 =	vsel vm10, $0xCE6E6B28, v15;
	v15 =	vmul.f32 v17, v0;
	v17 =	vld [tilespmem:s4+$0x50];
	vm10 =	veq.s32 v4, $0x0  }
0x101: {  	v12 =	vsub.f32 v1, v12;
	v4 =	vmul.f32 v13, v0;
	[tilespmem:s0+$0x420] =	vst v14;
	v11 =	vsel vm10, $0xCE6E6B28, v11  }
0x102: {  	v13 =	vmul.f32 v18, v0;
	v14 =	vld [tilespmem:s13+$0xB0];
	v15 =	vsub.f32 v1, v15;
	v18 =	vand.u32 $0x100, v6;
	[tilespmem:s31+$0x470] =	vst v11  }
0x103: {  	vm10 =	veq.s32 v8, $0x0;
	v4 =	vsub.f32 v1, v4;
	v11 =	vmul.f32 v16, v0  }
0x104: {  	v12 =	vsel vm3, $0xCE6E6B28, v12;
	vm11 =	veq.s32 v18, $0x0;
	v8 =	vsub.f32 v1, v13  }
0x105: {  	v4 =	vsel vm9, $0xCE6E6B28, v4;
	v11 =	vsub.f32 v1, v11;
	[tilespmem:s31+$0xFFFFF850] =	vst v12;
	v12 =	vmul.f32 v17, v0  }
0x106: {  	v15 =	vsel vm10, $0xCE6E6B28, v15;
	v8 =	vsel vm8, $0xCE6E6B28, v8;
	[tilespmem:s0+$0xFFFFFC20] =	vst v4;
	v4 =	vand.u32 $0x10000, v3;
	v13 =	vld [tilespmem:s4+$0xFFFFFF60]  }
0x107: {  	[tilespmem:s0+$0xFFFFF820] =	vst v8;
	v8 =	vld [tilespmem:s13+$0xFFFFFFB0];
	v11 =	vsel vm7, $0xCE6E6B28, v11;
	v14 =	vmul.f32 v14, v0;
	v12 =	vsub.f32 v1, v12  }
0x108: {  	vm3 =	veq.s32 v4, $0x0;
	v4 =	vand.u32 $0x10000, v2;
	v16 =	vld [tilespmem:s13+$0xFFFFFF30];
	[tilespmem:s0+$0x20] =	vst v11;
	v11 =	vand.u32 $0x10000, v6  }
0x109: {  	v7 =	vand.u32 $0x1000000, v7;
	v17 =	vld [tilespmem:s13+$0x30];
	v14 =	vsub.f32 v1, v14;
	[tilespmem:s31+$0xFFFFFC50] =	vst v15;
	v12 =	vsel vm11, $0xCE6E6B28, v12  }
0x10a: {  	vm9 =	veq.s32 v7, $0x0;
	vm8 =	veq.s32 v4, $0x0;
	vm7 =	veq.s32 v11, $0x0;
	v15 =	vld [tilespmem:s4+$0xFFFFFFE0];
	[tilespmem:s31+$0x50] =	vst v12  }
0x10b: {  	v9 =	vmul.f32 v9, v0;
	v4 =	vsel vm9, $0xCE6E6B28, v14;
	v7 =	vmul.f32 v13, v0;
	v11 =	vld [tilespmem:s4+$0x60]  }
0x10c: {  	v3 =	vand.u32 $0x1000000, v3;
	v8 =	vmul.f32 v8, v0;
	[tilespmem:s0+$0x430] =	vst v4;
	v4 =	vmul.f32 v10, v0  }
0x10d: {  	v10 =	vmul.f32 v16, v0;
	v13 =	vld [tilespmem:s13+$0xC0];
	v12 =	vsub.f32 v1, v7;
	v7 =	vsub.f32 v1, v9  }
0x10e: {  	v9 =	vsub.f32 v1, v8;
	v14 =	vmul.f32 v17, v0;
	v8 =	vsub.f32 v1, v4  }
0x10f: {  	v10 =	vsub.f32 v1, v10;
	v4 =	vld [tilespmem:s16+$0x30];
	v12 =	vsel vm3, $0xCE6E6B28, v12;
	v15 =	vmul.f32 v15, v0  }
0x110: {  	v9 =	vsel vm6, $0xCE6E6B28, v9;
	v14 =	vsub.f32 v1, v14;
	[tilespmem:s31+$0xFFFFF860] =	vst v12;
	v11 =	vmul.f32 v11, v0  }
0x111: {  	v2 =	vand.u32 $0x1000000, v2;
	v10 =	vsel vm5, $0xCE6E6B28, v10;
	[tilespmem:s0+$0xFFFFFC30] =	vst v9;
	v9 =	vld [tilespmem:s4+$0xFFFFFF70];
	v15 =	vsub.f32 v1, v15  }
.Ltmp0:
0x112: {  	[tilespmem:s0+$0xFFFFF830] =	vst v10;
	v12 =	vld [tilespmem:s13+$0xFFFFFFC0];
	v10 =	vsel vm4, $0xCE6E6B28, v14;
	v13 =	vmul.f32 v13, v0;
	v14 =	vsub.f32 v1, v11;
	(pc) =	sbr.rel @p1 .LBB2_4-.Ltmp0, $4  }
0x113: {  	v6 =	vand.u32 $0x1000000, v6;
	vm3 =	veq.s32 v3, $0x0;
	v11 =	vld [tilespmem:s13+$0xFFFFFF40];
	[tilespmem:s0+$0x30] =	vst v10;
	v3 =	vsel vm8, $0xCE6E6B28, v15  }
0x114: {  	v10 =	vld [tilespmem:s13+$0x40];
	v15 =	vand.u32 $0x1, v4;
	v13 =	vsub.f32 v1, v13;
	[tilespmem:s31+$0xFFFFFC60] =	vst v3;
	v14 =	vsel vm7, $0xCE6E6B28, v14  }
0x115: {  	vm5 =	veq.s32 v6, $0x0;
	vm4 =	veq.s32 v2, $0x0;
	v3 =	vld [tilespmem:s16+$0xFFFFFFD0];
	vm6 =	veq.s32 v15, $0x0;
	[tilespmem:s31+$0x60] =	vst v14  }
0x116: {  	v6 =	vsel vm2, $0xCE6E6B28, v5;
	s13 =	sadd.s32 $0x200, s13;
	v2 =	vld [tilespmem:s16+$0xFFFFFFF0];
	v13 =	vsel vm6, $0xCE6E6B28, v13;
	v9 =	vmul.f32 v9, v0  }
0x117: {  	v5 =	vld [tilespmem:s9+$0x10]  }
0x118: {  	v12 =	vmul.f32 v12, v0;
	v11 =	vmul.f32 v11, v0  }
0x119: {  	v10 =	vmul.f32 v10, v0  }
0x11a: {  	v12 =	vsub.f32 v1, v12;
	v14 =	vand.u32 $0x1, v3;
	v11 =	vsub.f32 v1, v11  }
0x11b: {  	vm2 =	veq.s32 v14, $0x0;
	v36 =	vand.u32 $0x1, v2;
	v10 =	vsub.f32 v1, v10  }
0x11c: {  	[tilespmem:s0+$0x440] =	vst v13;
	v11 =	vsel vm2, $0xCE6E6B28, v11;
	vm14 =	veq.s32 v36, $0x0;
	v37 =	vand.u32 $0x1, v5  }
0x11d: {  	v13 =	vld [tilespmem:s6+$0xD0];
	[tilespmem:s0+$0xFFFFF840] =	vst v11;
	v38 =	vsel vm14, $0xCE6E6B28, v12;
	vm15 =	veq.s32 v37, $0x0  }
0x11e: {  	[tilespmem:s0+$0xFFFFFC40] =	vst v38;
	v40 =	vld [tilespmem:s6+$0xFFFFFF50];
	v10 =	vsel vm15, $0xCE6E6B28, v10  }
0x11f: {  	v42 =	vld [tilespmem:s6+$0xFFFFFFD0];
	[tilespmem:s0+$0x40] =	vst v10  }
0x120: {  	v10 =	vld [tilespmem:s6+$0x50];
	_ =	sdelay $0x1  }
0x121: {  	v41 =	vand.u32 $0x100, v4;
	v39 =	vmul.f32 v13, v0  }
0x122: {  	vm6 =	veq.s32 v41, $0x0;
	v43 =	vand.u32 $0x100, v3;
	v11 =	vmul.f32 v40, v0  }
0x123: {  	v15 =	vand.u32 $0x100, v2;
	v12 =	vsub.f32 v1, v39;
	v14 =	vmul.f32 v42, v0  }
0x124: {  	vm7 =	veq.s32 v43, $0x0;
	v11 =	vsub.f32 v1, v11;
	v10 =	vmul.f32 v10, v0  }
0x125: {  	v45 =	vand.u32 $0x100, v5;
	v12 =	vsel vm6, $0xCE6E6B28, v12;
	v44 =	vsub.f32 v1, v14  }
0x126: {  	vm8 =	veq.s32 v15, $0x0;
	[tilespmem:s0+$0x450] =	vst v12;
	v11 =	vsel vm7, $0xCE6E6B28, v11;
	v10 =	vsub.f32 v1, v10  }
0x127: {  	vm9 =	veq.s32 v45, $0x0;
	v12 =	vld [tilespmem:s6+$0xE0];
	v13 =	vsel vm8, $0xCE6E6B28, v44;
	[tilespmem:s0+$0xFFFFF850] =	vst v11  }
0x128: {  	v11 =	vld [tilespmem:s6+$0xFFFFFF60];
	[tilespmem:s0+$0xFFFFFC50] =	vst v13;
	v10 =	vsel vm9, $0xCE6E6B28, v10  }
0x129: {  	v47 =	vld [tilespmem:s6+$0xFFFFFFE0];
	[tilespmem:s0+$0x50] =	vst v10  }
0x12a: {  	v10 =	vld [tilespmem:s6+$0x60]  }
0x12b: {  	v46 =	vand.u32 $0x10000, v4;
	v7 =	vsel vm1, $0xCE6E6B28, v7  }
0x12c: {  	v8 =	vsel vm0, $0xCE6E6B28, v8;
	v55 =	vand.u32 $0x1000000, v4;
	v12 =	vmul.f32 v12, v0  }
0x12d: {  	v50 =	vld [tilespmem:s4+$0xFFFFFFF0];
	vm10 =	veq.s32 v46, $0x0;
	v48 =	vand.u32 $0x10000, v3;
	v11 =	vmul.f32 v11, v0  }
0x12e: {  	v16 =	vld [tilespmem:s4+$0x70];
	vm11 =	veq.s32 v48, $0x0;
	v12 =	vsub.f32 v1, v12;
	v49 =	vmul.f32 v47, v0  }
0x12f: {  	v51 =	vand.u32 $0x10000, v2;
	v11 =	vsub.f32 v1, v11;
	v10 =	vmul.f32 v10, v0  }
0x130: {  	vm12 =	veq.s32 v51, $0x0;
	v12 =	vsel vm10, $0xCE6E6B28, v12;
	v13 =	vsub.f32 v1, v49  }
0x131: {  	v52 =	vand.u32 $0x10000, v5;
	[tilespmem:s0+$0x460] =	vst v12;
	v11 =	vsel vm11, $0xCE6E6B28, v11;
	v10 =	vsub.f32 v1, v10  }
0x132: {  	v56 =	vmul.f32 v50, v0;
	vm13 =	veq.s32 v52, $0x0;
	v12 =	vld [tilespmem:s6+$0xF0];
	[tilespmem:s0+$0xFFFFF860] =	vst v11;
	v53 =	vsel vm12, $0xCE6E6B28, v13  }
0x133: {  	v9 =	vsub.f32 v1, v9;
	v58 =	vmul.f32 v16, v0;
	[tilespmem:s0+$0xFFFFFC60] =	vst v53;
	v54 =	vld [tilespmem:s6+$0xFFFFFF70];
	v10 =	vsel vm13, $0xCE6E6B28, v10  }
0x134: {  	v3 =	vand.u32 $0x1000000, v3;
	v2 =	vand.u32 $0x1000000, v2;
	v61 =	vsub.f32 v1, v56;
	[tilespmem:s0+$0x60] =	vst v10;
	v57 =	vld [tilespmem:s6+$0xFFFFFFF0]  }
0x135: {  	vm14 =	vmmov vm3;
	vm15 =	vmmov vm4;
	v4 =	vsub.f32 v1, v58;
	v59 =	vld [tilespmem:s6+$0x70]  }
0x136: {  	[tilespmem:s29+$0xFFFFF870] =	vst v6;
	v63 =	vsel vm15, $0xCE6E6B28, v61;
	vm8 =	vmmov vm5;
	vm9 =	veq.s32 v55, $0x0  }
0x137: {  	[tilespmem:s29+$0xFFFFFC70] =	vst v7;
	vm10 =	veq.s32 v3, $0x0;
	v3 =	vand.u32 $0x1000000, v5;
	v12 =	vmul.f32 v12, v0  }
0x138: {  	[tilespmem:s29+$0x70] =	vst v8;
	vm11 =	veq.s32 v2, $0x0;
	vm12 =	veq.s32 v3, $0x0;
	v2 =	vmul.f32 v54, v0  }
0x139: {  	s30 =	sadd.s32 $0x1, s30;
	[tilespmem:s31+$0xFFFFFC70] =	vst v63;
	v3 =	vsel vm14, $0xCE6E6B28, v9;
	v12 =	vsub.f32 v1, v12;
	v62 =	vmul.f32 v57, v0  }
0x13a: {  	p1 =	sne.s32 s30, $0x8;
	v4 =	vsel vm8, $0xCE6E6B28, v4;
	[tilespmem:s31+$0xFFFFF870] =	vst v3;
	v2 =	vsub.f32 v1, v2;
	v3 =	vmul.f32 v59, v0  }
.Ltmp1:
0x13b: {  	[tilespmem:s31+$0x70] =	vst v4;
	vm13 =	vmmov vm10;
	v60 =	vsel vm9, $0xCE6E6B28, v12;
	v5 =	vsub.f32 v1, v62;
	(pc) =	sbr.rel @p1 .LBB2_3-.Ltmp1, $4  }
0x13c: {  	vm14 =	vmmov vm11;
	[tilespmem:s0+$0x470] =	vst v60;
	v1 =	vsub.f32 v1, v3;
	v2 =	vsel vm13, $0xCE6E6B28, v2  }
0x13d: {  	vm15 =	vmmov vm12;
	v3 =	vsel vm14, $0xCE6E6B28, v5;
	[tilespmem:s0+$0xFFFFF870] =	vst v2  }
0x13e: {  	v1 =	vsel vm15, $0xCE6E6B28, v1;
	[tilespmem:s0+$0xFFFFFC70] =	vst v3  }
0x13f: {  	s26 =	sadd.s32 $0x80, s26;
	s28 =	sadd.s32 $0x800, s28;
	s11 =	sadd.s32 $0x80, s11;
	[tilespmem:s0+$0x70] =	vst v1  }
0x140: {  	s0 =	sadd.s32 s14, s18;
	p1 =	sne.s32 s17, $0x8  }
.Ltmp2:
0x141: {  	s0 =	sshll.u32 s0, $0xE;
	(pc) =	sbr.rel @p1 .LBB2_2-.Ltmp2, $4  }
0x142: {  	s0 =	sadd.s32 s7, s0  }
0x143: {  	s4 =	sshll.u32 s24, $0xE;
	p0 =	por !p0, !p0;
	s0 =	sshrl.u32 s0, $0x3  }
0x144: {  	s18 =	smov.u32 s17;
	s4 =	sor.u32 $0xA000, s4;
	s0 =	sadd.s32 s2, s0  }
0x145: {  	[hbm4b:s0+s3] =	stream.linear.scatter [tilespmem:s4], [sflag:$0x2], $0x4000, $0x38;
	[tilespmem:$0x13080] =	vst v63  }
0x146: {  	s0 =	simm.s32 $0x2  }
0x147: {  	_ =	swait.ge [sflag:s0], $0x4000  }
0x148: {  	[sflag:s0] =	ssyncset.done $0x0  }
0x149: {  	[sflag:s0] =	ssyncadd.s32 $0xFFFFC000  }
0x14a: {  	_ =	swait.ge [sflag:s0], $0x4000  }
0x14b: {  	s17 =	simm.s32 $0x0;
	s4 =	simm.s32 $0x800;
	[sflag:s0] =	ssyncset.done $0x0  }
0x14c: {  	s6 =	simm.s32 $0x4000;
	s29 =	rddreg [dreg:$0x8];
	[sflag:s0] =	ssyncadd.s32 $0xFFFFC000  }
0x14d: {  	[tilespmem:s17], [sflag:$0x1] =	stream.strided.gather [hbm4b:s29+s4], $0x4000, s6, s4, $0x38;
	[tilespmem:$0x13080] =	vst v63  }
0x14e: {  	s31 =	simm.s32 $0x8000;
	p0 =	por $0x0, $0x0;
	s30 =	rddreg [dreg:$0x9]  }
0x14f: {  	[tilespmem:s31], [sflag:$0x1] =	stream.linear.gather [hbm4b:s30+s17], $0x1000, $0x38;
	[tilespmem:$0x13080] =	vst v63  }
.LBB2_8:
0x150: {  	s18 =	sadd.s32 $0x1, s17;
	p1 =	seq.s32 s17, $0x7  }
0x151: {  	s0 =	sshll.u32 @!p1 s18, $0xB  }
0x152: {  	s0 =	sadd.s32 @!p1 s19, s0  }
0x153: {  	s4 =	sand.u32 @!p1 $0x1, s18;
	s8 =	simm.s32 @!p1 $0x800;
	s0 =	sshrl.u32 @!p1 s0, $0x3  }
0x154: {  	s9 =	simm.s32 @!p1 $0x4000;
	s6 =	sshll.u32 @!p1 s4, $0xE;
	s0 =	sadd.s32 @!p1 s1, s0  }
0x155: {  	[tilespmem:s6], [sflag:$0x1] =	stream.strided.gather @!p1 [hbm4b:s0+s8], $0x4000, s9, s8, $0x38;
	[tilespmem:$0x13080] =	vst v63  }
0x156: {  	s0 =	sshll.u32 @!p1 s18, $0xC  }
0x157: {  	s0 =	sadd.s32 @!p1 s22, s0  }
0x158: {  	s4 =	sshll.u32 @!p1 s4, $0xC;
	s0 =	sshrl.u32 @!p1 s0, $0x3  }
0x159: {  	s4 =	sor.u32 @!p1 $0x8000, s4;
	s6 =	simm.s32 @!p1 $0x0;
	s0 =	sadd.s32 @!p1 s5, s0  }
0x15a: {  	[tilespmem:s4], [sflag:$0x1] =	stream.linear.gather @!p1 [hbm4b:s0+s6], $0x1000, $0x38;
	[tilespmem:$0x13080] =	vst v63  }
0x15b: {  	_ =	swait.ge [sflag:s10], $0x4000  }
0x15c: {  	[sflag:s10] =	ssyncset.done $0x0  }
0x15d: {  	[sflag:s10] =	ssyncadd.s32 $0xFFFFC000  }
0x15e: {  	s24 =	sand.u32 $0x1, s17;
	_ =	swait.ge [sflag:s10], $0x1000  }
0x15f: {  	s0 =	simm.s32 $0x1;
	p1 =	slt.u32 s17, $0x2;
	[sflag:s10] =	ssyncset.done $0x0  }
0x160: {  	s0 =	simm.s32 @!p0 $0x0;
	s6 =	simm.s32 @!p1 $0x2;
	[sflag:s10] =	ssyncadd.s32 $0xFFFFF000  }
0x161: {  	s30 =	simm.s32 $0x0;
	s0 =	sshll.u32 s0, $0xE;
	_ =	swait.ge @!p1 [sflag:s6], $0x4000  }
0x162: {  	s31 =	sshrl.u32 s0, $0x2;
	s28 =	sor.u32 $0x100, s0;
	[sflag:s6] =	ssyncset.done @!p1 $0x0  }
0x163: {  	s29 =	sor.u32 $0xA800, s0;
	s26 =	sor.u32 $0x8040, s31;
	[sflag:s6] =	ssyncadd.s32 @!p1 $0xFFFFC000  }
.LBB2_9:
0x164: {  	s0 =	sshll.u32 s30, $0x7;
	v2 =	vld [tilespmem:s28+$0x80]  }
0x165: {  	v3 =	vld [tilespmem:s26+$0x20];
	s0 =	sand.u32 $0x3FFFFF80, s0  }
0x166: {  	v1 =	vld [tilespmem:s0+$0x12400];
	_ =	sdelay $0x1  }
0x167: {  	v4 =	vld [tilespmem:s28+$0xFFFFFF00]  }
0x168: {  	v5 =	vld [tilespmem:s28+$0xFFFFFF80];
	v2 =	vmul.f32 v2, v0  }
0x169: {  	v6 =	vld [tilespmem:s28+$0x0]  }
0x16a: {  	v7 =	vld [tilespmem:s26+$0xFFFFFFE0];
	v9 =	vand.u32 $0x1, v3;
	v2 =	vsub.f32 v1, v2  }
0x16b: {  	v10 =	vld [tilespmem:s26+$0xFFFFFFC0];
	vm0 =	veq.s32 v9, $0x0  }
0x16c: {  	v2 =	vsel vm0, $0xCE6E6B28, v2  }
0x16d: {  	v8 =	vld [tilespmem:s26+$0x0];
	v5 =	vmul.f32 v5, v0;
	[tilespmem:s29+$0x400] =	vst v2  }
0x16e: {  	v4 =	vmul.f32 v4, v0;
	v2 =	vmul.f32 v6, v0;
	v6 =	vld [tilespmem:s28+$0x90]  }
0x16f: {  	v9 =	vand.u32 $0x1, v7;
	v5 =	vsub.f32 v1, v5  }
0x170: {  	v12 =	vand.u32 $0x1, v10;
	v4 =	vsub.f32 v1, v4;
	vm0 =	veq.s32 v9, $0x0  }
0x171: {  	vm1 =	veq.s32 v12, $0x0;
	v5 =	vsel vm0, $0xCE6E6B28, v5  }
0x172: {  	v11 =	vand.u32 $0x1, v8;
	v4 =	vsel vm1, $0xCE6E6B28, v4;
	[tilespmem:s29+$0xFFFFFC00] =	vst v5;
	v2 =	vsub.f32 v1, v2  }
0x173: {  	vm0 =	veq.s32 v11, $0x0;
	[tilespmem:s29+$0xFFFFF800] =	vst v4;
	v4 =	vld [tilespmem:s28+$0xFFFFFF90];
	v5 =	vmul.f32 v6, v0  }
0x174: {  	v2 =	vsel vm0, $0xCE6E6B28, v2;
	v6 =	vld [tilespmem:s28+$0xFFFFFF10]  }
0x175: {  	v9 =	vand.u32 $0x100, v3;
	[tilespmem:s29+$0x0] =	vst v2;
	v5 =	vsub.f32 v1, v5  }
0x176: {  	vm0 =	veq.s32 v9, $0x0;
	v2 =	vld [tilespmem:s28+$0x10]  }
0x177: {  	v5 =	vsel vm0, $0xCE6E6B28, v5  }
0x178: {  	v4 =	vmul.f32 v4, v0;
	[tilespmem:s29+$0x410] =	vst v5  }
0x179: {  	v6 =	vmul.f32 v6, v0;
	v9 =	vld [tilespmem:s28+$0xA0]  }
0x17a: {  	v11 =	vand.u32 $0x100, v10;
	v4 =	vsub.f32 v1, v4;
	v5 =	vand.u32 $0x100, v7  }
0x17b: {  	v2 =	vmul.f32 v2, v0;
	vm0 =	veq.s32 v5, $0x0;
	v5 =	vsub.f32 v1, v6  }
0x17c: {  	vm1 =	veq.s32 v11, $0x0;
	v4 =	vsel vm0, $0xCE6E6B28, v4  }
0x17d: {  	v12 =	vand.u32 $0x100, v8;
	v2 =	vsub.f32 v1, v2;
	[tilespmem:s29+$0xFFFFFC10] =	vst v4;
	v5 =	vsel vm1, $0xCE6E6B28, v5  }
0x17e: {  	vm0 =	veq.s32 v12, $0x0;
	v4 =	vld [tilespmem:s28+$0xFFFFFFA0];
	[tilespmem:s29+$0xFFFFF810] =	vst v5;
	v5 =	vmul.f32 v9, v0  }
0x17f: {  	v2 =	vsel vm0, $0xCE6E6B28, v2;
	v6 =	vld [tilespmem:s28+$0xFFFFFF20]  }
0x180: {  	[tilespmem:s29+$0x10] =	vst v2;
	v9 =	vand.u32 $0x10000, v3;
	v5 =	vsub.f32 v1, v5  }
0x181: {  	v2 =	vld [tilespmem:s28+$0x20];
	vm0 =	veq.s32 v9, $0x0  }
0x182: {  	v5 =	vsel vm0, $0xCE6E6B28, v5  }
0x183: {  	v4 =	vmul.f32 v4, v0;
	[tilespmem:s29+$0x420] =	vst v5  }
0x184: {  	v11 =	vand.u32 $0x10000, v7;
	v6 =	vmul.f32 v6, v0;
	v9 =	vld [tilespmem:s28+$0xB0]  }
0x185: {  	vm0 =	veq.s32 v11, $0x0;
	v4 =	vsub.f32 v1, v4  }
0x186: {  	v5 =	vand.u32 $0x10000, v10;
	v2 =	vmul.f32 v2, v0;
	v6 =	vsub.f32 v1, v6  }
0x187: {  	vm1 =	veq.s32 v5, $0x0;
	v4 =	vsel vm0, $0xCE6E6B28, v4  }
0x188: {  	v12 =	vand.u32 $0x10000, v8;
	v2 =	vsub.f32 v1, v2;
	[tilespmem:s29+$0xFFFFFC20] =	vst v4;
	v5 =	vsel vm1, $0xCE6E6B28, v6  }
0x189: {  	vm0 =	veq.s32 v12, $0x0;
	v4 =	vld [tilespmem:s28+$0xFFFFFFB0];
	[tilespmem:s29+$0xFFFFF820] =	vst v5;
	v5 =	vmul.f32 v9, v0  }
0x18a: {  	v2 =	vsel vm0, $0xCE6E6B28, v2;
	v6 =	vld [tilespmem:s28+$0xFFFFFF30]  }
0x18b: {  	v3 =	vand.u32 $0x1000000, v3;
	[tilespmem:s29+$0x20] =	vst v2;
	v5 =	vsub.f32 v1, v5  }
0x18c: {  	vm0 =	veq.s32 v3, $0x0;
	v2 =	vld [tilespmem:s28+$0x30]  }
0x18d: {  	v3 =	vsel vm0, $0xCE6E6B28, v5  }
0x18e: {  	[tilespmem:s29+$0x430] =	vst v3  }
0x18f: {  	s8 =	sadd.s32 $0x400, s26;
	v7 =	vand.u32 $0x1000000, v7;
	v4 =	vmul.f32 v4, v0;
	v5 =	vmul.f32 v6, v0;
	v6 =	vld [tilespmem:s28+$0xC0]  }
0x190: {  	v17 =	vld [tilespmem:s8+$0x0];
	vm0 =	veq.s32 v7, $0x0  }
0x191: {  	v4 =	vsub.f32 v1, v4;
	v2 =	vmul.f32 v2, v0;
	v7 =	vsub.f32 v1, v5;
	v5 =	vld [tilespmem:s26+$0x30]  }
0x192: {  	v19 =	vld [tilespmem:s8+$0xFFFFFFC0];
	s16 =	sadd.s32 $0x400, s8;
	v8 =	vand.u32 $0x1000000, v8;
	v3 =	vand.u32 $0x1000000, v10  }
0x193: {  	v33 =	vld [tilespmem:s16+$0xFFFFFFE0];
	vm1 =	veq.s32 v3, $0x0;
	v3 =	vsel vm0, $0xCE6E6B28, v4;
	v2 =	vsub.f32 v1, v2  }
0x194: {  	s4 =	sadd.s32 $0x200, s28;
	v36 =	vld [tilespmem:s16+$0xFFFFFFC0];
	vm0 =	veq.s32 v8, $0x0;
	[tilespmem:s29+$0xFFFFFC30] =	vst v3;
	v4 =	vsel vm1, $0xCE6E6B28, v7;
	v3 =	vmul.f32 v6, v0  }
0x195: {  	v11 =	vld [tilespmem:s4+$0xFFFFFF00];
	v2 =	vsel vm0, $0xCE6E6B28, v2;
	[tilespmem:s29+$0xFFFFF830] =	vst v4  }
0x196: {  	v12 =	vld [tilespmem:s4+$0xFFFFFF80];
	[tilespmem:s29+$0x30] =	vst v2;
	v2 =	vand.u32 $0x1, v5;
	v9 =	vsub.f32 v1, v3  }
0x197: {  	v6 =	vld [tilespmem:s28+$0xFFFFFF40];
	vm0 =	veq.s32 v2, $0x0  }
0x198: {  	v2 =	vsel vm0, $0xCE6E6B28, v9;
	v9 =	vld [tilespmem:s4+$0x80]  }
0x199: {  	v4 =	vld [tilespmem:s26+$0xFFFFFFD0]  }
0x19a: {  	v20 =	vand.u32 $0x1, v19;
	[tilespmem:s29+$0x440] =	vst v2;
	v2 =	vld [tilespmem:s8+$0x20]  }
0x19b: {  	v59 =	vand.u32 $0x1, v17;
	vm2 =	veq.s32 v20, $0x0;
	v11 =	vmul.f32 v11, v0;
	v10 =	vld [tilespmem:s28+$0xD0]  }
0x19c: {  	v38 =	vand.u32 $0x100, v33;
	v40 =	vand.u32 $0x100, v36;
	v3 =	vld [tilespmem:s26+$0xFFFFFFF0];
	v6 =	vmul.f32 v6, v0  }
0x19d: {  	v14 =	vld [tilespmem:s4+$0x0];
	v43 =	vand.u32 $0x10000, v36;
	v11 =	vsub.f32 v1, v11;
	v9 =	vmul.f32 v9, v0  }
0x19e: {  	v16 =	vld [tilespmem:s8+$0xFFFFFFE0];
	v12 =	vmul.f32 v12, v0;
	v13 =	vand.u32 $0x1, v4;
	v6 =	vsub.f32 v1, v6  }
0x19f: {  	v7 =	vld [tilespmem:s28+$0xFFFFFFC0];
	vm0 =	veq.s32 v13, $0x0;
	v18 =	vand.u32 $0x1, v2;
	v9 =	vsub.f32 v1, v9  }
0x1a0: {  	v8 =	vld [tilespmem:s28+$0x40];
	v6 =	vsel vm0, $0xCE6E6B28, v6;
	v10 =	vmul.f32 v10, v0;
	vm0 =	veq.s32 v18, $0x0  }
0x1a1: {  	s31 =	sadd.s32 $0x1000, s29;
	v12 =	vsub.f32 v1, v12;
	v13 =	vand.u32 $0x1, v3;
	v9 =	vsel vm0, $0xCE6E6B28, v9  }
0x1a2: {  	v63 =	vld [tilespmem:s26+$0x10];
	v58 =	vand.u32 $0x100, v5;
	vm1 =	veq.s32 v13, $0x0;
	v10 =	vsub.f32 v1, v10;
	[tilespmem:s31+$0x400] =	vst v9  }
0x1a3: {  	vm0 =	veq.s32 v58, $0x0;
	v9 =	vmul.f32 v14, v0;
	v14 =	vand.u32 $0x1, v16;
	v13 =	vld [tilespmem:s4+$0x90]  }
0x1a4: {  	v7 =	vmul.f32 v7, v0;
	v10 =	vsel vm0, $0xCE6E6B28, v10;
	vm0 =	veq.s32 v14, $0x0  }
0x1a5: {  	v11 =	vsel vm2, $0xCE6E6B28, v11;
	v8 =	vmul.f32 v8, v0;
	[tilespmem:s29+$0x450] =	vst v10;
	v10 =	vsel vm0, $0xCE6E6B28, v12  }
0x1a6: {  	v7 =	vsub.f32 v1, v7;
	v15 =	vand.u32 $0x100, v4;
	v9 =	vsub.f32 v1, v9;
	v12 =	vld [tilespmem:s28+$0xE0];
	[tilespmem:s31+$0xFFFFFC00] =	vst v10  }
0x1a7: {  	[tilespmem:s31+$0xFFFFF800] =	vst v11;
	v25 =	vand.u32 $0x1, v63;
	v8 =	vsub.f32 v1, v8;
	vm0 =	veq.s32 v59, $0x0;
	v11 =	vld [tilespmem:s4+$0xFFFFFF90]  }
0x1a8: {  	v60 =	vld [tilespmem:s4+$0xFFFFFF10];
	v21 =	vand.u32 $0x100, v2;
	v9 =	vsel vm0, $0xCE6E6B28, v9;
	v13 =	vmul.f32 v13, v0  }
0x1a9: {  	v7 =	vsel vm1, $0xCE6E6B28, v7;
	vm3 =	veq.s32 v21, $0x0;
	v14 =	vand.u32 $0x100, v16;
	[tilespmem:s31+$0x0] =	vst v9  }
0x1aa: {  	vm2 =	veq.s32 v14, $0x0;
	v14 =	vand.u32 $0x10000, v19;
	v61 =	vld [tilespmem:s4+$0x10];
	v13 =	vsub.f32 v1, v13  }
0x1ab: {  	vm0 =	veq.s32 v15, $0x0;
	v15 =	vand.u32 $0x100, v19;
	v12 =	vmul.f32 v12, v0  }
0x1ac: {  	vm1 =	veq.s32 v15, $0x0;
	v11 =	vmul.f32 v11, v0;
	v13 =	vsel vm3, $0xCE6E6B28, v13  }
0x1ad: {  	v15 =	vmul.f32 v60, v0;
	v12 =	vsub.f32 v1, v12;
	[tilespmem:s31+$0x410] =	vst v13;
	v13 =	vand.u32 $0x10000, v5  }
0x1ae: {  	[tilespmem:s29+$0xFFFFF840] =	vst v6;
	v9 =	vand.u32 $0x100, v17;
	v11 =	vsub.f32 v1, v11;
	v62 =	vld [tilespmem:s4+$0xA0];
	vm4 =	veq.s32 v13, $0x0  }
0x1af: {  	[tilespmem:s29+$0xFFFFFC40] =	vst v7;
	v15 =	vsub.f32 v1, v15;
	v13 =	vmul.f32 v61, v0;
	v12 =	vsel vm4, $0xCE6E6B28, v12  }
0x1b0: {  	v24 =	vld [tilespmem:s28+$0xFFFFFF50];
	vm3 =	veq.s32 v9, $0x0;
	v9 =	vand.u32 $0x10000, v16;
	v11 =	vsel vm2, $0xCE6E6B28, v11;
	[tilespmem:s29+$0x460] =	vst v12  }
0x1b1: {  	v27 =	vld [tilespmem:s28+$0xFFFFFFD0];
	vm6 =	veq.s32 v9, $0x0;
	v9 =	vsel vm1, $0xCE6E6B28, v15;
	v12 =	vsub.f32 v1, v13;
	[tilespmem:s31+$0xFFFFFC10] =	vst v11  }
0x1b2: {  	v6 =	vand.u32 $0x10000, v17;
	v10 =	vand.u32 $0x100, v3;
	vm5 =	veq.s32 v14, $0x0;
	[tilespmem:s31+$0xFFFFF810] =	vst v9;
	v9 =	vld [tilespmem:s4+$0xFFFFFFA0]  }
0x1b3: {  	v26 =	vld [tilespmem:s4+$0xFFFFFF20];
	vm2 =	veq.s32 v25, $0x0;
	v12 =	vsel vm3, $0xCE6E6B28, v12;
	v13 =	vmul.f32 v62, v0  }
0x1b4: {  	v14 =	vand.u32 $0x1000000, v16;
	vm4 =	veq.s32 v6, $0x0;
	v8 =	vsel vm2, $0xCE6E6B28, v8;
	v6 =	vld [tilespmem:s28+$0xF0];
	[tilespmem:s31+$0x10] =	vst v12  }
0x1b5: {  	v11 =	vand.u32 $0x1000000, v19;
	[tilespmem:s29+$0x40] =	vst v8;
	v12 =	vand.u32 $0x10000, v2;
	v7 =	vld [tilespmem:s4+$0x20];
	v13 =	vsub.f32 v1, v13  }
0x1b6: {  	vm1 =	veq.s32 v11, $0x0;
	v11 =	vmul.f32 v24, v0;
	vm2 =	veq.s32 v12, $0x0;
	v12 =	vld [tilespmem:s28+$0x50]  }
0x1b7: {  	v5 =	vand.u32 $0x1000000, v5;
	v9 =	vmul.f32 v9, v0;
	v8 =	vsel vm2, $0xCE6E6B28, v13  }
0x1b8: {  	vm3 =	veq.s32 v14, $0x0;
	[tilespmem:s31+$0x420] =	vst v8;
	v8 =	vsub.f32 v1, v11;
	v11 =	vmul.f32 v26, v0  }
0x1b9: {  	v14 =	vmul.f32 v27, v0;
	v6 =	vmul.f32 v6, v0;
	v9 =	vsub.f32 v1, v9;
	v13 =	vld [tilespmem:s4+$0xB0]  }
0x1ba: {  	v7 =	vmul.f32 v7, v0;
	v11 =	vsub.f32 v1, v11;
	v8 =	vsel vm0, $0xCE6E6B28, v8  }
0x1bb: {  	vm0 =	veq.s32 v5, $0x0;
	v5 =	vsel vm6, $0xCE6E6B28, v9;
	v9 =	vmul.f32 v12, v0;
	[tilespmem:s29+$0xFFFFF850] =	vst v8  }
0x1bc: {  	v12 =	vand.u32 $0x100, v63;
	v7 =	vsub.f32 v1, v7;
	[tilespmem:s31+$0xFFFFFC20] =	vst v5;
	v11 =	vsel vm5, $0xCE6E6B28, v11;
	v5 =	vld [tilespmem:s28+$0xFFFFFF60]  }
0x1bd: {  	v6 =	vsub.f32 v1, v6;
	v8 =	vsub.f32 v1, v14;
	vm5 =	veq.s32 v12, $0x0;
	[tilespmem:s31+$0xFFFFF820] =	vst v11;
	v11 =	vld [tilespmem:s4+$0xFFFFFFB0]  }
0x1be: {  	v7 =	vsel vm4, $0xCE6E6B28, v7;
	vm4 =	veq.s32 v10, $0x0;
	v13 =	vmul.f32 v13, v0;
	v10 =	vld [tilespmem:s4+$0xFFFFFF30]  }
0x1bf: {  	v9 =	vsub.f32 v1, v9;
	v12 =	vand.u32 $0x1000000, v2;
	v2 =	vsel vm0, $0xCE6E6B28, v6  }
0x1c0: {  	vm0 =	veq.s32 v12, $0x0;
	[tilespmem:s31+$0x20] =	vst v7;
	v7 =	vsel vm4, $0xCE6E6B28, v8;
	v13 =	vsub.f32 v1, v13  }
0x1c1: {  	v6 =	vsel vm5, $0xCE6E6B28, v9;
	v8 =	vld [tilespmem:s4+$0x30];
	[tilespmem:s29+$0xFFFFFC50] =	vst v7;
	v7 =	vand.u32 $0x10000, v4;
	v5 =	vmul.f32 v5, v0  }
0x1c2: {  	[tilespmem:s29+$0x50] =	vst v6;
	v9 =	vld [tilespmem:s28+$0xFFFFFFE0];
	v6 =	vsel vm0, $0xCE6E6B28, v13;
	vm0 =	veq.s32 v7, $0x0;
	v11 =	vmul.f32 v11, v0  }
0x1c3: {  	v12 =	vld [tilespmem:s28+$0x60];
	v7 =	vand.u32 $0x10000, v3;
	[tilespmem:s31+$0x430] =	vst v6;
	v10 =	vmul.f32 v10, v0;
	v5 =	vsub.f32 v1, v5  }
0x1c4: {  	s6 =	sadd.s32 $0x200, s4;
	vm8 =	veq.s32 v43, $0x0;
	vm4 =	veq.s32 v7, $0x0;
	v13 =	vld [tilespmem:s4+$0xC0];
	v7 =	vsub.f32 v1, v11  }
0x1c5: {  	v30 =	vld [tilespmem:s6+$0xFFFFFF80];
	v6 =	vand.u32 $0x10000, v63;
	v10 =	vsub.f32 v1, v10;
	v5 =	vsel vm0, $0xCE6E6B28, v5  }
0x1c6: {  	v15 =	vand.u32 $0x1000000, v17;
	vm5 =	veq.s32 v6, $0x0;
	v6 =	vld [tilespmem:s8+$0x30];
	v7 =	vsel vm3, $0xCE6E6B28, v7;
	[tilespmem:s29+$0xFFFFF860] =	vst v5  }
0x1c7: {  	vm2 =	veq.s32 v15, $0x0;
	v4 =	vand.u32 $0x1000000, v4;
	v10 =	vsel vm1, $0xCE6E6B28, v10;
	[tilespmem:s31+$0xFFFFFC30] =	vst v7;
	v7 =	vld [tilespmem:s28+$0xFFFFFF70]  }
0x1c8: {  	v32 =	vld [tilespmem:s6+$0x0];
	v3 =	vand.u32 $0x1000000, v3;
	v8 =	vmul.f32 v8, v0;
	v9 =	vmul.f32 v9, v0;
	[tilespmem:s31+$0xFFFFF830] =	vst v10  }
0x1c9: {  	vm0 =	veq.s32 v4, $0x0;
	v5 =	vmul.f32 v12, v0;
	v11 =	vmul.f32 v13, v0;
	v12 =	vld [tilespmem:s4+$0xFFFFFF40]  }
0x1ca: {  	v8 =	vsub.f32 v1, v8;
	vm3 =	veq.s32 v3, $0x0;
	v9 =	vsub.f32 v1, v9;
	v10 =	vld [tilespmem:s4+$0xFFFFFFC0]  }
0x1cb: {  	v5 =	vsub.f32 v1, v5;
	v14 =	vand.u32 $0x1, v6;
	v4 =	vld [tilespmem:s8+$0xFFFFFFD0];
	v11 =	vsub.f32 v1, v11  }
0x1cc: {  	v8 =	vsel vm2, $0xCE6E6B28, v8;
	v3 =	vld [tilespmem:s8+$0xFFFFFFF0];
	vm1 =	veq.s32 v14, $0x0;
	v7 =	vmul.f32 v7, v0  }
0x1cd: {  	[tilespmem:s31+$0x30] =	vst v8;
	v8 =	vsel vm4, $0xCE6E6B28, v9;
	v9 =	vsel vm5, $0xCE6E6B28, v5;
	v5 =	vsel vm1, $0xCE6E6B28, v11;
	v11 =	vld [tilespmem:s6+$0x80]  }
0x1ce: {  	v15 =	vand.u32 $0x1000000, v63;
	[tilespmem:s31+$0x440] =	vst v5;
	v12 =	vmul.f32 v12, v0;
	v5 =	vsub.f32 v1, v7;
	v7 =	vld [tilespmem:s16+$0x20]  }
0x1cf: {  	v18 =	vmul.f32 v30, v0;
	vm4 =	veq.s32 v15, $0x0;
	v10 =	vmul.f32 v10, v0;
	v14 =	vld [tilespmem:s4+$0xD0]  }
0x1d0: {  	vm1 =	vmmov vm3;
	v28 =	vand.u32 $0x1, v4;
	v12 =	vsub.f32 v1, v12  }
0x1d1: {  	v31 =	vand.u32 $0x1, v3;
	v10 =	vsub.f32 v1, v10;
	vm3 =	veq.s32 v28, $0x0  }
0x1d2: {  	v15 =	vld [tilespmem:s6+$0xFFFFFF00];
	v11 =	vmul.f32 v11, v0;
	v12 =	vsel vm3, $0xCE6E6B28, v12;
	vm3 =	veq.s32 v31, $0x0  }
0x1d3: {  	v16 =	vand.u32 $0x1000000, v33;
	v19 =	vmul.f32 v32, v0;
	v34 =	vsel vm3, $0xCE6E6B28, v10  }
0x1d4: {  	v22 =	vand.u32 $0x1, v7;
	v10 =	vmul.f32 v14, v0;
	v11 =	vsub.f32 v1, v11  }
0x1d5: {  	vm2 =	vmmov vm0;
	vm0 =	vmmov vm4;
	vm4 =	veq.s32 v22, $0x0  }
0x1d6: {  	s0 =	sadd.s32 $0x1000, s31;
	v37 =	vand.u32 $0x100, v6;
	v14 =	vld [tilespmem:s16+$0x0];
	v10 =	vsub.f32 v1, v10;
	v11 =	vsel vm4, $0xCE6E6B28, v11  }
0x1d7: {  	v25 =	vand.u32 $0x1, v36;
	v15 =	vmul.f32 v15, v0;
	vm4 =	veq.s32 v37, $0x0;
	[tilespmem:s0+$0x400] =	vst v11  }
0x1d8: {  	v19 =	vsub.f32 v1, v19;
	vm6 =	veq.s32 v25, $0x0;
	v10 =	vsel vm4, $0xCE6E6B28, v10;
	v23 =	vld [tilespmem:s6+$0x90]  }
0x1d9: {  	v13 =	vld [tilespmem:s4+$0x40];
	v11 =	vsub.f32 v1, v15;
	v15 =	vand.u32 $0x1, v33;
	[tilespmem:s31+$0x450] =	vst v10;
	v10 =	vsub.f32 v1, v18  }
0x1da: {  	v46 =	vand.u32 $0x10000, v6;
	v6 =	vand.u32 $0x1000000, v6;
	vm4 =	veq.s32 v15, $0x0  }
0x1db: {  	vm12 =	veq.s32 v6, $0x0;
	v39 =	vand.u32 $0x1, v14;
	v10 =	vsel vm4, $0xCE6E6B28, v10  }
0x1dc: {  	v35 =	vand.u32 $0x100, v3;
	v11 =	vsel vm6, $0xCE6E6B28, v11;
	v24 =	vld [tilespmem:s4+$0xE0];
	vm5 =	veq.s32 v39, $0x0;
	[tilespmem:s0+$0xFFFFFC00] =	vst v10  }
0x1dd: {  	v29 =	vand.u32 $0x100, v4;
	[tilespmem:s0+$0xFFFFF800] =	vst v11;
	v15 =	vsel vm5, $0xCE6E6B28, v19;
	v11 =	vld [tilespmem:s6+$0xFFFFFF90];
	v41 =	vmul.f32 v23, v0  }
0x1de: {  	vm13 =	veq.s32 v35, $0x0;
	v13 =	vmul.f32 v13, v0;
	v45 =	vand.u32 $0x100, v7;
	v42 =	vld [tilespmem:s6+$0xFFFFFF10];
	[tilespmem:s0+$0x0] =	vst v15  }
0x1df: {  	[tilespmem:s31+$0xFFFFF840] =	vst v12;
	vm6 =	veq.s32 v38, $0x0;
	v12 =	vand.u32 $0x10000, v14;
	v44 =	vld [tilespmem:s6+$0x10];
	v18 =	vsub.f32 v1, v41  }
0x1e0: {  	[tilespmem:s29+$0xFFFFFC60] =	vst v8;
	vm7 =	veq.s32 v12, $0x0;
	vm4 =	veq.s32 v45, $0x0;
	v10 =	vand.u32 $0x100, v14  }
0x1e1: {  	[tilespmem:s29+$0x60] =	vst v9;
	vm10 =	veq.s32 v10, $0x0;
	v10 =	vmul.f32 v24, v0;
	v18 =	vsel vm4, $0xCE6E6B28, v18  }
0x1e2: {  	v9 =	vld [tilespmem:s28+$0xFFFFFFF0];
	vm5 =	veq.s32 v40, $0x0;
	v15 =	vand.u32 $0x10000, v33;
	v11 =	vmul.f32 v11, v0;
	[tilespmem:s0+$0x410] =	vst v18  }
0x1e3: {  	vm9 =	veq.s32 v15, $0x0;
	v19 =	vmul.f32 v42, v0;
	v47 =	vsub.f32 v1, v10;
	v12 =	vld [tilespmem:s6+$0xA0]  }
0x1e4: {  	v10 =	vld [tilespmem:s8+$0x10];
	vm4 =	veq.s32 v46, $0x0;
	v50 =	vmul.f32 v44, v0;
	v11 =	vsub.f32 v1, v11  }
0x1e5: {  	v48 =	vld [tilespmem:s4+$0xFFFFFF50];
	[tilespmem:s31+$0xFFFFFC40] =	vst v34;
	v15 =	vand.u32 $0x1000000, v36;
	v19 =	vsub.f32 v1, v19;
	v49 =	vsel vm4, $0xCE6E6B28, v47  }
0x1e6: {  	v51 =	vld [tilespmem:s4+$0xFFFFFFD0];
	vm4 =	veq.s32 v15, $0x0;
	[tilespmem:s31+$0x460] =	vst v49;
	v15 =	vsub.f32 v1, v50;
	v11 =	vsel vm6, $0xCE6E6B28, v11  }
0x1e7: {  	v9 =	vmul.f32 v9, v0;
	v14 =	vand.u32 $0x1000000, v14;
	v19 =	vsel vm5, $0xCE6E6B28, v19;
	v18 =	vld [tilespmem:s4+$0xF0];
	[tilespmem:s0+$0xFFFFFC10] =	vst v11  }
0x1e8: {  	vm5 =	veq.s32 v14, $0x0;
	[tilespmem:s0+$0xFFFFF810] =	vst v19;
	v14 =	vsel vm10, $0xCE6E6B28, v15;
	v11 =	vld [tilespmem:s6+$0xFFFFFFA0];
	v12 =	vmul.f32 v12, v0  }
0x1e9: {  	v13 =	vsub.f32 v1, v13;
	vm3 =	veq.s32 v29, $0x0;
	v15 =	vand.u32 $0x1, v10;
	v52 =	vld [tilespmem:s6+$0xFFFFFF20];
	[tilespmem:s0+$0x10] =	vst v14  }
0x1ea: {  	v54 =	vand.u32 $0x10000, v7;
	vm14 =	veq.s32 v15, $0x0;
	v53 =	vld [tilespmem:s6+$0x20];
	v12 =	vsub.f32 v1, v12  }
0x1eb: {  	v7 =	vand.u32 $0x1000000, v7;
	vm15 =	veq.s32 v54, $0x0;
	v13 =	vsel vm14, $0xCE6E6B28, v13  }
0x1ec: {  	v14 =	vmul.f32 v48, v0;
	[tilespmem:s31+$0x40] =	vst v13;
	v15 =	vmul.f32 v18, v0;
	v12 =	vsel vm15, $0xCE6E6B28, v12  }
0x1ed: {  	vm6 =	veq.s32 v16, $0x0;
	v56 =	vand.u32 $0x100, v10;
	v55 =	vld [tilespmem:s4+$0x50];
	v6 =	vmul.f32 v11, v0;
	[tilespmem:s0+$0x420] =	vst v12  }
0x1ee: {  	v13 =	vsub.f32 v1, v15;
	v11 =	vsub.f32 v1, v14;
	v12 =	vmul.f32 v52, v0;
	v14 =	vld [tilespmem:s6+$0xB0]  }
0x1ef: {  	v15 =	vmul.f32 v51, v0;
	v8 =	vmul.f32 v53, v0;
	v6 =	vsub.f32 v1, v6  }
0x1f0: {  	v13 =	vsel vm12, $0xCE6E6B28, v13;
	v12 =	vsub.f32 v1, v12;
	v11 =	vsel vm3, $0xCE6E6B28, v11  }
0x1f1: {  	v57 =	vld [tilespmem:s28+$0x70];
	v15 =	vsub.f32 v1, v15;
	v8 =	vsub.f32 v1, v8;
	[tilespmem:s31+$0xFFFFF850] =	vst v11;
	v6 =	vsel vm9, $0xCE6E6B28, v6  }
0x1f2: {  	vm3 =	veq.s32 v56, $0x0;
	v11 =	vmul.f32 v55, v0;
	v12 =	vsel vm8, $0xCE6E6B28, v12;
	v58 =	vld [tilespmem:s4+$0xFFFFFF60];
	[tilespmem:s0+$0xFFFFFC20] =	vst v6  }
0x1f3: {  	v15 =	vsel vm13, $0xCE6E6B28, v15;
	v8 =	vsel vm7, $0xCE6E6B28, v8;
	[tilespmem:s0+$0xFFFFF820] =	vst v12;
	v12 =	vld [tilespmem:s6+$0xFFFFFFB0];
	v14 =	vmul.f32 v14, v0  }
0x1f4: {  	v6 =	vand.u32 $0x10000, v4;
	v11 =	vsub.f32 v1, v11;
	[tilespmem:s0+$0x20] =	vst v8;
	v8 =	vand.u32 $0x10000, v10;
	v59 =	vld [tilespmem:s6+$0xFFFFFF30]  }
0x1f5: {  	[tilespmem:s31+$0xFFFFFC50] =	vst v15;
	vm14 =	veq.s32 v6, $0x0;
	v6 =	vand.u32 $0x10000, v3;
	v60 =	vld [tilespmem:s6+$0x30];
	v14 =	vsub.f32 v1, v14  }
0x1f6: {  	v11 =	vsel vm3, $0xCE6E6B28, v11;
	vm3 =	veq.s32 v7, $0x0;
	vm15 =	veq.s32 v6, $0x0;
	v6 =	vld [tilespmem:s4+$0xFFFFFFE0]  }
0x1f7: {  	vm7 =	veq.s32 v8, $0x0;
	[tilespmem:s31+$0x50] =	vst v11;
	v8 =	vmul.f32 v58, v0;
	v7 =	vsel vm3, $0xCE6E6B28, v14  }
0x1f8: {  	v11 =	vld [tilespmem:s4+$0x60];
	v14 =	vand.u32 $0x1000000, v4;
	v4 =	vmul.f32 v57, v0;
	v12 =	vmul.f32 v12, v0;
	[tilespmem:s0+$0x430] =	vst v7  }
0x1f9: {  	v15 =	vmul.f32 v59, v0;
	v17 =	vsub.f32 v1, v8;
	v7 =	vsub.f32 v1, v9;
	v61 =	vld [tilespmem:s6+$0xC0]  }
0x1fa: {  	[tilespmem:s29+$0x470] =	vst v2;
	v8 =	vsub.f32 v1, v4;
	v4 =	vld [tilespmem:s16+$0x30];
	v9 =	vsub.f32 v1, v12;
	v12 =	vmul.f32 v60, v0  }
0x1fb: {  	[tilespmem:s31+$0x470] =	vst v13;
	v6 =	vmul.f32 v6, v0;
	v2 =	vsub.f32 v1, v15;
	v15 =	vsel vm14, $0xCE6E6B28, v17  }
0x1fc: {  	vm3 =	veq.s32 v14, $0x0;
	[tilespmem:s31+$0xFFFFF860] =	vst v15;
	v9 =	vsel vm6, $0xCE6E6B28, v9;
	v62 =	vsub.f32 v1, v12  }
0x1fd: {  	v11 =	vmul.f32 v11, v0;
	v6 =	vsub.f32 v1, v6;
	v2 =	vsel vm4, $0xCE6E6B28, v2;
	[tilespmem:s0+$0xFFFFFC30] =	vst v9;
	v9 =	vld [tilespmem:s4+$0xFFFFFF70]  }
0x1fe: {  	v15 =	vand.u32 $0x1000000, v3;
	[tilespmem:s0+$0xFFFFF830] =	vst v2;
	v12 =	vld [tilespmem:s6+$0xFFFFFFC0];
	v2 =	vsel vm5, $0xCE6E6B28, v62;
	v3 =	vmul.f32 v61, v0  }
0x1ff: {  	vm4 =	veq.s32 v15, $0x0;
	v63 =	vsub.f32 v1, v11;
	v11 =	vld [tilespmem:s6+$0xFFFFFF40];
	v13 =	vand.u32 $0x1, v4;
	[tilespmem:s0+$0x30] =	vst v2  }
0x200: {  	v2 =	vsel vm15, $0xCE6E6B28, v6;
	v6 =	vand.u32 $0x1000000, v10;
	v10 =	vld [tilespmem:s6+$0x40];
	v14 =	vsub.f32 v1, v3  }
0x201: {  	s11 =	smov.u32 s29;
	v16 =	vsel vm7, $0xCE6E6B28, v63;
	vm6 =	veq.s32 v13, $0x0;
	[tilespmem:s31+$0xFFFFFC60] =	vst v2;
	v3 =	vld [tilespmem:s16+$0xFFFFFFD0];
	vm5 =	veq.s32 v6, $0x0  }
0x202: {  	s13 =	sadd.s32 $0x200, s6;
	s9 =	smov.u32 s16;
	s8 =	simm.s32 $0x8;
	[tilespmem:s31+$0x60] =	vst v16;
	v2 =	vld [tilespmem:s16+$0xFFFFFFF0];
	v6 =	vsel vm2, $0xCE6E6B28, v5;
	v13 =	vsel vm6, $0xCE6E6B28, v14;
	v9 =	vmul.f32 v9, v0  }
.LBB2_10:
0x203: {  	v14 =	vld [tilespmem:s13+$0x80];
	v12 =	vmul.f32 v12, v0;
	[tilespmem:s0+$0x440] =	vst v13;
	v13 =	vsel vm1, $0xCE6E6B28, v7;
	v8 =	vsel vm0, $0xCE6E6B28, v8  }
0x204: {  	s8 =	sadd.s32 $0x4, s8;
	vm2 =	vmmov vm3;
	vm1 =	vmmov vm4;
	vm0 =	vmmov vm5  }
0x205: {  	s16 =	sadd.s32 $0x400, s16;
	p1 =	slt.u32 s8, $0xC;
	v11 =	vmul.f32 v11, v0;
	v15 =	vld [tilespmem:s6+$0xD0];
	v5 =	vsub.f32 v1, v9;
	[tilespmem:s11+$0xFFFFF870] =	vst v6  }
0x206: {  	v7 =	vld [tilespmem:s16+$0x20];
	v6 =	vsub.f32 v1, v12;
	v9 =	vmul.f32 v10, v0;
	[tilespmem:s11+$0xFFFFFC70] =	vst v13  }
0x207: {  	v10 =	vld [tilespmem:s13+$0xFFFFFF00];
	v12 =	vand.u32 $0x1, v3;
	v13 =	vsub.f32 v1, v11;
	v16 =	vand.u32 $0x100, v3;
	[tilespmem:s11+$0x70] =	vst v8;
	s11 =	smov.u32 s31;
	s31 =	smov.u32 s0  }
0x208: {  	v17 =	vld [tilespmem:s13+$0xFFFFFF80];
	vm3 =	veq.s32 v12, $0x0;
	v8 =	vand.u32 $0x1, v2;
	v11 =	vsub.f32 v1, v9  }
0x209: {  	v9 =	vld [tilespmem:s13+$0x0];
	v12 =	vmul.f32 v14, v0;
	v13 =	vsel vm3, $0xCE6E6B28, v13;
	vm3 =	veq.s32 v8, $0x0  }
0x20a: {  	v8 =	vand.u32 $0x100, v2;
	v14 =	vld [tilespmem:s16+$0xFFFFFFE0];
	[tilespmem:s0+$0xFFFFF840] =	vst v13;
	v6 =	vsel vm3, $0xCE6E6B28, v6;
	v13 =	vmul.f32 v15, v0  }
0x20b: {  	vm3 =	veq.s32 v16, $0x0;
	v15 =	vld [tilespmem:s16+$0x0];
	v18 =	vand.u32 $0x1, v7;
	v12 =	vsub.f32 v1, v12;
	[tilespmem:s0+$0xFFFFFC40] =	vst v6  }
0x20c: {  	v16 =	vld [tilespmem:s16+$0xFFFFFFC0];
	vm4 =	veq.s32 v18, $0x0;
	v18 =	vand.u32 $0x100, v4;
	v13 =	vsub.f32 v1, v13  }
0x20d: {  	s0 =	sadd.s32 $0x1000, s0;
	v10 =	vmul.f32 v10, v0;
	v12 =	vsel vm4, $0xCE6E6B28, v12;
	v6 =	vld [tilespmem:s9+$0x10];
	vm4 =	veq.s32 v18, $0x0;
	s9 =	smov.u32 s16  }
0x20e: {  	v17 =	vmul.f32 v17, v0;
	v9 =	vmul.f32 v9, v0;
	[tilespmem:s0+$0x400] =	vst v12;
	v12 =	vld [tilespmem:s6+$0xFFFFFF50];
	v13 =	vsel vm4, $0xCE6E6B28, v13  }
0x20f: {  	v10 =	vsub.f32 v1, v10;
	v18 =	vand.u32 $0x1, v14;
	v19 =	vand.u32 $0x100, v14;
	v20 =	vld [tilespmem:s13+$0x90];
	[tilespmem:s31+$0x450] =	vst v13  }
0x210: {  	v13 =	vsub.f32 v1, v17;
	v17 =	vand.u32 $0x1, v15;
	v9 =	vsub.f32 v1, v9;
	v21 =	vld [tilespmem:s6+$0xE0]  }
0x211: {  	vm4 =	veq.s32 v18, $0x0;
	v22 =	vand.u32 $0x1, v16;
	vm5 =	veq.s32 v17, $0x0;
	v17 =	vld [tilespmem:s6+$0xFFFFFFD0]  }
0x212: {  	v13 =	vsel vm4, $0xCE6E6B28, v13;
	vm6 =	veq.s32 v22, $0x0;
	v18 =	vsel vm5, $0xCE6E6B28, v9;
	v9 =	vld [tilespmem:s4+$0xFFFFFFF0]  }
0x213: {  	v23 =	vand.u32 $0x100, v16;
	v22 =	vsel vm6, $0xCE6E6B28, v10;
	[tilespmem:s0+$0xFFFFFC00] =	vst v13;
	v13 =	vand.u32 $0x100, v15;
	v10 =	vld [tilespmem:s4+$0x70];
	s4 =	smov.u32 s6;
	s6 =	smov.u32 s13  }
0x214: {  	vm4 =	veq.s32 v23, $0x0;
	vm6 =	veq.s32 v19, $0x0;
	[tilespmem:s0+$0xFFFFF800] =	vst v22;
	v19 =	vld [tilespmem:s13+$0xFFFFFF90];
	v20 =	vmul.f32 v20, v0  }
0x215: {  	v23 =	vand.u32 $0x10000, v16;
	vm10 =	veq.s32 v13, $0x0;
	v22 =	vld [tilespmem:s13+$0xFFFFFF10];
	[tilespmem:s0+$0x0] =	vst v18;
	v13 =	vmul.f32 v21, v0  }
0x216: {  	v24 =	vand.u32 $0x100, v7;
	v18 =	vand.u32 $0x10000, v14;
	v21 =	vld [tilespmem:s13+$0x10];
	v20 =	vsub.f32 v1, v20  }
0x217: {  	vm5 =	veq.s32 v24, $0x0;
	v24 =	vand.u32 $0x10000, v4;
	v13 =	vsub.f32 v1, v13  }
0x218: {  	v25 =	vand.u32 $0x10000, v15;
	v20 =	vsel vm5, $0xCE6E6B28, v20;
	vm5 =	veq.s32 v24, $0x0  }
0x219: {  	vm8 =	veq.s32 v23, $0x0;
	v19 =	vmul.f32 v19, v0;
	[tilespmem:s0+$0x410] =	vst v20;
	v13 =	vsel vm5, $0xCE6E6B28, v13  }
0x21a: {  	vm7 =	veq.s32 v25, $0x0;
	vm9 =	veq.s32 v18, $0x0;
	v20 =	vmul.f32 v22, v0;
	v18 =	vld [tilespmem:s13+$0xA0];
	[tilespmem:s31+$0x460] =	vst v13  }
0x21b: {  	v13 =	vand.u32 $0x1000000, v16;
	v16 =	vsub.f32 v1, v19;
	v19 =	vmul.f32 v21, v0;
	v21 =	vld [tilespmem:s4+$0xF0]  }
0x21c: {  	v15 =	vand.u32 $0x1000000, v15;
	v14 =	vand.u32 $0x1000000, v14;
	v20 =	vsub.f32 v1, v20  }
0x21d: {  	vm5 =	veq.s32 v13, $0x0;
	v13 =	vsel vm6, $0xCE6E6B28, v16;
	v16 =	vsub.f32 v1, v19  }
0x21e: {  	vm6 =	veq.s32 v14, $0x0;
	v19 =	vsel vm4, $0xCE6E6B28, v20;
	[tilespmem:s0+$0xFFFFFC10] =	vst v13;
	vm4 =	veq.s32 v15, $0x0  }
0x21f: {  	[tilespmem:s0+$0xFFFFF810] =	vst v19;
	v13 =	vld [tilespmem:s13+$0xFFFFFFA0];
	v14 =	vsel vm10, $0xCE6E6B28, v16;
	v15 =	vmul.f32 v18, v0;
	v16 =	vand.u32 $0x1, v6  }
0x220: {  	v12 =	vmul.f32 v12, v0;
	v18 =	vld [tilespmem:s13+$0xFFFFFF20];
	[tilespmem:s0+$0x10] =	vst v14;
	vm10 =	veq.s32 v16, $0x0;
	v14 =	vmul.f32 v21, v0  }
0x221: {  	v19 =	vand.u32 $0x10000, v7;
	v16 =	vld [tilespmem:s13+$0x20];
	v15 =	vsub.f32 v1, v15;
	v11 =	vsel vm10, $0xCE6E6B28, v11  }
0x222: {  	v4 =	vand.u32 $0x1000000, v4;
	vm10 =	veq.s32 v19, $0x0;
	[tilespmem:s31+$0x40] =	vst v11;
	v11 =	vsub.f32 v1, v14  }
0x223: {  	v14 =	vsel vm10, $0xCE6E6B28, v15;
	v15 =	vmul.f32 v17, v0;
	v17 =	vld [tilespmem:s4+$0x50];
	vm10 =	veq.s32 v4, $0x0  }
0x224: {  	v12 =	vsub.f32 v1, v12;
	v4 =	vmul.f32 v13, v0;
	[tilespmem:s0+$0x420] =	vst v14;
	v11 =	vsel vm10, $0xCE6E6B28, v11  }
0x225: {  	v13 =	vmul.f32 v18, v0;
	v14 =	vld [tilespmem:s13+$0xB0];
	v15 =	vsub.f32 v1, v15;
	v18 =	vand.u32 $0x100, v6;
	[tilespmem:s31+$0x470] =	vst v11  }
0x226: {  	vm10 =	veq.s32 v8, $0x0;
	v4 =	vsub.f32 v1, v4;
	v11 =	vmul.f32 v16, v0  }
0x227: {  	v12 =	vsel vm3, $0xCE6E6B28, v12;
	vm11 =	veq.s32 v18, $0x0;
	v8 =	vsub.f32 v1, v13  }
0x228: {  	v4 =	vsel vm9, $0xCE6E6B28, v4;
	v11 =	vsub.f32 v1, v11;
	[tilespmem:s31+$0xFFFFF850] =	vst v12;
	v12 =	vmul.f32 v17, v0  }
0x229: {  	v15 =	vsel vm10, $0xCE6E6B28, v15;
	v8 =	vsel vm8, $0xCE6E6B28, v8;
	[tilespmem:s0+$0xFFFFFC20] =	vst v4;
	v4 =	vand.u32 $0x10000, v3;
	v13 =	vld [tilespmem:s4+$0xFFFFFF60]  }
0x22a: {  	[tilespmem:s0+$0xFFFFF820] =	vst v8;
	v8 =	vld [tilespmem:s13+$0xFFFFFFB0];
	v11 =	vsel vm7, $0xCE6E6B28, v11;
	v14 =	vmul.f32 v14, v0;
	v12 =	vsub.f32 v1, v12  }
0x22b: {  	vm3 =	veq.s32 v4, $0x0;
	v4 =	vand.u32 $0x10000, v2;
	v16 =	vld [tilespmem:s13+$0xFFFFFF30];
	[tilespmem:s0+$0x20] =	vst v11;
	v11 =	vand.u32 $0x10000, v6  }
0x22c: {  	v7 =	vand.u32 $0x1000000, v7;
	v17 =	vld [tilespmem:s13+$0x30];
	v14 =	vsub.f32 v1, v14;
	[tilespmem:s31+$0xFFFFFC50] =	vst v15;
	v12 =	vsel vm11, $0xCE6E6B28, v12  }
0x22d: {  	vm9 =	veq.s32 v7, $0x0;
	vm8 =	veq.s32 v4, $0x0;
	vm7 =	veq.s32 v11, $0x0;
	v15 =	vld [tilespmem:s4+$0xFFFFFFE0];
	[tilespmem:s31+$0x50] =	vst v12  }
0x22e: {  	v9 =	vmul.f32 v9, v0;
	v4 =	vsel vm9, $0xCE6E6B28, v14;
	v7 =	vmul.f32 v13, v0;
	v11 =	vld [tilespmem:s4+$0x60]  }
0x22f: {  	v3 =	vand.u32 $0x1000000, v3;
	v8 =	vmul.f32 v8, v0;
	[tilespmem:s0+$0x430] =	vst v4;
	v4 =	vmul.f32 v10, v0  }
0x230: {  	v10 =	vmul.f32 v16, v0;
	v13 =	vld [tilespmem:s13+$0xC0];
	v12 =	vsub.f32 v1, v7;
	v7 =	vsub.f32 v1, v9  }
0x231: {  	v9 =	vsub.f32 v1, v8;
	v14 =	vmul.f32 v17, v0;
	v8 =	vsub.f32 v1, v4  }
0x232: {  	v10 =	vsub.f32 v1, v10;
	v4 =	vld [tilespmem:s16+$0x30];
	v12 =	vsel vm3, $0xCE6E6B28, v12;
	v15 =	vmul.f32 v15, v0  }
0x233: {  	v9 =	vsel vm6, $0xCE6E6B28, v9;
	v14 =	vsub.f32 v1, v14;
	[tilespmem:s31+$0xFFFFF860] =	vst v12;
	v11 =	vmul.f32 v11, v0  }
0x234: {  	v2 =	vand.u32 $0x1000000, v2;
	v10 =	vsel vm5, $0xCE6E6B28, v10;
	[tilespmem:s0+$0xFFFFFC30] =	vst v9;
	v9 =	vld [tilespmem:s4+$0xFFFFFF70];
	v15 =	vsub.f32 v1, v15  }
.Ltmp3:
0x235: {  	[tilespmem:s0+$0xFFFFF830] =	vst v10;
	v12 =	vld [tilespmem:s13+$0xFFFFFFC0];
	v10 =	vsel vm4, $0xCE6E6B28, v14;
	v13 =	vmul.f32 v13, v0;
	v14 =	vsub.f32 v1, v11;
	(pc) =	sbr.rel @p1 .LBB2_10-.Ltmp3, $4  }
0x236: {  	v6 =	vand.u32 $0x1000000, v6;
	vm3 =	veq.s32 v3, $0x0;
	v11 =	vld [tilespmem:s13+$0xFFFFFF40];
	[tilespmem:s0+$0x30] =	vst v10;
	v3 =	vsel vm8, $0xCE6E6B28, v15  }
0x237: {  	v10 =	vld [tilespmem:s13+$0x40];
	v15 =	vand.u32 $0x1, v4;
	v13 =	vsub.f32 v1, v13;
	[tilespmem:s31+$0xFFFFFC60] =	vst v3;
	v14 =	vsel vm7, $0xCE6E6B28, v14  }
0x238: {  	vm5 =	veq.s32 v6, $0x0;
	vm4 =	veq.s32 v2, $0x0;
	v3 =	vld [tilespmem:s16+$0xFFFFFFD0];
	vm6 =	veq.s32 v15, $0x0;
	[tilespmem:s31+$0x60] =	vst v14  }
0x239: {  	v6 =	vsel vm2, $0xCE6E6B28, v5;
	s13 =	sadd.s32 $0x200, s13;
	v2 =	vld [tilespmem:s16+$0xFFFFFFF0];
	v13 =	vsel vm6, $0xCE6E6B28, v13;
	v9 =	vmul.f32 v9, v0  }
0x23a: {  	v5 =	vld [tilespmem:s9+$0x10]  }
0x23b: {  	v12 =	vmul.f32 v12, v0;
	v11 =	vmul.f32 v11, v0  }
0x23c: {  	v10 =	vmul.f32 v10, v0  }
0x23d: {  	v12 =	vsub.f32 v1, v12;
	v14 =	vand.u32 $0x1, v3;
	v11 =	vsub.f32 v1, v11  }
0x23e: {  	vm2 =	veq.s32 v14, $0x0;
	v36 =	vand.u32 $0x1, v2;
	v10 =	vsub.f32 v1, v10  }
0x23f: {  	[tilespmem:s0+$0x440] =	vst v13;
	v11 =	vsel vm2, $0xCE6E6B28, v11;
	vm14 =	veq.s32 v36, $0x0;
	v37 =	vand.u32 $0x1, v5  }
0x240: {  	v13 =	vld [tilespmem:s6+$0xD0];
	[tilespmem:s0+$0xFFFFF840] =	vst v11;
	v38 =	vsel vm14, $0xCE6E6B28, v12;
	vm15 =	veq.s32 v37, $0x0  }
0x241: {  	[tilespmem:s0+$0xFFFFFC40] =	vst v38;
	v40 =	vld [tilespmem:s6+$0xFFFFFF50];
	v10 =	vsel vm15, $0xCE6E6B28, v10  }
0x242: {  	v42 =	vld [tilespmem:s6+$0xFFFFFFD0];
	[tilespmem:s0+$0x40] =	vst v10  }
0x243: {  	v10 =	vld [tilespmem:s6+$0x50];
	_ =	sdelay $0x1  }
0x244: {  	v41 =	vand.u32 $0x100, v4;
	v39 =	vmul.f32 v13, v0  }
0x245: {  	vm6 =	veq.s32 v41, $0x0;
	v43 =	vand.u32 $0x100, v3;
	v11 =	vmul.f32 v40, v0  }
0x246: {  	v15 =	vand.u32 $0x100, v2;
	v12 =	vsub.f32 v1, v39;
	v14 =	vmul.f32 v42, v0  }
0x247: {  	vm7 =	veq.s32 v43, $0x0;
	v11 =	vsub.f32 v1, v11;
	v10 =	vmul.f32 v10, v0  }
0x248: {  	v45 =	vand.u32 $0x100, v5;
	v12 =	vsel vm6, $0xCE6E6B28, v12;
	v44 =	vsub.f32 v1, v14  }
0x249: {  	vm8 =	veq.s32 v15, $0x0;
	[tilespmem:s0+$0x450] =	vst v12;
	v11 =	vsel vm7, $0xCE6E6B28, v11;
	v10 =	vsub.f32 v1, v10  }
0x24a: {  	vm9 =	veq.s32 v45, $0x0;
	v12 =	vld [tilespmem:s6+$0xE0];
	v13 =	vsel vm8, $0xCE6E6B28, v44;
	[tilespmem:s0+$0xFFFFF850] =	vst v11  }
0x24b: {  	v11 =	vld [tilespmem:s6+$0xFFFFFF60];
	[tilespmem:s0+$0xFFFFFC50] =	vst v13;
	v10 =	vsel vm9, $0xCE6E6B28, v10  }
0x24c: {  	v47 =	vld [tilespmem:s6+$0xFFFFFFE0];
	[tilespmem:s0+$0x50] =	vst v10  }
0x24d: {  	v10 =	vld [tilespmem:s6+$0x60]  }
0x24e: {  	v46 =	vand.u32 $0x10000, v4;
	v7 =	vsel vm1, $0xCE6E6B28, v7  }
0x24f: {  	v8 =	vsel vm0, $0xCE6E6B28, v8;
	v55 =	vand.u32 $0x1000000, v4;
	v12 =	vmul.f32 v12, v0  }
0x250: {  	v50 =	vld [tilespmem:s4+$0xFFFFFFF0];
	vm10 =	veq.s32 v46, $0x0;
	v48 =	vand.u32 $0x10000, v3;
	v11 =	vmul.f32 v11, v0  }
0x251: {  	v16 =	vld [tilespmem:s4+$0x70];
	vm11 =	veq.s32 v48, $0x0;
	v12 =	vsub.f32 v1, v12;
	v49 =	vmul.f32 v47, v0  }
0x252: {  	v51 =	vand.u32 $0x10000, v2;
	v11 =	vsub.f32 v1, v11;
	v10 =	vmul.f32 v10, v0  }
0x253: {  	vm12 =	veq.s32 v51, $0x0;
	v12 =	vsel vm10, $0xCE6E6B28, v12;
	v13 =	vsub.f32 v1, v49  }
0x254: {  	v52 =	vand.u32 $0x10000, v5;
	[tilespmem:s0+$0x460] =	vst v12;
	v11 =	vsel vm11, $0xCE6E6B28, v11;
	v10 =	vsub.f32 v1, v10  }
0x255: {  	v56 =	vmul.f32 v50, v0;
	vm13 =	veq.s32 v52, $0x0;
	v12 =	vld [tilespmem:s6+$0xF0];
	[tilespmem:s0+$0xFFFFF860] =	vst v11;
	v53 =	vsel vm12, $0xCE6E6B28, v13  }
0x256: {  	v9 =	vsub.f32 v1, v9;
	v58 =	vmul.f32 v16, v0;
	[tilespmem:s0+$0xFFFFFC60] =	vst v53;
	v54 =	vld [tilespmem:s6+$0xFFFFFF70];
	v10 =	vsel vm13, $0xCE6E6B28, v10  }
0x257: {  	v3 =	vand.u32 $0x1000000, v3;
	v2 =	vand.u32 $0x1000000, v2;
	v61 =	vsub.f32 v1, v56;
	[tilespmem:s0+$0x60] =	vst v10;
	v57 =	vld [tilespmem:s6+$0xFFFFFFF0]  }
0x258: {  	vm14 =	vmmov vm3;
	vm15 =	vmmov vm4;
	v4 =	vsub.f32 v1, v58;
	v59 =	vld [tilespmem:s6+$0x70]  }
0x259: {  	[tilespmem:s11+$0xFFFFF870] =	vst v6;
	v63 =	vsel vm15, $0xCE6E6B28, v61;
	vm8 =	vmmov vm5;
	vm9 =	veq.s32 v55, $0x0  }
0x25a: {  	[tilespmem:s11+$0xFFFFFC70] =	vst v7;
	vm10 =	veq.s32 v3, $0x0;
	v3 =	vand.u32 $0x1000000, v5;
	v12 =	vmul.f32 v12, v0  }
0x25b: {  	[tilespmem:s11+$0x70] =	vst v8;
	vm11 =	veq.s32 v2, $0x0;
	vm12 =	veq.s32 v3, $0x0;
	v2 =	vmul.f32 v54, v0  }
0x25c: {  	s30 =	sadd.s32 $0x1, s30;
	[tilespmem:s31+$0xFFFFFC70] =	vst v63;
	v3 =	vsel vm14, $0xCE6E6B28, v9;
	v12 =	vsub.f32 v1, v12;
	v62 =	vmul.f32 v57, v0  }
0x25d: {  	p1 =	sne.s32 s30, $0x8;
	v4 =	vsel vm8, $0xCE6E6B28, v4;
	[tilespmem:s31+$0xFFFFF870] =	vst v3;
	v2 =	vsub.f32 v1, v2;
	v3 =	vmul.f32 v59, v0  }
.Ltmp4:
0x25e: {  	[tilespmem:s31+$0x70] =	vst v4;
	vm13 =	vmmov vm10;
	v60 =	vsel vm9, $0xCE6E6B28, v12;
	v5 =	vsub.f32 v1, v62;
	(pc) =	sbr.rel @p1 .LBB2_9-.Ltmp4, $4  }
0x25f: {  	vm14 =	vmmov vm11;
	[tilespmem:s0+$0x470] =	vst v60;
	v1 =	vsub.f32 v1, v3;
	v2 =	vsel vm13, $0xCE6E6B28, v2  }
0x260: {  	vm15 =	vmmov vm12;
	v3 =	vsel vm14, $0xCE6E6B28, v5;
	[tilespmem:s0+$0xFFFFF870] =	vst v2  }
0x261: {  	v1 =	vsel vm15, $0xCE6E6B28, v1;
	[tilespmem:s0+$0xFFFFFC70] =	vst v3  }
0x262: {  	s26 =	sadd.s32 $0x80, s26;
	s28 =	sadd.s32 $0x800, s28;
	s29 =	sadd.s32 $0x80, s29;
	[tilespmem:s0+$0x70] =	vst v1  }
0x263: {  	s0 =	rddreg [dreg:$0xb]  }
0x264: {  	p1 =	sne.s32 s18, $0x8;
	s0 =	sadd.s32 s0, s17  }
.Ltmp5:
0x265: {  	s0 =	sshll.u32 s0, $0xE;
	(pc) =	sbr.rel @p1 .LBB2_8-.Ltmp5, $4  }
0x266: {  	s0 =	sadd.s32 s7, s0  }
0x267: {  	s4 =	sshll.u32 s24, $0xE;
	p0 =	por !p0, !p0;
	s0 =	sshrl.u32 s0, $0x3  }
0x268: {  	s4 =	sor.u32 $0xA000, s4;
	s17 =	smov.u32 s18;
	s0 =	sadd.s32 s2, s0  }
0x269: {  	[hbm4b:s0+s3] =	stream.linear.scatter [tilespmem:s4], [sflag:$0x2], $0x4000, $0x38;
	[tilespmem:$0x13080] =	vst v63  }
0x26a: {  	s0 =	simm.s32 $0x2  }
0x26b: {  	_ =	swait.ge [sflag:s0], $0x4000  }
0x26c: {  	[sflag:s0] =	ssyncset.done $0x0  }
0x26d: {  	[sflag:s0] =	ssyncadd.s32 $0xFFFFC000  }
0x26e: {  	_ =	swait.ge [sflag:s0], $0x4000  }
0x26f: {  	s18 =	simm.s32 $0x0;
	s4 =	simm.s32 $0x800;
	[sflag:s0] =	ssyncset.done $0x0  }
0x270: {  	s6 =	simm.s32 $0x4000;
	s29 =	rddreg [dreg:$0xc];
	[sflag:s0] =	ssyncadd.s32 $0xFFFFC000  }
0x271: {  	[tilespmem:s18], [sflag:$0x1] =	stream.strided.gather [hbm4b:s29+s4], $0x4000, s6, s4, $0x38;
	[tilespmem:$0x13080] =	vst v63  }
0x272: {  	s31 =	simm.s32 $0x8000;
	p0 =	por $0x0, $0x0;
	s30 =	rddreg [dreg:$0xe]  }
0x273: {  	[tilespmem:s31], [sflag:$0x1] =	stream.linear.gather [hbm4b:s30+s18], $0x1000, $0x38;
	[tilespmem:$0x13080] =	vst v63  }
.LBB2_14:
0x274: {  	s17 =	sadd.s32 $0x1, s18;
	p1 =	seq.s32 s18, $0x7  }
0x275: {  	s0 =	sshll.u32 @!p1 s17, $0xB  }
0x276: {  	s0 =	sadd.s32 @!p1 s20, s0  }
0x277: {  	s4 =	sand.u32 @!p1 $0x1, s17;
	s8 =	simm.s32 @!p1 $0x800;
	s0 =	sshrl.u32 @!p1 s0, $0x3  }
0x278: {  	s9 =	simm.s32 @!p1 $0x4000;
	s6 =	sshll.u32 @!p1 s4, $0xE;
	s0 =	sadd.s32 @!p1 s1, s0  }
0x279: {  	[tilespmem:s6], [sflag:$0x1] =	stream.strided.gather @!p1 [hbm4b:s0+s8], $0x4000, s9, s8, $0x38;
	[tilespmem:$0x13080] =	vst v63  }
0x27a: {  	s0 =	sshll.u32 @!p1 s17, $0xC  }
0x27b: {  	s0 =	sadd.s32 @!p1 s12, s0  }
0x27c: {  	s4 =	sshll.u32 @!p1 s4, $0xC;
	s0 =	sshrl.u32 @!p1 s0, $0x3  }
0x27d: {  	s4 =	sor.u32 @!p1 $0x8000, s4;
	s6 =	simm.s32 @!p1 $0x0;
	s0 =	sadd.s32 @!p1 s5, s0  }
0x27e: {  	[tilespmem:s4], [sflag:$0x1] =	stream.linear.gather @!p1 [hbm4b:s0+s6], $0x1000, $0x38;
	[tilespmem:$0x13080] =	vst v63  }
0x27f: {  	_ =	swait.ge [sflag:s10], $0x4000  }
0x280: {  	[sflag:s10] =	ssyncset.done $0x0  }
0x281: {  	[sflag:s10] =	ssyncadd.s32 $0xFFFFC000  }
0x282: {  	s24 =	sand.u32 $0x1, s18;
	_ =	swait.ge [sflag:s10], $0x1000  }
0x283: {  	s0 =	simm.s32 $0x1;
	p1 =	slt.u32 s18, $0x2;
	[sflag:s10] =	ssyncset.done $0x0  }
0x284: {  	s0 =	simm.s32 @!p0 $0x0;
	s6 =	simm.s32 @!p1 $0x2;
	[sflag:s10] =	ssyncadd.s32 $0xFFFFF000  }
0x285: {  	s30 =	simm.s32 $0x0;
	s0 =	sshll.u32 s0, $0xE;
	_ =	swait.ge @!p1 [sflag:s6], $0x4000  }
0x286: {  	s31 =	sshrl.u32 s0, $0x2;
	s28 =	sor.u32 $0x100, s0;
	[sflag:s6] =	ssyncset.done @!p1 $0x0  }
0x287: {  	s29 =	sor.u32 $0xA800, s0;
	s26 =	sor.u32 $0x8040, s31;
	[sflag:s6] =	ssyncadd.s32 @!p1 $0xFFFFC000  }
.LBB2_15:
0x288: {  	s0 =	sshll.u32 s30, $0x7;
	v2 =	vld [tilespmem:s28+$0x80]  }
0x289: {  	v3 =	vld [tilespmem:s26+$0x20];
	s0 =	sand.u32 $0x3FFFFF80, s0  }
0x28a: {  	v1 =	vld [tilespmem:s0+$0x12800];
	_ =	sdelay $0x1  }
0x28b: {  	v4 =	vld [tilespmem:s28+$0xFFFFFF00]  }
0x28c: {  	v5 =	vld [tilespmem:s28+$0xFFFFFF80];
	v2 =	vmul.f32 v2, v0  }
0x28d: {  	v6 =	vld [tilespmem:s28+$0x0]  }
0x28e: {  	v7 =	vld [tilespmem:s26+$0xFFFFFFE0];
	v9 =	vand.u32 $0x1, v3;
	v2 =	vsub.f32 v1, v2  }
0x28f: {  	v10 =	vld [tilespmem:s26+$0xFFFFFFC0];
	vm0 =	veq.s32 v9, $0x0  }
0x290: {  	v2 =	vsel vm0, $0xCE6E6B28, v2  }
0x291: {  	v8 =	vld [tilespmem:s26+$0x0];
	v5 =	vmul.f32 v5, v0;
	[tilespmem:s29+$0x400] =	vst v2  }
0x292: {  	v4 =	vmul.f32 v4, v0;
	v2 =	vmul.f32 v6, v0;
	v6 =	vld [tilespmem:s28+$0x90]  }
0x293: {  	v9 =	vand.u32 $0x1, v7;
	v5 =	vsub.f32 v1, v5  }
0x294: {  	v12 =	vand.u32 $0x1, v10;
	v4 =	vsub.f32 v1, v4;
	vm0 =	veq.s32 v9, $0x0  }
0x295: {  	vm1 =	veq.s32 v12, $0x0;
	v5 =	vsel vm0, $0xCE6E6B28, v5  }
0x296: {  	v11 =	vand.u32 $0x1, v8;
	v4 =	vsel vm1, $0xCE6E6B28, v4;
	[tilespmem:s29+$0xFFFFFC00] =	vst v5;
	v2 =	vsub.f32 v1, v2  }
0x297: {  	vm0 =	veq.s32 v11, $0x0;
	[tilespmem:s29+$0xFFFFF800] =	vst v4;
	v4 =	vld [tilespmem:s28+$0xFFFFFF90];
	v5 =	vmul.f32 v6, v0  }
0x298: {  	v2 =	vsel vm0, $0xCE6E6B28, v2;
	v6 =	vld [tilespmem:s28+$0xFFFFFF10]  }
0x299: {  	v9 =	vand.u32 $0x100, v3;
	[tilespmem:s29+$0x0] =	vst v2;
	v5 =	vsub.f32 v1, v5  }
0x29a: {  	vm0 =	veq.s32 v9, $0x0;
	v2 =	vld [tilespmem:s28+$0x10]  }
0x29b: {  	v5 =	vsel vm0, $0xCE6E6B28, v5  }
0x29c: {  	v4 =	vmul.f32 v4, v0;
	[tilespmem:s29+$0x410] =	vst v5  }
0x29d: {  	v6 =	vmul.f32 v6, v0;
	v9 =	vld [tilespmem:s28+$0xA0]  }
0x29e: {  	v11 =	vand.u32 $0x100, v10;
	v4 =	vsub.f32 v1, v4;
	v5 =	vand.u32 $0x100, v7  }
0x29f: {  	v2 =	vmul.f32 v2, v0;
	vm0 =	veq.s32 v5, $0x0;
	v5 =	vsub.f32 v1, v6  }
0x2a0: {  	vm1 =	veq.s32 v11, $0x0;
	v4 =	vsel vm0, $0xCE6E6B28, v4  }
0x2a1: {  	v12 =	vand.u32 $0x100, v8;
	v2 =	vsub.f32 v1, v2;
	[tilespmem:s29+$0xFFFFFC10] =	vst v4;
	v5 =	vsel vm1, $0xCE6E6B28, v5  }
0x2a2: {  	vm0 =	veq.s32 v12, $0x0;
	v4 =	vld [tilespmem:s28+$0xFFFFFFA0];
	[tilespmem:s29+$0xFFFFF810] =	vst v5;
	v5 =	vmul.f32 v9, v0  }
0x2a3: {  	v2 =	vsel vm0, $0xCE6E6B28, v2;
	v6 =	vld [tilespmem:s28+$0xFFFFFF20]  }
0x2a4: {  	[tilespmem:s29+$0x10] =	vst v2;
	v9 =	vand.u32 $0x10000, v3;
	v5 =	vsub.f32 v1, v5  }
0x2a5: {  	v2 =	vld [tilespmem:s28+$0x20];
	vm0 =	veq.s32 v9, $0x0  }
0x2a6: {  	v5 =	vsel vm0, $0xCE6E6B28, v5  }
0x2a7: {  	v4 =	vmul.f32 v4, v0;
	[tilespmem:s29+$0x420] =	vst v5  }
0x2a8: {  	v11 =	vand.u32 $0x10000, v7;
	v6 =	vmul.f32 v6, v0;
	v9 =	vld [tilespmem:s28+$0xB0]  }
0x2a9: {  	vm0 =	veq.s32 v11, $0x0;
	v4 =	vsub.f32 v1, v4  }
0x2aa: {  	v5 =	vand.u32 $0x10000, v10;
	v2 =	vmul.f32 v2, v0;
	v6 =	vsub.f32 v1, v6  }
0x2ab: {  	vm1 =	veq.s32 v5, $0x0;
	v4 =	vsel vm0, $0xCE6E6B28, v4  }
0x2ac: {  	v12 =	vand.u32 $0x10000, v8;
	v2 =	vsub.f32 v1, v2;
	[tilespmem:s29+$0xFFFFFC20] =	vst v4;
	v5 =	vsel vm1, $0xCE6E6B28, v6  }
0x2ad: {  	vm0 =	veq.s32 v12, $0x0;
	v4 =	vld [tilespmem:s28+$0xFFFFFFB0];
	[tilespmem:s29+$0xFFFFF820] =	vst v5;
	v5 =	vmul.f32 v9, v0  }
0x2ae: {  	v2 =	vsel vm0, $0xCE6E6B28, v2;
	v6 =	vld [tilespmem:s28+$0xFFFFFF30]  }
0x2af: {  	v3 =	vand.u32 $0x1000000, v3;
	[tilespmem:s29+$0x20] =	vst v2;
	v5 =	vsub.f32 v1, v5  }
0x2b0: {  	vm0 =	veq.s32 v3, $0x0;
	v2 =	vld [tilespmem:s28+$0x30]  }
0x2b1: {  	v3 =	vsel vm0, $0xCE6E6B28, v5  }
0x2b2: {  	[tilespmem:s29+$0x430] =	vst v3  }
0x2b3: {  	s8 =	sadd.s32 $0x400, s26;
	v7 =	vand.u32 $0x1000000, v7;
	v4 =	vmul.f32 v4, v0;
	v5 =	vmul.f32 v6, v0;
	v6 =	vld [tilespmem:s28+$0xC0]  }
0x2b4: {  	v17 =	vld [tilespmem:s8+$0x0];
	vm0 =	veq.s32 v7, $0x0  }
0x2b5: {  	v4 =	vsub.f32 v1, v4;
	v2 =	vmul.f32 v2, v0;
	v7 =	vsub.f32 v1, v5;
	v5 =	vld [tilespmem:s26+$0x30]  }
0x2b6: {  	v19 =	vld [tilespmem:s8+$0xFFFFFFC0];
	s16 =	sadd.s32 $0x400, s8;
	v8 =	vand.u32 $0x1000000, v8;
	v3 =	vand.u32 $0x1000000, v10  }
0x2b7: {  	v33 =	vld [tilespmem:s16+$0xFFFFFFE0];
	vm1 =	veq.s32 v3, $0x0;
	v3 =	vsel vm0, $0xCE6E6B28, v4;
	v2 =	vsub.f32 v1, v2  }
0x2b8: {  	s4 =	sadd.s32 $0x200, s28;
	v36 =	vld [tilespmem:s16+$0xFFFFFFC0];
	vm0 =	veq.s32 v8, $0x0;
	[tilespmem:s29+$0xFFFFFC30] =	vst v3;
	v4 =	vsel vm1, $0xCE6E6B28, v7;
	v3 =	vmul.f32 v6, v0  }
0x2b9: {  	v11 =	vld [tilespmem:s4+$0xFFFFFF00];
	v2 =	vsel vm0, $0xCE6E6B28, v2;
	[tilespmem:s29+$0xFFFFF830] =	vst v4  }
0x2ba: {  	v12 =	vld [tilespmem:s4+$0xFFFFFF80];
	[tilespmem:s29+$0x30] =	vst v2;
	v2 =	vand.u32 $0x1, v5;
	v9 =	vsub.f32 v1, v3  }
0x2bb: {  	v6 =	vld [tilespmem:s28+$0xFFFFFF40];
	vm0 =	veq.s32 v2, $0x0  }
0x2bc: {  	v2 =	vsel vm0, $0xCE6E6B28, v9;
	v9 =	vld [tilespmem:s4+$0x80]  }
0x2bd: {  	v4 =	vld [tilespmem:s26+$0xFFFFFFD0]  }
0x2be: {  	v20 =	vand.u32 $0x1, v19;
	[tilespmem:s29+$0x440] =	vst v2;
	v2 =	vld [tilespmem:s8+$0x20]  }
0x2bf: {  	v59 =	vand.u32 $0x1, v17;
	vm2 =	veq.s32 v20, $0x0;
	v11 =	vmul.f32 v11, v0;
	v10 =	vld [tilespmem:s28+$0xD0]  }
0x2c0: {  	v38 =	vand.u32 $0x100, v33;
	v40 =	vand.u32 $0x100, v36;
	v3 =	vld [tilespmem:s26+$0xFFFFFFF0];
	v6 =	vmul.f32 v6, v0  }
0x2c1: {  	v14 =	vld [tilespmem:s4+$0x0];
	v43 =	vand.u32 $0x10000, v36;
	v11 =	vsub.f32 v1, v11;
	v9 =	vmul.f32 v9, v0  }
0x2c2: {  	v16 =	vld [tilespmem:s8+$0xFFFFFFE0];
	v12 =	vmul.f32 v12, v0;
	v13 =	vand.u32 $0x1, v4;
	v6 =	vsub.f32 v1, v6  }
0x2c3: {  	v7 =	vld [tilespmem:s28+$0xFFFFFFC0];
	vm0 =	veq.s32 v13, $0x0;
	v18 =	vand.u32 $0x1, v2;
	v9 =	vsub.f32 v1, v9  }
0x2c4: {  	v8 =	vld [tilespmem:s28+$0x40];
	v6 =	vsel vm0, $0xCE6E6B28, v6;
	v10 =	vmul.f32 v10, v0;
	vm0 =	veq.s32 v18, $0x0  }
0x2c5: {  	s31 =	sadd.s32 $0x1000, s29;
	v12 =	vsub.f32 v1, v12;
	v13 =	vand.u32 $0x1, v3;
	v9 =	vsel vm0, $0xCE6E6B28, v9  }
0x2c6: {  	v63 =	vld [tilespmem:s26+$0x10];
	v58 =	vand.u32 $0x100, v5;
	vm1 =	veq.s32 v13, $0x0;
	v10 =	vsub.f32 v1, v10;
	[tilespmem:s31+$0x400] =	vst v9  }
0x2c7: {  	vm0 =	veq.s32 v58, $0x0;
	v9 =	vmul.f32 v14, v0;
	v14 =	vand.u32 $0x1, v16;
	v13 =	vld [tilespmem:s4+$0x90]  }
0x2c8: {  	v7 =	vmul.f32 v7, v0;
	v10 =	vsel vm0, $0xCE6E6B28, v10;
	vm0 =	veq.s32 v14, $0x0  }
0x2c9: {  	v11 =	vsel vm2, $0xCE6E6B28, v11;
	v8 =	vmul.f32 v8, v0;
	[tilespmem:s29+$0x450] =	vst v10;
	v10 =	vsel vm0, $0xCE6E6B28, v12  }
0x2ca: {  	v7 =	vsub.f32 v1, v7;
	v15 =	vand.u32 $0x100, v4;
	v9 =	vsub.f32 v1, v9;
	v12 =	vld [tilespmem:s28+$0xE0];
	[tilespmem:s31+$0xFFFFFC00] =	vst v10  }
0x2cb: {  	[tilespmem:s31+$0xFFFFF800] =	vst v11;
	v25 =	vand.u32 $0x1, v63;
	v8 =	vsub.f32 v1, v8;
	vm0 =	veq.s32 v59, $0x0;
	v11 =	vld [tilespmem:s4+$0xFFFFFF90]  }
0x2cc: {  	v60 =	vld [tilespmem:s4+$0xFFFFFF10];
	v21 =	vand.u32 $0x100, v2;
	v9 =	vsel vm0, $0xCE6E6B28, v9;
	v13 =	vmul.f32 v13, v0  }
0x2cd: {  	v7 =	vsel vm1, $0xCE6E6B28, v7;
	vm3 =	veq.s32 v21, $0x0;
	v14 =	vand.u32 $0x100, v16;
	[tilespmem:s31+$0x0] =	vst v9  }
0x2ce: {  	vm2 =	veq.s32 v14, $0x0;
	v14 =	vand.u32 $0x10000, v19;
	v61 =	vld [tilespmem:s4+$0x10];
	v13 =	vsub.f32 v1, v13  }
0x2cf: {  	vm0 =	veq.s32 v15, $0x0;
	v15 =	vand.u32 $0x100, v19;
	v12 =	vmul.f32 v12, v0  }
0x2d0: {  	vm1 =	veq.s32 v15, $0x0;
	v11 =	vmul.f32 v11, v0;
	v13 =	vsel vm3, $0xCE6E6B28, v13  }
0x2d1: {  	v15 =	vmul.f32 v60, v0;
	v12 =	vsub.f32 v1, v12;
	[tilespmem:s31+$0x410] =	vst v13;
	v13 =	vand.u32 $0x10000, v5  }
0x2d2: {  	[tilespmem:s29+$0xFFFFF840] =	vst v6;
	v9 =	vand.u32 $0x100, v17;
	v11 =	vsub.f32 v1, v11;
	v62 =	vld [tilespmem:s4+$0xA0];
	vm4 =	veq.s32 v13, $0x0  }
0x2d3: {  	[tilespmem:s29+$0xFFFFFC40] =	vst v7;
	v15 =	vsub.f32 v1, v15;
	v13 =	vmul.f32 v61, v0;
	v12 =	vsel vm4, $0xCE6E6B28, v12  }
0x2d4: {  	v24 =	vld [tilespmem:s28+$0xFFFFFF50];
	vm3 =	veq.s32 v9, $0x0;
	v9 =	vand.u32 $0x10000, v16;
	v11 =	vsel vm2, $0xCE6E6B28, v11;
	[tilespmem:s29+$0x460] =	vst v12  }
0x2d5: {  	v27 =	vld [tilespmem:s28+$0xFFFFFFD0];
	vm6 =	veq.s32 v9, $0x0;
	v9 =	vsel vm1, $0xCE6E6B28, v15;
	v12 =	vsub.f32 v1, v13;
	[tilespmem:s31+$0xFFFFFC10] =	vst v11  }
0x2d6: {  	v6 =	vand.u32 $0x10000, v17;
	v10 =	vand.u32 $0x100, v3;
	vm5 =	veq.s32 v14, $0x0;
	[tilespmem:s31+$0xFFFFF810] =	vst v9;
	v9 =	vld [tilespmem:s4+$0xFFFFFFA0]  }
0x2d7: {  	v26 =	vld [tilespmem:s4+$0xFFFFFF20];
	vm2 =	veq.s32 v25, $0x0;
	v12 =	vsel vm3, $0xCE6E6B28, v12;
	v13 =	vmul.f32 v62, v0  }
0x2d8: {  	v14 =	vand.u32 $0x1000000, v16;
	vm4 =	veq.s32 v6, $0x0;
	v8 =	vsel vm2, $0xCE6E6B28, v8;
	v6 =	vld [tilespmem:s28+$0xF0];
	[tilespmem:s31+$0x10] =	vst v12  }
0x2d9: {  	v11 =	vand.u32 $0x1000000, v19;
	[tilespmem:s29+$0x40] =	vst v8;
	v12 =	vand.u32 $0x10000, v2;
	v7 =	vld [tilespmem:s4+$0x20];
	v13 =	vsub.f32 v1, v13  }
0x2da: {  	vm1 =	veq.s32 v11, $0x0;
	v11 =	vmul.f32 v24, v0;
	vm2 =	veq.s32 v12, $0x0;
	v12 =	vld [tilespmem:s28+$0x50]  }
0x2db: {  	v5 =	vand.u32 $0x1000000, v5;
	v9 =	vmul.f32 v9, v0;
	v8 =	vsel vm2, $0xCE6E6B28, v13  }
0x2dc: {  	vm3 =	veq.s32 v14, $0x0;
	[tilespmem:s31+$0x420] =	vst v8;
	v8 =	vsub.f32 v1, v11;
	v11 =	vmul.f32 v26, v0  }
0x2dd: {  	v14 =	vmul.f32 v27, v0;
	v6 =	vmul.f32 v6, v0;
	v9 =	vsub.f32 v1, v9;
	v13 =	vld [tilespmem:s4+$0xB0]  }
0x2de: {  	v7 =	vmul.f32 v7, v0;
	v11 =	vsub.f32 v1, v11;
	v8 =	vsel vm0, $0xCE6E6B28, v8  }
0x2df: {  	vm0 =	veq.s32 v5, $0x0;
	v5 =	vsel vm6, $0xCE6E6B28, v9;
	v9 =	vmul.f32 v12, v0;
	[tilespmem:s29+$0xFFFFF850] =	vst v8  }
0x2e0: {  	v12 =	vand.u32 $0x100, v63;
	v7 =	vsub.f32 v1, v7;
	[tilespmem:s31+$0xFFFFFC20] =	vst v5;
	v11 =	vsel vm5, $0xCE6E6B28, v11;
	v5 =	vld [tilespmem:s28+$0xFFFFFF60]  }
0x2e1: {  	v6 =	vsub.f32 v1, v6;
	v8 =	vsub.f32 v1, v14;
	vm5 =	veq.s32 v12, $0x0;
	[tilespmem:s31+$0xFFFFF820] =	vst v11;
	v11 =	vld [tilespmem:s4+$0xFFFFFFB0]  }
0x2e2: {  	v7 =	vsel vm4, $0xCE6E6B28, v7;
	vm4 =	veq.s32 v10, $0x0;
	v13 =	vmul.f32 v13, v0;
	v10 =	vld [tilespmem:s4+$0xFFFFFF30]  }
0x2e3: {  	v9 =	vsub.f32 v1, v9;
	v12 =	vand.u32 $0x1000000, v2;
	v2 =	vsel vm0, $0xCE6E6B28, v6  }
0x2e4: {  	vm0 =	veq.s32 v12, $0x0;
	[tilespmem:s31+$0x20] =	vst v7;
	v7 =	vsel vm4, $0xCE6E6B28, v8;
	v13 =	vsub.f32 v1, v13  }
0x2e5: {  	v6 =	vsel vm5, $0xCE6E6B28, v9;
	v8 =	vld [tilespmem:s4+$0x30];
	[tilespmem:s29+$0xFFFFFC50] =	vst v7;
	v7 =	vand.u32 $0x10000, v4;
	v5 =	vmul.f32 v5, v0  }
0x2e6: {  	[tilespmem:s29+$0x50] =	vst v6;
	v9 =	vld [tilespmem:s28+$0xFFFFFFE0];
	v6 =	vsel vm0, $0xCE6E6B28, v13;
	vm0 =	veq.s32 v7, $0x0;
	v11 =	vmul.f32 v11, v0  }
0x2e7: {  	v12 =	vld [tilespmem:s28+$0x60];
	v7 =	vand.u32 $0x10000, v3;
	[tilespmem:s31+$0x430] =	vst v6;
	v10 =	vmul.f32 v10, v0;
	v5 =	vsub.f32 v1, v5  }
0x2e8: {  	s6 =	sadd.s32 $0x200, s4;
	vm8 =	veq.s32 v43, $0x0;
	vm4 =	veq.s32 v7, $0x0;
	v13 =	vld [tilespmem:s4+$0xC0];
	v7 =	vsub.f32 v1, v11  }
0x2e9: {  	v30 =	vld [tilespmem:s6+$0xFFFFFF80];
	v6 =	vand.u32 $0x10000, v63;
	v10 =	vsub.f32 v1, v10;
	v5 =	vsel vm0, $0xCE6E6B28, v5  }
0x2ea: {  	v15 =	vand.u32 $0x1000000, v17;
	vm5 =	veq.s32 v6, $0x0;
	v6 =	vld [tilespmem:s8+$0x30];
	v7 =	vsel vm3, $0xCE6E6B28, v7;
	[tilespmem:s29+$0xFFFFF860] =	vst v5  }
0x2eb: {  	vm2 =	veq.s32 v15, $0x0;
	v4 =	vand.u32 $0x1000000, v4;
	v10 =	vsel vm1, $0xCE6E6B28, v10;
	[tilespmem:s31+$0xFFFFFC30] =	vst v7;
	v7 =	vld [tilespmem:s28+$0xFFFFFF70]  }
0x2ec: {  	v32 =	vld [tilespmem:s6+$0x0];
	v3 =	vand.u32 $0x1000000, v3;
	v8 =	vmul.f32 v8, v0;
	v9 =	vmul.f32 v9, v0;
	[tilespmem:s31+$0xFFFFF830] =	vst v10  }
0x2ed: {  	vm0 =	veq.s32 v4, $0x0;
	v5 =	vmul.f32 v12, v0;
	v11 =	vmul.f32 v13, v0;
	v12 =	vld [tilespmem:s4+$0xFFFFFF40]  }
0x2ee: {  	v8 =	vsub.f32 v1, v8;
	vm3 =	veq.s32 v3, $0x0;
	v9 =	vsub.f32 v1, v9;
	v10 =	vld [tilespmem:s4+$0xFFFFFFC0]  }
0x2ef: {  	v5 =	vsub.f32 v1, v5;
	v14 =	vand.u32 $0x1, v6;
	v4 =	vld [tilespmem:s8+$0xFFFFFFD0];
	v11 =	vsub.f32 v1, v11  }
0x2f0: {  	v8 =	vsel vm2, $0xCE6E6B28, v8;
	v3 =	vld [tilespmem:s8+$0xFFFFFFF0];
	vm1 =	veq.s32 v14, $0x0;
	v7 =	vmul.f32 v7, v0  }
0x2f1: {  	[tilespmem:s31+$0x30] =	vst v8;
	v8 =	vsel vm4, $0xCE6E6B28, v9;
	v9 =	vsel vm5, $0xCE6E6B28, v5;
	v5 =	vsel vm1, $0xCE6E6B28, v11;
	v11 =	vld [tilespmem:s6+$0x80]  }
0x2f2: {  	v15 =	vand.u32 $0x1000000, v63;
	[tilespmem:s31+$0x440] =	vst v5;
	v12 =	vmul.f32 v12, v0;
	v5 =	vsub.f32 v1, v7;
	v7 =	vld [tilespmem:s16+$0x20]  }
0x2f3: {  	v18 =	vmul.f32 v30, v0;
	vm4 =	veq.s32 v15, $0x0;
	v10 =	vmul.f32 v10, v0;
	v14 =	vld [tilespmem:s4+$0xD0]  }
0x2f4: {  	vm1 =	vmmov vm3;
	v28 =	vand.u32 $0x1, v4;
	v12 =	vsub.f32 v1, v12  }
0x2f5: {  	v31 =	vand.u32 $0x1, v3;
	v10 =	vsub.f32 v1, v10;
	vm3 =	veq.s32 v28, $0x0  }
0x2f6: {  	v15 =	vld [tilespmem:s6+$0xFFFFFF00];
	v11 =	vmul.f32 v11, v0;
	v12 =	vsel vm3, $0xCE6E6B28, v12;
	vm3 =	veq.s32 v31, $0x0  }
0x2f7: {  	v16 =	vand.u32 $0x1000000, v33;
	v19 =	vmul.f32 v32, v0;
	v34 =	vsel vm3, $0xCE6E6B28, v10  }
0x2f8: {  	v22 =	vand.u32 $0x1, v7;
	v10 =	vmul.f32 v14, v0;
	v11 =	vsub.f32 v1, v11  }
0x2f9: {  	vm2 =	vmmov vm0;
	vm0 =	vmmov vm4;
	vm4 =	veq.s32 v22, $0x0  }
0x2fa: {  	s0 =	sadd.s32 $0x1000, s31;
	v37 =	vand.u32 $0x100, v6;
	v14 =	vld [tilespmem:s16+$0x0];
	v10 =	vsub.f32 v1, v10;
	v11 =	vsel vm4, $0xCE6E6B28, v11  }
0x2fb: {  	v25 =	vand.u32 $0x1, v36;
	v15 =	vmul.f32 v15, v0;
	vm4 =	veq.s32 v37, $0x0;
	[tilespmem:s0+$0x400] =	vst v11  }
0x2fc: {  	v19 =	vsub.f32 v1, v19;
	vm6 =	veq.s32 v25, $0x0;
	v10 =	vsel vm4, $0xCE6E6B28, v10;
	v23 =	vld [tilespmem:s6+$0x90]  }
0x2fd: {  	v13 =	vld [tilespmem:s4+$0x40];
	v11 =	vsub.f32 v1, v15;
	v15 =	vand.u32 $0x1, v33;
	[tilespmem:s31+$0x450] =	vst v10;
	v10 =	vsub.f32 v1, v18  }
0x2fe: {  	v46 =	vand.u32 $0x10000, v6;
	v6 =	vand.u32 $0x1000000, v6;
	vm4 =	veq.s32 v15, $0x0  }
0x2ff: {  	vm12 =	veq.s32 v6, $0x0;
	v39 =	vand.u32 $0x1, v14;
	v10 =	vsel vm4, $0xCE6E6B28, v10  }
0x300: {  	v35 =	vand.u32 $0x100, v3;
	v11 =	vsel vm6, $0xCE6E6B28, v11;
	v24 =	vld [tilespmem:s4+$0xE0];
	vm5 =	veq.s32 v39, $0x0;
	[tilespmem:s0+$0xFFFFFC00] =	vst v10  }
0x301: {  	v29 =	vand.u32 $0x100, v4;
	[tilespmem:s0+$0xFFFFF800] =	vst v11;
	v15 =	vsel vm5, $0xCE6E6B28, v19;
	v11 =	vld [tilespmem:s6+$0xFFFFFF90];
	v41 =	vmul.f32 v23, v0  }
0x302: {  	vm13 =	veq.s32 v35, $0x0;
	v13 =	vmul.f32 v13, v0;
	v45 =	vand.u32 $0x100, v7;
	v42 =	vld [tilespmem:s6+$0xFFFFFF10];
	[tilespmem:s0+$0x0] =	vst v15  }
0x303: {  	[tilespmem:s31+$0xFFFFF840] =	vst v12;
	vm6 =	veq.s32 v38, $0x0;
	v12 =	vand.u32 $0x10000, v14;
	v44 =	vld [tilespmem:s6+$0x10];
	v18 =	vsub.f32 v1, v41  }
0x304: {  	[tilespmem:s29+$0xFFFFFC60] =	vst v8;
	vm7 =	veq.s32 v12, $0x0;
	vm4 =	veq.s32 v45, $0x0;
	v10 =	vand.u32 $0x100, v14  }
0x305: {  	[tilespmem:s29+$0x60] =	vst v9;
	vm10 =	veq.s32 v10, $0x0;
	v10 =	vmul.f32 v24, v0;
	v18 =	vsel vm4, $0xCE6E6B28, v18  }
0x306: {  	v9 =	vld [tilespmem:s28+$0xFFFFFFF0];
	vm5 =	veq.s32 v40, $0x0;
	v15 =	vand.u32 $0x10000, v33;
	v11 =	vmul.f32 v11, v0;
	[tilespmem:s0+$0x410] =	vst v18  }
0x307: {  	vm9 =	veq.s32 v15, $0x0;
	v19 =	vmul.f32 v42, v0;
	v47 =	vsub.f32 v1, v10;
	v12 =	vld [tilespmem:s6+$0xA0]  }
0x308: {  	v10 =	vld [tilespmem:s8+$0x10];
	vm4 =	veq.s32 v46, $0x0;
	v50 =	vmul.f32 v44, v0;
	v11 =	vsub.f32 v1, v11  }
0x309: {  	v48 =	vld [tilespmem:s4+$0xFFFFFF50];
	[tilespmem:s31+$0xFFFFFC40] =	vst v34;
	v15 =	vand.u32 $0x1000000, v36;
	v19 =	vsub.f32 v1, v19;
	v49 =	vsel vm4, $0xCE6E6B28, v47  }
0x30a: {  	v51 =	vld [tilespmem:s4+$0xFFFFFFD0];
	vm4 =	veq.s32 v15, $0x0;
	[tilespmem:s31+$0x460] =	vst v49;
	v15 =	vsub.f32 v1, v50;
	v11 =	vsel vm6, $0xCE6E6B28, v11  }
0x30b: {  	v9 =	vmul.f32 v9, v0;
	v14 =	vand.u32 $0x1000000, v14;
	v19 =	vsel vm5, $0xCE6E6B28, v19;
	v18 =	vld [tilespmem:s4+$0xF0];
	[tilespmem:s0+$0xFFFFFC10] =	vst v11  }
0x30c: {  	vm5 =	veq.s32 v14, $0x0;
	[tilespmem:s0+$0xFFFFF810] =	vst v19;
	v14 =	vsel vm10, $0xCE6E6B28, v15;
	v11 =	vld [tilespmem:s6+$0xFFFFFFA0];
	v12 =	vmul.f32 v12, v0  }
0x30d: {  	v13 =	vsub.f32 v1, v13;
	vm3 =	veq.s32 v29, $0x0;
	v15 =	vand.u32 $0x1, v10;
	v52 =	vld [tilespmem:s6+$0xFFFFFF20];
	[tilespmem:s0+$0x10] =	vst v14  }
0x30e: {  	v54 =	vand.u32 $0x10000, v7;
	vm14 =	veq.s32 v15, $0x0;
	v53 =	vld [tilespmem:s6+$0x20];
	v12 =	vsub.f32 v1, v12  }
0x30f: {  	v7 =	vand.u32 $0x1000000, v7;
	vm15 =	veq.s32 v54, $0x0;
	v13 =	vsel vm14, $0xCE6E6B28, v13  }
0x310: {  	v14 =	vmul.f32 v48, v0;
	[tilespmem:s31+$0x40] =	vst v13;
	v15 =	vmul.f32 v18, v0;
	v12 =	vsel vm15, $0xCE6E6B28, v12  }
0x311: {  	vm6 =	veq.s32 v16, $0x0;
	v56 =	vand.u32 $0x100, v10;
	v55 =	vld [tilespmem:s4+$0x50];
	v6 =	vmul.f32 v11, v0;
	[tilespmem:s0+$0x420] =	vst v12  }
0x312: {  	v13 =	vsub.f32 v1, v15;
	v11 =	vsub.f32 v1, v14;
	v12 =	vmul.f32 v52, v0;
	v14 =	vld [tilespmem:s6+$0xB0]  }
0x313: {  	v15 =	vmul.f32 v51, v0;
	v8 =	vmul.f32 v53, v0;
	v6 =	vsub.f32 v1, v6  }
0x314: {  	v13 =	vsel vm12, $0xCE6E6B28, v13;
	v12 =	vsub.f32 v1, v12;
	v11 =	vsel vm3, $0xCE6E6B28, v11  }
0x315: {  	v57 =	vld [tilespmem:s28+$0x70];
	v15 =	vsub.f32 v1, v15;
	v8 =	vsub.f32 v1, v8;
	[tilespmem:s31+$0xFFFFF850] =	vst v11;
	v6 =	vsel vm9, $0xCE6E6B28, v6  }
0x316: {  	vm3 =	veq.s32 v56, $0x0;
	v11 =	vmul.f32 v55, v0;
	v12 =	vsel vm8, $0xCE6E6B28, v12;
	v58 =	vld [tilespmem:s4+$0xFFFFFF60];
	[tilespmem:s0+$0xFFFFFC20] =	vst v6  }
0x317: {  	v15 =	vsel vm13, $0xCE6E6B28, v15;
	v8 =	vsel vm7, $0xCE6E6B28, v8;
	[tilespmem:s0+$0xFFFFF820] =	vst v12;
	v12 =	vld [tilespmem:s6+$0xFFFFFFB0];
	v14 =	vmul.f32 v14, v0  }
0x318: {  	v6 =	vand.u32 $0x10000, v4;
	v11 =	vsub.f32 v1, v11;
	[tilespmem:s0+$0x20] =	vst v8;
	v8 =	vand.u32 $0x10000, v10;
	v59 =	vld [tilespmem:s6+$0xFFFFFF30]  }
0x319: {  	[tilespmem:s31+$0xFFFFFC50] =	vst v15;
	vm14 =	veq.s32 v6, $0x0;
	v6 =	vand.u32 $0x10000, v3;
	v60 =	vld [tilespmem:s6+$0x30];
	v14 =	vsub.f32 v1, v14  }
0x31a: {  	v11 =	vsel vm3, $0xCE6E6B28, v11;
	vm3 =	veq.s32 v7, $0x0;
	vm15 =	veq.s32 v6, $0x0;
	v6 =	vld [tilespmem:s4+$0xFFFFFFE0]  }
0x31b: {  	vm7 =	veq.s32 v8, $0x0;
	[tilespmem:s31+$0x50] =	vst v11;
	v8 =	vmul.f32 v58, v0;
	v7 =	vsel vm3, $0xCE6E6B28, v14  }
0x31c: {  	v11 =	vld [tilespmem:s4+$0x60];
	v14 =	vand.u32 $0x1000000, v4;
	v4 =	vmul.f32 v57, v0;
	v12 =	vmul.f32 v12, v0;
	[tilespmem:s0+$0x430] =	vst v7  }
0x31d: {  	v15 =	vmul.f32 v59, v0;
	v17 =	vsub.f32 v1, v8;
	v7 =	vsub.f32 v1, v9;
	v61 =	vld [tilespmem:s6+$0xC0]  }
0x31e: {  	[tilespmem:s29+$0x470] =	vst v2;
	v8 =	vsub.f32 v1, v4;
	v4 =	vld [tilespmem:s16+$0x30];
	v9 =	vsub.f32 v1, v12;
	v12 =	vmul.f32 v60, v0  }
0x31f: {  	[tilespmem:s31+$0x470] =	vst v13;
	v6 =	vmul.f32 v6, v0;
	v2 =	vsub.f32 v1, v15;
	v15 =	vsel vm14, $0xCE6E6B28, v17  }
0x320: {  	vm3 =	veq.s32 v14, $0x0;
	[tilespmem:s31+$0xFFFFF860] =	vst v15;
	v9 =	vsel vm6, $0xCE6E6B28, v9;
	v62 =	vsub.f32 v1, v12  }
0x321: {  	v11 =	vmul.f32 v11, v0;
	v6 =	vsub.f32 v1, v6;
	v2 =	vsel vm4, $0xCE6E6B28, v2;
	[tilespmem:s0+$0xFFFFFC30] =	vst v9;
	v9 =	vld [tilespmem:s4+$0xFFFFFF70]  }
0x322: {  	v15 =	vand.u32 $0x1000000, v3;
	[tilespmem:s0+$0xFFFFF830] =	vst v2;
	v12 =	vld [tilespmem:s6+$0xFFFFFFC0];
	v2 =	vsel vm5, $0xCE6E6B28, v62;
	v3 =	vmul.f32 v61, v0  }
0x323: {  	vm4 =	veq.s32 v15, $0x0;
	v63 =	vsub.f32 v1, v11;
	v11 =	vld [tilespmem:s6+$0xFFFFFF40];
	v13 =	vand.u32 $0x1, v4;
	[tilespmem:s0+$0x30] =	vst v2  }
0x324: {  	v2 =	vsel vm15, $0xCE6E6B28, v6;
	v6 =	vand.u32 $0x1000000, v10;
	v10 =	vld [tilespmem:s6+$0x40];
	v14 =	vsub.f32 v1, v3  }
0x325: {  	s11 =	smov.u32 s29;
	v16 =	vsel vm7, $0xCE6E6B28, v63;
	vm6 =	veq.s32 v13, $0x0;
	[tilespmem:s31+$0xFFFFFC60] =	vst v2;
	v3 =	vld [tilespmem:s16+$0xFFFFFFD0];
	vm5 =	veq.s32 v6, $0x0  }
0x326: {  	s13 =	sadd.s32 $0x200, s6;
	s9 =	smov.u32 s16;
	s8 =	simm.s32 $0x8;
	[tilespmem:s31+$0x60] =	vst v16;
	v2 =	vld [tilespmem:s16+$0xFFFFFFF0];
	v6 =	vsel vm2, $0xCE6E6B28, v5;
	v13 =	vsel vm6, $0xCE6E6B28, v14;
	v9 =	vmul.f32 v9, v0  }
.LBB2_16:
0x327: {  	v14 =	vld [tilespmem:s13+$0x80];
	v12 =	vmul.f32 v12, v0;
	[tilespmem:s0+$0x440] =	vst v13;
	v13 =	vsel vm1, $0xCE6E6B28, v7;
	v8 =	vsel vm0, $0xCE6E6B28, v8  }
0x328: {  	s8 =	sadd.s32 $0x4, s8;
	vm2 =	vmmov vm3;
	vm1 =	vmmov vm4;
	vm0 =	vmmov vm5  }
0x329: {  	s16 =	sadd.s32 $0x400, s16;
	p1 =	slt.u32 s8, $0xC;
	v11 =	vmul.f32 v11, v0;
	v15 =	vld [tilespmem:s6+$0xD0];
	v5 =	vsub.f32 v1, v9;
	[tilespmem:s11+$0xFFFFF870] =	vst v6  }
0x32a: {  	v7 =	vld [tilespmem:s16+$0x20];
	v6 =	vsub.f32 v1, v12;
	v9 =	vmul.f32 v10, v0;
	[tilespmem:s11+$0xFFFFFC70] =	vst v13  }
0x32b: {  	v10 =	vld [tilespmem:s13+$0xFFFFFF00];
	v12 =	vand.u32 $0x1, v3;
	v13 =	vsub.f32 v1, v11;
	v16 =	vand.u32 $0x100, v3;
	[tilespmem:s11+$0x70] =	vst v8;
	s11 =	smov.u32 s31;
	s31 =	smov.u32 s0  }
0x32c: {  	v17 =	vld [tilespmem:s13+$0xFFFFFF80];
	vm3 =	veq.s32 v12, $0x0;
	v8 =	vand.u32 $0x1, v2;
	v11 =	vsub.f32 v1, v9  }
0x32d: {  	v9 =	vld [tilespmem:s13+$0x0];
	v12 =	vmul.f32 v14, v0;
	v13 =	vsel vm3, $0xCE6E6B28, v13;
	vm3 =	veq.s32 v8, $0x0  }
0x32e: {  	v8 =	vand.u32 $0x100, v2;
	v14 =	vld [tilespmem:s16+$0xFFFFFFE0];
	[tilespmem:s0+$0xFFFFF840] =	vst v13;
	v6 =	vsel vm3, $0xCE6E6B28, v6;
	v13 =	vmul.f32 v15, v0  }
0x32f: {  	vm3 =	veq.s32 v16, $0x0;
	v15 =	vld [tilespmem:s16+$0x0];
	v18 =	vand.u32 $0x1, v7;
	v12 =	vsub.f32 v1, v12;
	[tilespmem:s0+$0xFFFFFC40] =	vst v6  }
0x330: {  	v16 =	vld [tilespmem:s16+$0xFFFFFFC0];
	vm4 =	veq.s32 v18, $0x0;
	v18 =	vand.u32 $0x100, v4;
	v13 =	vsub.f32 v1, v13  }
0x331: {  	s0 =	sadd.s32 $0x1000, s0;
	v10 =	vmul.f32 v10, v0;
	v12 =	vsel vm4, $0xCE6E6B28, v12;
	v6 =	vld [tilespmem:s9+$0x10];
	vm4 =	veq.s32 v18, $0x0;
	s9 =	smov.u32 s16  }
0x332: {  	v17 =	vmul.f32 v17, v0;
	v9 =	vmul.f32 v9, v0;
	[tilespmem:s0+$0x400] =	vst v12;
	v12 =	vld [tilespmem:s6+$0xFFFFFF50];
	v13 =	vsel vm4, $0xCE6E6B28, v13  }
0x333: {  	v10 =	vsub.f32 v1, v10;
	v18 =	vand.u32 $0x1, v14;
	v19 =	vand.u32 $0x100, v14;
	v20 =	vld [tilespmem:s13+$0x90];
	[tilespmem:s31+$0x450] =	vst v13  }
0x334: {  	v13 =	vsub.f32 v1, v17;
	v17 =	vand.u32 $0x1, v15;
	v9 =	vsub.f32 v1, v9;
	v21 =	vld [tilespmem:s6+$0xE0]  }
0x335: {  	vm4 =	veq.s32 v18, $0x0;
	v22 =	vand.u32 $0x1, v16;
	vm5 =	veq.s32 v17, $0x0;
	v17 =	vld [tilespmem:s6+$0xFFFFFFD0]  }
0x336: {  	v13 =	vsel vm4, $0xCE6E6B28, v13;
	vm6 =	veq.s32 v22, $0x0;
	v18 =	vsel vm5, $0xCE6E6B28, v9;
	v9 =	vld [tilespmem:s4+$0xFFFFFFF0]  }
0x337: {  	v23 =	vand.u32 $0x100, v16;
	v22 =	vsel vm6, $0xCE6E6B28, v10;
	[tilespmem:s0+$0xFFFFFC00] =	vst v13;
	v13 =	vand.u32 $0x100, v15;
	v10 =	vld [tilespmem:s4+$0x70];
	s4 =	smov.u32 s6;
	s6 =	smov.u32 s13  }
0x338: {  	vm4 =	veq.s32 v23, $0x0;
	vm6 =	veq.s32 v19, $0x0;
	[tilespmem:s0+$0xFFFFF800] =	vst v22;
	v19 =	vld [tilespmem:s13+$0xFFFFFF90];
	v20 =	vmul.f32 v20, v0  }
0x339: {  	v23 =	vand.u32 $0x10000, v16;
	vm10 =	veq.s32 v13, $0x0;
	v22 =	vld [tilespmem:s13+$0xFFFFFF10];
	[tilespmem:s0+$0x0] =	vst v18;
	v13 =	vmul.f32 v21, v0  }
0x33a: {  	v24 =	vand.u32 $0x100, v7;
	v18 =	vand.u32 $0x10000, v14;
	v21 =	vld [tilespmem:s13+$0x10];
	v20 =	vsub.f32 v1, v20  }
0x33b: {  	vm5 =	veq.s32 v24, $0x0;
	v24 =	vand.u32 $0x10000, v4;
	v13 =	vsub.f32 v1, v13  }
0x33c: {  	v25 =	vand.u32 $0x10000, v15;
	v20 =	vsel vm5, $0xCE6E6B28, v20;
	vm5 =	veq.s32 v24, $0x0  }
0x33d: {  	vm8 =	veq.s32 v23, $0x0;
	v19 =	vmul.f32 v19, v0;
	[tilespmem:s0+$0x410] =	vst v20;
	v13 =	vsel vm5, $0xCE6E6B28, v13  }
0x33e: {  	vm7 =	veq.s32 v25, $0x0;
	vm9 =	veq.s32 v18, $0x0;
	v20 =	vmul.f32 v22, v0;
	v18 =	vld [tilespmem:s13+$0xA0];
	[tilespmem:s31+$0x460] =	vst v13  }
0x33f: {  	v13 =	vand.u32 $0x1000000, v16;
	v16 =	vsub.f32 v1, v19;
	v19 =	vmul.f32 v21, v0;
	v21 =	vld [tilespmem:s4+$0xF0]  }
0x340: {  	v15 =	vand.u32 $0x1000000, v15;
	v14 =	vand.u32 $0x1000000, v14;
	v20 =	vsub.f32 v1, v20  }
0x341: {  	vm5 =	veq.s32 v13, $0x0;
	v13 =	vsel vm6, $0xCE6E6B28, v16;
	v16 =	vsub.f32 v1, v19  }
0x342: {  	vm6 =	veq.s32 v14, $0x0;
	v19 =	vsel vm4, $0xCE6E6B28, v20;
	[tilespmem:s0+$0xFFFFFC10] =	vst v13;
	vm4 =	veq.s32 v15, $0x0  }
0x343: {  	[tilespmem:s0+$0xFFFFF810] =	vst v19;
	v13 =	vld [tilespmem:s13+$0xFFFFFFA0];
	v14 =	vsel vm10, $0xCE6E6B28, v16;
	v15 =	vmul.f32 v18, v0;
	v16 =	vand.u32 $0x1, v6  }
0x344: {  	v12 =	vmul.f32 v12, v0;
	v18 =	vld [tilespmem:s13+$0xFFFFFF20];
	[tilespmem:s0+$0x10] =	vst v14;
	vm10 =	veq.s32 v16, $0x0;
	v14 =	vmul.f32 v21, v0  }
0x345: {  	v19 =	vand.u32 $0x10000, v7;
	v16 =	vld [tilespmem:s13+$0x20];
	v15 =	vsub.f32 v1, v15;
	v11 =	vsel vm10, $0xCE6E6B28, v11  }
0x346: {  	v4 =	vand.u32 $0x1000000, v4;
	vm10 =	veq.s32 v19, $0x0;
	[tilespmem:s31+$0x40] =	vst v11;
	v11 =	vsub.f32 v1, v14  }
0x347: {  	v14 =	vsel vm10, $0xCE6E6B28, v15;
	v15 =	vmul.f32 v17, v0;
	v17 =	vld [tilespmem:s4+$0x50];
	vm10 =	veq.s32 v4, $0x0  }
0x348: {  	v12 =	vsub.f32 v1, v12;
	v4 =	vmul.f32 v13, v0;
	[tilespmem:s0+$0x420] =	vst v14;
	v11 =	vsel vm10, $0xCE6E6B28, v11  }
0x349: {  	v13 =	vmul.f32 v18, v0;
	v14 =	vld [tilespmem:s13+$0xB0];
	v15 =	vsub.f32 v1, v15;
	v18 =	vand.u32 $0x100, v6;
	[tilespmem:s31+$0x470] =	vst v11  }
0x34a: {  	vm10 =	veq.s32 v8, $0x0;
	v4 =	vsub.f32 v1, v4;
	v11 =	vmul.f32 v16, v0  }
0x34b: {  	v12 =	vsel vm3, $0xCE6E6B28, v12;
	vm11 =	veq.s32 v18, $0x0;
	v8 =	vsub.f32 v1, v13  }
0x34c: {  	v4 =	vsel vm9, $0xCE6E6B28, v4;
	v11 =	vsub.f32 v1, v11;
	[tilespmem:s31+$0xFFFFF850] =	vst v12;
	v12 =	vmul.f32 v17, v0  }
0x34d: {  	v15 =	vsel vm10, $0xCE6E6B28, v15;
	v8 =	vsel vm8, $0xCE6E6B28, v8;
	[tilespmem:s0+$0xFFFFFC20] =	vst v4;
	v4 =	vand.u32 $0x10000, v3;
	v13 =	vld [tilespmem:s4+$0xFFFFFF60]  }
0x34e: {  	[tilespmem:s0+$0xFFFFF820] =	vst v8;
	v8 =	vld [tilespmem:s13+$0xFFFFFFB0];
	v11 =	vsel vm7, $0xCE6E6B28, v11;
	v14 =	vmul.f32 v14, v0;
	v12 =	vsub.f32 v1, v12  }
0x34f: {  	vm3 =	veq.s32 v4, $0x0;
	v4 =	vand.u32 $0x10000, v2;
	v16 =	vld [tilespmem:s13+$0xFFFFFF30];
	[tilespmem:s0+$0x20] =	vst v11;
	v11 =	vand.u32 $0x10000, v6  }
0x350: {  	v7 =	vand.u32 $0x1000000, v7;
	v17 =	vld [tilespmem:s13+$0x30];
	v14 =	vsub.f32 v1, v14;
	[tilespmem:s31+$0xFFFFFC50] =	vst v15;
	v12 =	vsel vm11, $0xCE6E6B28, v12  }
0x351: {  	vm9 =	veq.s32 v7, $0x0;
	vm8 =	veq.s32 v4, $0x0;
	vm7 =	veq.s32 v11, $0x0;
	v15 =	vld [tilespmem:s4+$0xFFFFFFE0];
	[tilespmem:s31+$0x50] =	vst v12  }
0x352: {  	v9 =	vmul.f32 v9, v0;
	v4 =	vsel vm9, $0xCE6E6B28, v14;
	v7 =	vmul.f32 v13, v0;
	v11 =	vld [tilespmem:s4+$0x60]  }
0x353: {  	v3 =	vand.u32 $0x1000000, v3;
	v8 =	vmul.f32 v8, v0;
	[tilespmem:s0+$0x430] =	vst v4;
	v4 =	vmul.f32 v10, v0  }
0x354: {  	v10 =	vmul.f32 v16, v0;
	v13 =	vld [tilespmem:s13+$0xC0];
	v12 =	vsub.f32 v1, v7;
	v7 =	vsub.f32 v1, v9  }
0x355: {  	v9 =	vsub.f32 v1, v8;
	v14 =	vmul.f32 v17, v0;
	v8 =	vsub.f32 v1, v4  }
0x356: {  	v10 =	vsub.f32 v1, v10;
	v4 =	vld [tilespmem:s16+$0x30];
	v12 =	vsel vm3, $0xCE6E6B28, v12;
	v15 =	vmul.f32 v15, v0  }
0x357: {  	v9 =	vsel vm6, $0xCE6E6B28, v9;
	v14 =	vsub.f32 v1, v14;
	[tilespmem:s31+$0xFFFFF860] =	vst v12;
	v11 =	vmul.f32 v11, v0  }
0x358: {  	v2 =	vand.u32 $0x1000000, v2;
	v10 =	vsel vm5, $0xCE6E6B28, v10;
	[tilespmem:s0+$0xFFFFFC30] =	vst v9;
	v9 =	vld [tilespmem:s4+$0xFFFFFF70];
	v15 =	vsub.f32 v1, v15  }
.Ltmp6:
0x359: {  	[tilespmem:s0+$0xFFFFF830] =	vst v10;
	v12 =	vld [tilespmem:s13+$0xFFFFFFC0];
	v10 =	vsel vm4, $0xCE6E6B28, v14;
	v13 =	vmul.f32 v13, v0;
	v14 =	vsub.f32 v1, v11;
	(pc) =	sbr.rel @p1 .LBB2_16-.Ltmp6, $4  }
0x35a: {  	v6 =	vand.u32 $0x1000000, v6;
	vm3 =	veq.s32 v3, $0x0;
	v11 =	vld [tilespmem:s13+$0xFFFFFF40];
	[tilespmem:s0+$0x30] =	vst v10;
	v3 =	vsel vm8, $0xCE6E6B28, v15  }
0x35b: {  	v10 =	vld [tilespmem:s13+$0x40];
	v15 =	vand.u32 $0x1, v4;
	v13 =	vsub.f32 v1, v13;
	[tilespmem:s31+$0xFFFFFC60] =	vst v3;
	v14 =	vsel vm7, $0xCE6E6B28, v14  }
0x35c: {  	vm5 =	veq.s32 v6, $0x0;
	vm4 =	veq.s32 v2, $0x0;
	v3 =	vld [tilespmem:s16+$0xFFFFFFD0];
	vm6 =	veq.s32 v15, $0x0;
	[tilespmem:s31+$0x60] =	vst v14  }
0x35d: {  	v6 =	vsel vm2, $0xCE6E6B28, v5;
	s13 =	sadd.s32 $0x200, s13;
	v2 =	vld [tilespmem:s16+$0xFFFFFFF0];
	v13 =	vsel vm6, $0xCE6E6B28, v13;
	v9 =	vmul.f32 v9, v0  }
0x35e: {  	v5 =	vld [tilespmem:s9+$0x10]  }
0x35f: {  	v12 =	vmul.f32 v12, v0;
	v11 =	vmul.f32 v11, v0  }
0x360: {  	v10 =	vmul.f32 v10, v0  }
0x361: {  	v12 =	vsub.f32 v1, v12;
	v14 =	vand.u32 $0x1, v3;
	v11 =	vsub.f32 v1, v11  }
0x362: {  	vm2 =	veq.s32 v14, $0x0;
	v36 =	vand.u32 $0x1, v2;
	v10 =	vsub.f32 v1, v10  }
0x363: {  	[tilespmem:s0+$0x440] =	vst v13;
	v11 =	vsel vm2, $0xCE6E6B28, v11;
	vm14 =	veq.s32 v36, $0x0;
	v37 =	vand.u32 $0x1, v5  }
0x364: {  	v13 =	vld [tilespmem:s6+$0xD0];
	[tilespmem:s0+$0xFFFFF840] =	vst v11;
	v38 =	vsel vm14, $0xCE6E6B28, v12;
	vm15 =	veq.s32 v37, $0x0  }
0x365: {  	[tilespmem:s0+$0xFFFFFC40] =	vst v38;
	v40 =	vld [tilespmem:s6+$0xFFFFFF50];
	v10 =	vsel vm15, $0xCE6E6B28, v10  }
0x366: {  	v42 =	vld [tilespmem:s6+$0xFFFFFFD0];
	[tilespmem:s0+$0x40] =	vst v10  }
0x367: {  	v10 =	vld [tilespmem:s6+$0x50];
	_ =	sdelay $0x1  }
0x368: {  	v41 =	vand.u32 $0x100, v4;
	v39 =	vmul.f32 v13, v0  }
0x369: {  	vm6 =	veq.s32 v41, $0x0;
	v43 =	vand.u32 $0x100, v3;
	v11 =	vmul.f32 v40, v0  }
0x36a: {  	v15 =	vand.u32 $0x100, v2;
	v12 =	vsub.f32 v1, v39;
	v14 =	vmul.f32 v42, v0  }
0x36b: {  	vm7 =	veq.s32 v43, $0x0;
	v11 =	vsub.f32 v1, v11;
	v10 =	vmul.f32 v10, v0  }
0x36c: {  	v45 =	vand.u32 $0x100, v5;
	v12 =	vsel vm6, $0xCE6E6B28, v12;
	v44 =	vsub.f32 v1, v14  }
0x36d: {  	vm8 =	veq.s32 v15, $0x0;
	[tilespmem:s0+$0x450] =	vst v12;
	v11 =	vsel vm7, $0xCE6E6B28, v11;
	v10 =	vsub.f32 v1, v10  }
0x36e: {  	vm9 =	veq.s32 v45, $0x0;
	v12 =	vld [tilespmem:s6+$0xE0];
	v13 =	vsel vm8, $0xCE6E6B28, v44;
	[tilespmem:s0+$0xFFFFF850] =	vst v11  }
0x36f: {  	v11 =	vld [tilespmem:s6+$0xFFFFFF60];
	[tilespmem:s0+$0xFFFFFC50] =	vst v13;
	v10 =	vsel vm9, $0xCE6E6B28, v10  }
0x370: {  	v47 =	vld [tilespmem:s6+$0xFFFFFFE0];
	[tilespmem:s0+$0x50] =	vst v10  }
0x371: {  	v10 =	vld [tilespmem:s6+$0x60]  }
0x372: {  	v46 =	vand.u32 $0x10000, v4;
	v7 =	vsel vm1, $0xCE6E6B28, v7  }
0x373: {  	v8 =	vsel vm0, $0xCE6E6B28, v8;
	v55 =	vand.u32 $0x1000000, v4;
	v12 =	vmul.f32 v12, v0  }
0x374: {  	v50 =	vld [tilespmem:s4+$0xFFFFFFF0];
	vm10 =	veq.s32 v46, $0x0;
	v48 =	vand.u32 $0x10000, v3;
	v11 =	vmul.f32 v11, v0  }
0x375: {  	v16 =	vld [tilespmem:s4+$0x70];
	vm11 =	veq.s32 v48, $0x0;
	v12 =	vsub.f32 v1, v12;
	v49 =	vmul.f32 v47, v0  }
0x376: {  	v51 =	vand.u32 $0x10000, v2;
	v11 =	vsub.f32 v1, v11;
	v10 =	vmul.f32 v10, v0  }
0x377: {  	vm12 =	veq.s32 v51, $0x0;
	v12 =	vsel vm10, $0xCE6E6B28, v12;
	v13 =	vsub.f32 v1, v49  }
0x378: {  	v52 =	vand.u32 $0x10000, v5;
	[tilespmem:s0+$0x460] =	vst v12;
	v11 =	vsel vm11, $0xCE6E6B28, v11;
	v10 =	vsub.f32 v1, v10  }
0x379: {  	v56 =	vmul.f32 v50, v0;
	vm13 =	veq.s32 v52, $0x0;
	v12 =	vld [tilespmem:s6+$0xF0];
	[tilespmem:s0+$0xFFFFF860] =	vst v11;
	v53 =	vsel vm12, $0xCE6E6B28, v13  }
0x37a: {  	v9 =	vsub.f32 v1, v9;
	v58 =	vmul.f32 v16, v0;
	[tilespmem:s0+$0xFFFFFC60] =	vst v53;
	v54 =	vld [tilespmem:s6+$0xFFFFFF70];
	v10 =	vsel vm13, $0xCE6E6B28, v10  }
0x37b: {  	v3 =	vand.u32 $0x1000000, v3;
	v2 =	vand.u32 $0x1000000, v2;
	v61 =	vsub.f32 v1, v56;
	[tilespmem:s0+$0x60] =	vst v10;
	v57 =	vld [tilespmem:s6+$0xFFFFFFF0]  }
0x37c: {  	vm14 =	vmmov vm3;
	vm15 =	vmmov vm4;
	v4 =	vsub.f32 v1, v58;
	v59 =	vld [tilespmem:s6+$0x70]  }
0x37d: {  	[tilespmem:s11+$0xFFFFF870] =	vst v6;
	v63 =	vsel vm15, $0xCE6E6B28, v61;
	vm8 =	vmmov vm5;
	vm9 =	veq.s32 v55, $0x0  }
0x37e: {  	[tilespmem:s11+$0xFFFFFC70] =	vst v7;
	vm10 =	veq.s32 v3, $0x0;
	v3 =	vand.u32 $0x1000000, v5;
	v12 =	vmul.f32 v12, v0  }
0x37f: {  	[tilespmem:s11+$0x70] =	vst v8;
	vm11 =	veq.s32 v2, $0x0;
	vm12 =	veq.s32 v3, $0x0;
	v2 =	vmul.f32 v54, v0  }
0x380: {  	s30 =	sadd.s32 $0x1, s30;
	[tilespmem:s31+$0xFFFFFC70] =	vst v63;
	v3 =	vsel vm14, $0xCE6E6B28, v9;
	v12 =	vsub.f32 v1, v12;
	v62 =	vmul.f32 v57, v0  }
0x381: {  	p1 =	sne.s32 s30, $0x8;
	v4 =	vsel vm8, $0xCE6E6B28, v4;
	[tilespmem:s31+$0xFFFFF870] =	vst v3;
	v2 =	vsub.f32 v1, v2;
	v3 =	vmul.f32 v59, v0  }
.Ltmp7:
0x382: {  	[tilespmem:s31+$0x70] =	vst v4;
	vm13 =	vmmov vm10;
	v60 =	vsel vm9, $0xCE6E6B28, v12;
	v5 =	vsub.f32 v1, v62;
	(pc) =	sbr.rel @p1 .LBB2_15-.Ltmp7, $4  }
0x383: {  	vm14 =	vmmov vm11;
	[tilespmem:s0+$0x470] =	vst v60;
	v1 =	vsub.f32 v1, v3;
	v2 =	vsel vm13, $0xCE6E6B28, v2  }
0x384: {  	vm15 =	vmmov vm12;
	v3 =	vsel vm14, $0xCE6E6B28, v5;
	[tilespmem:s0+$0xFFFFF870] =	vst v2  }
0x385: {  	v1 =	vsel vm15, $0xCE6E6B28, v1;
	[tilespmem:s0+$0xFFFFFC70] =	vst v3  }
0x386: {  	s26 =	sadd.s32 $0x80, s26;
	s28 =	sadd.s32 $0x800, s28;
	s29 =	sadd.s32 $0x80, s29;
	[tilespmem:s0+$0x70] =	vst v1  }
0x387: {  	s0 =	sadd.s32 s23, s18;
	p1 =	sne.s32 s17, $0x8  }
.Ltmp8:
0x388: {  	s0 =	sshll.u32 s0, $0xE;
	(pc) =	sbr.rel @p1 .LBB2_14-.Ltmp8, $4  }
0x389: {  	s0 =	sadd.s32 s7, s0  }
0x38a: {  	s4 =	sshll.u32 s24, $0xE;
	p0 =	por !p0, !p0;
	s0 =	sshrl.u32 s0, $0x3  }
0x38b: {  	s18 =	smov.u32 s17;
	s4 =	sor.u32 $0xA000, s4;
	s0 =	sadd.s32 s2, s0  }
0x38c: {  	[hbm4b:s0+s3] =	stream.linear.scatter [tilespmem:s4], [sflag:$0x2], $0x4000, $0x38;
	[tilespmem:$0x13080] =	vst v63  }
0x38d: {  	s0 =	simm.s32 $0x2  }
0x38e: {  	_ =	swait.ge [sflag:s0], $0x4000  }
0x38f: {  	[sflag:s0] =	ssyncset.done $0x0  }
0x390: {  	[sflag:s0] =	ssyncadd.s32 $0xFFFFC000  }
0x391: {  	_ =	swait.ge [sflag:s0], $0x4000  }
0x392: {  	s18 =	simm.s32 $0x0;
	s4 =	simm.s32 $0x800;
	[sflag:s0] =	ssyncset.done $0x0  }
0x393: {  	s6 =	simm.s32 $0x4000;
	s29 =	rddreg [dreg:$0xf];
	[sflag:s0] =	ssyncadd.s32 $0xFFFFC000  }
0x394: {  	[tilespmem:s18], [sflag:$0x1] =	stream.strided.gather [hbm4b:s29+s4], $0x4000, s6, s4, $0x38;
	[tilespmem:$0x13080] =	vst v63  }
0x395: {  	s31 =	simm.s32 $0x8000;
	p0 =	por $0x0, $0x0;
	s30 =	rddreg [dreg:$0x10]  }
0x396: {  	[tilespmem:s31], [sflag:$0x1] =	stream.linear.gather [hbm4b:s30+s18], $0x1000, $0x38;
	[tilespmem:$0x13080] =	vst v63  }
.LBB2_20:
0x397: {  	s17 =	sadd.s32 $0x1, s18;
	p1 =	seq.s32 s18, $0x7  }
0x398: {  	s0 =	sshll.u32 @!p1 s17, $0xB  }
0x399: {  	s0 =	sadd.s32 @!p1 s21, s0  }
0x39a: {  	s4 =	sand.u32 @!p1 $0x1, s17;
	s8 =	simm.s32 @!p1 $0x800;
	s0 =	sshrl.u32 @!p1 s0, $0x3  }
0x39b: {  	s9 =	simm.s32 @!p1 $0x4000;
	s6 =	sshll.u32 @!p1 s4, $0xE;
	s0 =	sadd.s32 @!p1 s1, s0  }
0x39c: {  	[tilespmem:s6], [sflag:$0x1] =	stream.strided.gather @!p1 [hbm4b:s0+s8], $0x4000, s9, s8, $0x38;
	[tilespmem:$0x13080] =	vst v63  }
0x39d: {  	s0 =	sshll.u32 @!p1 s17, $0xC  }
0x39e: {  	s0 =	sadd.s32 @!p1 s15, s0  }
0x39f: {  	s4 =	sshll.u32 @!p1 s4, $0xC;
	s0 =	sshrl.u32 @!p1 s0, $0x3  }
0x3a0: {  	s4 =	sor.u32 @!p1 $0x8000, s4;
	s6 =	simm.s32 @!p1 $0x0;
	s0 =	sadd.s32 @!p1 s5, s0  }
0x3a1: {  	[tilespmem:s4], [sflag:$0x1] =	stream.linear.gather @!p1 [hbm4b:s0+s6], $0x1000, $0x38;
	[tilespmem:$0x13080] =	vst v63  }
0x3a2: {  	_ =	swait.ge [sflag:s10], $0x4000  }
0x3a3: {  	[sflag:s10] =	ssyncset.done $0x0  }
0x3a4: {  	[sflag:s10] =	ssyncadd.s32 $0xFFFFC000  }
0x3a5: {  	s24 =	sand.u32 $0x1, s18;
	_ =	swait.ge [sflag:s10], $0x1000  }
0x3a6: {  	s0 =	simm.s32 $0x1;
	p1 =	slt.u32 s18, $0x2;
	[sflag:s10] =	ssyncset.done $0x0  }
0x3a7: {  	s0 =	simm.s32 @!p0 $0x0;
	s6 =	simm.s32 @!p1 $0x2;
	[sflag:s10] =	ssyncadd.s32 $0xFFFFF000  }
0x3a8: {  	s30 =	simm.s32 $0x0;
	s0 =	sshll.u32 s0, $0xE;
	_ =	swait.ge @!p1 [sflag:s6], $0x4000  }
0x3a9: {  	s31 =	sshrl.u32 s0, $0x2;
	s28 =	sor.u32 $0x100, s0;
	[sflag:s6] =	ssyncset.done @!p1 $0x0  }
0x3aa: {  	s29 =	sor.u32 $0xA800, s0;
	s26 =	sor.u32 $0x8040, s31;
	[sflag:s6] =	ssyncadd.s32 @!p1 $0xFFFFC000  }
.LBB2_21:
0x3ab: {  	s0 =	sshll.u32 s30, $0x7;
	v2 =	vld [tilespmem:s28+$0x80]  }
0x3ac: {  	v3 =	vld [tilespmem:s26+$0x20];
	s0 =	sand.u32 $0x3FFFFF80, s0  }
0x3ad: {  	v1 =	vld [tilespmem:s0+$0x12C00];
	_ =	sdelay $0x1  }
0x3ae: {  	v4 =	vld [tilespmem:s28+$0xFFFFFF00]  }
0x3af: {  	v5 =	vld [tilespmem:s28+$0xFFFFFF80];
	v2 =	vmul.f32 v2, v0  }
0x3b0: {  	v6 =	vld [tilespmem:s28+$0x0]  }
0x3b1: {  	v7 =	vld [tilespmem:s26+$0xFFFFFFE0];
	v9 =	vand.u32 $0x1, v3;
	v2 =	vsub.f32 v1, v2  }
0x3b2: {  	v10 =	vld [tilespmem:s26+$0xFFFFFFC0];
	vm0 =	veq.s32 v9, $0x0  }
0x3b3: {  	v2 =	vsel vm0, $0xCE6E6B28, v2  }
0x3b4: {  	v8 =	vld [tilespmem:s26+$0x0];
	v5 =	vmul.f32 v5, v0;
	[tilespmem:s29+$0x400] =	vst v2  }
0x3b5: {  	v4 =	vmul.f32 v4, v0;
	v2 =	vmul.f32 v6, v0;
	v6 =	vld [tilespmem:s28+$0x90]  }
0x3b6: {  	v9 =	vand.u32 $0x1, v7;
	v5 =	vsub.f32 v1, v5  }
0x3b7: {  	v12 =	vand.u32 $0x1, v10;
	v4 =	vsub.f32 v1, v4;
	vm0 =	veq.s32 v9, $0x0  }
0x3b8: {  	vm1 =	veq.s32 v12, $0x0;
	v5 =	vsel vm0, $0xCE6E6B28, v5  }
0x3b9: {  	v11 =	vand.u32 $0x1, v8;
	v4 =	vsel vm1, $0xCE6E6B28, v4;
	[tilespmem:s29+$0xFFFFFC00] =	vst v5;
	v2 =	vsub.f32 v1, v2  }
0x3ba: {  	vm0 =	veq.s32 v11, $0x0;
	[tilespmem:s29+$0xFFFFF800] =	vst v4;
	v4 =	vld [tilespmem:s28+$0xFFFFFF90];
	v5 =	vmul.f32 v6, v0  }
0x3bb: {  	v2 =	vsel vm0, $0xCE6E6B28, v2;
	v6 =	vld [tilespmem:s28+$0xFFFFFF10]  }
0x3bc: {  	v9 =	vand.u32 $0x100, v3;
	[tilespmem:s29+$0x0] =	vst v2;
	v5 =	vsub.f32 v1, v5  }
0x3bd: {  	vm0 =	veq.s32 v9, $0x0;
	v2 =	vld [tilespmem:s28+$0x10]  }
0x3be: {  	v5 =	vsel vm0, $0xCE6E6B28, v5  }
0x3bf: {  	v4 =	vmul.f32 v4, v0;
	[tilespmem:s29+$0x410] =	vst v5  }
0x3c0: {  	v6 =	vmul.f32 v6, v0;
	v9 =	vld [tilespmem:s28+$0xA0]  }
0x3c1: {  	v11 =	vand.u32 $0x100, v10;
	v4 =	vsub.f32 v1, v4;
	v5 =	vand.u32 $0x100, v7  }
0x3c2: {  	v2 =	vmul.f32 v2, v0;
	vm0 =	veq.s32 v5, $0x0;
	v5 =	vsub.f32 v1, v6  }
0x3c3: {  	vm1 =	veq.s32 v11, $0x0;
	v4 =	vsel vm0, $0xCE6E6B28, v4  }
0x3c4: {  	v12 =	vand.u32 $0x100, v8;
	v2 =	vsub.f32 v1, v2;
	[tilespmem:s29+$0xFFFFFC10] =	vst v4;
	v5 =	vsel vm1, $0xCE6E6B28, v5  }
0x3c5: {  	vm0 =	veq.s32 v12, $0x0;
	v4 =	vld [tilespmem:s28+$0xFFFFFFA0];
	[tilespmem:s29+$0xFFFFF810] =	vst v5;
	v5 =	vmul.f32 v9, v0  }
0x3c6: {  	v2 =	vsel vm0, $0xCE6E6B28, v2;
	v6 =	vld [tilespmem:s28+$0xFFFFFF20]  }
0x3c7: {  	[tilespmem:s29+$0x10] =	vst v2;
	v9 =	vand.u32 $0x10000, v3;
	v5 =	vsub.f32 v1, v5  }
0x3c8: {  	v2 =	vld [tilespmem:s28+$0x20];
	vm0 =	veq.s32 v9, $0x0  }
0x3c9: {  	v5 =	vsel vm0, $0xCE6E6B28, v5  }
0x3ca: {  	v4 =	vmul.f32 v4, v0;
	[tilespmem:s29+$0x420] =	vst v5  }
0x3cb: {  	v11 =	vand.u32 $0x10000, v7;
	v6 =	vmul.f32 v6, v0;
	v9 =	vld [tilespmem:s28+$0xB0]  }
0x3cc: {  	vm0 =	veq.s32 v11, $0x0;
	v4 =	vsub.f32 v1, v4  }
0x3cd: {  	v5 =	vand.u32 $0x10000, v10;
	v2 =	vmul.f32 v2, v0;
	v6 =	vsub.f32 v1, v6  }
0x3ce: {  	vm1 =	veq.s32 v5, $0x0;
	v4 =	vsel vm0, $0xCE6E6B28, v4  }
0x3cf: {  	v12 =	vand.u32 $0x10000, v8;
	v2 =	vsub.f32 v1, v2;
	[tilespmem:s29+$0xFFFFFC20] =	vst v4;
	v5 =	vsel vm1, $0xCE6E6B28, v6  }
0x3d0: {  	vm0 =	veq.s32 v12, $0x0;
	v4 =	vld [tilespmem:s28+$0xFFFFFFB0];
	[tilespmem:s29+$0xFFFFF820] =	vst v5;
	v5 =	vmul.f32 v9, v0  }
0x3d1: {  	v2 =	vsel vm0, $0xCE6E6B28, v2;
	v6 =	vld [tilespmem:s28+$0xFFFFFF30]  }
0x3d2: {  	v3 =	vand.u32 $0x1000000, v3;
	[tilespmem:s29+$0x20] =	vst v2;
	v5 =	vsub.f32 v1, v5  }
0x3d3: {  	vm0 =	veq.s32 v3, $0x0;
	v2 =	vld [tilespmem:s28+$0x30]  }
0x3d4: {  	v3 =	vsel vm0, $0xCE6E6B28, v5  }
0x3d5: {  	[tilespmem:s29+$0x430] =	vst v3  }
0x3d6: {  	s8 =	sadd.s32 $0x400, s26;
	v7 =	vand.u32 $0x1000000, v7;
	v4 =	vmul.f32 v4, v0;
	v5 =	vmul.f32 v6, v0;
	v6 =	vld [tilespmem:s28+$0xC0]  }
0x3d7: {  	v17 =	vld [tilespmem:s8+$0x0];
	vm0 =	veq.s32 v7, $0x0  }
0x3d8: {  	v4 =	vsub.f32 v1, v4;
	v2 =	vmul.f32 v2, v0;
	v7 =	vsub.f32 v1, v5;
	v5 =	vld [tilespmem:s26+$0x30]  }
0x3d9: {  	v19 =	vld [tilespmem:s8+$0xFFFFFFC0];
	s16 =	sadd.s32 $0x400, s8;
	v8 =	vand.u32 $0x1000000, v8;
	v3 =	vand.u32 $0x1000000, v10  }
0x3da: {  	v33 =	vld [tilespmem:s16+$0xFFFFFFE0];
	vm1 =	veq.s32 v3, $0x0;
	v3 =	vsel vm0, $0xCE6E6B28, v4;
	v2 =	vsub.f32 v1, v2  }
0x3db: {  	s4 =	sadd.s32 $0x200, s28;
	v36 =	vld [tilespmem:s16+$0xFFFFFFC0];
	vm0 =	veq.s32 v8, $0x0;
	[tilespmem:s29+$0xFFFFFC30] =	vst v3;
	v4 =	vsel vm1, $0xCE6E6B28, v7;
	v3 =	vmul.f32 v6, v0  }
0x3dc: {  	v11 =	vld [tilespmem:s4+$0xFFFFFF00];
	v2 =	vsel vm0, $0xCE6E6B28, v2;
	[tilespmem:s29+$0xFFFFF830] =	vst v4  }
0x3dd: {  	v12 =	vld [tilespmem:s4+$0xFFFFFF80];
	[tilespmem:s29+$0x30] =	vst v2;
	v2 =	vand.u32 $0x1, v5;
	v9 =	vsub.f32 v1, v3  }
0x3de: {  	v6 =	vld [tilespmem:s28+$0xFFFFFF40];
	vm0 =	veq.s32 v2, $0x0  }
0x3df: {  	v2 =	vsel vm0, $0xCE6E6B28, v9;
	v9 =	vld [tilespmem:s4+$0x80]  }
0x3e0: {  	v4 =	vld [tilespmem:s26+$0xFFFFFFD0]  }
0x3e1: {  	v20 =	vand.u32 $0x1, v19;
	[tilespmem:s29+$0x440] =	vst v2;
	v2 =	vld [tilespmem:s8+$0x20]  }
0x3e2: {  	v59 =	vand.u32 $0x1, v17;
	vm2 =	veq.s32 v20, $0x0;
	v11 =	vmul.f32 v11, v0;
	v10 =	vld [tilespmem:s28+$0xD0]  }
0x3e3: {  	v38 =	vand.u32 $0x100, v33;
	v40 =	vand.u32 $0x100, v36;
	v3 =	vld [tilespmem:s26+$0xFFFFFFF0];
	v6 =	vmul.f32 v6, v0  }
0x3e4: {  	v14 =	vld [tilespmem:s4+$0x0];
	v43 =	vand.u32 $0x10000, v36;
	v11 =	vsub.f32 v1, v11;
	v9 =	vmul.f32 v9, v0  }
0x3e5: {  	v16 =	vld [tilespmem:s8+$0xFFFFFFE0];
	v12 =	vmul.f32 v12, v0;
	v13 =	vand.u32 $0x1, v4;
	v6 =	vsub.f32 v1, v6  }
0x3e6: {  	v7 =	vld [tilespmem:s28+$0xFFFFFFC0];
	vm0 =	veq.s32 v13, $0x0;
	v18 =	vand.u32 $0x1, v2;
	v9 =	vsub.f32 v1, v9  }
0x3e7: {  	v8 =	vld [tilespmem:s28+$0x40];
	v6 =	vsel vm0, $0xCE6E6B28, v6;
	v10 =	vmul.f32 v10, v0;
	vm0 =	veq.s32 v18, $0x0  }
0x3e8: {  	s31 =	sadd.s32 $0x1000, s29;
	v12 =	vsub.f32 v1, v12;
	v13 =	vand.u32 $0x1, v3;
	v9 =	vsel vm0, $0xCE6E6B28, v9  }
0x3e9: {  	v63 =	vld [tilespmem:s26+$0x10];
	v58 =	vand.u32 $0x100, v5;
	vm1 =	veq.s32 v13, $0x0;
	v10 =	vsub.f32 v1, v10;
	[tilespmem:s31+$0x400] =	vst v9  }
0x3ea: {  	vm0 =	veq.s32 v58, $0x0;
	v9 =	vmul.f32 v14, v0;
	v14 =	vand.u32 $0x1, v16;
	v13 =	vld [tilespmem:s4+$0x90]  }
0x3eb: {  	v7 =	vmul.f32 v7, v0;
	v10 =	vsel vm0, $0xCE6E6B28, v10;
	vm0 =	veq.s32 v14, $0x0  }
0x3ec: {  	v11 =	vsel vm2, $0xCE6E6B28, v11;
	v8 =	vmul.f32 v8, v0;
	[tilespmem:s29+$0x450] =	vst v10;
	v10 =	vsel vm0, $0xCE6E6B28, v12  }
0x3ed: {  	v7 =	vsub.f32 v1, v7;
	v15 =	vand.u32 $0x100, v4;
	v9 =	vsub.f32 v1, v9;
	v12 =	vld [tilespmem:s28+$0xE0];
	[tilespmem:s31+$0xFFFFFC00] =	vst v10  }
0x3ee: {  	[tilespmem:s31+$0xFFFFF800] =	vst v11;
	v25 =	vand.u32 $0x1, v63;
	v8 =	vsub.f32 v1, v8;
	vm0 =	veq.s32 v59, $0x0;
	v11 =	vld [tilespmem:s4+$0xFFFFFF90]  }
0x3ef: {  	v60 =	vld [tilespmem:s4+$0xFFFFFF10];
	v21 =	vand.u32 $0x100, v2;
	v9 =	vsel vm0, $0xCE6E6B28, v9;
	v13 =	vmul.f32 v13, v0  }
0x3f0: {  	v7 =	vsel vm1, $0xCE6E6B28, v7;
	vm3 =	veq.s32 v21, $0x0;
	v14 =	vand.u32 $0x100, v16;
	[tilespmem:s31+$0x0] =	vst v9  }
0x3f1: {  	vm2 =	veq.s32 v14, $0x0;
	v14 =	vand.u32 $0x10000, v19;
	v61 =	vld [tilespmem:s4+$0x10];
	v13 =	vsub.f32 v1, v13  }
0x3f2: {  	vm0 =	veq.s32 v15, $0x0;
	v15 =	vand.u32 $0x100, v19;
	v12 =	vmul.f32 v12, v0  }
0x3f3: {  	vm1 =	veq.s32 v15, $0x0;
	v11 =	vmul.f32 v11, v0;
	v13 =	vsel vm3, $0xCE6E6B28, v13  }
0x3f4: {  	v15 =	vmul.f32 v60, v0;
	v12 =	vsub.f32 v1, v12;
	[tilespmem:s31+$0x410] =	vst v13;
	v13 =	vand.u32 $0x10000, v5  }
0x3f5: {  	[tilespmem:s29+$0xFFFFF840] =	vst v6;
	v9 =	vand.u32 $0x100, v17;
	v11 =	vsub.f32 v1, v11;
	v62 =	vld [tilespmem:s4+$0xA0];
	vm4 =	veq.s32 v13, $0x0  }
0x3f6: {  	[tilespmem:s29+$0xFFFFFC40] =	vst v7;
	v15 =	vsub.f32 v1, v15;
	v13 =	vmul.f32 v61, v0;
	v12 =	vsel vm4, $0xCE6E6B28, v12  }
0x3f7: {  	v24 =	vld [tilespmem:s28+$0xFFFFFF50];
	vm3 =	veq.s32 v9, $0x0;
	v9 =	vand.u32 $0x10000, v16;
	v11 =	vsel vm2, $0xCE6E6B28, v11;
	[tilespmem:s29+$0x460] =	vst v12  }
0x3f8: {  	v27 =	vld [tilespmem:s28+$0xFFFFFFD0];
	vm6 =	veq.s32 v9, $0x0;
	v9 =	vsel vm1, $0xCE6E6B28, v15;
	v12 =	vsub.f32 v1, v13;
	[tilespmem:s31+$0xFFFFFC10] =	vst v11  }
0x3f9: {  	v6 =	vand.u32 $0x10000, v17;
	v10 =	vand.u32 $0x100, v3;
	vm5 =	veq.s32 v14, $0x0;
	[tilespmem:s31+$0xFFFFF810] =	vst v9;
	v9 =	vld [tilespmem:s4+$0xFFFFFFA0]  }
0x3fa: {  	v26 =	vld [tilespmem:s4+$0xFFFFFF20];
	vm2 =	veq.s32 v25, $0x0;
	v12 =	vsel vm3, $0xCE6E6B28, v12;
	v13 =	vmul.f32 v62, v0  }
0x3fb: {  	v14 =	vand.u32 $0x1000000, v16;
	vm4 =	veq.s32 v6, $0x0;
	v8 =	vsel vm2, $0xCE6E6B28, v8;
	v6 =	vld [tilespmem:s28+$0xF0];
	[tilespmem:s31+$0x10] =	vst v12  }
0x3fc: {  	v11 =	vand.u32 $0x1000000, v19;
	[tilespmem:s29+$0x40] =	vst v8;
	v12 =	vand.u32 $0x10000, v2;
	v7 =	vld [tilespmem:s4+$0x20];
	v13 =	vsub.f32 v1, v13  }
0x3fd: {  	vm1 =	veq.s32 v11, $0x0;
	v11 =	vmul.f32 v24, v0;
	vm2 =	veq.s32 v12, $0x0;
	v12 =	vld [tilespmem:s28+$0x50]  }
0x3fe: {  	v5 =	vand.u32 $0x1000000, v5;
	v9 =	vmul.f32 v9, v0;
	v8 =	vsel vm2, $0xCE6E6B28, v13  }
0x3ff: {  	vm3 =	veq.s32 v14, $0x0;
	[tilespmem:s31+$0x420] =	vst v8;
	v8 =	vsub.f32 v1, v11;
	v11 =	vmul.f32 v26, v0  }
0x400: {  	v14 =	vmul.f32 v27, v0;
	v6 =	vmul.f32 v6, v0;
	v9 =	vsub.f32 v1, v9;
	v13 =	vld [tilespmem:s4+$0xB0]  }
0x401: {  	v7 =	vmul.f32 v7, v0;
	v11 =	vsub.f32 v1, v11;
	v8 =	vsel vm0, $0xCE6E6B28, v8  }
0x402: {  	vm0 =	veq.s32 v5, $0x0;
	v5 =	vsel vm6, $0xCE6E6B28, v9;
	v9 =	vmul.f32 v12, v0;
	[tilespmem:s29+$0xFFFFF850] =	vst v8  }
0x403: {  	v12 =	vand.u32 $0x100, v63;
	v7 =	vsub.f32 v1, v7;
	[tilespmem:s31+$0xFFFFFC20] =	vst v5;
	v11 =	vsel vm5, $0xCE6E6B28, v11;
	v5 =	vld [tilespmem:s28+$0xFFFFFF60]  }
0x404: {  	v6 =	vsub.f32 v1, v6;
	v8 =	vsub.f32 v1, v14;
	vm5 =	veq.s32 v12, $0x0;
	[tilespmem:s31+$0xFFFFF820] =	vst v11;
	v11 =	vld [tilespmem:s4+$0xFFFFFFB0]  }
0x405: {  	v7 =	vsel vm4, $0xCE6E6B28, v7;
	vm4 =	veq.s32 v10, $0x0;
	v13 =	vmul.f32 v13, v0;
	v10 =	vld [tilespmem:s4+$0xFFFFFF30]  }
0x406: {  	v9 =	vsub.f32 v1, v9;
	v12 =	vand.u32 $0x1000000, v2;
	v2 =	vsel vm0, $0xCE6E6B28, v6  }
0x407: {  	vm0 =	veq.s32 v12, $0x0;
	[tilespmem:s31+$0x20] =	vst v7;
	v7 =	vsel vm4, $0xCE6E6B28, v8;
	v13 =	vsub.f32 v1, v13  }
0x408: {  	v6 =	vsel vm5, $0xCE6E6B28, v9;
	v8 =	vld [tilespmem:s4+$0x30];
	[tilespmem:s29+$0xFFFFFC50] =	vst v7;
	v7 =	vand.u32 $0x10000, v4;
	v5 =	vmul.f32 v5, v0  }
0x409: {  	[tilespmem:s29+$0x50] =	vst v6;
	v9 =	vld [tilespmem:s28+$0xFFFFFFE0];
	v6 =	vsel vm0, $0xCE6E6B28, v13;
	vm0 =	veq.s32 v7, $0x0;
	v11 =	vmul.f32 v11, v0  }
0x40a: {  	v12 =	vld [tilespmem:s28+$0x60];
	v7 =	vand.u32 $0x10000, v3;
	[tilespmem:s31+$0x430] =	vst v6;
	v10 =	vmul.f32 v10, v0;
	v5 =	vsub.f32 v1, v5  }
0x40b: {  	s6 =	sadd.s32 $0x200, s4;
	vm8 =	veq.s32 v43, $0x0;
	vm4 =	veq.s32 v7, $0x0;
	v13 =	vld [tilespmem:s4+$0xC0];
	v7 =	vsub.f32 v1, v11  }
0x40c: {  	v30 =	vld [tilespmem:s6+$0xFFFFFF80];
	v6 =	vand.u32 $0x10000, v63;
	v10 =	vsub.f32 v1, v10;
	v5 =	vsel vm0, $0xCE6E6B28, v5  }
0x40d: {  	v15 =	vand.u32 $0x1000000, v17;
	vm5 =	veq.s32 v6, $0x0;
	v6 =	vld [tilespmem:s8+$0x30];
	v7 =	vsel vm3, $0xCE6E6B28, v7;
	[tilespmem:s29+$0xFFFFF860] =	vst v5  }
0x40e: {  	vm2 =	veq.s32 v15, $0x0;
	v4 =	vand.u32 $0x1000000, v4;
	v10 =	vsel vm1, $0xCE6E6B28, v10;
	[tilespmem:s31+$0xFFFFFC30] =	vst v7;
	v7 =	vld [tilespmem:s28+$0xFFFFFF70]  }
0x40f: {  	v32 =	vld [tilespmem:s6+$0x0];
	v3 =	vand.u32 $0x1000000, v3;
	v8 =	vmul.f32 v8, v0;
	v9 =	vmul.f32 v9, v0;
	[tilespmem:s31+$0xFFFFF830] =	vst v10  }
0x410: {  	vm0 =	veq.s32 v4, $0x0;
	v5 =	vmul.f32 v12, v0;
	v11 =	vmul.f32 v13, v0;
	v12 =	vld [tilespmem:s4+$0xFFFFFF40]  }
0x411: {  	v8 =	vsub.f32 v1, v8;
	vm3 =	veq.s32 v3, $0x0;
	v9 =	vsub.f32 v1, v9;
	v10 =	vld [tilespmem:s4+$0xFFFFFFC0]  }
0x412: {  	v5 =	vsub.f32 v1, v5;
	v14 =	vand.u32 $0x1, v6;
	v4 =	vld [tilespmem:s8+$0xFFFFFFD0];
	v11 =	vsub.f32 v1, v11  }
0x413: {  	v8 =	vsel vm2, $0xCE6E6B28, v8;
	v3 =	vld [tilespmem:s8+$0xFFFFFFF0];
	vm1 =	veq.s32 v14, $0x0;
	v7 =	vmul.f32 v7, v0  }
0x414: {  	[tilespmem:s31+$0x30] =	vst v8;
	v8 =	vsel vm4, $0xCE6E6B28, v9;
	v9 =	vsel vm5, $0xCE6E6B28, v5;
	v5 =	vsel vm1, $0xCE6E6B28, v11;
	v11 =	vld [tilespmem:s6+$0x80]  }
0x415: {  	v15 =	vand.u32 $0x1000000, v63;
	[tilespmem:s31+$0x440] =	vst v5;
	v12 =	vmul.f32 v12, v0;
	v5 =	vsub.f32 v1, v7;
	v7 =	vld [tilespmem:s16+$0x20]  }
0x416: {  	v18 =	vmul.f32 v30, v0;
	vm4 =	veq.s32 v15, $0x0;
	v10 =	vmul.f32 v10, v0;
	v14 =	vld [tilespmem:s4+$0xD0]  }
0x417: {  	vm1 =	vmmov vm3;
	v28 =	vand.u32 $0x1, v4;
	v12 =	vsub.f32 v1, v12  }
0x418: {  	v31 =	vand.u32 $0x1, v3;
	v10 =	vsub.f32 v1, v10;
	vm3 =	veq.s32 v28, $0x0  }
0x419: {  	v15 =	vld [tilespmem:s6+$0xFFFFFF00];
	v11 =	vmul.f32 v11, v0;
	v12 =	vsel vm3, $0xCE6E6B28, v12;
	vm3 =	veq.s32 v31, $0x0  }
0x41a: {  	v16 =	vand.u32 $0x1000000, v33;
	v19 =	vmul.f32 v32, v0;
	v34 =	vsel vm3, $0xCE6E6B28, v10  }
0x41b: {  	v22 =	vand.u32 $0x1, v7;
	v10 =	vmul.f32 v14, v0;
	v11 =	vsub.f32 v1, v11  }
0x41c: {  	vm2 =	vmmov vm0;
	vm0 =	vmmov vm4;
	vm4 =	veq.s32 v22, $0x0  }
0x41d: {  	s0 =	sadd.s32 $0x1000, s31;
	v37 =	vand.u32 $0x100, v6;
	v14 =	vld [tilespmem:s16+$0x0];
	v10 =	vsub.f32 v1, v10;
	v11 =	vsel vm4, $0xCE6E6B28, v11  }
0x41e: {  	v25 =	vand.u32 $0x1, v36;
	v15 =	vmul.f32 v15, v0;
	vm4 =	veq.s32 v37, $0x0;
	[tilespmem:s0+$0x400] =	vst v11  }
0x41f: {  	v19 =	vsub.f32 v1, v19;
	vm6 =	veq.s32 v25, $0x0;
	v10 =	vsel vm4, $0xCE6E6B28, v10;
	v23 =	vld [tilespmem:s6+$0x90]  }
0x420: {  	v13 =	vld [tilespmem:s4+$0x40];
	v11 =	vsub.f32 v1, v15;
	v15 =	vand.u32 $0x1, v33;
	[tilespmem:s31+$0x450] =	vst v10;
	v10 =	vsub.f32 v1, v18  }
0x421: {  	v46 =	vand.u32 $0x10000, v6;
	v6 =	vand.u32 $0x1000000, v6;
	vm4 =	veq.s32 v15, $0x0  }
0x422: {  	vm12 =	veq.s32 v6, $0x0;
	v39 =	vand.u32 $0x1, v14;
	v10 =	vsel vm4, $0xCE6E6B28, v10  }
0x423: {  	v35 =	vand.u32 $0x100, v3;
	v11 =	vsel vm6, $0xCE6E6B28, v11;
	v24 =	vld [tilespmem:s4+$0xE0];
	vm5 =	veq.s32 v39, $0x0;
	[tilespmem:s0+$0xFFFFFC00] =	vst v10  }
0x424: {  	v29 =	vand.u32 $0x100, v4;
	[tilespmem:s0+$0xFFFFF800] =	vst v11;
	v15 =	vsel vm5, $0xCE6E6B28, v19;
	v11 =	vld [tilespmem:s6+$0xFFFFFF90];
	v41 =	vmul.f32 v23, v0  }
0x425: {  	vm13 =	veq.s32 v35, $0x0;
	v13 =	vmul.f32 v13, v0;
	v45 =	vand.u32 $0x100, v7;
	v42 =	vld [tilespmem:s6+$0xFFFFFF10];
	[tilespmem:s0+$0x0] =	vst v15  }
0x426: {  	[tilespmem:s31+$0xFFFFF840] =	vst v12;
	vm6 =	veq.s32 v38, $0x0;
	v12 =	vand.u32 $0x10000, v14;
	v44 =	vld [tilespmem:s6+$0x10];
	v18 =	vsub.f32 v1, v41  }
0x427: {  	[tilespmem:s29+$0xFFFFFC60] =	vst v8;
	vm7 =	veq.s32 v12, $0x0;
	vm4 =	veq.s32 v45, $0x0;
	v10 =	vand.u32 $0x100, v14  }
0x428: {  	[tilespmem:s29+$0x60] =	vst v9;
	vm10 =	veq.s32 v10, $0x0;
	v10 =	vmul.f32 v24, v0;
	v18 =	vsel vm4, $0xCE6E6B28, v18  }
0x429: {  	v9 =	vld [tilespmem:s28+$0xFFFFFFF0];
	vm5 =	veq.s32 v40, $0x0;
	v15 =	vand.u32 $0x10000, v33;
	v11 =	vmul.f32 v11, v0;
	[tilespmem:s0+$0x410] =	vst v18  }
0x42a: {  	vm9 =	veq.s32 v15, $0x0;
	v19 =	vmul.f32 v42, v0;
	v47 =	vsub.f32 v1, v10;
	v12 =	vld [tilespmem:s6+$0xA0]  }
0x42b: {  	v10 =	vld [tilespmem:s8+$0x10];
	vm4 =	veq.s32 v46, $0x0;
	v50 =	vmul.f32 v44, v0;
	v11 =	vsub.f32 v1, v11  }
0x42c: {  	v48 =	vld [tilespmem:s4+$0xFFFFFF50];
	[tilespmem:s31+$0xFFFFFC40] =	vst v34;
	v15 =	vand.u32 $0x1000000, v36;
	v19 =	vsub.f32 v1, v19;
	v49 =	vsel vm4, $0xCE6E6B28, v47  }
0x42d: {  	v51 =	vld [tilespmem:s4+$0xFFFFFFD0];
	vm4 =	veq.s32 v15, $0x0;
	[tilespmem:s31+$0x460] =	vst v49;
	v15 =	vsub.f32 v1, v50;
	v11 =	vsel vm6, $0xCE6E6B28, v11  }
0x42e: {  	v9 =	vmul.f32 v9, v0;
	v14 =	vand.u32 $0x1000000, v14;
	v19 =	vsel vm5, $0xCE6E6B28, v19;
	v18 =	vld [tilespmem:s4+$0xF0];
	[tilespmem:s0+$0xFFFFFC10] =	vst v11  }
0x42f: {  	vm5 =	veq.s32 v14, $0x0;
	[tilespmem:s0+$0xFFFFF810] =	vst v19;
	v14 =	vsel vm10, $0xCE6E6B28, v15;
	v11 =	vld [tilespmem:s6+$0xFFFFFFA0];
	v12 =	vmul.f32 v12, v0  }
0x430: {  	v13 =	vsub.f32 v1, v13;
	vm3 =	veq.s32 v29, $0x0;
	v15 =	vand.u32 $0x1, v10;
	v52 =	vld [tilespmem:s6+$0xFFFFFF20];
	[tilespmem:s0+$0x10] =	vst v14  }
0x431: {  	v54 =	vand.u32 $0x10000, v7;
	vm14 =	veq.s32 v15, $0x0;
	v53 =	vld [tilespmem:s6+$0x20];
	v12 =	vsub.f32 v1, v12  }
0x432: {  	v7 =	vand.u32 $0x1000000, v7;
	vm15 =	veq.s32 v54, $0x0;
	v13 =	vsel vm14, $0xCE6E6B28, v13  }
0x433: {  	v14 =	vmul.f32 v48, v0;
	[tilespmem:s31+$0x40] =	vst v13;
	v15 =	vmul.f32 v18, v0;
	v12 =	vsel vm15, $0xCE6E6B28, v12  }
0x434: {  	vm6 =	veq.s32 v16, $0x0;
	v56 =	vand.u32 $0x100, v10;
	v55 =	vld [tilespmem:s4+$0x50];
	v6 =	vmul.f32 v11, v0;
	[tilespmem:s0+$0x420] =	vst v12  }
0x435: {  	v13 =	vsub.f32 v1, v15;
	v11 =	vsub.f32 v1, v14;
	v12 =	vmul.f32 v52, v0;
	v14 =	vld [tilespmem:s6+$0xB0]  }
0x436: {  	v15 =	vmul.f32 v51, v0;
	v8 =	vmul.f32 v53, v0;
	v6 =	vsub.f32 v1, v6  }
0x437: {  	v13 =	vsel vm12, $0xCE6E6B28, v13;
	v12 =	vsub.f32 v1, v12;
	v11 =	vsel vm3, $0xCE6E6B28, v11  }
0x438: {  	v57 =	vld [tilespmem:s28+$0x70];
	v15 =	vsub.f32 v1, v15;
	v8 =	vsub.f32 v1, v8;
	[tilespmem:s31+$0xFFFFF850] =	vst v11;
	v6 =	vsel vm9, $0xCE6E6B28, v6  }
0x439: {  	vm3 =	veq.s32 v56, $0x0;
	v11 =	vmul.f32 v55, v0;
	v12 =	vsel vm8, $0xCE6E6B28, v12;
	v58 =	vld [tilespmem:s4+$0xFFFFFF60];
	[tilespmem:s0+$0xFFFFFC20] =	vst v6  }
0x43a: {  	v15 =	vsel vm13, $0xCE6E6B28, v15;
	v8 =	vsel vm7, $0xCE6E6B28, v8;
	[tilespmem:s0+$0xFFFFF820] =	vst v12;
	v12 =	vld [tilespmem:s6+$0xFFFFFFB0];
	v14 =	vmul.f32 v14, v0  }
0x43b: {  	v6 =	vand.u32 $0x10000, v4;
	v11 =	vsub.f32 v1, v11;
	[tilespmem:s0+$0x20] =	vst v8;
	v8 =	vand.u32 $0x10000, v10;
	v59 =	vld [tilespmem:s6+$0xFFFFFF30]  }
0x43c: {  	[tilespmem:s31+$0xFFFFFC50] =	vst v15;
	vm14 =	veq.s32 v6, $0x0;
	v6 =	vand.u32 $0x10000, v3;
	v60 =	vld [tilespmem:s6+$0x30];
	v14 =	vsub.f32 v1, v14  }
0x43d: {  	v11 =	vsel vm3, $0xCE6E6B28, v11;
	vm3 =	veq.s32 v7, $0x0;
	vm15 =	veq.s32 v6, $0x0;
	v6 =	vld [tilespmem:s4+$0xFFFFFFE0]  }
0x43e: {  	vm7 =	veq.s32 v8, $0x0;
	[tilespmem:s31+$0x50] =	vst v11;
	v8 =	vmul.f32 v58, v0;
	v7 =	vsel vm3, $0xCE6E6B28, v14  }
0x43f: {  	v11 =	vld [tilespmem:s4+$0x60];
	v14 =	vand.u32 $0x1000000, v4;
	v4 =	vmul.f32 v57, v0;
	v12 =	vmul.f32 v12, v0;
	[tilespmem:s0+$0x430] =	vst v7  }
0x440: {  	v15 =	vmul.f32 v59, v0;
	v17 =	vsub.f32 v1, v8;
	v7 =	vsub.f32 v1, v9;
	v61 =	vld [tilespmem:s6+$0xC0]  }
0x441: {  	[tilespmem:s29+$0x470] =	vst v2;
	v8 =	vsub.f32 v1, v4;
	v4 =	vld [tilespmem:s16+$0x30];
	v9 =	vsub.f32 v1, v12;
	v12 =	vmul.f32 v60, v0  }
0x442: {  	[tilespmem:s31+$0x470] =	vst v13;
	v6 =	vmul.f32 v6, v0;
	v2 =	vsub.f32 v1, v15;
	v15 =	vsel vm14, $0xCE6E6B28, v17  }
0x443: {  	vm3 =	veq.s32 v14, $0x0;
	[tilespmem:s31+$0xFFFFF860] =	vst v15;
	v9 =	vsel vm6, $0xCE6E6B28, v9;
	v62 =	vsub.f32 v1, v12  }
0x444: {  	v11 =	vmul.f32 v11, v0;
	v6 =	vsub.f32 v1, v6;
	v2 =	vsel vm4, $0xCE6E6B28, v2;
	[tilespmem:s0+$0xFFFFFC30] =	vst v9;
	v9 =	vld [tilespmem:s4+$0xFFFFFF70]  }
0x445: {  	v15 =	vand.u32 $0x1000000, v3;
	[tilespmem:s0+$0xFFFFF830] =	vst v2;
	v12 =	vld [tilespmem:s6+$0xFFFFFFC0];
	v2 =	vsel vm5, $0xCE6E6B28, v62;
	v3 =	vmul.f32 v61, v0  }
0x446: {  	vm4 =	veq.s32 v15, $0x0;
	v63 =	vsub.f32 v1, v11;
	v11 =	vld [tilespmem:s6+$0xFFFFFF40];
	v13 =	vand.u32 $0x1, v4;
	[tilespmem:s0+$0x30] =	vst v2  }
0x447: {  	v2 =	vsel vm15, $0xCE6E6B28, v6;
	v6 =	vand.u32 $0x1000000, v10;
	v10 =	vld [tilespmem:s6+$0x40];
	v14 =	vsub.f32 v1, v3  }
0x448: {  	s11 =	smov.u32 s29;
	v16 =	vsel vm7, $0xCE6E6B28, v63;
	vm6 =	veq.s32 v13, $0x0;
	[tilespmem:s31+$0xFFFFFC60] =	vst v2;
	v3 =	vld [tilespmem:s16+$0xFFFFFFD0];
	vm5 =	veq.s32 v6, $0x0  }
0x449: {  	s13 =	sadd.s32 $0x200, s6;
	s9 =	smov.u32 s16;
	s8 =	simm.s32 $0x8;
	[tilespmem:s31+$0x60] =	vst v16;
	v2 =	vld [tilespmem:s16+$0xFFFFFFF0];
	v6 =	vsel vm2, $0xCE6E6B28, v5;
	v13 =	vsel vm6, $0xCE6E6B28, v14;
	v9 =	vmul.f32 v9, v0  }
.LBB2_22:
0x44a: {  	v14 =	vld [tilespmem:s13+$0x80];
	v12 =	vmul.f32 v12, v0;
	[tilespmem:s0+$0x440] =	vst v13;
	v13 =	vsel vm1, $0xCE6E6B28, v7;
	v8 =	vsel vm0, $0xCE6E6B28, v8  }
0x44b: {  	s8 =	sadd.s32 $0x4, s8;
	vm2 =	vmmov vm3;
	vm1 =	vmmov vm4;
	vm0 =	vmmov vm5  }
0x44c: {  	s16 =	sadd.s32 $0x400, s16;
	p1 =	slt.u32 s8, $0xC;
	v11 =	vmul.f32 v11, v0;
	v15 =	vld [tilespmem:s6+$0xD0];
	v5 =	vsub.f32 v1, v9;
	[tilespmem:s11+$0xFFFFF870] =	vst v6  }
0x44d: {  	v7 =	vld [tilespmem:s16+$0x20];
	v6 =	vsub.f32 v1, v12;
	v9 =	vmul.f32 v10, v0;
	[tilespmem:s11+$0xFFFFFC70] =	vst v13  }
0x44e: {  	v10 =	vld [tilespmem:s13+$0xFFFFFF00];
	v12 =	vand.u32 $0x1, v3;
	v13 =	vsub.f32 v1, v11;
	v16 =	vand.u32 $0x100, v3;
	[tilespmem:s11+$0x70] =	vst v8;
	s11 =	smov.u32 s31;
	s31 =	smov.u32 s0  }
0x44f: {  	v17 =	vld [tilespmem:s13+$0xFFFFFF80];
	vm3 =	veq.s32 v12, $0x0;
	v8 =	vand.u32 $0x1, v2;
	v11 =	vsub.f32 v1, v9  }
0x450: {  	v9 =	vld [tilespmem:s13+$0x0];
	v12 =	vmul.f32 v14, v0;
	v13 =	vsel vm3, $0xCE6E6B28, v13;
	vm3 =	veq.s32 v8, $0x0  }
0x451: {  	v8 =	vand.u32 $0x100, v2;
	v14 =	vld [tilespmem:s16+$0xFFFFFFE0];
	[tilespmem:s0+$0xFFFFF840] =	vst v13;
	v6 =	vsel vm3, $0xCE6E6B28, v6;
	v13 =	vmul.f32 v15, v0  }
0x452: {  	vm3 =	veq.s32 v16, $0x0;
	v15 =	vld [tilespmem:s16+$0x0];
	v18 =	vand.u32 $0x1, v7;
	v12 =	vsub.f32 v1, v12;
	[tilespmem:s0+$0xFFFFFC40] =	vst v6  }
0x453: {  	v16 =	vld [tilespmem:s16+$0xFFFFFFC0];
	vm4 =	veq.s32 v18, $0x0;
	v18 =	vand.u32 $0x100, v4;
	v13 =	vsub.f32 v1, v13  }
0x454: {  	s0 =	sadd.s32 $0x1000, s0;
	v10 =	vmul.f32 v10, v0;
	v12 =	vsel vm4, $0xCE6E6B28, v12;
	v6 =	vld [tilespmem:s9+$0x10];
	vm4 =	veq.s32 v18, $0x0;
	s9 =	smov.u32 s16  }
0x455: {  	v17 =	vmul.f32 v17, v0;
	v9 =	vmul.f32 v9, v0;
	[tilespmem:s0+$0x400] =	vst v12;
	v12 =	vld [tilespmem:s6+$0xFFFFFF50];
	v13 =	vsel vm4, $0xCE6E6B28, v13  }
0x456: {  	v10 =	vsub.f32 v1, v10;
	v18 =	vand.u32 $0x1, v14;
	v19 =	vand.u32 $0x100, v14;
	v20 =	vld [tilespmem:s13+$0x90];
	[tilespmem:s31+$0x450] =	vst v13  }
0x457: {  	v13 =	vsub.f32 v1, v17;
	v17 =	vand.u32 $0x1, v15;
	v9 =	vsub.f32 v1, v9;
	v21 =	vld [tilespmem:s6+$0xE0]  }
0x458: {  	vm4 =	veq.s32 v18, $0x0;
	v22 =	vand.u32 $0x1, v16;
	vm5 =	veq.s32 v17, $0x0;
	v17 =	vld [tilespmem:s6+$0xFFFFFFD0]  }
0x459: {  	v13 =	vsel vm4, $0xCE6E6B28, v13;
	vm6 =	veq.s32 v22, $0x0;
	v18 =	vsel vm5, $0xCE6E6B28, v9;
	v9 =	vld [tilespmem:s4+$0xFFFFFFF0]  }
0x45a: {  	v23 =	vand.u32 $0x100, v16;
	v22 =	vsel vm6, $0xCE6E6B28, v10;
	[tilespmem:s0+$0xFFFFFC00] =	vst v13;
	v13 =	vand.u32 $0x100, v15;
	v10 =	vld [tilespmem:s4+$0x70];
	s4 =	smov.u32 s6;
	s6 =	smov.u32 s13  }
0x45b: {  	vm4 =	veq.s32 v23, $0x0;
	vm6 =	veq.s32 v19, $0x0;
	[tilespmem:s0+$0xFFFFF800] =	vst v22;
	v19 =	vld [tilespmem:s13+$0xFFFFFF90];
	v20 =	vmul.f32 v20, v0  }
0x45c: {  	v23 =	vand.u32 $0x10000, v16;
	vm10 =	veq.s32 v13, $0x0;
	v22 =	vld [tilespmem:s13+$0xFFFFFF10];
	[tilespmem:s0+$0x0] =	vst v18;
	v13 =	vmul.f32 v21, v0  }
0x45d: {  	v24 =	vand.u32 $0x100, v7;
	v18 =	vand.u32 $0x10000, v14;
	v21 =	vld [tilespmem:s13+$0x10];
	v20 =	vsub.f32 v1, v20  }
0x45e: {  	vm5 =	veq.s32 v24, $0x0;
	v24 =	vand.u32 $0x10000, v4;
	v13 =	vsub.f32 v1, v13  }
0x45f: {  	v25 =	vand.u32 $0x10000, v15;
	v20 =	vsel vm5, $0xCE6E6B28, v20;
	vm5 =	veq.s32 v24, $0x0  }
0x460: {  	vm8 =	veq.s32 v23, $0x0;
	v19 =	vmul.f32 v19, v0;
	[tilespmem:s0+$0x410] =	vst v20;
	v13 =	vsel vm5, $0xCE6E6B28, v13  }
0x461: {  	vm7 =	veq.s32 v25, $0x0;
	vm9 =	veq.s32 v18, $0x0;
	v20 =	vmul.f32 v22, v0;
	v18 =	vld [tilespmem:s13+$0xA0];
	[tilespmem:s31+$0x460] =	vst v13  }
0x462: {  	v13 =	vand.u32 $0x1000000, v16;
	v16 =	vsub.f32 v1, v19;
	v19 =	vmul.f32 v21, v0;
	v21 =	vld [tilespmem:s4+$0xF0]  }
0x463: {  	v15 =	vand.u32 $0x1000000, v15;
	v14 =	vand.u32 $0x1000000, v14;
	v20 =	vsub.f32 v1, v20  }
0x464: {  	vm5 =	veq.s32 v13, $0x0;
	v13 =	vsel vm6, $0xCE6E6B28, v16;
	v16 =	vsub.f32 v1, v19  }
0x465: {  	vm6 =	veq.s32 v14, $0x0;
	v19 =	vsel vm4, $0xCE6E6B28, v20;
	[tilespmem:s0+$0xFFFFFC10] =	vst v13;
	vm4 =	veq.s32 v15, $0x0  }
0x466: {  	[tilespmem:s0+$0xFFFFF810] =	vst v19;
	v13 =	vld [tilespmem:s13+$0xFFFFFFA0];
	v14 =	vsel vm10, $0xCE6E6B28, v16;
	v15 =	vmul.f32 v18, v0;
	v16 =	vand.u32 $0x1, v6  }
0x467: {  	v12 =	vmul.f32 v12, v0;
	v18 =	vld [tilespmem:s13+$0xFFFFFF20];
	[tilespmem:s0+$0x10] =	vst v14;
	vm10 =	veq.s32 v16, $0x0;
	v14 =	vmul.f32 v21, v0  }
0x468: {  	v19 =	vand.u32 $0x10000, v7;
	v16 =	vld [tilespmem:s13+$0x20];
	v15 =	vsub.f32 v1, v15;
	v11 =	vsel vm10, $0xCE6E6B28, v11  }
0x469: {  	v4 =	vand.u32 $0x1000000, v4;
	vm10 =	veq.s32 v19, $0x0;
	[tilespmem:s31+$0x40] =	vst v11;
	v11 =	vsub.f32 v1, v14  }
0x46a: {  	v14 =	vsel vm10, $0xCE6E6B28, v15;
	v15 =	vmul.f32 v17, v0;
	v17 =	vld [tilespmem:s4+$0x50];
	vm10 =	veq.s32 v4, $0x0  }
0x46b: {  	v12 =	vsub.f32 v1, v12;
	v4 =	vmul.f32 v13, v0;
	[tilespmem:s0+$0x420] =	vst v14;
	v11 =	vsel vm10, $0xCE6E6B28, v11  }
0x46c: {  	v13 =	vmul.f32 v18, v0;
	v14 =	vld [tilespmem:s13+$0xB0];
	v15 =	vsub.f32 v1, v15;
	v18 =	vand.u32 $0x100, v6;
	[tilespmem:s31+$0x470] =	vst v11  }
0x46d: {  	vm10 =	veq.s32 v8, $0x0;
	v4 =	vsub.f32 v1, v4;
	v11 =	vmul.f32 v16, v0  }
0x46e: {  	v12 =	vsel vm3, $0xCE6E6B28, v12;
	vm11 =	veq.s32 v18, $0x0;
	v8 =	vsub.f32 v1, v13  }
0x46f: {  	v4 =	vsel vm9, $0xCE6E6B28, v4;
	v11 =	vsub.f32 v1, v11;
	[tilespmem:s31+$0xFFFFF850] =	vst v12;
	v12 =	vmul.f32 v17, v0  }
0x470: {  	v15 =	vsel vm10, $0xCE6E6B28, v15;
	v8 =	vsel vm8, $0xCE6E6B28, v8;
	[tilespmem:s0+$0xFFFFFC20] =	vst v4;
	v4 =	vand.u32 $0x10000, v3;
	v13 =	vld [tilespmem:s4+$0xFFFFFF60]  }
0x471: {  	[tilespmem:s0+$0xFFFFF820] =	vst v8;
	v8 =	vld [tilespmem:s13+$0xFFFFFFB0];
	v11 =	vsel vm7, $0xCE6E6B28, v11;
	v14 =	vmul.f32 v14, v0;
	v12 =	vsub.f32 v1, v12  }
0x472: {  	vm3 =	veq.s32 v4, $0x0;
	v4 =	vand.u32 $0x10000, v2;
	v16 =	vld [tilespmem:s13+$0xFFFFFF30];
	[tilespmem:s0+$0x20] =	vst v11;
	v11 =	vand.u32 $0x10000, v6  }
0x473: {  	v7 =	vand.u32 $0x1000000, v7;
	v17 =	vld [tilespmem:s13+$0x30];
	v14 =	vsub.f32 v1, v14;
	[tilespmem:s31+$0xFFFFFC50] =	vst v15;
	v12 =	vsel vm11, $0xCE6E6B28, v12  }
0x474: {  	vm9 =	veq.s32 v7, $0x0;
	vm8 =	veq.s32 v4, $0x0;
	vm7 =	veq.s32 v11, $0x0;
	v15 =	vld [tilespmem:s4+$0xFFFFFFE0];
	[tilespmem:s31+$0x50] =	vst v12  }
0x475: {  	v9 =	vmul.f32 v9, v0;
	v4 =	vsel vm9, $0xCE6E6B28, v14;
	v7 =	vmul.f32 v13, v0;
	v11 =	vld [tilespmem:s4+$0x60]  }
0x476: {  	v3 =	vand.u32 $0x1000000, v3;
	v8 =	vmul.f32 v8, v0;
	[tilespmem:s0+$0x430] =	vst v4;
	v4 =	vmul.f32 v10, v0  }
0x477: {  	v10 =	vmul.f32 v16, v0;
	v13 =	vld [tilespmem:s13+$0xC0];
	v12 =	vsub.f32 v1, v7;
	v7 =	vsub.f32 v1, v9  }
0x478: {  	v9 =	vsub.f32 v1, v8;
	v14 =	vmul.f32 v17, v0;
	v8 =	vsub.f32 v1, v4  }
0x479: {  	v10 =	vsub.f32 v1, v10;
	v4 =	vld [tilespmem:s16+$0x30];
	v12 =	vsel vm3, $0xCE6E6B28, v12;
	v15 =	vmul.f32 v15, v0  }
0x47a: {  	v9 =	vsel vm6, $0xCE6E6B28, v9;
	v14 =	vsub.f32 v1, v14;
	[tilespmem:s31+$0xFFFFF860] =	vst v12;
	v11 =	vmul.f32 v11, v0  }
0x47b: {  	v2 =	vand.u32 $0x1000000, v2;
	v10 =	vsel vm5, $0xCE6E6B28, v10;
	[tilespmem:s0+$0xFFFFFC30] =	vst v9;
	v9 =	vld [tilespmem:s4+$0xFFFFFF70];
	v15 =	vsub.f32 v1, v15  }
.Ltmp9:
0x47c: {  	[tilespmem:s0+$0xFFFFF830] =	vst v10;
	v12 =	vld [tilespmem:s13+$0xFFFFFFC0];
	v10 =	vsel vm4, $0xCE6E6B28, v14;
	v13 =	vmul.f32 v13, v0;
	v14 =	vsub.f32 v1, v11;
	(pc) =	sbr.rel @p1 .LBB2_22-.Ltmp9, $4  }
0x47d: {  	v6 =	vand.u32 $0x1000000, v6;
	vm3 =	veq.s32 v3, $0x0;
	v11 =	vld [tilespmem:s13+$0xFFFFFF40];
	[tilespmem:s0+$0x30] =	vst v10;
	v3 =	vsel vm8, $0xCE6E6B28, v15  }
0x47e: {  	v10 =	vld [tilespmem:s13+$0x40];
	v15 =	vand.u32 $0x1, v4;
	v13 =	vsub.f32 v1, v13;
	[tilespmem:s31+$0xFFFFFC60] =	vst v3;
	v14 =	vsel vm7, $0xCE6E6B28, v14  }
0x47f: {  	vm5 =	veq.s32 v6, $0x0;
	vm4 =	veq.s32 v2, $0x0;
	v3 =	vld [tilespmem:s16+$0xFFFFFFD0];
	vm6 =	veq.s32 v15, $0x0;
	[tilespmem:s31+$0x60] =	vst v14  }
0x480: {  	v6 =	vsel vm2, $0xCE6E6B28, v5;
	s13 =	sadd.s32 $0x200, s13;
	v2 =	vld [tilespmem:s16+$0xFFFFFFF0];
	v13 =	vsel vm6, $0xCE6E6B28, v13;
	v9 =	vmul.f32 v9, v0  }
0x481: {  	v5 =	vld [tilespmem:s9+$0x10]  }
0x482: {  	v12 =	vmul.f32 v12, v0;
	v11 =	vmul.f32 v11, v0  }
0x483: {  	v10 =	vmul.f32 v10, v0  }
0x484: {  	v12 =	vsub.f32 v1, v12;
	v14 =	vand.u32 $0x1, v3;
	v11 =	vsub.f32 v1, v11  }
0x485: {  	vm2 =	veq.s32 v14, $0x0;
	v36 =	vand.u32 $0x1, v2;
	v10 =	vsub.f32 v1, v10  }
0x486: {  	[tilespmem:s0+$0x440] =	vst v13;
	v11 =	vsel vm2, $0xCE6E6B28, v11;
	vm14 =	veq.s32 v36, $0x0;
	v37 =	vand.u32 $0x1, v5  }
0x487: {  	v13 =	vld [tilespmem:s6+$0xD0];
	[tilespmem:s0+$0xFFFFF840] =	vst v11;
	v38 =	vsel vm14, $0xCE6E6B28, v12;
	vm15 =	veq.s32 v37, $0x0  }
0x488: {  	[tilespmem:s0+$0xFFFFFC40] =	vst v38;
	v40 =	vld [tilespmem:s6+$0xFFFFFF50];
	v10 =	vsel vm15, $0xCE6E6B28, v10  }
0x489: {  	v42 =	vld [tilespmem:s6+$0xFFFFFFD0];
	[tilespmem:s0+$0x40] =	vst v10  }
0x48a: {  	v10 =	vld [tilespmem:s6+$0x50];
	_ =	sdelay $0x1  }
0x48b: {  	v41 =	vand.u32 $0x100, v4;
	v39 =	vmul.f32 v13, v0  }
0x48c: {  	vm6 =	veq.s32 v41, $0x0;
	v43 =	vand.u32 $0x100, v3;
	v11 =	vmul.f32 v40, v0  }
0x48d: {  	v15 =	vand.u32 $0x100, v2;
	v12 =	vsub.f32 v1, v39;
	v14 =	vmul.f32 v42, v0  }
0x48e: {  	vm7 =	veq.s32 v43, $0x0;
	v11 =	vsub.f32 v1, v11;
	v10 =	vmul.f32 v10, v0  }
0x48f: {  	v45 =	vand.u32 $0x100, v5;
	v12 =	vsel vm6, $0xCE6E6B28, v12;
	v44 =	vsub.f32 v1, v14  }
0x490: {  	vm8 =	veq.s32 v15, $0x0;
	[tilespmem:s0+$0x450] =	vst v12;
	v11 =	vsel vm7, $0xCE6E6B28, v11;
	v10 =	vsub.f32 v1, v10  }
0x491: {  	vm9 =	veq.s32 v45, $0x0;
	v12 =	vld [tilespmem:s6+$0xE0];
	v13 =	vsel vm8, $0xCE6E6B28, v44;
	[tilespmem:s0+$0xFFFFF850] =	vst v11  }
0x492: {  	v11 =	vld [tilespmem:s6+$0xFFFFFF60];
	[tilespmem:s0+$0xFFFFFC50] =	vst v13;
	v10 =	vsel vm9, $0xCE6E6B28, v10  }
0x493: {  	v47 =	vld [tilespmem:s6+$0xFFFFFFE0];
	[tilespmem:s0+$0x50] =	vst v10  }
0x494: {  	v10 =	vld [tilespmem:s6+$0x60]  }
0x495: {  	v46 =	vand.u32 $0x10000, v4;
	v7 =	vsel vm1, $0xCE6E6B28, v7  }
0x496: {  	v8 =	vsel vm0, $0xCE6E6B28, v8;
	v55 =	vand.u32 $0x1000000, v4;
	v12 =	vmul.f32 v12, v0  }
0x497: {  	v50 =	vld [tilespmem:s4+$0xFFFFFFF0];
	vm10 =	veq.s32 v46, $0x0;
	v48 =	vand.u32 $0x10000, v3;
	v11 =	vmul.f32 v11, v0  }
0x498: {  	v16 =	vld [tilespmem:s4+$0x70];
	vm11 =	veq.s32 v48, $0x0;
	v12 =	vsub.f32 v1, v12;
	v49 =	vmul.f32 v47, v0  }
0x499: {  	v51 =	vand.u32 $0x10000, v2;
	v11 =	vsub.f32 v1, v11;
	v10 =	vmul.f32 v10, v0  }
0x49a: {  	vm12 =	veq.s32 v51, $0x0;
	v12 =	vsel vm10, $0xCE6E6B28, v12;
	v13 =	vsub.f32 v1, v49  }
0x49b: {  	v52 =	vand.u32 $0x10000, v5;
	[tilespmem:s0+$0x460] =	vst v12;
	v11 =	vsel vm11, $0xCE6E6B28, v11;
	v10 =	vsub.f32 v1, v10  }
0x49c: {  	v56 =	vmul.f32 v50, v0;
	vm13 =	veq.s32 v52, $0x0;
	v12 =	vld [tilespmem:s6+$0xF0];
	[tilespmem:s0+$0xFFFFF860] =	vst v11;
	v53 =	vsel vm12, $0xCE6E6B28, v13  }
0x49d: {  	v9 =	vsub.f32 v1, v9;
	v58 =	vmul.f32 v16, v0;
	[tilespmem:s0+$0xFFFFFC60] =	vst v53;
	v54 =	vld [tilespmem:s6+$0xFFFFFF70];
	v10 =	vsel vm13, $0xCE6E6B28, v10  }
0x49e: {  	v3 =	vand.u32 $0x1000000, v3;
	v2 =	vand.u32 $0x1000000, v2;
	v61 =	vsub.f32 v1, v56;
	[tilespmem:s0+$0x60] =	vst v10;
	v57 =	vld [tilespmem:s6+$0xFFFFFFF0]  }
0x49f: {  	vm14 =	vmmov vm3;
	vm15 =	vmmov vm4;
	v4 =	vsub.f32 v1, v58;
	v59 =	vld [tilespmem:s6+$0x70]  }
0x4a0: {  	[tilespmem:s11+$0xFFFFF870] =	vst v6;
	v63 =	vsel vm15, $0xCE6E6B28, v61;
	vm8 =	vmmov vm5;
	vm9 =	veq.s32 v55, $0x0  }
0x4a1: {  	[tilespmem:s11+$0xFFFFFC70] =	vst v7;
	vm10 =	veq.s32 v3, $0x0;
	v3 =	vand.u32 $0x1000000, v5;
	v12 =	vmul.f32 v12, v0  }
0x4a2: {  	[tilespmem:s11+$0x70] =	vst v8;
	vm11 =	veq.s32 v2, $0x0;
	vm12 =	veq.s32 v3, $0x0;
	v2 =	vmul.f32 v54, v0  }
0x4a3: {  	s30 =	sadd.s32 $0x1, s30;
	[tilespmem:s31+$0xFFFFFC70] =	vst v63;
	v3 =	vsel vm14, $0xCE6E6B28, v9;
	v12 =	vsub.f32 v1, v12;
	v62 =	vmul.f32 v57, v0  }
0x4a4: {  	p1 =	sne.s32 s30, $0x8;
	v4 =	vsel vm8, $0xCE6E6B28, v4;
	[tilespmem:s31+$0xFFFFF870] =	vst v3;
	v2 =	vsub.f32 v1, v2;
	v3 =	vmul.f32 v59, v0  }
.Ltmp10:
0x4a5: {  	[tilespmem:s31+$0x70] =	vst v4;
	vm13 =	vmmov vm10;
	v60 =	vsel vm9, $0xCE6E6B28, v12;
	v5 =	vsub.f32 v1, v62;
	(pc) =	sbr.rel @p1 .LBB2_21-.Ltmp10, $4  }
0x4a6: {  	vm14 =	vmmov vm11;
	[tilespmem:s0+$0x470] =	vst v60;
	v1 =	vsub.f32 v1, v3;
	v2 =	vsel vm13, $0xCE6E6B28, v2  }
0x4a7: {  	vm15 =	vmmov vm12;
	v3 =	vsel vm14, $0xCE6E6B28, v5;
	[tilespmem:s0+$0xFFFFF870] =	vst v2  }
0x4a8: {  	v1 =	vsel vm15, $0xCE6E6B28, v1;
	[tilespmem:s0+$0xFFFFFC70] =	vst v3  }
0x4a9: {  	s26 =	sadd.s32 $0x80, s26;
	s28 =	sadd.s32 $0x800, s28;
	s29 =	sadd.s32 $0x80, s29;
	[tilespmem:s0+$0x70] =	vst v1  }
0x4aa: {  	s0 =	sadd.s32 s25, s18;
	p1 =	sne.s32 s17, $0x8  }
.Ltmp11:
0x4ab: {  	s0 =	sshll.u32 s0, $0xE;
	(pc) =	sbr.rel @p1 .LBB2_20-.Ltmp11, $4  }
0x4ac: {  	s0 =	sadd.s32 s7, s0  }
0x4ad: {  	s4 =	sshll.u32 s24, $0xE;
	p0 =	por !p0, !p0;
	s0 =	sshrl.u32 s0, $0x3  }
0x4ae: {  	s18 =	smov.u32 s17;
	s4 =	sor.u32 $0xA000, s4;
	s0 =	sadd.s32 s2, s0  }
0x4af: {  	[hbm4b:s0+s3] =	stream.linear.scatter [tilespmem:s4], [sflag:$0x2], $0x4000, $0x38;
	[tilespmem:$0x13080] =	vst v63  }
0x4b0: {  	s4 =	simm.s32 $0x2  }
0x4b1: {  	_ =	swait.ge [sflag:s4], $0x4000  }
0x4b2: {  	[sflag:s4] =	ssyncset.done $0x0  }
0x4b3: {  	[sflag:s4] =	ssyncadd.s32 $0xFFFFC000  }
0x4b4: {  	_ =	swait.ge [sflag:s4], $0x4000  }
0x4b5: {  	s6 =	rddreg [dreg:$0x12]  }
0x4b6: {  	s0 =	rddreg [dreg:$0x11];
	s6 =	sadd.s32 $0x1, s6  }
0x4b7: {  	p0 =	sne.s32 s6, s0  }
.Ltmp12:
0x4b8: {  	_ = 	snop;
	(pc) =	sbr.rel @p0 .LBB2_1-.Ltmp12, $3  }
0x4b9: {  	_ =	sdelay $0x1  }
0x4ba: {  	[sflag:s4] =	ssyncset.done $0x0  }
0x4bb: {  	[sflag:s4] =	ssyncadd.s32 $0xFFFFC000  }
0x4bc: {  	_ =	sfence.sel $0x180000  }
0x4bd: {  	[bflag:$0x0] =	sbarrier.arrive $0xFFFF  }
0x4be: {  	_ =	strace $0x9000004A  }
0x4bf: {  	s0 =	stileid.u32;
	[bflag:$0x2] =	sbarrier.arrive $0xFFFF  }
0x4c0: {  	p0 =	sne.s32 s0, $0x0;
	s0 =	rddreg [dreg:$0x3]  }
0x4c1: {  	s0 =	sadd.s32 @!p0 $0x100000, s0  }
0x4c2: {  	[sflag:s0] =	ssyncadd.tile.s32 @!p0 $0x1;
	_ =	shalt  }
.Lfunc_end2:
_tile_overlayer_lowered:
.L_overlay_start_2:
0x4c3: {  	(tag) =	ssettag $0x2  }
0x4c4: {  	s0 =	rddreg [dreg:$0x0];
	s2 =	stileid.u32  }
0x4c5: {  	s1 =	rddreg [dreg:$0x1];
	p0 =	sne.s32 s2, $0x0  }
0x4c6: {  	s3 =	rddreg [dreg:$0x2];
	[bflag:$0x3] =	sbarrier.arrive $0xFFFF;
	s2 =	simm.s32 @!p0 $0x1C03  }
0x4c7: {  	[timem:s3], [sflag:s2] =	dma.local @!p0 [hbm:s0], s1  }
0x4c8: {  	s0 =	simm.s32 @!p0 $0x3  }
0x4c9: {  	_ =	swait.ge @!p0 [sflag:s0], s1  }
0x4ca: {  	s1 =	ssub.s32 @!p0 $0x0, s1;
	[sflag:s0] =	ssyncset.done @!p0 $0x0  }
0x4cb: {  	[sflag:s0] =	ssyncadd.s32 @!p0 s1  }
0x4cc: {  	[bflag:$0x3] =	sbarrier.arrive $0xFFFF  }
0x4cd: {  	_ =	shalt  }

// kernel: sparse-core-data-format-call.cloned.1.call-start
scs
called_computation_lowered:
.L_overlay_start_0:
0x0: {  	s2 =	sld [smem:$0x3FD9]  }
0x1: {  	s3 =	sld [smem:$0x3FFE];
	_ =	sdelay $0x1  }
0x2: {  	s1 =	srdreg.scid  }
0x3: {  	s0 =	sand.u32 $0x1, s1  }
0x4: {  	s18 =	sshll.u32 s0, $0xA;
	s2 =	sadd.s32 s3, s2  }
0x5: {  	s2 =	sadd.s32 s2, s18  }
0x6: {  	[smem:$0x3FC3] =	sst s2  }
0x7: {  	_ = 	snop  }
0x8: {  	s2 =	sld [smem:$0x3FD0];
	(tm) =	ssettm $0x1  }
0x9: {  	s19 =	sld [smem:$0x3FFB];
	_ =	sdelay $0x3  }
0xa: {  	_ =	strace s19  }
0xb: {  	s3 =	sld [smem:$0x3FFC];
	_ =	sdelay $0x3  }
0xc: {  	_ =	strace s3  }
0xd: {  	s3 =	sld [smem:$0x3FFD];
	_ =	sdelay $0x3  }
0xe: {  	_ =	strace s3  }
0xf: {  	_ =	strace $0x8FFFFFFF  }
0x10: {  	s20 =	sld [smem:$0x3FDB];
	_ =	sdelay $0x1  }
0x11: {  	s4 =	simm.s32 $_scs_section_size  }
0x12: {  	s5 =	simm.s32 $_size__tile_overlayer_lowered;
	s6 =	simm.s32 $_tile_overlayer_lowered  }
0x13: {  	s23 =	simm.s32 $0x1BFF;
	s22 =	sshll.u32 s6, $0x1;
	s3 =	sadd.s32 s4, s20  }
0x14: {  	s7 =	simm.s32 $0x0;
	s21 =	sshll.u32 s5, $0x1;
	s5 =	sadd.s32 s22, s3  }
0x15: {  	[timem:s7], [sflag:s23] =	dma.local [hbm:s5], s21  }
0x16: {  	_ =	swait.ge [sflag:s23], s21  }
0x17: {  	s4 =	ssub.s32 $0x0, s21;
	[sflag:s23] =	ssyncset.done $0x0  }
0x18: {  	[sflag:s23] =	ssyncadd.s32 s4;
	_ =	sdelay $0x1  }
0x19: {  	s24 =	simm.s32 $0x1B8B  }
0x1a: {  	_ =	swait.ge [sflag:s24], $0x1  }
0x1b: {  	[sflag:s24] =	ssyncset.done $0x0  }
0x1c: {  	s26 =	simm.s32 $0x1B8E;
	s25 =	sld [smem:$0x3FFE];
	[sflag:s24] =	ssyncadd.s32 $0xFFFFFFFF  }
0x1d: {  	s27 =	simm.s32 $execute0_lowered;
	[smem:$0x3FD2] =	sst s26  }
0x1e: {  	s5 =	sshll.u32 s27, $0x1;
	_ =	strace $0x80000046;
	[dreg:$0x1] =	wrdreg $0xFFFFFFFF  }
0x1f: {  	s28 =	simm.s32 $_size_execute0_lowered;
	s3 =	sadd.s32 s3, s5;
	[dreg:$0x0] =	wrdreg $0x0  }
0x20: {  	s5 =	sshll.u32 s28, $0x1;
	[dreg:$0x2] =	wrdreg s3  }
0x21: {  	[dreg:$0x3] =	wrdreg s5  }
0x22: {  	[dreg:$0x4] =	wrdreg $0xC0  }
0x23: {  	_ =	task [dreg:s7], $0x5FFFF  }
0x24: {  	[dreg:$0x1] =	wrdreg $0xFFFFFFFF  }
0x25: {  	[dreg:$0x0] =	wrdreg $0x60  }
0x26: {  	[dreg:$0x2] =	wrdreg s2  }
0x27: {  	[dreg:$0x3] =	wrdreg s25  }
0x28: {  	[dreg:$0x4] =	wrdreg $0x9  }
0x29: {  	_ =	task.clear_ibuf [dreg:s7], $0x5FFFF;
	_ =	strace $0x90000046  }
0x2a: {  	s29 =	simm.s32 $0x9;
	_ =	strace $0x80000048  }
0x2b: {  	_ =	swait.ge [sflag:s29], $0x1  }
0x2c: {  	[sflag:s29] =	ssyncadd.s32 $0xFFFFFFFF  }
0x2d: {  	_ =	strace $0x90000048  }
0x2e: {  	_ =	sfence  }
0x2f: {  	s30 =	sld [smem:$0x0];
	_ =	sdelay $0x2  }
0x30: {  	s31 =	sshll.u32 s1, $0xD;
	s1 =	sshrl.u32 s1, $0x2  }
0x31: {  	s3 =	sand.u32 $0x4000, s31;
	s1 =	sadd.s32 s1, s30  }
0x32: {  	s0 =	sor.u32 s3, s0;
	s1 =	sshll.u32 s1, $0x11  }
0x33: {  	s0 =	sor.u32 s1, s0  }
0x34: {  	s0 =	sadd.s32 $0x8F2B, s0  }
0x35: {  	[sflag:s0] =	ssyncadd.remote.s32 $0x1  }
0x36: {  	_ =	sfence.sel $0xFFFF  }
0x37: {  	[dreg:$0x0] =	wrdreg $0xFFFFFFFF;
	(pc) =	sbr.abs _section_cstart, $3  }
0x38: {  	[dreg:$0x1] =	wrdreg $0xFFFFFFFF  }
0x39: {  	_ =	task.clear_ibuf [dreg:s7], $0x2FFFF;
	_ =	strace $0x9FFFFFFF  }
0x3a: {  	(tm) =	ssettm $0x7FFFFFFF  }
0x3b: {  	_ =	shalt  }
tec
execute0_lowered:
.L_overlay_start_1:
0x0: {  	(tag) =	ssettag $0x1  }
0x1: {  	s1 =	rddreg [dreg:$0x0]  }
0x2: {  	s0 =	srdreg.scid;
	s2 =	rddreg [dreg:$0x1];
	s5 =	simm.s32 $0x1  }
0x3: {  	s8 =	simm.s32 $0x2;
	s14 =	simm.s32 $0x0;
	s13 =	simm.s32 $0x0  }
0x4: {  	s15 =	simm.s32 $0x0;
	s10 =	simm.s32 $0x0;
	s3 =	sshll.u32 s0, $0x1  }
0x5: {  	s11 =	stileid.u32;
	s12 =	simm.s32 $0x0;
	s3 =	sand.u32 $0x2, s3  }
.Ltmp0:
0x6: {  	s0 =	rddreg [dreg:$0x2];
	s6 =	ssub.s32 $0x80, s3;
	(pc) =	sbr.rel .LBB1_1-.Ltmp0, $4  }
0x7: {  	_ =	strace $0x80000047;
	s4 =	sadd.s32 $0x600, s2;
	s7 =	sshrl.u32 s6, $0x1  }
0x8: {  	[sflag:s5] =	ssyncpa.u1 $0x0;
	s6 =	sshrl.u32 s6, $0x2;
	s7 =	sand.u32 $0x1, s7  }
0x9: {  	s2 =	stileid.u32;
	[sflag:s8] =	ssyncpa.u1 $0x0;
	s6 =	sadd.s32 s6, s7  }
0xa: {  	s8 =	simm.s32 $0x80;
	s9 =	smov.u32 s3;
	s7 =	sadd.s32 $0x1, s6  }
.LBB1_7:
0xb: {  	s16 =	sadd.s32 $0x4, s9  }
0xc: {  	s13 =	sadd.s32 $0x40, s10;
	s17 =	smov.u32 s10;
	p1 =	sgt.s32 s16, $0x7F  }
0xd: {  	s17 =	smov.u32 @p1 s13  }
0xe: {  	s19 =	smov.u32 s11;
	s13 =	sadd.s32 $0x10, s11;
	p2 =	sgt.s32 s17, $0x3F  }
0xf: {  	s19 =	smov.u32 @p2 s13  }
0x10: {  	s16 =	smov.u32 @p1 s3;
	p1 =	sgt.s32 s19, $0xF  }
0x11: {  	p0 =	slt.u32 s12, $0x2;
	s19 =	smov.u32 @p1 s2;
	p1 =	sne.s32 s12, s7  }
.Ltmp1:
0x12: {  	s18 =	simm.s32 @!p0 $0x2;
	(pc) =	sbr.rel @!p1 .LBB1_8-.Ltmp1, $4  }
0x13: {  	s14 =	smov.u32 s9;
	_ =	swait.ge @!p0 [sflag:s18], $0x4000  }
0x14: {  	s15 =	smov.u32 s11;
	[sflag:s18] =	ssyncset.done @!p0 $0x0;
	s9 =	smov.u32 s16  }
0x15: {  	s17 =	simm.s32 @p2 $0x0;
	s13 =	smov.u32 s10;
	[sflag:s18] =	ssyncadd.s32 @!p0 $0xFFFFC000  }
0x16: {  	s10 =	smov.u32 s17;
	s12 =	sadd.s32 $0x1, s12;
	s11 =	smov.u32 s19  }
.LBB1_1:
0x17: {  	p0 =	sge.u32 s12, s6;
	s31 =	sadd.s32 $0xFFFFFFFF, s12  }
0x18: {  	s16 =	sxor.u32 @!p0 $0xFFFFFFFF, s12;
	s17 =	sshll.u32 @!p0 s11, $0x11;
	s18 =	sshll.u32 @!p0 s10, $0xB  }
0x19: {  	s19 =	sshll.u32 @!p0 s9, $0x4;
	s16 =	sshll.u32 @!p0 s16, $0xE;
	s17 =	sadd.s32 @!p0 s1, s17  }
0x1a: {  	s19 =	sand.u32 @!p0 $0x7F0, s19;
	s16 =	sand.u32 @!p0 $0x4000, s16;
	s17 =	sadd.s32 @!p0 s18, s17  }
0x1b: {  	s18 =	simm.s32 @!p0 $0x100;
	s17 =	sadd.s32 @!p0 s19, s17;
	s19 =	simm.s32 @!p0 $0x4000  }
0x1c: {  	[tilespmem:s16], [sflag:$0x1] =	stream.strided.gather @!p0 [hbm4b:s17+s18], $0x4000, s19, s18, $0x38;
	[tilespmem:$0x10200] =	vst v63  }
0x1d: {  	p0 =	sge.u32 s31, s6  }
.Ltmp2:
0x1e: {  	_ = 	snop;
	(pc) =	sbr.rel @p0 .LBB1_7-.Ltmp2, $1  }
0x1f: {  	_ =	sdelay $0x3  }
0x20: {  	s16 =	sand.u32 $0x1, s12  }
0x21: {  	_ =	swait.ge [sflag:s5], $0x4000;
	s17 =	smul.u32 $0x10400, s16  }
0x22: {  	[sflag:s5] =	ssyncset.done $0x0  }
0x23: {  	[sflag:s5] =	ssyncadd.s32 $0xFFFFC000;
	s18 =	sshrl.u32 s17, $0x2  }
0x24: {  	s17 =	sshll.u32 s16, $0xE;
	s16 =	sor.u32 $0x8000, s18;
	s18 =	simm.s32 $0x0  }
.LBB1_3:
0x25: {  	s19 =	sshll.u32 s18, $0x8  }
0x26: {  	s19 =	sand.u32 $0x3FFFFF00, s19  }
0x27: {  	s19 =	sadd.s32 s19, s17  }
0x28: {  	v0 =	vmov s19;
	_ =	sdelay $0x1  }
0x29: {  	p0 =	por $0x1, $0x1;
	s19 =	simm.s32 $0x0  }
.LBB1_4:
0x2a: {  	s20 =	sshll.u32 s19, $0x7  }
0x2b: {  	s20 =	sand.u32 $0x3FFFFF80, s20  }
0x2c: {  	s31 =	smul.u32 $0x8200, s19;
	v1 =	vld.idx.msk [tilespmem:v0+s20+$0x0 ss:$0x1], $0xffff  }
0x2d: {  	v2 =	vld.idx.msk [tilespmem:v0+s20+$0x10 ss:$0x1], $0xffff  }
0x2e: {  	s19 =	sshra.s32 s31, $0x2;
	v3 =	vld.idx.msk [tilespmem:v0+s20+$0x20 ss:$0x1], $0xffff  }
0x2f: {  	v4 =	vld.idx.msk [tilespmem:v0+s20+$0x30 ss:$0x1], $0xffff;
	s19 =	sadd.s32 s19, s16  }
0x30: {  	v5 =	vld.idx.msk [tilespmem:v0+s20+$0x40 ss:$0x1], $0xffff;
	s19 =	sadd.s32 s18, s19  }
0x31: {  	[tilespmem:s19+$0x0 ss:$0x41] =	vst.msk $0xffff, v1;
	v1 =	vld.idx.msk [tilespmem:v0+s20+$0x50 ss:$0x1], $0xffff  }
0x32: {  	[tilespmem:s19+$0x410 ss:$0x41] =	vst.msk $0xffff, v2;
	v2 =	vld.idx.msk [tilespmem:v0+s20+$0x60 ss:$0x1], $0xffff  }
0x33: {  	p1 =	por p0, p0;
	[tilespmem:s19+$0x820 ss:$0x41] =	vst.msk $0xffff, v3;
	v3 =	vld.idx.msk [tilespmem:v0+s20+$0x70 ss:$0x1], $0xffff  }
.Ltmp3:
0x34: {  	[tilespmem:s19+$0xC30 ss:$0x41] =	vst.msk $0xffff, v4;
	(pc) =	sbr.rel @p1 .LBB1_4-.Ltmp3, $4  }
0x35: {  	[tilespmem:s19+$0x1040 ss:$0x41] =	vst.msk $0xffff, v5  }
0x36: {  	[tilespmem:s19+$0x1450 ss:$0x41] =	vst.msk $0xffff, v1  }
0x37: {  	[tilespmem:s19+$0x1860 ss:$0x41] =	vst.msk $0xffff, v2  }
0x38: {  	p0 =	por $0x0, $0x0;
	[tilespmem:s19+$0x1C70 ss:$0x41] =	vst.msk $0xffff, v3;
	s19 =	simm.s32 $0x1  }
0x39: {  	s18 =	sadd.s32 $0x1, s18  }
0x3a: {  	p0 =	sne.s32 s18, $0x40  }
.Ltmp4:
0x3b: {  	_ = 	snop;
	(pc) =	sbr.rel @p0 .LBB1_3-.Ltmp4, $1  }
0x3c: {  	_ =	sdelay $0x3  }
0x3d: {  	s15 =	sshll.u32 s15, $0x12;
	s17 =	sand.u32 $0x780, s13  }
.Ltmp5:
0x3e: {  	s14 =	sshll.u32 s14, $0xB;
	s15 =	sadd.s32 s4, s15;
	(pc) =	sbr.rel .LBB1_7-.Ltmp5, $4  }
0x3f: {  	s18 =	sshrl.u32 s13, $0x3;
	s30 =	sand.u32 $0x7, s13;
	s15 =	sadd.s32 s17, s15  }
0x40: {  	s31 =	sand.u32 $0xF, s18;
	s13 =	sshll.u32 s30, $0x12;
	s14 =	sadd.s32 s14, s15  }
0x41: {  	s13 =	sor.u32 $0x40, s13;
	s14 =	sadd.s32 s31, s14  }
0x42: {  	[hbm4b:s14+s13] =	stream.strided.scatter [tilespmem:s16], [sflag:$0x2], $0x4000, s8, s13, $0x18;
	[tilespmem:$0x10200] =	vst v63  }
.LBB1_8:
0x43: {  	_ =	sfence.sel $0x180000  }
0x44: {  	s1 =	simm.s32 $0x1;
	[bflag:$0x0] =	sbarrier.arrive $0xFFFF  }
0x45: {  	s31 =	simm.s32 $0x2;
	[sflag:s1] =	ssyncpa.u1 $0x1  }
0x46: {  	[sflag:s31] =	ssyncpa.u1 $0x1  }
0x47: {  	p0 =	sne.s32 s2, $0x0;
	_ =	strace $0x90000047  }
0x48: {  	s0 =	sadd.s32 @!p0 $0x100000, s0;
	[bflag:$0x2] =	sbarrier.arrive $0xFFFF  }
0x49: {  	[sflag:s0] =	ssyncadd.tile.s32 @!p0 $0x1;
	_ =	shalt  }
.Lfunc_end1:
_tile_overlayer_lowered:
.L_overlay_start_2:
0x4a: {  	(tag) =	ssettag $0x2  }
0x4b: {  	s0 =	rddreg [dreg:$0x0];
	s2 =	stileid.u32  }
0x4c: {  	s1 =	rddreg [dreg:$0x1];
	p0 =	sne.s32 s2, $0x0  }
0x4d: {  	s3 =	rddreg [dreg:$0x2];
	[bflag:$0x3] =	sbarrier.arrive $0xFFFF;
	s2 =	simm.s32 @!p0 $0x1C01  }
0x4e: {  	[timem:s3], [sflag:s2] =	dma.local @!p0 [hbm:s0], s1  }
0x4f: {  	s0 =	simm.s32 @!p0 $0x1  }
0x50: {  	_ =	swait.ge @!p0 [sflag:s0], s1  }
0x51: {  	s1 =	ssub.s32 @!p0 $0x0, s1;
	[sflag:s0] =	ssyncset.done @!p0 $0x0  }
0x52: {  	[sflag:s0] =	ssyncadd.s32 @!p0 s1  }
0x53: {  	[bflag:$0x3] =	sbarrier.arrive $0xFFFF  }
0x54: {  	_ =	shalt  }

</sc_bundles>
